<compile_context>
chip_gen: v7x
topology: tpu7x:2x2x1
jax: 0.10.2.dev20260603
libtpu: 0.0.44.dev20260713+nightly
codegen_flags: <defaults>
</compile_context>

<pallas_src>
import functools

import jax
import jax.numpy as jnp
from jax import lax
from jax.experimental import pallas as pl
from jax.experimental.pallas import tpu as pltpu
from jax.experimental.pallas import tpu_sc as plsc

_B, _S, _D, _HD, _K, _A, _NIT = 32, 7, 64, 128, 3, 50, 3
_NEG = -1e30
_BF = jnp.bfloat16


def _dot(a, b):
    return jax.lax.dot(a.astype(_BF), b.astype(_BF),
                       preferred_element_type=jnp.float32)


def _dot_t(a, b, dims):
    return jax.lax.dot_general(a.astype(_BF), b.astype(_BF),
                               (dims, ((), ())),
                               preferred_element_type=jnp.float32)


def _ln(x, g, b, eps=1e-5):
    m = x.mean(-1, keepdims=True)
    v = ((x - m) ** 2).mean(-1, keepdims=True)
    return (x - m) / jnp.sqrt(v + eps) * g + b


def _attnloop_body(kk_ref, vv_ref, noise_ref,
                   mu_ref, logsig_ref, ln_s_g_ref, ln_s_b_ref, wq_ref,
                   gru_wi_ref, gru_bi_ref, gru_wh_ref, gru_bh_ref,
                   ln_m_g_ref, ln_m_b_ref,
                   mlp_w1_ref, mlp_b1_ref, mlp_w2_ref, mlp_b2_ref,
                   o_ref):
    kk = kk_ref[0]
    vv = vv_ref[0]
    vvp = jnp.concatenate([vv, jnp.zeros((60, _D), jnp.float32)], axis=0)
    slots = mu_ref[...] + noise_ref[0] * jnp.exp(logsig_ref[...])
    scale = _D ** -0.5
    for _ in range(_NIT):
        prev = slots
        sn = _ln(slots, ln_s_g_ref[...], ln_s_b_ref[...])
        q = _dot(sn, wq_ref[...])
        logits = _dot_t(kk, q, ((1,), (1,))) * scale
        attn = jax.nn.softmax(logits, axis=-1)
        w = attn / (attn.sum(axis=0, keepdims=True) + 1e-8)
        wp = jnp.concatenate([w, jnp.zeros((60, _S), jnp.float32)], axis=0)
        upd = _dot_t(wp, vvp, ((0,), (0,)))
        gi = _dot(upd, gru_wi_ref[...]) + gru_bi_ref[...]
        gh = _dot(prev, gru_wh_ref[...]) + gru_bh_ref[...]
        r = jax.nn.sigmoid(gi[:, :_D] + gh[:, :_D])
        zg = jax.nn.sigmoid(gi[:, _D:2 * _D] + gh[:, _D:2 * _D])
        n = jnp.tanh(gi[:, 2 * _D:] + r * gh[:, 2 * _D:])
        slots = (1 - zg) * n + zg * prev
        mls = _ln(slots, ln_m_g_ref[...], ln_m_b_ref[...])
        h1 = jnp.maximum(_dot(mls, mlp_w1_ref[...]) + mlp_b1_ref[...], 0.0)
        slots = slots + (_dot(h1, mlp_w2_ref[...]) + mlp_b2_ref[...])
    o_ref[0] = slots


def _attn_loop(kk, vv, slot_noise, p):
    Bn, M, _ = kk.shape
    mu = p['slots_mu'].reshape(_S, _D)
    logsig = p['slots_logsigma'].reshape(_S, _D)
    bf = lambda a: a.astype(_BF)
    full = lambda a: pl.BlockSpec(a.shape, lambda i: (0,) * a.ndim)
    weights = [mu, logsig, p['ln_s_g'], p['ln_s_b'], bf(p['Wq']),
               bf(p['gru_wi']), p['gru_bi'], bf(p['gru_wh']), p['gru_bh'],
               p['ln_m_g'], p['ln_m_b'],
               bf(p['mlp_w1']), p['mlp_b1'], bf(p['mlp_w2']), p['mlp_b2']]
    return pl.pallas_call(
        _attnloop_body,
        grid=(Bn,),
        in_specs=[
            pl.BlockSpec((1, M, _D), lambda i: (i, 0, 0)),
            pl.BlockSpec((1, M, _D), lambda i: (i, 0, 0)),
            pl.BlockSpec((1, _S, _D), lambda i: (i, 0, 0)),
        ] + [full(a) for a in weights],
        out_specs=pl.BlockSpec((1, _S, _D), lambda i: (i, 0, 0)),
        out_shape=jax.ShapeDtypeStruct((Bn, _S, _D), jnp.float32),
    )(kk, vv, slot_noise, *weights)


def _score_body(slots_ref, enc_w_ref, enc_b_ref, dec_w_ref, dec_b_ref, o_ref):
    slots = slots_ref[0]
    mu = _dot(slots, enc_w_ref[...]) + enc_b_ref[...]
    cols = []
    for a in range(_A):
        rec = _dot(mu[:, a * 32:(a + 1) * 32], dec_w_ref[a]) + dec_b_ref[a]
        d = rec - slots
        cols.append(-jnp.sum(d * d, axis=-1, keepdims=True))
    cols.append(jnp.full((_S, 64 - _A), _NEG, jnp.float32))
    o_ref[0] = jnp.concatenate(cols, axis=1)


def _vae_scores(slots, p):
    Bn = slots.shape[0]
    enc_w = p['vae_enc_w'].transpose(1, 0, 2).reshape(_D, _A * 32)
    enc_w = enc_w.astype(_BF)
    enc_b = p['vae_enc_b'].reshape(_A * 32)
    dec_w = p['vae_dec_w'].astype(_BF)
    full = lambda a: pl.BlockSpec(a.shape, lambda i: (0,) * a.ndim)
    return pl.pallas_call(
        _score_body,
        grid=(Bn,),
        in_specs=[pl.BlockSpec((1, _S, _D), lambda i: (i, 0, 0)),
                  full(enc_w), full(enc_b),
                  full(dec_w), full(p['vae_dec_b'])],
        out_specs=pl.BlockSpec((1, _S, 64), lambda i: (i, 0, 0)),
        out_shape=jax.ShapeDtypeStruct((Bn, _S, 64), jnp.float32),
    )(slots, enc_w, enc_b, dec_w, p['vae_dec_b'])


def _topk_sc_call(scores2d):
    R0 = scores2d.shape[0]
    NWROW = 16
    R = NWROW * 16
    sc = jnp.pad(scores2d, ((0, R - R0), (0, 0)))
    sc_t = sc.T.reshape(64, NWROW, 16).transpose(1, 0, 2)
    info = plsc.get_sparse_core_info()
    mesh = plsc.VectorSubcoreMesh(core_axis_name="c", subcore_axis_name="s")

    @functools.partial(
        pl.kernel, mesh=mesh,
        out_type=jax.ShapeDtypeStruct((NWROW, _K, 16), jnp.int32),
        scratch_types=[
            pltpu.VMEM((64, 16), jnp.float32),
            pltpu.VMEM((_K, 16), jnp.int32),
        ],
    )
    def _k(scores_hbm, out_hbm, sc_v, sel_v):
        wid = lax.axis_index("s") * info.num_cores + lax.axis_index("c")

        @pl.when(wid < NWROW)
        def _():
            pltpu.sync_copy(scores_hbm.at[wid], sc_v)
            b1 = jnp.full((16,), _NEG, jnp.float32)
            b2 = jnp.full((16,), _NEG, jnp.float32)
            b3 = jnp.full((16,), _NEG, jnp.float32)
            zero = jnp.zeros((16,), jnp.int32)
            i1, i2, i3 = zero, zero, zero
            for a in range(_A):
                v = sc_v[a, :]
                gt1 = v > b1
                gt2 = v > b2
                gt3 = v > b3
                av = jnp.full((16,), a, jnp.int32)
                b3 = jnp.where(gt2, b2, jnp.where(gt3, v, b3))
                i3 = jnp.where(gt2, i2, jnp.where(gt3, av, i3))
                b2 = jnp.where(gt1, b1, jnp.where(gt2, v, b2))
                i2 = jnp.where(gt1, i1, jnp.where(gt2, av, i2))
                b1 = jnp.where(gt1, v, b1)
                i1 = jnp.where(gt1, av, i1)
            sel_v[0, :] = i1
            sel_v[1, :] = i2
            sel_v[2, :] = i3
            pltpu.sync_copy(sel_v, out_hbm.at[wid])

    out = _k(sc_t)
    return out.transpose(0, 2, 1).reshape(R, _K)[:R0]


def _expert_dense_body(sel_ref, x_ref, in_w_ref, in_b_ref,
                       blk_w_ref, blk_b_ref, out_w_ref, out_b_ref, o_ref):
    a = pl.program_id(0)

    @pl.when(a == 0)
    def _():
        o_ref[...] = jnp.zeros_like(o_ref)

    x = x_ref[...]
    h = jnp.maximum(_dot(x, in_w_ref[0]) + in_b_ref[0], 0.0)
    for i in range(3):
        h = h + jnp.maximum(_dot(h, blk_w_ref[0, i]) + blk_b_ref[0, i], 0.0)
    out = _dot(h, out_w_ref[0]) + out_b_ref[0]
    mask = sel_ref[...] == a
    o_ref[...] += jnp.where(mask, out, 0.0)


def _expert_mlps(sel, slots, p):
    Bn = slots.shape[0]
    T = Bn * _S * _K
    x = jnp.broadcast_to(slots[:, :, None, :], (Bn, _S, _K, _D))
    x = x.reshape(T, _D)
    sel2 = sel.reshape(T, 1)
    in_w = p['ag_in_w'].astype(_BF)
    blk_w = p['ag_blk_w'].astype(_BF)
    out_w = p['ag_out_w'].astype(_BF)
    in_b = p['ag_in_b'].reshape(_A, 1, 256)
    out_b = p['ag_out_b'].reshape(_A, 1, _HD)
    return pl.pallas_call(
        _expert_dense_body,
        grid=(_A,),
        in_specs=[
            pl.BlockSpec((T, 1), lambda a: (0, 0)),
            pl.BlockSpec((T, _D), lambda a: (0, 0)),
            pl.BlockSpec((1, _D, 256), lambda a: (a, 0, 0)),
            pl.BlockSpec((1, 1, 256), lambda a: (a, 0, 0)),
            pl.BlockSpec((1, 3, 256, 256), lambda a: (a, 0, 0, 0)),
            pl.BlockSpec((1, 3, 256), lambda a: (a, 0, 0)),
            pl.BlockSpec((1, 256, _HD), lambda a: (a, 0, 0)),
            pl.BlockSpec((1, 1, _HD), lambda a: (a, 0, 0)),
        ],
        out_specs=pl.BlockSpec((T, _HD), lambda a: (0, 0)),
        out_shape=jax.ShapeDtypeStruct((T, _HD), jnp.float32),
    )(sel2, x, in_w, in_b, blk_w, p['ag_blk_b'],
      out_w, out_b)


def kernel(images, slot_noise, params):
    p = params
    Bn = images.shape[0]

    def _conv(x, w, b, stride):
        y = jax.lax.conv_general_dilated(
            x, w, (stride, stride), 'SAME',
            dimension_numbers=('NCHW', 'OIHW', 'NCHW'))
        return y + b[None, :, None, None]

    x = jax.nn.relu(_conv(images, p['conv1_w'], p['conv1_b'], 2))
    x = jax.nn.relu(_conv(x, p['conv2_w'], p['conv2_b'], 2))
    x = jax.nn.relu(_conv(x, p['conv3_w'], p['conv3_b'], 2))
    x = jax.nn.relu(_conv(x, p['conv4_w'], p['conv4_b'], 2))
    x = _conv(x, p['convo_w'], p['convo_b'], 1)
    feat = x.transpose(0, 2, 3, 1).reshape(Bn, -1, x.shape[1])
    inp = _ln(feat, p['ln_in_g'], p['ln_in_b'])
    kk = inp @ p['Wk']
    vv = inp @ p['Wv']

    slots = _attn_loop(kk, vv, slot_noise, p)
    scores = _vae_scores(slots, p)
    sel = _topk_sc_call(scores.reshape(Bn * _S, 64)).reshape(Bn, _S, _K)
    out = _expert_mlps(sel, slots, p)
    return out.reshape(Bn, _S * _K * _HD)

# --- scband reference (transcript-rebuilt; emitter-appended) ---
"""Pipeline reference for scband-slot-multi-agent-system-67018669686856 (READ-ONLY COPY).

The authoritative reference and input builder live on the scoring server;
editing this copy changes nothing except your own understanding.
"""

import jax, jax.numpy as jnp
import numpy as np

B, S, D, HD, K, A, NIT = 32, 7, 64, 128, 3, 50, 3

def _ln(x, g, b, eps=1e-5):
    m = x.mean(-1, keepdims=True)
    v = ((x - m) ** 2).mean(-1, keepdims=True)
    return (x - m) / jnp.sqrt(v + eps) * g + b

def _conv(x, w, b, stride):
    y = jax.lax.conv_general_dilated(x, w, (stride, stride), 'SAME', dimension_numbers=('NCHW', 'OIHW', 'NCHW'))
    return y + b[None, :, None, None]

def setup_inputs(seed: int = 0):
    key = jax.random.key(seed)
    ks = jax.random.split(key, 32)
    def rn(i, shape, scale=0.05):
        return jax.random.normal(ks[i], shape, dtype=jnp.float32) * scale
    z = lambda shape: jnp.zeros(shape, jnp.float32)
    o = lambda shape: jnp.ones(shape, jnp.float32)
    images = jax.random.normal(ks[0], (B, 3, 224, 224), dtype=jnp.float32)
    slot_noise = jax.random.normal(ks[1], (B, S, D), dtype=jnp.float32)
    params = {
        'conv1_w': rn(2, (64, 3, 3, 3)), 'conv1_b': z(64),
        'conv2_w': rn(3, (64, 64, 3, 3)), 'conv2_b': z(64),
        'conv3_w': rn(4, (64, 64, 3, 3)), 'conv3_b': z(64),
        'conv4_w': rn(5, (64, 64, 3, 3)), 'conv4_b': z(64),
        'convo_w': rn(6, (256, 64, 1, 1)), 'convo_b': z(256),
        'slots_mu': rn(7, (1, S, D), 1.0), 'slots_logsigma': z((1, S, D)),
        'ln_in_g': o(256), 'ln_in_b': z(256),
        'Wk': rn(8, (256, D)), 'Wv': rn(9, (256, D)),
        'ln_s_g': o(D), 'ln_s_b': z(D),
        'Wq': rn(10, (D, D)),
        'gru_wi': rn(11, (D, 3 * D)), 'gru_bi': z(3 * D),
        'gru_wh': rn(12, (D, 3 * D)), 'gru_bh': z(3 * D),
        'ln_m_g': o(D), 'ln_m_b': z(D),
        'mlp_w1': rn(13, (D, 128)), 'mlp_b1': z(128),
        'mlp_w2': rn(14, (128, D)), 'mlp_b2': z(D),
        'vae_enc_w': rn(15, (A, D, 32)), 'vae_enc_b': z((A, 32)),
        'vae_dec_w': rn(16, (A, 32, D)), 'vae_dec_b': z((A, D)),
        'ag_in_w': rn(17, (A, D, 256)), 'ag_in_b': z((A, 256)),
        'ag_blk_w': rn(18, (A, 3, 256, 256)), 'ag_blk_b': z((A, 3, 256)),
        'ag_out_w': rn(19, (A, 256, HD)), 'ag_out_b': z((A, HD)),
    }
    return {'images': images, 'slot_noise': slot_noise, 'params': params}

def _forward(images, slot_noise, p):
    x = jax.nn.relu(_conv(images, p['conv1_w'], p['conv1_b'], 2))
    x = jax.nn.relu(_conv(x, p['conv2_w'], p['conv2_b'], 2))
    x = jax.nn.relu(_conv(x, p['conv3_w'], p['conv3_b'], 2))
    x = jax.nn.relu(_conv(x, p['conv4_w'], p['conv4_b'], 2))
    x = _conv(x, p['convo_w'], p['convo_b'], 1)
    b = x.shape[0]
    feat = x.transpose(0, 2, 3, 1).reshape(b, -1, x.shape[1])
    slots = p['slots_mu'] + slot_noise * jnp.exp(p['slots_logsigma'])
    inp = _ln(feat, p['ln_in_g'], p['ln_in_b'])
    kk = inp @ p['Wk']
    vv = inp @ p['Wv']
    scale = D ** -0.5
    for _ in range(NIT):
        prev = slots
        sn = _ln(slots, p['ln_s_g'], p['ln_s_b'])
        q = sn @ p['Wq']
        logits = jnp.einsum('bnd,bsd->bns', kk, q) * scale
        attn = jax.nn.softmax(logits, axis=-1)
        w = attn / (attn.sum(axis=1, keepdims=True) + 1e-8)
        upd = jnp.einsum('bns,bnd->bsd', w, vv)
        gi = upd @ p['gru_wi'] + p['gru_bi']
        gh = prev @ p['gru_wh'] + p['gru_bh']
        i_r, i_z, i_n = jnp.split(gi, 3, axis=-1)
        h_r, h_z, h_n = jnp.split(gh, 3, axis=-1)
        r = jax.nn.sigmoid(i_r + h_r)
        zg = jax.nn.sigmoid(i_z + h_z)
        n = jnp.tanh(i_n + r * h_n)
        slots = (1 - zg) * n + zg * prev
        slots = slots + (jax.nn.relu(_ln(slots, p['ln_m_g'], p['ln_m_b']) @ p['mlp_w1'] + p['mlp_b1']) @ p['mlp_w2'] + p['mlp_b2'])
    mu = jnp.einsum('bsd,adh->bsah', slots, p['vae_enc_w']) + p['vae_enc_b']
    rec = jnp.einsum('bsah,ahd->bsad', mu, p['vae_dec_w']) + p['vae_dec_b']
    scores = -((rec - slots[:, :, None, :]) ** 2).sum(-1)
    _, sel = jax.lax.top_k(scores, K)
    h = jax.nn.relu(jnp.einsum('bsd,bskdh->bskh', slots, p['ag_in_w'][sel]) + p['ag_in_b'][sel])
    for i in range(3):
        wb = p['ag_blk_w'][:, i][sel]
        bb = p['ag_blk_b'][:, i][sel]
        h = h + jax.nn.relu(jnp.einsum('bskh,bskhf->bskf', h, wb) + bb)
    out = jnp.einsum('bskh,bskhf->bskf', h, p['ag_out_w'][sel]) + p['ag_out_b'][sel]
    return out.reshape(b, S * K * HD)

def reference(images, slot_noise, params):
    return _forward(images, slot_noise, params)

if __name__ == "__main__":
    import jax
    _d = setup_inputs()
    print(jax.jit(kernel)(*tuple(_d.values())))

</pallas_src>

<mosaic_0001>
#map = affine_map<(d0, d1) -> (0, 0, 0)>
module attributes {stable_mosaic.version = 14 : i64} {
  func.func @_k(%arg0: i32, %arg1: i32, %arg2: memref<16x64x16xf32, #tpu.memory_space<hbm>>, %arg3: memref<16x3x16xi32, #tpu.memory_space<hbm>>, %arg4: memref<64x16xf32, #tpu.memory_space<vmem>>, %arg5: memref<3x16xi32, #tpu.memory_space<vmem>>) attributes {dimension_semantics = [#tpu.dimension_semantics<core_parallel>, #tpu.dimension_semantics<subcore_parallel>], iteration_bounds = array<i64: 2, 16>, scalar_prefetch = 0 : i64, scratch_operands = 2 : i64, tpu.core_type = #tpu.core_type<sc_vector_subcore>, window_params = [{transform_indices = #map}, {transform_indices = #map}]} {
    %mul3A = arith.constant 2 : i32
    %mul3A_0 = arith.muli %arg1, %mul3A : i32
    %add3A = arith.addi %mul3A_0, %arg0 : i32
    %lt3A = arith.constant 16 : i32
    %lt3A_1 = arith.cmpi slt, %add3A, %lt3A : i32
    %convert_element_type3A = arith.extui %lt3A_1 : i1 to i32
    %cond3A = arith.constant 0 : i32
    %cond3A_2 = arith.cmpi ne, %convert_element_type3A, %cond3A : i32
    scf.if %cond3A_2 {
      "tpu.region"() ({
        %run_scoped3A = tpu.sem_alloc : memref<!tpu.dma_semaphore, #tpu.memory_space<semaphore_mem>>
        %dma_start3A = arith.constant 0 : i32
        %dma_start3A_1024 = arith.constant 0 : i32
        %dma_start3A_1025 = tpu.memref_slice %arg2[%add3A, %dma_start3A, %dma_start3A_1024] : memref<16x64x16xf32, #tpu.memory_space<hbm>> -> memref<1x64x16xf32, #tpu.memory_space<hbm>>
        %dma_start3A_1026 = tpu.memref_squeeze %dma_start3A_1025 : memref<1x64x16xf32, #tpu.memory_space<hbm>> -> memref<64x16xf32, #tpu.memory_space<hbm>>
        %dma_start3A_1027 = arith.constant 0 : i32
        %dma_start3A_1028 = arith.constant 0 : i32
        %dma_start3A_1029 = tpu.memref_slice %arg2[%add3A, %dma_start3A_1027, %dma_start3A_1028] : memref<16x64x16xf32, #tpu.memory_space<hbm>> -> memref<1x64x16xf32, #tpu.memory_space<hbm>>
        %dma_start3A_1030 = tpu.memref_squeeze %dma_start3A_1029 : memref<1x64x16xf32, #tpu.memory_space<hbm>> -> memref<64x16xf32, #tpu.memory_space<hbm>>
        tpu.enqueue_dma source(%dma_start3A_1030 : memref<64x16xf32, #tpu.memory_space<hbm>>) target(%arg4 : memref<64x16xf32, #tpu.memory_space<vmem>>) target_semaphore(%run_scoped3A : memref<!tpu.dma_semaphore, #tpu.memory_space<semaphore_mem>>)
        %dma_wait3A = arith.constant 0 : i32
        %dma_wait3A_1031 = arith.constant 0 : i32
        %dma_wait3A_1032 = tpu.memref_slice %arg2[%add3A, %dma_wait3A, %dma_wait3A_1031] : memref<16x64x16xf32, #tpu.memory_space<hbm>> -> memref<1x64x16xf32, #tpu.memory_space<hbm>>
        %dma_wait3A_1033 = tpu.memref_squeeze %dma_wait3A_1032 : memref<1x64x16xf32, #tpu.memory_space<hbm>> -> memref<64x16xf32, #tpu.memory_space<hbm>>
        %dma_wait3A_1034 = arith.constant 0 : i32
        %dma_wait3A_1035 = arith.constant 0 : i32
        %dma_wait3A_1036 = tpu.memref_slice %arg2[%add3A, %dma_wait3A_1034, %dma_wait3A_1035] : memref<16x64x16xf32, #tpu.memory_space<hbm>> -> memref<1x64x16xf32, #tpu.memory_space<hbm>>
        %dma_wait3A_1037 = tpu.memref_squeeze %dma_wait3A_1036 : memref<1x64x16xf32, #tpu.memory_space<hbm>> -> memref<64x16xf32, #tpu.memory_space<hbm>>
        tpu.wait_dma2 semaphore(%run_scoped3A : memref<!tpu.dma_semaphore, #tpu.memory_space<semaphore_mem>>) src(%dma_wait3A_1037 : memref<64x16xf32, #tpu.memory_space<hbm>>) dst(%arg4 : memref<64x16xf32, #tpu.memory_space<vmem>>)
        tpu.yield
      }) : () -> ()
      %broadcast_in_dim3A = arith.constant -1.000000e+30 : f32
      %broadcast_in_dim3A_3 = vector.broadcast %broadcast_in_dim3A : f32 to vector<16xf32>
      %broadcast_in_dim3A_4 = arith.constant -1.000000e+30 : f32
      %broadcast_in_dim3A_5 = vector.broadcast %broadcast_in_dim3A_4 : f32 to vector<16xf32>
      %broadcast_in_dim3A_6 = arith.constant -1.000000e+30 : f32
      %broadcast_in_dim3A_7 = vector.broadcast %broadcast_in_dim3A_6 : f32 to vector<16xf32>
      %broadcast_in_dim3A_8 = arith.constant 0 : i32
      %broadcast_in_dim3A_9 = vector.broadcast %broadcast_in_dim3A_8 : i32 to vector<16xi32>
      %get3A = arith.constant 0 : i32
      %get3A_10 = arith.index_cast %get3A : i32 to index
      %get3A_11 = arith.constant 0 : index
      %get3A_12 = tpu.vector_load %arg4[%get3A_10, %get3A_11] {strides = array<i32>} : memref<64x16xf32, #tpu.memory_space<vmem>>, vector<1x16xf32>,
      %get3A_13 = vector.shape_cast %get3A_12 : vector<1x16xf32> to vector<16xf32>
      %gt3A = arith.cmpf ogt, %get3A_13, %broadcast_in_dim3A_3 : vector<16xf32>
      %gt3A_14 = arith.cmpf ogt, %get3A_13, %broadcast_in_dim3A_5 : vector<16xf32>
      %gt3A_15 = arith.cmpf ogt, %get3A_13, %broadcast_in_dim3A_7 : vector<16xf32>
      %broadcast_in_dim3A_16 = arith.constant 0 : i32
      %broadcast_in_dim3A_17 = vector.broadcast %broadcast_in_dim3A_16 : i32 to vector<16xi32>
      %select_n3A = arith.select %gt3A_15, %get3A_13, %broadcast_in_dim3A_7 : vector<16xi1>, vector<16xf32>
      %select_n3A_18 = arith.select %gt3A_14, %broadcast_in_dim3A_5, %select_n3A : vector<16xi1>, vector<16xf32>
      %select_n3A_19 = arith.select %gt3A_15, %broadcast_in_dim3A_17, %broadcast_in_dim3A_9 : vector<16xi1>, vector<16xi32>
      %select_n3A_20 = arith.select %gt3A_14, %broadcast_in_dim3A_9, %select_n3A_19 : vector<16xi1>, vector<16xi32>
      %select_n3A_21 = arith.select %gt3A_14, %get3A_13, %broadcast_in_dim3A_5 : vector<16xi1>, vector<16xf32>
      %select_n3A_22 = arith.select %gt3A, %broadcast_in_dim3A_3, %select_n3A_21 : vector<16xi1>, vector<16xf32>
      %select_n3A_23 = arith.select %gt3A_14, %broadcast_in_dim3A_17, %broadcast_in_dim3A_9 : vector<16xi1>, vector<16xi32>
      %select_n3A_24 = arith.select %gt3A, %broadcast_in_dim3A_9, %select_n3A_23 : vector<16xi1>, vector<16xi32>
      %select_n3A_25 = arith.select %gt3A, %get3A_13, %broadcast_in_dim3A_3 : vector<16xi1>, vector<16xf32>
      %select_n3A_26 = arith.select %gt3A, %broadcast_in_dim3A_17, %broadcast_in_dim3A_9 : vector<16xi1>, vector<16xi32>
      %get3A_27 = arith.constant 1 : i32
      %get3A_28 = arith.index_cast %get3A_27 : i32 to index
      %get3A_29 = arith.constant 0 : index
      %get3A_30 = tpu.vector_load %arg4[%get3A_28, %get3A_29] {strides = array<i32>} : memref<64x16xf32, #tpu.memory_space<vmem>>, vector<1x16xf32>,
      %get3A_31 = vector.shape_cast %get3A_30 : vector<1x16xf32> to vector<16xf32>
      %gt3A_32 = arith.cmpf ogt, %get3A_31, %select_n3A_25 : vector<16xf32>
      %gt3A_33 = arith.cmpf ogt, %get3A_31, %select_n3A_22 : vector<16xf32>
      %gt3A_34 = arith.cmpf ogt, %get3A_31, %select_n3A_18 : vector<16xf32>
      %broadcast_in_dim3A_35 = arith.constant 1 : i32
      %broadcast_in_dim3A_36 = vector.broadcast %broadcast_in_dim3A_35 : i32 to vector<16xi32>
      %select_n3A_37 = arith.select %gt3A_34, %get3A_31, %select_n3A_18 : vector<16xi1>, vector<16xf32>
      %select_n3A_38 = arith.select %gt3A_33, %select_n3A_22, %select_n3A_37 : vector<16xi1>, vector<16xf32>
      %select_n3A_39 = arith.select %gt3A_34, %broadcast_in_dim3A_36, %select_n3A_20 : vector<16xi1>, vector<16xi32>
      %select_n3A_40 = arith.select %gt3A_33, %select_n3A_24, %select_n3A_39 : vector<16xi1>, vector<16xi32>
      %select_n3A_41 = arith.select %gt3A_33, %get3A_31, %select_n3A_22 : vector<16xi1>, vector<16xf32>
      %select_n3A_42 = arith.select %gt3A_32, %select_n3A_25, %select_n3A_41 : vector<16xi1>, vector<16xf32>
      %select_n3A_43 = arith.select %gt3A_33, %broadcast_in_dim3A_36, %select_n3A_24 : vector<16xi1>, vector<16xi32>
      %select_n3A_44 = arith.select %gt3A_32, %select_n3A_26, %select_n3A_43 : vector<16xi1>, vector<16xi32>
      %select_n3A_45 = arith.select %gt3A_32, %get3A_31, %select_n3A_25 : vector<16xi1>, vector<16xf32>
      %select_n3A_46 = arith.select %gt3A_32, %broadcast_in_dim3A_36, %select_n3A_26 : vector<16xi1>, vector<16xi32>
      %get3A_47 = arith.constant 2 : i32
      %get3A_48 = arith.index_cast %get3A_47 : i32 to index
      %get3A_49 = arith.constant 0 : index
      %get3A_50 = tpu.vector_load %arg4[%get3A_48, %get3A_49] {strides = array<i32>} : memref<64x16xf32, #tpu.memory_space<vmem>>, vector<1x16xf32>,
      %get3A_51 = vector.shape_cast %get3A_50 : vector<1x16xf32> to vector<16xf32>
      %gt3A_52 = arith.cmpf ogt, %get3A_51, %select_n3A_45 : vector<16xf32>
      %gt3A_53 = arith.cmpf ogt, %get3A_51, %select_n3A_42 : vector<16xf32>
      %gt3A_54 = arith.cmpf ogt, %get3A_51, %select_n3A_38 : vector<16xf32>
      %broadcast_in_dim3A_55 = arith.constant 2 : i32
      %broadcast_in_dim3A_56 = vector.broadcast %broadcast_in_dim3A_55 : i32 to vector<16xi32>
      %select_n3A_57 = arith.select %gt3A_54, %get3A_51, %select_n3A_38 : vector<16xi1>, vector<16xf32>
      %select_n3A_58 = arith.select %gt3A_53, %select_n3A_42, %select_n3A_57 : vector<16xi1>, vector<16xf32>
      %select_n3A_59 = arith.select %gt3A_54, %broadcast_in_dim3A_56, %select_n3A_40 : vector<16xi1>, vector<16xi32>
      %select_n3A_60 = arith.select %gt3A_53, %select_n3A_44, %select_n3A_59 : vector<16xi1>, vector<16xi32>
      %select_n3A_61 = arith.select %gt3A_53, %get3A_51, %select_n3A_42 : vector<16xi1>, vector<16xf32>
      %select_n3A_62 = arith.select %gt3A_52, %select_n3A_45, %select_n3A_61 : vector<16xi1>, vector<16xf32>
      %select_n3A_63 = arith.select %gt3A_53, %broadcast_in_dim3A_56, %select_n3A_44 : vector<16xi1>, vector<16xi32>
      %select_n3A_64 = arith.select %gt3A_52, %select_n3A_46, %select_n3A_63 : vector<16xi1>, vector<16xi32>
      %select_n3A_65 = arith.select %gt3A_52, %get3A_51, %select_n3A_45 : vector<16xi1>, vector<16xf32>
      %select_n3A_66 = arith.select %gt3A_52, %broadcast_in_dim3A_56, %select_n3A_46 : vector<16xi1>, vector<16xi32>
      %get3A_67 = arith.constant 3 : i32
      %get3A_68 = arith.index_cast %get3A_67 : i32 to index
      %get3A_69 = arith.constant 0 : index
      %get3A_70 = tpu.vector_load %arg4[%get3A_68, %get3A_69] {strides = array<i32>} : memref<64x16xf32, #tpu.memory_space<vmem>>, vector<1x16xf32>,
      %get3A_71 = vector.shape_cast %get3A_70 : vector<1x16xf32> to vector<16xf32>
      %gt3A_72 = arith.cmpf ogt, %get3A_71, %select_n3A_65 : vector<16xf32>
      %gt3A_73 = arith.cmpf ogt, %get3A_71, %select_n3A_62 : vector<16xf32>
      %gt3A_74 = arith.cmpf ogt, %get3A_71, %select_n3A_58 : vector<16xf32>
      %broadcast_in_dim3A_75 = arith.constant 3 : i32
      %broadcast_in_dim3A_76 = vector.broadcast %broadcast_in_dim3A_75 : i32 to vector<16xi32>
      %select_n3A_77 = arith.select %gt3A_74, %get3A_71, %select_n3A_58 : vector<16xi1>, vector<16xf32>
      %select_n3A_78 = arith.select %gt3A_73, %select_n3A_62, %select_n3A_77 : vector<16xi1>, vector<16xf32>
      %select_n3A_79 = arith.select %gt3A_74, %broadcast_in_dim3A_76, %select_n3A_60 : vector<16xi1>, vector<16xi32>
      %select_n3A_80 = arith.select %gt3A_73, %select_n3A_64, %select_n3A_79 : vector<16xi1>, vector<16xi32>
      %select_n3A_81 = arith.select %gt3A_73, %get3A_71, %select_n3A_62 : vector<16xi1>, vector<16xf32>
      %select_n3A_82 = arith.select %gt3A_72, %select_n3A_65, %select_n3A_81 : vector<16xi1>, vector<16xf32>
      %select_n3A_83 = arith.select %gt3A_73, %broadcast_in_dim3A_76, %select_n3A_64 : vector<16xi1>, vector<16xi32>
      %select_n3A_84 = arith.select %gt3A_72, %select_n3A_66, %select_n3A_83 : vector<16xi1>, vector<16xi32>
      %select_n3A_85 = arith.select %gt3A_72, %get3A_71, %select_n3A_65 : vector<16xi1>, vector<16xf32>
      %select_n3A_86 = arith.select %gt3A_72, %broadcast_in_dim3A_76, %select_n3A_66 : vector<16xi1>, vector<16xi32>
      %get3A_87 = arith.constant 4 : i32
      %get3A_88 = arith.index_cast %get3A_87 : i32 to index
      %get3A_89 = arith.constant 0 : index
      %get3A_90 = tpu.vector_load %arg4[%get3A_88, %get3A_89] {strides = array<i32>} : memref<64x16xf32, #tpu.memory_space<vmem>>, vector<1x16xf32>,
      %get3A_91 = vector.shape_cast %get3A_90 : vector<1x16xf32> to vector<16xf32>
      %gt3A_92 = arith.cmpf ogt, %get3A_91, %select_n3A_85 : vector<16xf32>
      %gt3A_93 = arith.cmpf ogt, %get3A_91, %select_n3A_82 : vector<16xf32>
      %gt3A_94 = arith.cmpf ogt, %get3A_91, %select_n3A_78 : vector<16xf32>
      %broadcast_in_dim3A_95 = arith.constant 4 : i32
      %broadcast_in_dim3A_96 = vector.broadcast %broadcast_in_dim3A_95 : i32 to vector<16xi32>
      %select_n3A_97 = arith.select %gt3A_94, %get3A_91, %select_n3A_78 : vector<16xi1>, vector<16xf32>
      %select_n3A_98 = arith.select %gt3A_93, %select_n3A_82, %select_n3A_97 : vector<16xi1>, vector<16xf32>
      %select_n3A_99 = arith.select %gt3A_94, %broadcast_in_dim3A_96, %select_n3A_80 : vector<16xi1>, vector<16xi32>
      %select_n3A_100 = arith.select %gt3A_93, %select_n3A_84, %select_n3A_99 : vector<16xi1>, vector<16xi32>
      %select_n3A_101 = arith.select %gt3A_93, %get3A_91, %select_n3A_82 : vector<16xi1>, vector<16xf32>
      %select_n3A_102 = arith.select %gt3A_92, %select_n3A_85, %select_n3A_101 : vector<16xi1>, vector<16xf32>
      %select_n3A_103 = arith.select %gt3A_93, %broadcast_in_dim3A_96, %select_n3A_84 : vector<16xi1>, vector<16xi32>
      %select_n3A_104 = arith.select %gt3A_92, %select_n3A_86, %select_n3A_103 : vector<16xi1>, vector<16xi32>
      %select_n3A_105 = arith.select %gt3A_92, %get3A_91, %select_n3A_85 : vector<16xi1>, vector<16xf32>
      %select_n3A_106 = arith.select %gt3A_92, %broadcast_in_dim3A_96, %select_n3A_86 : vector<16xi1>, vector<16xi32>
      %get3A_107 = arith.constant 5 : i32
      %get3A_108 = arith.index_cast %get3A_107 : i32 to index
      %get3A_109 = arith.constant 0 : index
      %get3A_110 = tpu.vector_load %arg4[%get3A_108, %get3A_109] {strides = array<i32>} : memref<64x16xf32, #tpu.memory_space<vmem>>, vector<1x16xf32>,
      %get3A_111 = vector.shape_cast %get3A_110 : vector<1x16xf32> to vector<16xf32>
      %gt3A_112 = arith.cmpf ogt, %get3A_111, %select_n3A_105 : vector<16xf32>
      %gt3A_113 = arith.cmpf ogt, %get3A_111, %select_n3A_102 : vector<16xf32>
      %gt3A_114 = arith.cmpf ogt, %get3A_111, %select_n3A_98 : vector<16xf32>
      %broadcast_in_dim3A_115 = arith.constant 5 : i32
      %broadcast_in_dim3A_116 = vector.broadcast %broadcast_in_dim3A_115 : i32 to vector<16xi32>
      %select_n3A_117 = arith.select %gt3A_114, %get3A_111, %select_n3A_98 : vector<16xi1>, vector<16xf32>
      %select_n3A_118 = arith.select %gt3A_113, %select_n3A_102, %select_n3A_117 : vector<16xi1>, vector<16xf32>
      %select_n3A_119 = arith.select %gt3A_114, %broadcast_in_dim3A_116, %select_n3A_100 : vector<16xi1>, vector<16xi32>
      %select_n3A_120 = arith.select %gt3A_113, %select_n3A_104, %select_n3A_119 : vector<16xi1>, vector<16xi32>
      %select_n3A_121 = arith.select %gt3A_113, %get3A_111, %select_n3A_102 : vector<16xi1>, vector<16xf32>
      %select_n3A_122 = arith.select %gt3A_112, %select_n3A_105, %select_n3A_121 : vector<16xi1>, vector<16xf32>
      %select_n3A_123 = arith.select %gt3A_113, %broadcast_in_dim3A_116, %select_n3A_104 : vector<16xi1>, vector<16xi32>
      %select_n3A_124 = arith.select %gt3A_112, %select_n3A_106, %select_n3A_123 : vector<16xi1>, vector<16xi32>
      %select_n3A_125 = arith.select %gt3A_112, %get3A_111, %select_n3A_105 : vector<16xi1>, vector<16xf32>
      %select_n3A_126 = arith.select %gt3A_112, %broadcast_in_dim3A_116, %select_n3A_106 : vector<16xi1>, vector<16xi32>
      %get3A_127 = arith.constant 6 : i32
      %get3A_128 = arith.index_cast %get3A_127 : i32 to index
      %get3A_129 = arith.constant 0 : index
      %get3A_130 = tpu.vector_load %arg4[%get3A_128, %get3A_129] {strides = array<i32>} : memref<64x16xf32, #tpu.memory_space<vmem>>, vector<1x16xf32>,
      %get3A_131 = vector.shape_cast %get3A_130 : vector<1x16xf32> to vector<16xf32>
      %gt3A_132 = arith.cmpf ogt, %get3A_131, %select_n3A_125 : vector<16xf32>
      %gt3A_133 = arith.cmpf ogt, %get3A_131, %select_n3A_122 : vector<16xf32>
      %gt3A_134 = arith.cmpf ogt, %get3A_131, %select_n3A_118 : vector<16xf32>
      %broadcast_in_dim3A_135 = arith.constant 6 : i32
      %broadcast_in_dim3A_136 = vector.broadcast %broadcast_in_dim3A_135 : i32 to vector<16xi32>
      %select_n3A_137 = arith.select %gt3A_134, %get3A_131, %select_n3A_118 : vector<16xi1>, vector<16xf32>
      %select_n3A_138 = arith.select %gt3A_133, %select_n3A_122, %select_n3A_137 : vector<16xi1>, vector<16xf32>
      %select_n3A_139 = arith.select %gt3A_134, %broadcast_in_dim3A_136, %select_n3A_120 : vector<16xi1>, vector<16xi32>
      %select_n3A_140 = arith.select %gt3A_133, %select_n3A_124, %select_n3A_139 : vector<16xi1>, vector<16xi32>
      %select_n3A_141 = arith.select %gt3A_133, %get3A_131, %select_n3A_122 : vector<16xi1>, vector<16xf32>
      %select_n3A_142 = arith.select %gt3A_132, %select_n3A_125, %select_n3A_141 : vector<16xi1>, vector<16xf32>
      %select_n3A_143 = arith.select %gt3A_133, %broadcast_in_dim3A_136, %select_n3A_124 : vector<16xi1>, vector<16xi32>
      %select_n3A_144 = arith.select %gt3A_132, %select_n3A_126, %select_n3A_143 : vector<16xi1>, vector<16xi32>
      %select_n3A_145 = arith.select %gt3A_132, %get3A_131, %select_n3A_125 : vector<16xi1>, vector<16xf32>
      %select_n3A_146 = arith.select %gt3A_132, %broadcast_in_dim3A_136, %select_n3A_126 : vector<16xi1>, vector<16xi32>
      %get3A_147 = arith.constant 7 : i32
      %get3A_148 = arith.index_cast %get3A_147 : i32 to index
      %get3A_149 = arith.constant 0 : index
      %get3A_150 = tpu.vector_load %arg4[%get3A_148, %get3A_149] {strides = array<i32>} : memref<64x16xf32, #tpu.memory_space<vmem>>, vector<1x16xf32>,
      %get3A_151 = vector.shape_cast %get3A_150 : vector<1x16xf32> to vector<16xf32>
      %gt3A_152 = arith.cmpf ogt, %get3A_151, %select_n3A_145 : vector<16xf32>
      %gt3A_153 = arith.cmpf ogt, %get3A_151, %select_n3A_142 : vector<16xf32>
      %gt3A_154 = arith.cmpf ogt, %get3A_151, %select_n3A_138 : vector<16xf32>
      %broadcast_in_dim3A_155 = arith.constant 7 : i32
      %broadcast_in_dim3A_156 = vector.broadcast %broadcast_in_dim3A_155 : i32 to vector<16xi32>
      %select_n3A_157 = arith.select %gt3A_154, %get3A_151, %select_n3A_138 : vector<16xi1>, vector<16xf32>
      %select_n3A_158 = arith.select %gt3A_153, %select_n3A_142, %select_n3A_157 : vector<16xi1>, vector<16xf32>
      %select_n3A_159 = arith.select %gt3A_154, %broadcast_in_dim3A_156, %select_n3A_140 : vector<16xi1>, vector<16xi32>
      %select_n3A_160 = arith.select %gt3A_153, %select_n3A_144, %select_n3A_159 : vector<16xi1>, vector<16xi32>
      %select_n3A_161 = arith.select %gt3A_153, %get3A_151, %select_n3A_142 : vector<16xi1>, vector<16xf32>
      %select_n3A_162 = arith.select %gt3A_152, %select_n3A_145, %select_n3A_161 : vector<16xi1>, vector<16xf32>
      %select_n3A_163 = arith.select %gt3A_153, %broadcast_in_dim3A_156, %select_n3A_144 : vector<16xi1>, vector<16xi32>
      %select_n3A_164 = arith.select %gt3A_152, %select_n3A_146, %select_n3A_163 : vector<16xi1>, vector<16xi32>
      %select_n3A_165 = arith.select %gt3A_152, %get3A_151, %select_n3A_145 : vector<16xi1>, vector<16xf32>
      %select_n3A_166 = arith.select %gt3A_152, %broadcast_in_dim3A_156, %select_n3A_146 : vector<16xi1>, vector<16xi32>
      %get3A_167 = arith.constant 8 : i32
      %get3A_168 = arith.index_cast %get3A_167 : i32 to index
      %get3A_169 = arith.constant 0 : index
      %get3A_170 = tpu.vector_load %arg4[%get3A_168, %get3A_169] {strides = array<i32>} : memref<64x16xf32, #tpu.memory_space<vmem>>, vector<1x16xf32>,
      %get3A_171 = vector.shape_cast %get3A_170 : vector<1x16xf32> to vector<16xf32>
      %gt3A_172 = arith.cmpf ogt, %get3A_171, %select_n3A_165 : vector<16xf32>
      %gt3A_173 = arith.cmpf ogt, %get3A_171, %select_n3A_162 : vector<16xf32>
      %gt3A_174 = arith.cmpf ogt, %get3A_171, %select_n3A_158 : vector<16xf32>
      %broadcast_in_dim3A_175 = arith.constant 8 : i32
      %broadcast_in_dim3A_176 = vector.broadcast %broadcast_in_dim3A_175 : i32 to vector<16xi32>
      %select_n3A_177 = arith.select %gt3A_174, %get3A_171, %select_n3A_158 : vector<16xi1>, vector<16xf32>
      %select_n3A_178 = arith.select %gt3A_173, %select_n3A_162, %select_n3A_177 : vector<16xi1>, vector<16xf32>
      %select_n3A_179 = arith.select %gt3A_174, %broadcast_in_dim3A_176, %select_n3A_160 : vector<16xi1>, vector<16xi32>
      %select_n3A_180 = arith.select %gt3A_173, %select_n3A_164, %select_n3A_179 : vector<16xi1>, vector<16xi32>
      %select_n3A_181 = arith.select %gt3A_173, %get3A_171, %select_n3A_162 : vector<16xi1>, vector<16xf32>
      %select_n3A_182 = arith.select %gt3A_172, %select_n3A_165, %select_n3A_181 : vector<16xi1>, vector<16xf32>
      %select_n3A_183 = arith.select %gt3A_173, %broadcast_in_dim3A_176, %select_n3A_164 : vector<16xi1>, vector<16xi32>
      %select_n3A_184 = arith.select %gt3A_172, %select_n3A_166, %select_n3A_183 : vector<16xi1>, vector<16xi32>
      %select_n3A_185 = arith.select %gt3A_172, %get3A_171, %select_n3A_165 : vector<16xi1>, vector<16xf32>
      %select_n3A_186 = arith.select %gt3A_172, %broadcast_in_dim3A_176, %select_n3A_166 : vector<16xi1>, vector<16xi32>
      %get3A_187 = arith.constant 9 : i32
      %get3A_188 = arith.index_cast %get3A_187 : i32 to index
      %get3A_189 = arith.constant 0 : index
      %get3A_190 = tpu.vector_load %arg4[%get3A_188, %get3A_189] {strides = array<i32>} : memref<64x16xf32, #tpu.memory_space<vmem>>, vector<1x16xf32>,
      %get3A_191 = vector.shape_cast %get3A_190 : vector<1x16xf32> to vector<16xf32>
      %gt3A_192 = arith.cmpf ogt, %get3A_191, %select_n3A_185 : vector<16xf32>
      %gt3A_193 = arith.cmpf ogt, %get3A_191, %select_n3A_182 : vector<16xf32>
      %gt3A_194 = arith.cmpf ogt, %get3A_191, %select_n3A_178 : vector<16xf32>
      %broadcast_in_dim3A_195 = arith.constant 9 : i32
      %broadcast_in_dim3A_196 = vector.broadcast %broadcast_in_dim3A_195 : i32 to vector<16xi32>
      %select_n3A_197 = arith.select %gt3A_194, %get3A_191, %select_n3A_178 : vector<16xi1>, vector<16xf32>
      %select_n3A_198 = arith.select %gt3A_193, %select_n3A_182, %select_n3A_197 : vector<16xi1>, vector<16xf32>
      %select_n3A_199 = arith.select %gt3A_194, %broadcast_in_dim3A_196, %select_n3A_180 : vector<16xi1>, vector<16xi32>
      %select_n3A_200 = arith.select %gt3A_193, %select_n3A_184, %select_n3A_199 : vector<16xi1>, vector<16xi32>
      %select_n3A_201 = arith.select %gt3A_193, %get3A_191, %select_n3A_182 : vector<16xi1>, vector<16xf32>
      %select_n3A_202 = arith.select %gt3A_192, %select_n3A_185, %select_n3A_201 : vector<16xi1>, vector<16xf32>
      %select_n3A_203 = arith.select %gt3A_193, %broadcast_in_dim3A_196, %select_n3A_184 : vector<16xi1>, vector<16xi32>
      %select_n3A_204 = arith.select %gt3A_192, %select_n3A_186, %select_n3A_203 : vector<16xi1>, vector<16xi32>
      %select_n3A_205 = arith.select %gt3A_192, %get3A_191, %select_n3A_185 : vector<16xi1>, vector<16xf32>
      %select_n3A_206 = arith.select %gt3A_192, %broadcast_in_dim3A_196, %select_n3A_186 : vector<16xi1>, vector<16xi32>
      %get3A_207 = arith.constant 10 : i32
      %get3A_208 = arith.index_cast %get3A_207 : i32 to index
      %get3A_209 = arith.constant 0 : index
      %get3A_210 = tpu.vector_load %arg4[%get3A_208, %get3A_209] {strides = array<i32>} : memref<64x16xf32, #tpu.memory_space<vmem>>, vector<1x16xf32>,
      %get3A_211 = vector.shape_cast %get3A_210 : vector<1x16xf32> to vector<16xf32>
      %gt3A_212 = arith.cmpf ogt, %get3A_211, %select_n3A_205 : vector<16xf32>
      %gt3A_213 = arith.cmpf ogt, %get3A_211, %select_n3A_202 : vector<16xf32>
      %gt3A_214 = arith.cmpf ogt, %get3A_211, %select_n3A_198 : vector<16xf32>
      %broadcast_in_dim3A_215 = arith.constant 10 : i32
      %broadcast_in_dim3A_216 = vector.broadcast %broadcast_in_dim3A_215 : i32 to vector<16xi32>
      %select_n3A_217 = arith.select %gt3A_214, %get3A_211, %select_n3A_198 : vector<16xi1>, vector<16xf32>
      %select_n3A_218 = arith.select %gt3A_213, %select_n3A_202, %select_n3A_217 : vector<16xi1>, vector<16xf32>
      %select_n3A_219 = arith.select %gt3A_214, %broadcast_in_dim3A_216, %select_n3A_200 : vector<16xi1>, vector<16xi32>
      %select_n3A_220 = arith.select %gt3A_213, %select_n3A_204, %select_n3A_219 : vector<16xi1>, vector<16xi32>
      %select_n3A_221 = arith.select %gt3A_213, %get3A_211, %select_n3A_202 : vector<16xi1>, vector<16xf32>
      %select_n3A_222 = arith.select %gt3A_212, %select_n3A_205, %select_n3A_221 : vector<16xi1>, vector<16xf32>
      %select_n3A_223 = arith.select %gt3A_213, %broadcast_in_dim3A_216, %select_n3A_204 : vector<16xi1>, vector<16xi32>
      %select_n3A_224 = arith.select %gt3A_212, %select_n3A_206, %select_n3A_223 : vector<16xi1>, vector<16xi32>
      %select_n3A_225 = arith.select %gt3A_212, %get3A_211, %select_n3A_205 : vector<16xi1>, vector<16xf32>
      %select_n3A_226 = arith.select %gt3A_212, %broadcast_in_dim3A_216, %select_n3A_206 : vector<16xi1>, vector<16xi32>
      %get3A_227 = arith.constant 11 : i32
      %get3A_228 = arith.index_cast %get3A_227 : i32 to index
      %get3A_229 = arith.constant 0 : index
      %get3A_230 = tpu.vector_load %arg4[%get3A_228, %get3A_229] {strides = array<i32>} : memref<64x16xf32, #tpu.memory_space<vmem>>, vector<1x16xf32>,
      %get3A_231 = vector.shape_cast %get3A_230 : vector<1x16xf32> to vector<16xf32>
      %gt3A_232 = arith.cmpf ogt, %get3A_231, %select_n3A_225 : vector<16xf32>
      %gt3A_233 = arith.cmpf ogt, %get3A_231, %select_n3A_222 : vector<16xf32>
      %gt3A_234 = arith.cmpf ogt, %get3A_231, %select_n3A_218 : vector<16xf32>
      %broadcast_in_dim3A_235 = arith.constant 11 : i32
      %broadcast_in_dim3A_236 = vector.broadcast %broadcast_in_dim3A_235 : i32 to vector<16xi32>
      %select_n3A_237 = arith.select %gt3A_234, %get3A_231, %select_n3A_218 : vector<16xi1>, vector<16xf32>
      %select_n3A_238 = arith.select %gt3A_233, %select_n3A_222, %select_n3A_237 : vector<16xi1>, vector<16xf32>
      %select_n3A_239 = arith.select %gt3A_234, %broadcast_in_dim3A_236, %select_n3A_220 : vector<16xi1>, vector<16xi32>
      %select_n3A_240 = arith.select %gt3A_233, %select_n3A_224, %select_n3A_239 : vector<16xi1>, vector<16xi32>
      %select_n3A_241 = arith.select %gt3A_233, %get3A_231, %select_n3A_222 : vector<16xi1>, vector<16xf32>
      %select_n3A_242 = arith.select %gt3A_232, %select_n3A_225, %select_n3A_241 : vector<16xi1>, vector<16xf32>
      %select_n3A_243 = arith.select %gt3A_233, %broadcast_in_dim3A_236, %select_n3A_224 : vector<16xi1>, vector<16xi32>
      %select_n3A_244 = arith.select %gt3A_232, %select_n3A_226, %select_n3A_243 : vector<16xi1>, vector<16xi32>
      %select_n3A_245 = arith.select %gt3A_232, %get3A_231, %select_n3A_225 : vector<16xi1>, vector<16xf32>
      %select_n3A_246 = arith.select %gt3A_232, %broadcast_in_dim3A_236, %select_n3A_226 : vector<16xi1>, vector<16xi32>
      %get3A_247 = arith.constant 12 : i32
      %get3A_248 = arith.index_cast %get3A_247 : i32 to index
      %get3A_249 = arith.constant 0 : index
      %get3A_250 = tpu.vector_load %arg4[%get3A_248, %get3A_249] {strides = array<i32>} : memref<64x16xf32, #tpu.memory_space<vmem>>, vector<1x16xf32>,
      %get3A_251 = vector.shape_cast %get3A_250 : vector<1x16xf32> to vector<16xf32>
      %gt3A_252 = arith.cmpf ogt, %get3A_251, %select_n3A_245 : vector<16xf32>
      %gt3A_253 = arith.cmpf ogt, %get3A_251, %select_n3A_242 : vector<16xf32>
      %gt3A_254 = arith.cmpf ogt, %get3A_251, %select_n3A_238 : vector<16xf32>
      %broadcast_in_dim3A_255 = arith.constant 12 : i32
      %broadcast_in_dim3A_256 = vector.broadcast %broadcast_in_dim3A_255 : i32 to vector<16xi32>
      %select_n3A_257 = arith.select %gt3A_254, %get3A_251, %select_n3A_238 : vector<16xi1>, vector<16xf32>
      %select_n3A_258 = arith.select %gt3A_253, %select_n3A_242, %select_n3A_257 : vector<16xi1>, vector<16xf32>
      %select_n3A_259 = arith.select %gt3A_254, %broadcast_in_dim3A_256, %select_n3A_240 : vector<16xi1>, vector<16xi32>
      %select_n3A_260 = arith.select %gt3A_253, %select_n3A_244, %select_n3A_259 : vector<16xi1>, vector<16xi32>
      %select_n3A_261 = arith.select %gt3A_253, %get3A_251, %select_n3A_242 : vector<16xi1>, vector<16xf32>
      %select_n3A_262 = arith.select %gt3A_252, %select_n3A_245, %select_n3A_261 : vector<16xi1>, vector<16xf32>
      %select_n3A_263 = arith.select %gt3A_253, %broadcast_in_dim3A_256, %select_n3A_244 : vector<16xi1>, vector<16xi32>
      %select_n3A_264 = arith.select %gt3A_252, %select_n3A_246, %select_n3A_263 : vector<16xi1>, vector<16xi32>
      %select_n3A_265 = arith.select %gt3A_252, %get3A_251, %select_n3A_245 : vector<16xi1>, vector<16xf32>
      %select_n3A_266 = arith.select %gt3A_252, %broadcast_in_dim3A_256, %select_n3A_246 : vector<16xi1>, vector<16xi32>
      %get3A_267 = arith.constant 13 : i32
      %get3A_268 = arith.index_cast %get3A_267 : i32 to index
      %get3A_269 = arith.constant 0 : index
      %get3A_270 = tpu.vector_load %arg4[%get3A_268, %get3A_269] {strides = array<i32>} : memref<64x16xf32, #tpu.memory_space<vmem>>, vector<1x16xf32>,
      %get3A_271 = vector.shape_cast %get3A_270 : vector<1x16xf32> to vector<16xf32>
      %gt3A_272 = arith.cmpf ogt, %get3A_271, %select_n3A_265 : vector<16xf32>
      %gt3A_273 = arith.cmpf ogt, %get3A_271, %select_n3A_262 : vector<16xf32>
      %gt3A_274 = arith.cmpf ogt, %get3A_271, %select_n3A_258 : vector<16xf32>
      %broadcast_in_dim3A_275 = arith.constant 13 : i32
      %broadcast_in_dim3A_276 = vector.broadcast %broadcast_in_dim3A_275 : i32 to vector<16xi32>
      %select_n3A_277 = arith.select %gt3A_274, %get3A_271, %select_n3A_258 : vector<16xi1>, vector<16xf32>
      %select_n3A_278 = arith.select %gt3A_273, %select_n3A_262, %select_n3A_277 : vector<16xi1>, vector<16xf32>
      %select_n3A_279 = arith.select %gt3A_274, %broadcast_in_dim3A_276, %select_n3A_260 : vector<16xi1>, vector<16xi32>
      %select_n3A_280 = arith.select %gt3A_273, %select_n3A_264, %select_n3A_279 : vector<16xi1>, vector<16xi32>
      %select_n3A_281 = arith.select %gt3A_273, %get3A_271, %select_n3A_262 : vector<16xi1>, vector<16xf32>
      %select_n3A_282 = arith.select %gt3A_272, %select_n3A_265, %select_n3A_281 : vector<16xi1>, vector<16xf32>
      %select_n3A_283 = arith.select %gt3A_273, %broadcast_in_dim3A_276, %select_n3A_264 : vector<16xi1>, vector<16xi32>
      %select_n3A_284 = arith.select %gt3A_272, %select_n3A_266, %select_n3A_283 : vector<16xi1>, vector<16xi32>
      %select_n3A_285 = arith.select %gt3A_272, %get3A_271, %select_n3A_265 : vector<16xi1>, vector<16xf32>
      %select_n3A_286 = arith.select %gt3A_272, %broadcast_in_dim3A_276, %select_n3A_266 : vector<16xi1>, vector<16xi32>
      %get3A_287 = arith.constant 14 : i32
      %get3A_288 = arith.index_cast %get3A_287 : i32 to index
      %get3A_289 = arith.constant 0 : index
      %get3A_290 = tpu.vector_load %arg4[%get3A_288, %get3A_289] {strides = array<i32>} : memref<64x16xf32, #tpu.memory_space<vmem>>, vector<1x16xf32>,
      %get3A_291 = vector.shape_cast %get3A_290 : vector<1x16xf32> to vector<16xf32>
      %gt3A_292 = arith.cmpf ogt, %get3A_291, %select_n3A_285 : vector<16xf32>
      %gt3A_293 = arith.cmpf ogt, %get3A_291, %select_n3A_282 : vector<16xf32>
      %gt3A_294 = arith.cmpf ogt, %get3A_291, %select_n3A_278 : vector<16xf32>
      %broadcast_in_dim3A_295 = arith.constant 14 : i32
      %broadcast_in_dim3A_296 = vector.broadcast %broadcast_in_dim3A_295 : i32 to vector<16xi32>
      %select_n3A_297 = arith.select %gt3A_294, %get3A_291, %select_n3A_278 : vector<16xi1>, vector<16xf32>
      %select_n3A_298 = arith.select %gt3A_293, %select_n3A_282, %select_n3A_297 : vector<16xi1>, vector<16xf32>
      %select_n3A_299 = arith.select %gt3A_294, %broadcast_in_dim3A_296, %select_n3A_280 : vector<16xi1>, vector<16xi32>
      %select_n3A_300 = arith.select %gt3A_293, %select_n3A_284, %select_n3A_299 : vector<16xi1>, vector<16xi32>
      %select_n3A_301 = arith.select %gt3A_293, %get3A_291, %select_n3A_282 : vector<16xi1>, vector<16xf32>
      %select_n3A_302 = arith.select %gt3A_292, %select_n3A_285, %select_n3A_301 : vector<16xi1>, vector<16xf32>
      %select_n3A_303 = arith.select %gt3A_293, %broadcast_in_dim3A_296, %select_n3A_284 : vector<16xi1>, vector<16xi32>
      %select_n3A_304 = arith.select %gt3A_292, %select_n3A_286, %select_n3A_303 : vector<16xi1>, vector<16xi32>
      %select_n3A_305 = arith.select %gt3A_292, %get3A_291, %select_n3A_285 : vector<16xi1>, vector<16xf32>
      %select_n3A_306 = arith.select %gt3A_292, %broadcast_in_dim3A_296, %select_n3A_286 : vector<16xi1>, vector<16xi32>
      %get3A_307 = arith.constant 15 : i32
      %get3A_308 = arith.index_cast %get3A_307 : i32 to index
      %get3A_309 = arith.constant 0 : index
      %get3A_310 = tpu.vector_load %arg4[%get3A_308, %get3A_309] {strides = array<i32>} : memref<64x16xf32, #tpu.memory_space<vmem>>, vector<1x16xf32>,
      %get3A_311 = vector.shape_cast %get3A_310 : vector<1x16xf32> to vector<16xf32>
      %gt3A_312 = arith.cmpf ogt, %get3A_311, %select_n3A_305 : vector<16xf32>
      %gt3A_313 = arith.cmpf ogt, %get3A_311, %select_n3A_302 : vector<16xf32>
      %gt3A_314 = arith.cmpf ogt, %get3A_311, %select_n3A_298 : vector<16xf32>
      %broadcast_in_dim3A_315 = arith.constant 15 : i32
      %broadcast_in_dim3A_316 = vector.broadcast %broadcast_in_dim3A_315 : i32 to vector<16xi32>
      %select_n3A_317 = arith.select %gt3A_314, %get3A_311, %select_n3A_298 : vector<16xi1>, vector<16xf32>
      %select_n3A_318 = arith.select %gt3A_313, %select_n3A_302, %select_n3A_317 : vector<16xi1>, vector<16xf32>
      %select_n3A_319 = arith.select %gt3A_314, %broadcast_in_dim3A_316, %select_n3A_300 : vector<16xi1>, vector<16xi32>
      %select_n3A_320 = arith.select %gt3A_313, %select_n3A_304, %select_n3A_319 : vector<16xi1>, vector<16xi32>
      %select_n3A_321 = arith.select %gt3A_313, %get3A_311, %select_n3A_302 : vector<16xi1>, vector<16xf32>
      %select_n3A_322 = arith.select %gt3A_312, %select_n3A_305, %select_n3A_321 : vector<16xi1>, vector<16xf32>
      %select_n3A_323 = arith.select %gt3A_313, %broadcast_in_dim3A_316, %select_n3A_304 : vector<16xi1>, vector<16xi32>
      %select_n3A_324 = arith.select %gt3A_312, %select_n3A_306, %select_n3A_323 : vector<16xi1>, vector<16xi32>
      %select_n3A_325 = arith.select %gt3A_312, %get3A_311, %select_n3A_305 : vector<16xi1>, vector<16xf32>
      %select_n3A_326 = arith.select %gt3A_312, %broadcast_in_dim3A_316, %select_n3A_306 : vector<16xi1>, vector<16xi32>
      %get3A_327 = arith.constant 16 : i32
      %get3A_328 = arith.index_cast %get3A_327 : i32 to index
      %get3A_329 = arith.constant 0 : index
      %get3A_330 = tpu.vector_load %arg4[%get3A_328, %get3A_329] {strides = array<i32>} : memref<64x16xf32, #tpu.memory_space<vmem>>, vector<1x16xf32>,
      %get3A_331 = vector.shape_cast %get3A_330 : vector<1x16xf32> to vector<16xf32>
      %gt3A_332 = arith.cmpf ogt, %get3A_331, %select_n3A_325 : vector<16xf32>
      %gt3A_333 = arith.cmpf ogt, %get3A_331, %select_n3A_322 : vector<16xf32>
      %gt3A_334 = arith.cmpf ogt, %get3A_331, %select_n3A_318 : vector<16xf32>
      %broadcast_in_dim3A_335 = arith.constant 16 : i32
      %broadcast_in_dim3A_336 = vector.broadcast %broadcast_in_dim3A_335 : i32 to vector<16xi32>
      %select_n3A_337 = arith.select %gt3A_334, %get3A_331, %select_n3A_318 : vector<16xi1>, vector<16xf32>
      %select_n3A_338 = arith.select %gt3A_333, %select_n3A_322, %select_n3A_337 : vector<16xi1>, vector<16xf32>
      %select_n3A_339 = arith.select %gt3A_334, %broadcast_in_dim3A_336, %select_n3A_320 : vector<16xi1>, vector<16xi32>
      %select_n3A_340 = arith.select %gt3A_333, %select_n3A_324, %select_n3A_339 : vector<16xi1>, vector<16xi32>
      %select_n3A_341 = arith.select %gt3A_333, %get3A_331, %select_n3A_322 : vector<16xi1>, vector<16xf32>
      %select_n3A_342 = arith.select %gt3A_332, %select_n3A_325, %select_n3A_341 : vector<16xi1>, vector<16xf32>
      %select_n3A_343 = arith.select %gt3A_333, %broadcast_in_dim3A_336, %select_n3A_324 : vector<16xi1>, vector<16xi32>
      %select_n3A_344 = arith.select %gt3A_332, %select_n3A_326, %select_n3A_343 : vector<16xi1>, vector<16xi32>
      %select_n3A_345 = arith.select %gt3A_332, %get3A_331, %select_n3A_325 : vector<16xi1>, vector<16xf32>
      %select_n3A_346 = arith.select %gt3A_332, %broadcast_in_dim3A_336, %select_n3A_326 : vector<16xi1>, vector<16xi32>
      %get3A_347 = arith.constant 17 : i32
      %get3A_348 = arith.index_cast %get3A_347 : i32 to index
      %get3A_349 = arith.constant 0 : index
      %get3A_350 = tpu.vector_load %arg4[%get3A_348, %get3A_349] {strides = array<i32>} : memref<64x16xf32, #tpu.memory_space<vmem>>, vector<1x16xf32>,
      %get3A_351 = vector.shape_cast %get3A_350 : vector<1x16xf32> to vector<16xf32>
      %gt3A_352 = arith.cmpf ogt, %get3A_351, %select_n3A_345 : vector<16xf32>
      %gt3A_353 = arith.cmpf ogt, %get3A_351, %select_n3A_342 : vector<16xf32>
      %gt3A_354 = arith.cmpf ogt, %get3A_351, %select_n3A_338 : vector<16xf32>
      %broadcast_in_dim3A_355 = arith.constant 17 : i32
      %broadcast_in_dim3A_356 = vector.broadcast %broadcast_in_dim3A_355 : i32 to vector<16xi32>
      %select_n3A_357 = arith.select %gt3A_354, %get3A_351, %select_n3A_338 : vector<16xi1>, vector<16xf32>
      %select_n3A_358 = arith.select %gt3A_353, %select_n3A_342, %select_n3A_357 : vector<16xi1>, vector<16xf32>
      %select_n3A_359 = arith.select %gt3A_354, %broadcast_in_dim3A_356, %select_n3A_340 : vector<16xi1>, vector<16xi32>
      %select_n3A_360 = arith.select %gt3A_353, %select_n3A_344, %select_n3A_359 : vector<16xi1>, vector<16xi32>
      %select_n3A_361 = arith.select %gt3A_353, %get3A_351, %select_n3A_342 : vector<16xi1>, vector<16xf32>
      %select_n3A_362 = arith.select %gt3A_352, %select_n3A_345, %select_n3A_361 : vector<16xi1>, vector<16xf32>
      %select_n3A_363 = arith.select %gt3A_353, %broadcast_in_dim3A_356, %select_n3A_344 : vector<16xi1>, vector<16xi32>
      %select_n3A_364 = arith.select %gt3A_352, %select_n3A_346, %select_n3A_363 : vector<16xi1>, vector<16xi32>
      %select_n3A_365 = arith.select %gt3A_352, %get3A_351, %select_n3A_345 : vector<16xi1>, vector<16xf32>
      %select_n3A_366 = arith.select %gt3A_352, %broadcast_in_dim3A_356, %select_n3A_346 : vector<16xi1>, vector<16xi32>
      %get3A_367 = arith.constant 18 : i32
      %get3A_368 = arith.index_cast %get3A_367 : i32 to index
      %get3A_369 = arith.constant 0 : index
      %get3A_370 = tpu.vector_load %arg4[%get3A_368, %get3A_369] {strides = array<i32>} : memref<64x16xf32, #tpu.memory_space<vmem>>, vector<1x16xf32>,
      %get3A_371 = vector.shape_cast %get3A_370 : vector<1x16xf32> to vector<16xf32>
      %gt3A_372 = arith.cmpf ogt, %get3A_371, %select_n3A_365 : vector<16xf32>
      %gt3A_373 = arith.cmpf ogt, %get3A_371, %select_n3A_362 : vector<16xf32>
      %gt3A_374 = arith.cmpf ogt, %get3A_371, %select_n3A_358 : vector<16xf32>
      %broadcast_in_dim3A_375 = arith.constant 18 : i32
      %broadcast_in_dim3A_376 = vector.broadcast %broadcast_in_dim3A_375 : i32 to vector<16xi32>
      %select_n3A_377 = arith.select %gt3A_374, %get3A_371, %select_n3A_358 : vector<16xi1>, vector<16xf32>
      %select_n3A_378 = arith.select %gt3A_373, %select_n3A_362, %select_n3A_377 : vector<16xi1>, vector<16xf32>
      %select_n3A_379 = arith.select %gt3A_374, %broadcast_in_dim3A_376, %select_n3A_360 : vector<16xi1>, vector<16xi32>
      %select_n3A_380 = arith.select %gt3A_373, %select_n3A_364, %select_n3A_379 : vector<16xi1>, vector<16xi32>
      %select_n3A_381 = arith.select %gt3A_373, %get3A_371, %select_n3A_362 : vector<16xi1>, vector<16xf32>
      %select_n3A_382 = arith.select %gt3A_372, %select_n3A_365, %select_n3A_381 : vector<16xi1>, vector<16xf32>
      %select_n3A_383 = arith.select %gt3A_373, %broadcast_in_dim3A_376, %select_n3A_364 : vector<16xi1>, vector<16xi32>
      %select_n3A_384 = arith.select %gt3A_372, %select_n3A_366, %select_n3A_383 : vector<16xi1>, vector<16xi32>
      %select_n3A_385 = arith.select %gt3A_372, %get3A_371, %select_n3A_365 : vector<16xi1>, vector<16xf32>
      %select_n3A_386 = arith.select %gt3A_372, %broadcast_in_dim3A_376, %select_n3A_366 : vector<16xi1>, vector<16xi32>
      %get3A_387 = arith.constant 19 : i32
      %get3A_388 = arith.index_cast %get3A_387 : i32 to index
      %get3A_389 = arith.constant 0 : index
      %get3A_390 = tpu.vector_load %arg4[%get3A_388, %get3A_389] {strides = array<i32>} : memref<64x16xf32, #tpu.memory_space<vmem>>, vector<1x16xf32>,
      %get3A_391 = vector.shape_cast %get3A_390 : vector<1x16xf32> to vector<16xf32>
      %gt3A_392 = arith.cmpf ogt, %get3A_391, %select_n3A_385 : vector<16xf32>
      %gt3A_393 = arith.cmpf ogt, %get3A_391, %select_n3A_382 : vector<16xf32>
      %gt3A_394 = arith.cmpf ogt, %get3A_391, %select_n3A_378 : vector<16xf32>
      %broadcast_in_dim3A_395 = arith.constant 19 : i32
      %broadcast_in_dim3A_396 = vector.broadcast %broadcast_in_dim3A_395 : i32 to vector<16xi32>
      %select_n3A_397 = arith.select %gt3A_394, %get3A_391, %select_n3A_378 : vector<16xi1>, vector<16xf32>
      %select_n3A_398 = arith.select %gt3A_393, %select_n3A_382, %select_n3A_397 : vector<16xi1>, vector<16xf32>
      %select_n3A_399 = arith.select %gt3A_394, %broadcast_in_dim3A_396, %select_n3A_380 : vector<16xi1>, vector<16xi32>
      %select_n3A_400 = arith.select %gt3A_393, %select_n3A_384, %select_n3A_399 : vector<16xi1>, vector<16xi32>
      %select_n3A_401 = arith.select %gt3A_393, %get3A_391, %select_n3A_382 : vector<16xi1>, vector<16xf32>
      %select_n3A_402 = arith.select %gt3A_392, %select_n3A_385, %select_n3A_401 : vector<16xi1>, vector<16xf32>
      %select_n3A_403 = arith.select %gt3A_393, %broadcast_in_dim3A_396, %select_n3A_384 : vector<16xi1>, vector<16xi32>
      %select_n3A_404 = arith.select %gt3A_392, %select_n3A_386, %select_n3A_403 : vector<16xi1>, vector<16xi32>
      %select_n3A_405 = arith.select %gt3A_392, %get3A_391, %select_n3A_385 : vector<16xi1>, vector<16xf32>
      %select_n3A_406 = arith.select %gt3A_392, %broadcast_in_dim3A_396, %select_n3A_386 : vector<16xi1>, vector<16xi32>
      %get3A_407 = arith.constant 20 : i32
      %get3A_408 = arith.index_cast %get3A_407 : i32 to index
      %get3A_409 = arith.constant 0 : index
      %get3A_410 = tpu.vector_load %arg4[%get3A_408, %get3A_409] {strides = array<i32>} : memref<64x16xf32, #tpu.memory_space<vmem>>, vector<1x16xf32>,
      %get3A_411 = vector.shape_cast %get3A_410 : vector<1x16xf32> to vector<16xf32>
      %gt3A_412 = arith.cmpf ogt, %get3A_411, %select_n3A_405 : vector<16xf32>
      %gt3A_413 = arith.cmpf ogt, %get3A_411, %select_n3A_402 : vector<16xf32>
      %gt3A_414 = arith.cmpf ogt, %get3A_411, %select_n3A_398 : vector<16xf32>
      %broadcast_in_dim3A_415 = arith.constant 20 : i32
      %broadcast_in_dim3A_416 = vector.broadcast %broadcast_in_dim3A_415 : i32 to vector<16xi32>
      %select_n3A_417 = arith.select %gt3A_414, %get3A_411, %select_n3A_398 : vector<16xi1>, vector<16xf32>
      %select_n3A_418 = arith.select %gt3A_413, %select_n3A_402, %select_n3A_417 : vector<16xi1>, vector<16xf32>
      %select_n3A_419 = arith.select %gt3A_414, %broadcast_in_dim3A_416, %select_n3A_400 : vector<16xi1>, vector<16xi32>
      %select_n3A_420 = arith.select %gt3A_413, %select_n3A_404, %select_n3A_419 : vector<16xi1>, vector<16xi32>
      %select_n3A_421 = arith.select %gt3A_413, %get3A_411, %select_n3A_402 : vector<16xi1>, vector<16xf32>
      %select_n3A_422 = arith.select %gt3A_412, %select_n3A_405, %select_n3A_421 : vector<16xi1>, vector<16xf32>
      %select_n3A_423 = arith.select %gt3A_413, %broadcast_in_dim3A_416, %select_n3A_404 : vector<16xi1>, vector<16xi32>
      %select_n3A_424 = arith.select %gt3A_412, %select_n3A_406, %select_n3A_423 : vector<16xi1>, vector<16xi32>
      %select_n3A_425 = arith.select %gt3A_412, %get3A_411, %select_n3A_405 : vector<16xi1>, vector<16xf32>
      %select_n3A_426 = arith.select %gt3A_412, %broadcast_in_dim3A_416, %select_n3A_406 : vector<16xi1>, vector<16xi32>
      %get3A_427 = arith.constant 21 : i32
      %get3A_428 = arith.index_cast %get3A_427 : i32 to index
      %get3A_429 = arith.constant 0 : index
      %get3A_430 = tpu.vector_load %arg4[%get3A_428, %get3A_429] {strides = array<i32>} : memref<64x16xf32, #tpu.memory_space<vmem>>, vector<1x16xf32>,
      %get3A_431 = vector.shape_cast %get3A_430 : vector<1x16xf32> to vector<16xf32>
      %gt3A_432 = arith.cmpf ogt, %get3A_431, %select_n3A_425 : vector<16xf32>
      %gt3A_433 = arith.cmpf ogt, %get3A_431, %select_n3A_422 : vector<16xf32>
      %gt3A_434 = arith.cmpf ogt, %get3A_431, %select_n3A_418 : vector<16xf32>
      %broadcast_in_dim3A_435 = arith.constant 21 : i32
      %broadcast_in_dim3A_436 = vector.broadcast %broadcast_in_dim3A_435 : i32 to vector<16xi32>
      %select_n3A_437 = arith.select %gt3A_434, %get3A_431, %select_n3A_418 : vector<16xi1>, vector<16xf32>
      %select_n3A_438 = arith.select %gt3A_433, %select_n3A_422, %select_n3A_437 : vector<16xi1>, vector<16xf32>
      %select_n3A_439 = arith.select %gt3A_434, %broadcast_in_dim3A_436, %select_n3A_420 : vector<16xi1>, vector<16xi32>
      %select_n3A_440 = arith.select %gt3A_433, %select_n3A_424, %select_n3A_439 : vector<16xi1>, vector<16xi32>
      %select_n3A_441 = arith.select %gt3A_433, %get3A_431, %select_n3A_422 : vector<16xi1>, vector<16xf32>
      %select_n3A_442 = arith.select %gt3A_432, %select_n3A_425, %select_n3A_441 : vector<16xi1>, vector<16xf32>
      %select_n3A_443 = arith.select %gt3A_433, %broadcast_in_dim3A_436, %select_n3A_424 : vector<16xi1>, vector<16xi32>
      %select_n3A_444 = arith.select %gt3A_432, %select_n3A_426, %select_n3A_443 : vector<16xi1>, vector<16xi32>
      %select_n3A_445 = arith.select %gt3A_432, %get3A_431, %select_n3A_425 : vector<16xi1>, vector<16xf32>
      %select_n3A_446 = arith.select %gt3A_432, %broadcast_in_dim3A_436, %select_n3A_426 : vector<16xi1>, vector<16xi32>
      %get3A_447 = arith.constant 22 : i32
      %get3A_448 = arith.index_cast %get3A_447 : i32 to index
      %get3A_449 = arith.constant 0 : index
      %get3A_450 = tpu.vector_load %arg4[%get3A_448, %get3A_449] {strides = array<i32>} : memref<64x16xf32, #tpu.memory_space<vmem>>, vector<1x16xf32>,
      %get3A_451 = vector.shape_cast %get3A_450 : vector<1x16xf32> to vector<16xf32>
      %gt3A_452 = arith.cmpf ogt, %get3A_451, %select_n3A_445 : vector<16xf32>
      %gt3A_453 = arith.cmpf ogt, %get3A_451, %select_n3A_442 : vector<16xf32>
      %gt3A_454 = arith.cmpf ogt, %get3A_451, %select_n3A_438 : vector<16xf32>
      %broadcast_in_dim3A_455 = arith.constant 22 : i32
      %broadcast_in_dim3A_456 = vector.broadcast %broadcast_in_dim3A_455 : i32 to vector<16xi32>
      %select_n3A_457 = arith.select %gt3A_454, %get3A_451, %select_n3A_438 : vector<16xi1>, vector<16xf32>
      %select_n3A_458 = arith.select %gt3A_453, %select_n3A_442, %select_n3A_457 : vector<16xi1>, vector<16xf32>
      %select_n3A_459 = arith.select %gt3A_454, %broadcast_in_dim3A_456, %select_n3A_440 : vector<16xi1>, vector<16xi32>
      %select_n3A_460 = arith.select %gt3A_453, %select_n3A_444, %select_n3A_459 : vector<16xi1>, vector<16xi32>
      %select_n3A_461 = arith.select %gt3A_453, %get3A_451, %select_n3A_442 : vector<16xi1>, vector<16xf32>
      %select_n3A_462 = arith.select %gt3A_452, %select_n3A_445, %select_n3A_461 : vector<16xi1>, vector<16xf32>
      %select_n3A_463 = arith.select %gt3A_453, %broadcast_in_dim3A_456, %select_n3A_444 : vector<16xi1>, vector<16xi32>
      %select_n3A_464 = arith.select %gt3A_452, %select_n3A_446, %select_n3A_463 : vector<16xi1>, vector<16xi32>
      %select_n3A_465 = arith.select %gt3A_452, %get3A_451, %select_n3A_445 : vector<16xi1>, vector<16xf32>
      %select_n3A_466 = arith.select %gt3A_452, %broadcast_in_dim3A_456, %select_n3A_446 : vector<16xi1>, vector<16xi32>
      %get3A_467 = arith.constant 23 : i32
      %get3A_468 = arith.index_cast %get3A_467 : i32 to index
      %get3A_469 = arith.constant 0 : index
      %get3A_470 = tpu.vector_load %arg4[%get3A_468, %get3A_469] {strides = array<i32>} : memref<64x16xf32, #tpu.memory_space<vmem>>, vector<1x16xf32>,
      %get3A_471 = vector.shape_cast %get3A_470 : vector<1x16xf32> to vector<16xf32>
      %gt3A_472 = arith.cmpf ogt, %get3A_471, %select_n3A_465 : vector<16xf32>
      %gt3A_473 = arith.cmpf ogt, %get3A_471, %select_n3A_462 : vector<16xf32>
      %gt3A_474 = arith.cmpf ogt, %get3A_471, %select_n3A_458 : vector<16xf32>
      %broadcast_in_dim3A_475 = arith.constant 23 : i32
      %broadcast_in_dim3A_476 = vector.broadcast %broadcast_in_dim3A_475 : i32 to vector<16xi32>
      %select_n3A_477 = arith.select %gt3A_474, %get3A_471, %select_n3A_458 : vector<16xi1>, vector<16xf32>
      %select_n3A_478 = arith.select %gt3A_473, %select_n3A_462, %select_n3A_477 : vector<16xi1>, vector<16xf32>
      %select_n3A_479 = arith.select %gt3A_474, %broadcast_in_dim3A_476, %select_n3A_460 : vector<16xi1>, vector<16xi32>
      %select_n3A_480 = arith.select %gt3A_473, %select_n3A_464, %select_n3A_479 : vector<16xi1>, vector<16xi32>
      %select_n3A_481 = arith.select %gt3A_473, %get3A_471, %select_n3A_462 : vector<16xi1>, vector<16xf32>
      %select_n3A_482 = arith.select %gt3A_472, %select_n3A_465, %select_n3A_481 : vector<16xi1>, vector<16xf32>
      %select_n3A_483 = arith.select %gt3A_473, %broadcast_in_dim3A_476, %select_n3A_464 : vector<16xi1>, vector<16xi32>
      %select_n3A_484 = arith.select %gt3A_472, %select_n3A_466, %select_n3A_483 : vector<16xi1>, vector<16xi32>
      %select_n3A_485 = arith.select %gt3A_472, %get3A_471, %select_n3A_465 : vector<16xi1>, vector<16xf32>
      %select_n3A_486 = arith.select %gt3A_472, %broadcast_in_dim3A_476, %select_n3A_466 : vector<16xi1>, vector<16xi32>
      %get3A_487 = arith.constant 24 : i32
      %get3A_488 = arith.index_cast %get3A_487 : i32 to index
      %get3A_489 = arith.constant 0 : index
      %get3A_490 = tpu.vector_load %arg4[%get3A_488, %get3A_489] {strides = array<i32>} : memref<64x16xf32, #tpu.memory_space<vmem>>, vector<1x16xf32>,
      %get3A_491 = vector.shape_cast %get3A_490 : vector<1x16xf32> to vector<16xf32>
      %gt3A_492 = arith.cmpf ogt, %get3A_491, %select_n3A_485 : vector<16xf32>
      %gt3A_493 = arith.cmpf ogt, %get3A_491, %select_n3A_482 : vector<16xf32>
      %gt3A_494 = arith.cmpf ogt, %get3A_491, %select_n3A_478 : vector<16xf32>
      %broadcast_in_dim3A_495 = arith.constant 24 : i32
      %broadcast_in_dim3A_496 = vector.broadcast %broadcast_in_dim3A_495 : i32 to vector<16xi32>
      %select_n3A_497 = arith.select %gt3A_494, %get3A_491, %select_n3A_478 : vector<16xi1>, vector<16xf32>
      %select_n3A_498 = arith.select %gt3A_493, %select_n3A_482, %select_n3A_497 : vector<16xi1>, vector<16xf32>
      %select_n3A_499 = arith.select %gt3A_494, %broadcast_in_dim3A_496, %select_n3A_480 : vector<16xi1>, vector<16xi32>
      %select_n3A_500 = arith.select %gt3A_493, %select_n3A_484, %select_n3A_499 : vector<16xi1>, vector<16xi32>
      %select_n3A_501 = arith.select %gt3A_493, %get3A_491, %select_n3A_482 : vector<16xi1>, vector<16xf32>
      %select_n3A_502 = arith.select %gt3A_492, %select_n3A_485, %select_n3A_501 : vector<16xi1>, vector<16xf32>
      %select_n3A_503 = arith.select %gt3A_493, %broadcast_in_dim3A_496, %select_n3A_484 : vector<16xi1>, vector<16xi32>
      %select_n3A_504 = arith.select %gt3A_492, %select_n3A_486, %select_n3A_503 : vector<16xi1>, vector<16xi32>
      %select_n3A_505 = arith.select %gt3A_492, %get3A_491, %select_n3A_485 : vector<16xi1>, vector<16xf32>
      %select_n3A_506 = arith.select %gt3A_492, %broadcast_in_dim3A_496, %select_n3A_486 : vector<16xi1>, vector<16xi32>
      %get3A_507 = arith.constant 25 : i32
      %get3A_508 = arith.index_cast %get3A_507 : i32 to index
      %get3A_509 = arith.constant 0 : index
      %get3A_510 = tpu.vector_load %arg4[%get3A_508, %get3A_509] {strides = array<i32>} : memref<64x16xf32, #tpu.memory_space<vmem>>, vector<1x16xf32>,
      %get3A_511 = vector.shape_cast %get3A_510 : vector<1x16xf32> to vector<16xf32>
      %gt3A_512 = arith.cmpf ogt, %get3A_511, %select_n3A_505 : vector<16xf32>
      %gt3A_513 = arith.cmpf ogt, %get3A_511, %select_n3A_502 : vector<16xf32>
      %gt3A_514 = arith.cmpf ogt, %get3A_511, %select_n3A_498 : vector<16xf32>
      %broadcast_in_dim3A_515 = arith.constant 25 : i32
      %broadcast_in_dim3A_516 = vector.broadcast %broadcast_in_dim3A_515 : i32 to vector<16xi32>
      %select_n3A_517 = arith.select %gt3A_514, %get3A_511, %select_n3A_498 : vector<16xi1>, vector<16xf32>
      %select_n3A_518 = arith.select %gt3A_513, %select_n3A_502, %select_n3A_517 : vector<16xi1>, vector<16xf32>
      %select_n3A_519 = arith.select %gt3A_514, %broadcast_in_dim3A_516, %select_n3A_500 : vector<16xi1>, vector<16xi32>
      %select_n3A_520 = arith.select %gt3A_513, %select_n3A_504, %select_n3A_519 : vector<16xi1>, vector<16xi32>
      %select_n3A_521 = arith.select %gt3A_513, %get3A_511, %select_n3A_502 : vector<16xi1>, vector<16xf32>
      %select_n3A_522 = arith.select %gt3A_512, %select_n3A_505, %select_n3A_521 : vector<16xi1>, vector<16xf32>
      %select_n3A_523 = arith.select %gt3A_513, %broadcast_in_dim3A_516, %select_n3A_504 : vector<16xi1>, vector<16xi32>
      %select_n3A_524 = arith.select %gt3A_512, %select_n3A_506, %select_n3A_523 : vector<16xi1>, vector<16xi32>
      %select_n3A_525 = arith.select %gt3A_512, %get3A_511, %select_n3A_505 : vector<16xi1>, vector<16xf32>
      %select_n3A_526 = arith.select %gt3A_512, %broadcast_in_dim3A_516, %select_n3A_506 : vector<16xi1>, vector<16xi32>
      %get3A_527 = arith.constant 26 : i32
      %get3A_528 = arith.index_cast %get3A_527 : i32 to index
      %get3A_529 = arith.constant 0 : index
      %get3A_530 = tpu.vector_load %arg4[%get3A_528, %get3A_529] {strides = array<i32>} : memref<64x16xf32, #tpu.memory_space<vmem>>, vector<1x16xf32>,
      %get3A_531 = vector.shape_cast %get3A_530 : vector<1x16xf32> to vector<16xf32>
      %gt3A_532 = arith.cmpf ogt, %get3A_531, %select_n3A_525 : vector<16xf32>
      %gt3A_533 = arith.cmpf ogt, %get3A_531, %select_n3A_522 : vector<16xf32>
      %gt3A_534 = arith.cmpf ogt, %get3A_531, %select_n3A_518 : vector<16xf32>
      %broadcast_in_dim3A_535 = arith.constant 26 : i32
      %broadcast_in_dim3A_536 = vector.broadcast %broadcast_in_dim3A_535 : i32 to vector<16xi32>
      %select_n3A_537 = arith.select %gt3A_534, %get3A_531, %select_n3A_518 : vector<16xi1>, vector<16xf32>
      %select_n3A_538 = arith.select %gt3A_533, %select_n3A_522, %select_n3A_537 : vector<16xi1>, vector<16xf32>
      %select_n3A_539 = arith.select %gt3A_534, %broadcast_in_dim3A_536, %select_n3A_520 : vector<16xi1>, vector<16xi32>
      %select_n3A_540 = arith.select %gt3A_533, %select_n3A_524, %select_n3A_539 : vector<16xi1>, vector<16xi32>
      %select_n3A_541 = arith.select %gt3A_533, %get3A_531, %select_n3A_522 : vector<16xi1>, vector<16xf32>
      %select_n3A_542 = arith.select %gt3A_532, %select_n3A_525, %select_n3A_541 : vector<16xi1>, vector<16xf32>
      %select_n3A_543 = arith.select %gt3A_533, %broadcast_in_dim3A_536, %select_n3A_524 : vector<16xi1>, vector<16xi32>
      %select_n3A_544 = arith.select %gt3A_532, %select_n3A_526, %select_n3A_543 : vector<16xi1>, vector<16xi32>
      %select_n3A_545 = arith.select %gt3A_532, %get3A_531, %select_n3A_525 : vector<16xi1>, vector<16xf32>
      %select_n3A_546 = arith.select %gt3A_532, %broadcast_in_dim3A_536, %select_n3A_526 : vector<16xi1>, vector<16xi32>
      %get3A_547 = arith.constant 27 : i32
      %get3A_548 = arith.index_cast %get3A_547 : i32 to index
      %get3A_549 = arith.constant 0 : index
      %get3A_550 = tpu.vector_load %arg4[%get3A_548, %get3A_549] {strides = array<i32>} : memref<64x16xf32, #tpu.memory_space<vmem>>, vector<1x16xf32>,
      %get3A_551 = vector.shape_cast %get3A_550 : vector<1x16xf32> to vector<16xf32>
      %gt3A_552 = arith.cmpf ogt, %get3A_551, %select_n3A_545 : vector<16xf32>
      %gt3A_553 = arith.cmpf ogt, %get3A_551, %select_n3A_542 : vector<16xf32>
      %gt3A_554 = arith.cmpf ogt, %get3A_551, %select_n3A_538 : vector<16xf32>
      %broadcast_in_dim3A_555 = arith.constant 27 : i32
      %broadcast_in_dim3A_556 = vector.broadcast %broadcast_in_dim3A_555 : i32 to vector<16xi32>
      %select_n3A_557 = arith.select %gt3A_554, %get3A_551, %select_n3A_538 : vector<16xi1>, vector<16xf32>
      %select_n3A_558 = arith.select %gt3A_553, %select_n3A_542, %select_n3A_557 : vector<16xi1>, vector<16xf32>
      %select_n3A_559 = arith.select %gt3A_554, %broadcast_in_dim3A_556, %select_n3A_540 : vector<16xi1>, vector<16xi32>
      %select_n3A_560 = arith.select %gt3A_553, %select_n3A_544, %select_n3A_559 : vector<16xi1>, vector<16xi32>
      %select_n3A_561 = arith.select %gt3A_553, %get3A_551, %select_n3A_542 : vector<16xi1>, vector<16xf32>
      %select_n3A_562 = arith.select %gt3A_552, %select_n3A_545, %select_n3A_561 : vector<16xi1>, vector<16xf32>
      %select_n3A_563 = arith.select %gt3A_553, %broadcast_in_dim3A_556, %select_n3A_544 : vector<16xi1>, vector<16xi32>
      %select_n3A_564 = arith.select %gt3A_552, %select_n3A_546, %select_n3A_563 : vector<16xi1>, vector<16xi32>
      %select_n3A_565 = arith.select %gt3A_552, %get3A_551, %select_n3A_545 : vector<16xi1>, vector<16xf32>
      %select_n3A_566 = arith.select %gt3A_552, %broadcast_in_dim3A_556, %select_n3A_546 : vector<16xi1>, vector<16xi32>
      %get3A_567 = arith.constant 28 : i32
      %get3A_568 = arith.index_cast %get3A_567 : i32 to index
      %get3A_569 = arith.constant 0 : index
      %get3A_570 = tpu.vector_load %arg4[%get3A_568, %get3A_569] {strides = array<i32>} : memref<64x16xf32, #tpu.memory_space<vmem>>, vector<1x16xf32>,
      %get3A_571 = vector.shape_cast %get3A_570 : vector<1x16xf32> to vector<16xf32>
      %gt3A_572 = arith.cmpf ogt, %get3A_571, %select_n3A_565 : vector<16xf32>
      %gt3A_573 = arith.cmpf ogt, %get3A_571, %select_n3A_562 : vector<16xf32>
      %gt3A_574 = arith.cmpf ogt, %get3A_571, %select_n3A_558 : vector<16xf32>
      %broadcast_in_dim3A_575 = arith.constant 28 : i32
      %broadcast_in_dim3A_576 = vector.broadcast %broadcast_in_dim3A_575 : i32 to vector<16xi32>
      %select_n3A_577 = arith.select %gt3A_574, %get3A_571, %select_n3A_558 : vector<16xi1>, vector<16xf32>
      %select_n3A_578 = arith.select %gt3A_573, %select_n3A_562, %select_n3A_577 : vector<16xi1>, vector<16xf32>
      %select_n3A_579 = arith.select %gt3A_574, %broadcast_in_dim3A_576, %select_n3A_560 : vector<16xi1>, vector<16xi32>
      %select_n3A_580 = arith.select %gt3A_573, %select_n3A_564, %select_n3A_579 : vector<16xi1>, vector<16xi32>
      %select_n3A_581 = arith.select %gt3A_573, %get3A_571, %select_n3A_562 : vector<16xi1>, vector<16xf32>
      %select_n3A_582 = arith.select %gt3A_572, %select_n3A_565, %select_n3A_581 : vector<16xi1>, vector<16xf32>
      %select_n3A_583 = arith.select %gt3A_573, %broadcast_in_dim3A_576, %select_n3A_564 : vector<16xi1>, vector<16xi32>
      %select_n3A_584 = arith.select %gt3A_572, %select_n3A_566, %select_n3A_583 : vector<16xi1>, vector<16xi32>
      %select_n3A_585 = arith.select %gt3A_572, %get3A_571, %select_n3A_565 : vector<16xi1>, vector<16xf32>
      %select_n3A_586 = arith.select %gt3A_572, %broadcast_in_dim3A_576, %select_n3A_566 : vector<16xi1>, vector<16xi32>
      %get3A_587 = arith.constant 29 : i32
      %get3A_588 = arith.index_cast %get3A_587 : i32 to index
      %get3A_589 = arith.constant 0 : index
      %get3A_590 = tpu.vector_load %arg4[%get3A_588, %get3A_589] {strides = array<i32>} : memref<64x16xf32, #tpu.memory_space<vmem>>, vector<1x16xf32>,
      %get3A_591 = vector.shape_cast %get3A_590 : vector<1x16xf32> to vector<16xf32>
      %gt3A_592 = arith.cmpf ogt, %get3A_591, %select_n3A_585 : vector<16xf32>
      %gt3A_593 = arith.cmpf ogt, %get3A_591, %select_n3A_582 : vector<16xf32>
      %gt3A_594 = arith.cmpf ogt, %get3A_591, %select_n3A_578 : vector<16xf32>
      %broadcast_in_dim3A_595 = arith.constant 29 : i32
      %broadcast_in_dim3A_596 = vector.broadcast %broadcast_in_dim3A_595 : i32 to vector<16xi32>
      %select_n3A_597 = arith.select %gt3A_594, %get3A_591, %select_n3A_578 : vector<16xi1>, vector<16xf32>
      %select_n3A_598 = arith.select %gt3A_593, %select_n3A_582, %select_n3A_597 : vector<16xi1>, vector<16xf32>
      %select_n3A_599 = arith.select %gt3A_594, %broadcast_in_dim3A_596, %select_n3A_580 : vector<16xi1>, vector<16xi32>
      %select_n3A_600 = arith.select %gt3A_593, %select_n3A_584, %select_n3A_599 : vector<16xi1>, vector<16xi32>
      %select_n3A_601 = arith.select %gt3A_593, %get3A_591, %select_n3A_582 : vector<16xi1>, vector<16xf32>
      %select_n3A_602 = arith.select %gt3A_592, %select_n3A_585, %select_n3A_601 : vector<16xi1>, vector<16xf32>
      %select_n3A_603 = arith.select %gt3A_593, %broadcast_in_dim3A_596, %select_n3A_584 : vector<16xi1>, vector<16xi32>
      %select_n3A_604 = arith.select %gt3A_592, %select_n3A_586, %select_n3A_603 : vector<16xi1>, vector<16xi32>
      %select_n3A_605 = arith.select %gt3A_592, %get3A_591, %select_n3A_585 : vector<16xi1>, vector<16xf32>
      %select_n3A_606 = arith.select %gt3A_592, %broadcast_in_dim3A_596, %select_n3A_586 : vector<16xi1>, vector<16xi32>
      %get3A_607 = arith.constant 30 : i32
      %get3A_608 = arith.index_cast %get3A_607 : i32 to index
      %get3A_609 = arith.constant 0 : index
      %get3A_610 = tpu.vector_load %arg4[%get3A_608, %get3A_609] {strides = array<i32>} : memref<64x16xf32, #tpu.memory_space<vmem>>, vector<1x16xf32>,
      %get3A_611 = vector.shape_cast %get3A_610 : vector<1x16xf32> to vector<16xf32>
      %gt3A_612 = arith.cmpf ogt, %get3A_611, %select_n3A_605 : vector<16xf32>
      %gt3A_613 = arith.cmpf ogt, %get3A_611, %select_n3A_602 : vector<16xf32>
      %gt3A_614 = arith.cmpf ogt, %get3A_611, %select_n3A_598 : vector<16xf32>
      %broadcast_in_dim3A_615 = arith.constant 30 : i32
      %broadcast_in_dim3A_616 = vector.broadcast %broadcast_in_dim3A_615 : i32 to vector<16xi32>
      %select_n3A_617 = arith.select %gt3A_614, %get3A_611, %select_n3A_598 : vector<16xi1>, vector<16xf32>
      %select_n3A_618 = arith.select %gt3A_613, %select_n3A_602, %select_n3A_617 : vector<16xi1>, vector<16xf32>
      %select_n3A_619 = arith.select %gt3A_614, %broadcast_in_dim3A_616, %select_n3A_600 : vector<16xi1>, vector<16xi32>
      %select_n3A_620 = arith.select %gt3A_613, %select_n3A_604, %select_n3A_619 : vector<16xi1>, vector<16xi32>
      %select_n3A_621 = arith.select %gt3A_613, %get3A_611, %select_n3A_602 : vector<16xi1>, vector<16xf32>
      %select_n3A_622 = arith.select %gt3A_612, %select_n3A_605, %select_n3A_621 : vector<16xi1>, vector<16xf32>
      %select_n3A_623 = arith.select %gt3A_613, %broadcast_in_dim3A_616, %select_n3A_604 : vector<16xi1>, vector<16xi32>
      %select_n3A_624 = arith.select %gt3A_612, %select_n3A_606, %select_n3A_623 : vector<16xi1>, vector<16xi32>
      %select_n3A_625 = arith.select %gt3A_612, %get3A_611, %select_n3A_605 : vector<16xi1>, vector<16xf32>
      %select_n3A_626 = arith.select %gt3A_612, %broadcast_in_dim3A_616, %select_n3A_606 : vector<16xi1>, vector<16xi32>
      %get3A_627 = arith.constant 31 : i32
      %get3A_628 = arith.index_cast %get3A_627 : i32 to index
      %get3A_629 = arith.constant 0 : index
      %get3A_630 = tpu.vector_load %arg4[%get3A_628, %get3A_629] {strides = array<i32>} : memref<64x16xf32, #tpu.memory_space<vmem>>, vector<1x16xf32>,
      %get3A_631 = vector.shape_cast %get3A_630 : vector<1x16xf32> to vector<16xf32>
      %gt3A_632 = arith.cmpf ogt, %get3A_631, %select_n3A_625 : vector<16xf32>
      %gt3A_633 = arith.cmpf ogt, %get3A_631, %select_n3A_622 : vector<16xf32>
      %gt3A_634 = arith.cmpf ogt, %get3A_631, %select_n3A_618 : vector<16xf32>
      %broadcast_in_dim3A_635 = arith.constant 31 : i32
      %broadcast_in_dim3A_636 = vector.broadcast %broadcast_in_dim3A_635 : i32 to vector<16xi32>
      %select_n3A_637 = arith.select %gt3A_634, %get3A_631, %select_n3A_618 : vector<16xi1>, vector<16xf32>
      %select_n3A_638 = arith.select %gt3A_633, %select_n3A_622, %select_n3A_637 : vector<16xi1>, vector<16xf32>
      %select_n3A_639 = arith.select %gt3A_634, %broadcast_in_dim3A_636, %select_n3A_620 : vector<16xi1>, vector<16xi32>
      %select_n3A_640 = arith.select %gt3A_633, %select_n3A_624, %select_n3A_639 : vector<16xi1>, vector<16xi32>
      %select_n3A_641 = arith.select %gt3A_633, %get3A_631, %select_n3A_622 : vector<16xi1>, vector<16xf32>
      %select_n3A_642 = arith.select %gt3A_632, %select_n3A_625, %select_n3A_641 : vector<16xi1>, vector<16xf32>
      %select_n3A_643 = arith.select %gt3A_633, %broadcast_in_dim3A_636, %select_n3A_624 : vector<16xi1>, vector<16xi32>
      %select_n3A_644 = arith.select %gt3A_632, %select_n3A_626, %select_n3A_643 : vector<16xi1>, vector<16xi32>
      %select_n3A_645 = arith.select %gt3A_632, %get3A_631, %select_n3A_625 : vector<16xi1>, vector<16xf32>
      %select_n3A_646 = arith.select %gt3A_632, %broadcast_in_dim3A_636, %select_n3A_626 : vector<16xi1>, vector<16xi32>
      %get3A_647 = arith.constant 32 : i32
      %get3A_648 = arith.index_cast %get3A_647 : i32 to index
      %get3A_649 = arith.constant 0 : index
      %get3A_650 = tpu.vector_load %arg4[%get3A_648, %get3A_649] {strides = array<i32>} : memref<64x16xf32, #tpu.memory_space<vmem>>, vector<1x16xf32>,
      %get3A_651 = vector.shape_cast %get3A_650 : vector<1x16xf32> to vector<16xf32>
      %gt3A_652 = arith.cmpf ogt, %get3A_651, %select_n3A_645 : vector<16xf32>
      %gt3A_653 = arith.cmpf ogt, %get3A_651, %select_n3A_642 : vector<16xf32>
      %gt3A_654 = arith.cmpf ogt, %get3A_651, %select_n3A_638 : vector<16xf32>
      %broadcast_in_dim3A_655 = arith.constant 32 : i32
      %broadcast_in_dim3A_656 = vector.broadcast %broadcast_in_dim3A_655 : i32 to vector<16xi32>
      %select_n3A_657 = arith.select %gt3A_654, %get3A_651, %select_n3A_638 : vector<16xi1>, vector<16xf32>
      %select_n3A_658 = arith.select %gt3A_653, %select_n3A_642, %select_n3A_657 : vector<16xi1>, vector<16xf32>
      %select_n3A_659 = arith.select %gt3A_654, %broadcast_in_dim3A_656, %select_n3A_640 : vector<16xi1>, vector<16xi32>
      %select_n3A_660 = arith.select %gt3A_653, %select_n3A_644, %select_n3A_659 : vector<16xi1>, vector<16xi32>
      %select_n3A_661 = arith.select %gt3A_653, %get3A_651, %select_n3A_642 : vector<16xi1>, vector<16xf32>
      %select_n3A_662 = arith.select %gt3A_652, %select_n3A_645, %select_n3A_661 : vector<16xi1>, vector<16xf32>
      %select_n3A_663 = arith.select %gt3A_653, %broadcast_in_dim3A_656, %select_n3A_644 : vector<16xi1>, vector<16xi32>
      %select_n3A_664 = arith.select %gt3A_652, %select_n3A_646, %select_n3A_663 : vector<16xi1>, vector<16xi32>
      %select_n3A_665 = arith.select %gt3A_652, %get3A_651, %select_n3A_645 : vector<16xi1>, vector<16xf32>
      %select_n3A_666 = arith.select %gt3A_652, %broadcast_in_dim3A_656, %select_n3A_646 : vector<16xi1>, vector<16xi32>
      %get3A_667 = arith.constant 33 : i32
      %get3A_668 = arith.index_cast %get3A_667 : i32 to index
      %get3A_669 = arith.constant 0 : index
      %get3A_670 = tpu.vector_load %arg4[%get3A_668, %get3A_669] {strides = array<i32>} : memref<64x16xf32, #tpu.memory_space<vmem>>, vector<1x16xf32>,
      %get3A_671 = vector.shape_cast %get3A_670 : vector<1x16xf32> to vector<16xf32>
      %gt3A_672 = arith.cmpf ogt, %get3A_671, %select_n3A_665 : vector<16xf32>
      %gt3A_673 = arith.cmpf ogt, %get3A_671, %select_n3A_662 : vector<16xf32>
      %gt3A_674 = arith.cmpf ogt, %get3A_671, %select_n3A_658 : vector<16xf32>
      %broadcast_in_dim3A_675 = arith.constant 33 : i32
      %broadcast_in_dim3A_676 = vector.broadcast %broadcast_in_dim3A_675 : i32 to vector<16xi32>
      %select_n3A_677 = arith.select %gt3A_674, %get3A_671, %select_n3A_658 : vector<16xi1>, vector<16xf32>
      %select_n3A_678 = arith.select %gt3A_673, %select_n3A_662, %select_n3A_677 : vector<16xi1>, vector<16xf32>
      %select_n3A_679 = arith.select %gt3A_674, %broadcast_in_dim3A_676, %select_n3A_660 : vector<16xi1>, vector<16xi32>
      %select_n3A_680 = arith.select %gt3A_673, %select_n3A_664, %select_n3A_679 : vector<16xi1>, vector<16xi32>
      %select_n3A_681 = arith.select %gt3A_673, %get3A_671, %select_n3A_662 : vector<16xi1>, vector<16xf32>
      %select_n3A_682 = arith.select %gt3A_672, %select_n3A_665, %select_n3A_681 : vector<16xi1>, vector<16xf32>
      %select_n3A_683 = arith.select %gt3A_673, %broadcast_in_dim3A_676, %select_n3A_664 : vector<16xi1>, vector<16xi32>
      %select_n3A_684 = arith.select %gt3A_672, %select_n3A_666, %select_n3A_683 : vector<16xi1>, vector<16xi32>
      %select_n3A_685 = arith.select %gt3A_672, %get3A_671, %select_n3A_665 : vector<16xi1>, vector<16xf32>
      %select_n3A_686 = arith.select %gt3A_672, %broadcast_in_dim3A_676, %select_n3A_666 : vector<16xi1>, vector<16xi32>
      %get3A_687 = arith.constant 34 : i32
      %get3A_688 = arith.index_cast %get3A_687 : i32 to index
      %get3A_689 = arith.constant 0 : index
      %get3A_690 = tpu.vector_load %arg4[%get3A_688, %get3A_689] {strides = array<i32>} : memref<64x16xf32, #tpu.memory_space<vmem>>, vector<1x16xf32>,
      %get3A_691 = vector.shape_cast %get3A_690 : vector<1x16xf32> to vector<16xf32>
      %gt3A_692 = arith.cmpf ogt, %get3A_691, %select_n3A_685 : vector<16xf32>
      %gt3A_693 = arith.cmpf ogt, %get3A_691, %select_n3A_682 : vector<16xf32>
      %gt3A_694 = arith.cmpf ogt, %get3A_691, %select_n3A_678 : vector<16xf32>
      %broadcast_in_dim3A_695 = arith.constant 34 : i32
      %broadcast_in_dim3A_696 = vector.broadcast %broadcast_in_dim3A_695 : i32 to vector<16xi32>
      %select_n3A_697 = arith.select %gt3A_694, %get3A_691, %select_n3A_678 : vector<16xi1>, vector<16xf32>
      %select_n3A_698 = arith.select %gt3A_693, %select_n3A_682, %select_n3A_697 : vector<16xi1>, vector<16xf32>
      %select_n3A_699 = arith.select %gt3A_694, %broadcast_in_dim3A_696, %select_n3A_680 : vector<16xi1>, vector<16xi32>
      %select_n3A_700 = arith.select %gt3A_693, %select_n3A_684, %select_n3A_699 : vector<16xi1>, vector<16xi32>
      %select_n3A_701 = arith.select %gt3A_693, %get3A_691, %select_n3A_682 : vector<16xi1>, vector<16xf32>
      %select_n3A_702 = arith.select %gt3A_692, %select_n3A_685, %select_n3A_701 : vector<16xi1>, vector<16xf32>
      %select_n3A_703 = arith.select %gt3A_693, %broadcast_in_dim3A_696, %select_n3A_684 : vector<16xi1>, vector<16xi32>
      %select_n3A_704 = arith.select %gt3A_692, %select_n3A_686, %select_n3A_703 : vector<16xi1>, vector<16xi32>
      %select_n3A_705 = arith.select %gt3A_692, %get3A_691, %select_n3A_685 : vector<16xi1>, vector<16xf32>
      %select_n3A_706 = arith.select %gt3A_692, %broadcast_in_dim3A_696, %select_n3A_686 : vector<16xi1>, vector<16xi32>
      %get3A_707 = arith.constant 35 : i32
      %get3A_708 = arith.index_cast %get3A_707 : i32 to index
      %get3A_709 = arith.constant 0 : index
      %get3A_710 = tpu.vector_load %arg4[%get3A_708, %get3A_709] {strides = array<i32>} : memref<64x16xf32, #tpu.memory_space<vmem>>, vector<1x16xf32>,
      %get3A_711 = vector.shape_cast %get3A_710 : vector<1x16xf32> to vector<16xf32>
      %gt3A_712 = arith.cmpf ogt, %get3A_711, %select_n3A_705 : vector<16xf32>
      %gt3A_713 = arith.cmpf ogt, %get3A_711, %select_n3A_702 : vector<16xf32>
      %gt3A_714 = arith.cmpf ogt, %get3A_711, %select_n3A_698 : vector<16xf32>
      %broadcast_in_dim3A_715 = arith.constant 35 : i32
      %broadcast_in_dim3A_716 = vector.broadcast %broadcast_in_dim3A_715 : i32 to vector<16xi32>
      %select_n3A_717 = arith.select %gt3A_714, %get3A_711, %select_n3A_698 : vector<16xi1>, vector<16xf32>
      %select_n3A_718 = arith.select %gt3A_713, %select_n3A_702, %select_n3A_717 : vector<16xi1>, vector<16xf32>
      %select_n3A_719 = arith.select %gt3A_714, %broadcast_in_dim3A_716, %select_n3A_700 : vector<16xi1>, vector<16xi32>
      %select_n3A_720 = arith.select %gt3A_713, %select_n3A_704, %select_n3A_719 : vector<16xi1>, vector<16xi32>
      %select_n3A_721 = arith.select %gt3A_713, %get3A_711, %select_n3A_702 : vector<16xi1>, vector<16xf32>
      %select_n3A_722 = arith.select %gt3A_712, %select_n3A_705, %select_n3A_721 : vector<16xi1>, vector<16xf32>
      %select_n3A_723 = arith.select %gt3A_713, %broadcast_in_dim3A_716, %select_n3A_704 : vector<16xi1>, vector<16xi32>
      %select_n3A_724 = arith.select %gt3A_712, %select_n3A_706, %select_n3A_723 : vector<16xi1>, vector<16xi32>
      %select_n3A_725 = arith.select %gt3A_712, %get3A_711, %select_n3A_705 : vector<16xi1>, vector<16xf32>
      %select_n3A_726 = arith.select %gt3A_712, %broadcast_in_dim3A_716, %select_n3A_706 : vector<16xi1>, vector<16xi32>
      %get3A_727 = arith.constant 36 : i32
      %get3A_728 = arith.index_cast %get3A_727 : i32 to index
      %get3A_729 = arith.constant 0 : index
      %get3A_730 = tpu.vector_load %arg4[%get3A_728, %get3A_729] {strides = array<i32>} : memref<64x16xf32, #tpu.memory_space<vmem>>, vector<1x16xf32>,
      %get3A_731 = vector.shape_cast %get3A_730 : vector<1x16xf32> to vector<16xf32>
      %gt3A_732 = arith.cmpf ogt, %get3A_731, %select_n3A_725 : vector<16xf32>
      %gt3A_733 = arith.cmpf ogt, %get3A_731, %select_n3A_722 : vector<16xf32>
      %gt3A_734 = arith.cmpf ogt, %get3A_731, %select_n3A_718 : vector<16xf32>
      %broadcast_in_dim3A_735 = arith.constant 36 : i32
      %broadcast_in_dim3A_736 = vector.broadcast %broadcast_in_dim3A_735 : i32 to vector<16xi32>
      %select_n3A_737 = arith.select %gt3A_734, %get3A_731, %select_n3A_718 : vector<16xi1>, vector<16xf32>
      %select_n3A_738 = arith.select %gt3A_733, %select_n3A_722, %select_n3A_737 : vector<16xi1>, vector<16xf32>
      %select_n3A_739 = arith.select %gt3A_734, %broadcast_in_dim3A_736, %select_n3A_720 : vector<16xi1>, vector<16xi32>
      %select_n3A_740 = arith.select %gt3A_733, %select_n3A_724, %select_n3A_739 : vector<16xi1>, vector<16xi32>
      %select_n3A_741 = arith.select %gt3A_733, %get3A_731, %select_n3A_722 : vector<16xi1>, vector<16xf32>
      %select_n3A_742 = arith.select %gt3A_732, %select_n3A_725, %select_n3A_741 : vector<16xi1>, vector<16xf32>
      %select_n3A_743 = arith.select %gt3A_733, %broadcast_in_dim3A_736, %select_n3A_724 : vector<16xi1>, vector<16xi32>
      %select_n3A_744 = arith.select %gt3A_732, %select_n3A_726, %select_n3A_743 : vector<16xi1>, vector<16xi32>
      %select_n3A_745 = arith.select %gt3A_732, %get3A_731, %select_n3A_725 : vector<16xi1>, vector<16xf32>
      %select_n3A_746 = arith.select %gt3A_732, %broadcast_in_dim3A_736, %select_n3A_726 : vector<16xi1>, vector<16xi32>
      %get3A_747 = arith.constant 37 : i32
      %get3A_748 = arith.index_cast %get3A_747 : i32 to index
      %get3A_749 = arith.constant 0 : index
      %get3A_750 = tpu.vector_load %arg4[%get3A_748, %get3A_749] {strides = array<i32>} : memref<64x16xf32, #tpu.memory_space<vmem>>, vector<1x16xf32>,
      %get3A_751 = vector.shape_cast %get3A_750 : vector<1x16xf32> to vector<16xf32>
      %gt3A_752 = arith.cmpf ogt, %get3A_751, %select_n3A_745 : vector<16xf32>
      %gt3A_753 = arith.cmpf ogt, %get3A_751, %select_n3A_742 : vector<16xf32>
      %gt3A_754 = arith.cmpf ogt, %get3A_751, %select_n3A_738 : vector<16xf32>
      %broadcast_in_dim3A_755 = arith.constant 37 : i32
      %broadcast_in_dim3A_756 = vector.broadcast %broadcast_in_dim3A_755 : i32 to vector<16xi32>
      %select_n3A_757 = arith.select %gt3A_754, %get3A_751, %select_n3A_738 : vector<16xi1>, vector<16xf32>
      %select_n3A_758 = arith.select %gt3A_753, %select_n3A_742, %select_n3A_757 : vector<16xi1>, vector<16xf32>
      %select_n3A_759 = arith.select %gt3A_754, %broadcast_in_dim3A_756, %select_n3A_740 : vector<16xi1>, vector<16xi32>
      %select_n3A_760 = arith.select %gt3A_753, %select_n3A_744, %select_n3A_759 : vector<16xi1>, vector<16xi32>
      %select_n3A_761 = arith.select %gt3A_753, %get3A_751, %select_n3A_742 : vector<16xi1>, vector<16xf32>
      %select_n3A_762 = arith.select %gt3A_752, %select_n3A_745, %select_n3A_761 : vector<16xi1>, vector<16xf32>
      %select_n3A_763 = arith.select %gt3A_753, %broadcast_in_dim3A_756, %select_n3A_744 : vector<16xi1>, vector<16xi32>
      %select_n3A_764 = arith.select %gt3A_752, %select_n3A_746, %select_n3A_763 : vector<16xi1>, vector<16xi32>
      %select_n3A_765 = arith.select %gt3A_752, %get3A_751, %select_n3A_745 : vector<16xi1>, vector<16xf32>
      %select_n3A_766 = arith.select %gt3A_752, %broadcast_in_dim3A_756, %select_n3A_746 : vector<16xi1>, vector<16xi32>
      %get3A_767 = arith.constant 38 : i32
      %get3A_768 = arith.index_cast %get3A_767 : i32 to index
      %get3A_769 = arith.constant 0 : index
      %get3A_770 = tpu.vector_load %arg4[%get3A_768, %get3A_769] {strides = array<i32>} : memref<64x16xf32, #tpu.memory_space<vmem>>, vector<1x16xf32>,
      %get3A_771 = vector.shape_cast %get3A_770 : vector<1x16xf32> to vector<16xf32>
      %gt3A_772 = arith.cmpf ogt, %get3A_771, %select_n3A_765 : vector<16xf32>
      %gt3A_773 = arith.cmpf ogt, %get3A_771, %select_n3A_762 : vector<16xf32>
      %gt3A_774 = arith.cmpf ogt, %get3A_771, %select_n3A_758 : vector<16xf32>
      %broadcast_in_dim3A_775 = arith.constant 38 : i32
      %broadcast_in_dim3A_776 = vector.broadcast %broadcast_in_dim3A_775 : i32 to vector<16xi32>
      %select_n3A_777 = arith.select %gt3A_774, %get3A_771, %select_n3A_758 : vector<16xi1>, vector<16xf32>
      %select_n3A_778 = arith.select %gt3A_773, %select_n3A_762, %select_n3A_777 : vector<16xi1>, vector<16xf32>
      %select_n3A_779 = arith.select %gt3A_774, %broadcast_in_dim3A_776, %select_n3A_760 : vector<16xi1>, vector<16xi32>
      %select_n3A_780 = arith.select %gt3A_773, %select_n3A_764, %select_n3A_779 : vector<16xi1>, vector<16xi32>
      %select_n3A_781 = arith.select %gt3A_773, %get3A_771, %select_n3A_762 : vector<16xi1>, vector<16xf32>
      %select_n3A_782 = arith.select %gt3A_772, %select_n3A_765, %select_n3A_781 : vector<16xi1>, vector<16xf32>
      %select_n3A_783 = arith.select %gt3A_773, %broadcast_in_dim3A_776, %select_n3A_764 : vector<16xi1>, vector<16xi32>
      %select_n3A_784 = arith.select %gt3A_772, %select_n3A_766, %select_n3A_783 : vector<16xi1>, vector<16xi32>
      %select_n3A_785 = arith.select %gt3A_772, %get3A_771, %select_n3A_765 : vector<16xi1>, vector<16xf32>
      %select_n3A_786 = arith.select %gt3A_772, %broadcast_in_dim3A_776, %select_n3A_766 : vector<16xi1>, vector<16xi32>
      %get3A_787 = arith.constant 39 : i32
      %get3A_788 = arith.index_cast %get3A_787 : i32 to index
      %get3A_789 = arith.constant 0 : index
      %get3A_790 = tpu.vector_load %arg4[%get3A_788, %get3A_789] {strides = array<i32>} : memref<64x16xf32, #tpu.memory_space<vmem>>, vector<1x16xf32>,
      %get3A_791 = vector.shape_cast %get3A_790 : vector<1x16xf32> to vector<16xf32>
      %gt3A_792 = arith.cmpf ogt, %get3A_791, %select_n3A_785 : vector<16xf32>
      %gt3A_793 = arith.cmpf ogt, %get3A_791, %select_n3A_782 : vector<16xf32>
      %gt3A_794 = arith.cmpf ogt, %get3A_791, %select_n3A_778 : vector<16xf32>
      %broadcast_in_dim3A_795 = arith.constant 39 : i32
      %broadcast_in_dim3A_796 = vector.broadcast %broadcast_in_dim3A_795 : i32 to vector<16xi32>
      %select_n3A_797 = arith.select %gt3A_794, %get3A_791, %select_n3A_778 : vector<16xi1>, vector<16xf32>
      %select_n3A_798 = arith.select %gt3A_793, %select_n3A_782, %select_n3A_797 : vector<16xi1>, vector<16xf32>
      %select_n3A_799 = arith.select %gt3A_794, %broadcast_in_dim3A_796, %select_n3A_780 : vector<16xi1>, vector<16xi32>
      %select_n3A_800 = arith.select %gt3A_793, %select_n3A_784, %select_n3A_799 : vector<16xi1>, vector<16xi32>
      %select_n3A_801 = arith.select %gt3A_793, %get3A_791, %select_n3A_782 : vector<16xi1>, vector<16xf32>
      %select_n3A_802 = arith.select %gt3A_792, %select_n3A_785, %select_n3A_801 : vector<16xi1>, vector<16xf32>
      %select_n3A_803 = arith.select %gt3A_793, %broadcast_in_dim3A_796, %select_n3A_784 : vector<16xi1>, vector<16xi32>
      %select_n3A_804 = arith.select %gt3A_792, %select_n3A_786, %select_n3A_803 : vector<16xi1>, vector<16xi32>
      %select_n3A_805 = arith.select %gt3A_792, %get3A_791, %select_n3A_785 : vector<16xi1>, vector<16xf32>
      %select_n3A_806 = arith.select %gt3A_792, %broadcast_in_dim3A_796, %select_n3A_786 : vector<16xi1>, vector<16xi32>
      %get3A_807 = arith.constant 40 : i32
      %get3A_808 = arith.index_cast %get3A_807 : i32 to index
      %get3A_809 = arith.constant 0 : index
      %get3A_810 = tpu.vector_load %arg4[%get3A_808, %get3A_809] {strides = array<i32>} : memref<64x16xf32, #tpu.memory_space<vmem>>, vector<1x16xf32>,
      %get3A_811 = vector.shape_cast %get3A_810 : vector<1x16xf32> to vector<16xf32>
      %gt3A_812 = arith.cmpf ogt, %get3A_811, %select_n3A_805 : vector<16xf32>
      %gt3A_813 = arith.cmpf ogt, %get3A_811, %select_n3A_802 : vector<16xf32>
      %gt3A_814 = arith.cmpf ogt, %get3A_811, %select_n3A_798 : vector<16xf32>
      %broadcast_in_dim3A_815 = arith.constant 40 : i32
      %broadcast_in_dim3A_816 = vector.broadcast %broadcast_in_dim3A_815 : i32 to vector<16xi32>
      %select_n3A_817 = arith.select %gt3A_814, %get3A_811, %select_n3A_798 : vector<16xi1>, vector<16xf32>
      %select_n3A_818 = arith.select %gt3A_813, %select_n3A_802, %select_n3A_817 : vector<16xi1>, vector<16xf32>
      %select_n3A_819 = arith.select %gt3A_814, %broadcast_in_dim3A_816, %select_n3A_800 : vector<16xi1>, vector<16xi32>
      %select_n3A_820 = arith.select %gt3A_813, %select_n3A_804, %select_n3A_819 : vector<16xi1>, vector<16xi32>
      %select_n3A_821 = arith.select %gt3A_813, %get3A_811, %select_n3A_802 : vector<16xi1>, vector<16xf32>
      %select_n3A_822 = arith.select %gt3A_812, %select_n3A_805, %select_n3A_821 : vector<16xi1>, vector<16xf32>
      %select_n3A_823 = arith.select %gt3A_813, %broadcast_in_dim3A_816, %select_n3A_804 : vector<16xi1>, vector<16xi32>
      %select_n3A_824 = arith.select %gt3A_812, %select_n3A_806, %select_n3A_823 : vector<16xi1>, vector<16xi32>
      %select_n3A_825 = arith.select %gt3A_812, %get3A_811, %select_n3A_805 : vector<16xi1>, vector<16xf32>
      %select_n3A_826 = arith.select %gt3A_812, %broadcast_in_dim3A_816, %select_n3A_806 : vector<16xi1>, vector<16xi32>
      %get3A_827 = arith.constant 41 : i32
      %get3A_828 = arith.index_cast %get3A_827 : i32 to index
      %get3A_829 = arith.constant 0 : index
      %get3A_830 = tpu.vector_load %arg4[%get3A_828, %get3A_829] {strides = array<i32>} : memref<64x16xf32, #tpu.memory_space<vmem>>, vector<1x16xf32>,
      %get3A_831 = vector.shape_cast %get3A_830 : vector<1x16xf32> to vector<16xf32>
      %gt3A_832 = arith.cmpf ogt, %get3A_831, %select_n3A_825 : vector<16xf32>
      %gt3A_833 = arith.cmpf ogt, %get3A_831, %select_n3A_822 : vector<16xf32>
      %gt3A_834 = arith.cmpf ogt, %get3A_831, %select_n3A_818 : vector<16xf32>
      %broadcast_in_dim3A_835 = arith.constant 41 : i32
      %broadcast_in_dim3A_836 = vector.broadcast %broadcast_in_dim3A_835 : i32 to vector<16xi32>
      %select_n3A_837 = arith.select %gt3A_834, %get3A_831, %select_n3A_818 : vector<16xi1>, vector<16xf32>
      %select_n3A_838 = arith.select %gt3A_833, %select_n3A_822, %select_n3A_837 : vector<16xi1>, vector<16xf32>
      %select_n3A_839 = arith.select %gt3A_834, %broadcast_in_dim3A_836, %select_n3A_820 : vector<16xi1>, vector<16xi32>
      %select_n3A_840 = arith.select %gt3A_833, %select_n3A_824, %select_n3A_839 : vector<16xi1>, vector<16xi32>
      %select_n3A_841 = arith.select %gt3A_833, %get3A_831, %select_n3A_822 : vector<16xi1>, vector<16xf32>
      %select_n3A_842 = arith.select %gt3A_832, %select_n3A_825, %select_n3A_841 : vector<16xi1>, vector<16xf32>
      %select_n3A_843 = arith.select %gt3A_833, %broadcast_in_dim3A_836, %select_n3A_824 : vector<16xi1>, vector<16xi32>
      %select_n3A_844 = arith.select %gt3A_832, %select_n3A_826, %select_n3A_843 : vector<16xi1>, vector<16xi32>
      %select_n3A_845 = arith.select %gt3A_832, %get3A_831, %select_n3A_825 : vector<16xi1>, vector<16xf32>
      %select_n3A_846 = arith.select %gt3A_832, %broadcast_in_dim3A_836, %select_n3A_826 : vector<16xi1>, vector<16xi32>
      %get3A_847 = arith.constant 42 : i32
      %get3A_848 = arith.index_cast %get3A_847 : i32 to index
      %get3A_849 = arith.constant 0 : index
      %get3A_850 = tpu.vector_load %arg4[%get3A_848, %get3A_849] {strides = array<i32>} : memref<64x16xf32, #tpu.memory_space<vmem>>, vector<1x16xf32>,
      %get3A_851 = vector.shape_cast %get3A_850 : vector<1x16xf32> to vector<16xf32>
      %gt3A_852 = arith.cmpf ogt, %get3A_851, %select_n3A_845 : vector<16xf32>
      %gt3A_853 = arith.cmpf ogt, %get3A_851, %select_n3A_842 : vector<16xf32>
      %gt3A_854 = arith.cmpf ogt, %get3A_851, %select_n3A_838 : vector<16xf32>
      %broadcast_in_dim3A_855 = arith.constant 42 : i32
      %broadcast_in_dim3A_856 = vector.broadcast %broadcast_in_dim3A_855 : i32 to vector<16xi32>
      %select_n3A_857 = arith.select %gt3A_854, %get3A_851, %select_n3A_838 : vector<16xi1>, vector<16xf32>
      %select_n3A_858 = arith.select %gt3A_853, %select_n3A_842, %select_n3A_857 : vector<16xi1>, vector<16xf32>
      %select_n3A_859 = arith.select %gt3A_854, %broadcast_in_dim3A_856, %select_n3A_840 : vector<16xi1>, vector<16xi32>
      %select_n3A_860 = arith.select %gt3A_853, %select_n3A_844, %select_n3A_859 : vector<16xi1>, vector<16xi32>
      %select_n3A_861 = arith.select %gt3A_853, %get3A_851, %select_n3A_842 : vector<16xi1>, vector<16xf32>
      %select_n3A_862 = arith.select %gt3A_852, %select_n3A_845, %select_n3A_861 : vector<16xi1>, vector<16xf32>
      %select_n3A_863 = arith.select %gt3A_853, %broadcast_in_dim3A_856, %select_n3A_844 : vector<16xi1>, vector<16xi32>
      %select_n3A_864 = arith.select %gt3A_852, %select_n3A_846, %select_n3A_863 : vector<16xi1>, vector<16xi32>
      %select_n3A_865 = arith.select %gt3A_852, %get3A_851, %select_n3A_845 : vector<16xi1>, vector<16xf32>
      %select_n3A_866 = arith.select %gt3A_852, %broadcast_in_dim3A_856, %select_n3A_846 : vector<16xi1>, vector<16xi32>
      %get3A_867 = arith.constant 43 : i32
      %get3A_868 = arith.index_cast %get3A_867 : i32 to index
      %get3A_869 = arith.constant 0 : index
      %get3A_870 = tpu.vector_load %arg4[%get3A_868, %get3A_869] {strides = array<i32>} : memref<64x16xf32, #tpu.memory_space<vmem>>, vector<1x16xf32>,
      %get3A_871 = vector.shape_cast %get3A_870 : vector<1x16xf32> to vector<16xf32>
      %gt3A_872 = arith.cmpf ogt, %get3A_871, %select_n3A_865 : vector<16xf32>
      %gt3A_873 = arith.cmpf ogt, %get3A_871, %select_n3A_862 : vector<16xf32>
      %gt3A_874 = arith.cmpf ogt, %get3A_871, %select_n3A_858 : vector<16xf32>
      %broadcast_in_dim3A_875 = arith.constant 43 : i32
      %broadcast_in_dim3A_876 = vector.broadcast %broadcast_in_dim3A_875 : i32 to vector<16xi32>
      %select_n3A_877 = arith.select %gt3A_874, %get3A_871, %select_n3A_858 : vector<16xi1>, vector<16xf32>
      %select_n3A_878 = arith.select %gt3A_873, %select_n3A_862, %select_n3A_877 : vector<16xi1>, vector<16xf32>
      %select_n3A_879 = arith.select %gt3A_874, %broadcast_in_dim3A_876, %select_n3A_860 : vector<16xi1>, vector<16xi32>
      %select_n3A_880 = arith.select %gt3A_873, %select_n3A_864, %select_n3A_879 : vector<16xi1>, vector<16xi32>
      %select_n3A_881 = arith.select %gt3A_873, %get3A_871, %select_n3A_862 : vector<16xi1>, vector<16xf32>
      %select_n3A_882 = arith.select %gt3A_872, %select_n3A_865, %select_n3A_881 : vector<16xi1>, vector<16xf32>
      %select_n3A_883 = arith.select %gt3A_873, %broadcast_in_dim3A_876, %select_n3A_864 : vector<16xi1>, vector<16xi32>
      %select_n3A_884 = arith.select %gt3A_872, %select_n3A_866, %select_n3A_883 : vector<16xi1>, vector<16xi32>
      %select_n3A_885 = arith.select %gt3A_872, %get3A_871, %select_n3A_865 : vector<16xi1>, vector<16xf32>
      %select_n3A_886 = arith.select %gt3A_872, %broadcast_in_dim3A_876, %select_n3A_866 : vector<16xi1>, vector<16xi32>
      %get3A_887 = arith.constant 44 : i32
      %get3A_888 = arith.index_cast %get3A_887 : i32 to index
      %get3A_889 = arith.constant 0 : index
      %get3A_890 = tpu.vector_load %arg4[%get3A_888, %get3A_889] {strides = array<i32>} : memref<64x16xf32, #tpu.memory_space<vmem>>, vector<1x16xf32>,
      %get3A_891 = vector.shape_cast %get3A_890 : vector<1x16xf32> to vector<16xf32>
      %gt3A_892 = arith.cmpf ogt, %get3A_891, %select_n3A_885 : vector<16xf32>
      %gt3A_893 = arith.cmpf ogt, %get3A_891, %select_n3A_882 : vector<16xf32>
      %gt3A_894 = arith.cmpf ogt, %get3A_891, %select_n3A_878 : vector<16xf32>
      %broadcast_in_dim3A_895 = arith.constant 44 : i32
      %broadcast_in_dim3A_896 = vector.broadcast %broadcast_in_dim3A_895 : i32 to vector<16xi32>
      %select_n3A_897 = arith.select %gt3A_894, %get3A_891, %select_n3A_878 : vector<16xi1>, vector<16xf32>
      %select_n3A_898 = arith.select %gt3A_893, %select_n3A_882, %select_n3A_897 : vector<16xi1>, vector<16xf32>
      %select_n3A_899 = arith.select %gt3A_894, %broadcast_in_dim3A_896, %select_n3A_880 : vector<16xi1>, vector<16xi32>
      %select_n3A_900 = arith.select %gt3A_893, %select_n3A_884, %select_n3A_899 : vector<16xi1>, vector<16xi32>
      %select_n3A_901 = arith.select %gt3A_893, %get3A_891, %select_n3A_882 : vector<16xi1>, vector<16xf32>
      %select_n3A_902 = arith.select %gt3A_892, %select_n3A_885, %select_n3A_901 : vector<16xi1>, vector<16xf32>
      %select_n3A_903 = arith.select %gt3A_893, %broadcast_in_dim3A_896, %select_n3A_884 : vector<16xi1>, vector<16xi32>
      %select_n3A_904 = arith.select %gt3A_892, %select_n3A_886, %select_n3A_903 : vector<16xi1>, vector<16xi32>
      %select_n3A_905 = arith.select %gt3A_892, %get3A_891, %select_n3A_885 : vector<16xi1>, vector<16xf32>
      %select_n3A_906 = arith.select %gt3A_892, %broadcast_in_dim3A_896, %select_n3A_886 : vector<16xi1>, vector<16xi32>
      %get3A_907 = arith.constant 45 : i32
      %get3A_908 = arith.index_cast %get3A_907 : i32 to index
      %get3A_909 = arith.constant 0 : index
      %get3A_910 = tpu.vector_load %arg4[%get3A_908, %get3A_909] {strides = array<i32>} : memref<64x16xf32, #tpu.memory_space<vmem>>, vector<1x16xf32>,
      %get3A_911 = vector.shape_cast %get3A_910 : vector<1x16xf32> to vector<16xf32>
      %gt3A_912 = arith.cmpf ogt, %get3A_911, %select_n3A_905 : vector<16xf32>
      %gt3A_913 = arith.cmpf ogt, %get3A_911, %select_n3A_902 : vector<16xf32>
      %gt3A_914 = arith.cmpf ogt, %get3A_911, %select_n3A_898 : vector<16xf32>
      %broadcast_in_dim3A_915 = arith.constant 45 : i32
      %broadcast_in_dim3A_916 = vector.broadcast %broadcast_in_dim3A_915 : i32 to vector<16xi32>
      %select_n3A_917 = arith.select %gt3A_914, %get3A_911, %select_n3A_898 : vector<16xi1>, vector<16xf32>
      %select_n3A_918 = arith.select %gt3A_913, %select_n3A_902, %select_n3A_917 : vector<16xi1>, vector<16xf32>
      %select_n3A_919 = arith.select %gt3A_914, %broadcast_in_dim3A_916, %select_n3A_900 : vector<16xi1>, vector<16xi32>
      %select_n3A_920 = arith.select %gt3A_913, %select_n3A_904, %select_n3A_919 : vector<16xi1>, vector<16xi32>
      %select_n3A_921 = arith.select %gt3A_913, %get3A_911, %select_n3A_902 : vector<16xi1>, vector<16xf32>
      %select_n3A_922 = arith.select %gt3A_912, %select_n3A_905, %select_n3A_921 : vector<16xi1>, vector<16xf32>
      %select_n3A_923 = arith.select %gt3A_913, %broadcast_in_dim3A_916, %select_n3A_904 : vector<16xi1>, vector<16xi32>
      %select_n3A_924 = arith.select %gt3A_912, %select_n3A_906, %select_n3A_923 : vector<16xi1>, vector<16xi32>
      %select_n3A_925 = arith.select %gt3A_912, %get3A_911, %select_n3A_905 : vector<16xi1>, vector<16xf32>
      %select_n3A_926 = arith.select %gt3A_912, %broadcast_in_dim3A_916, %select_n3A_906 : vector<16xi1>, vector<16xi32>
      %get3A_927 = arith.constant 46 : i32
      %get3A_928 = arith.index_cast %get3A_927 : i32 to index
      %get3A_929 = arith.constant 0 : index
      %get3A_930 = tpu.vector_load %arg4[%get3A_928, %get3A_929] {strides = array<i32>} : memref<64x16xf32, #tpu.memory_space<vmem>>, vector<1x16xf32>,
      %get3A_931 = vector.shape_cast %get3A_930 : vector<1x16xf32> to vector<16xf32>
      %gt3A_932 = arith.cmpf ogt, %get3A_931, %select_n3A_925 : vector<16xf32>
      %gt3A_933 = arith.cmpf ogt, %get3A_931, %select_n3A_922 : vector<16xf32>
      %gt3A_934 = arith.cmpf ogt, %get3A_931, %select_n3A_918 : vector<16xf32>
      %broadcast_in_dim3A_935 = arith.constant 46 : i32
      %broadcast_in_dim3A_936 = vector.broadcast %broadcast_in_dim3A_935 : i32 to vector<16xi32>
      %select_n3A_937 = arith.select %gt3A_934, %get3A_931, %select_n3A_918 : vector<16xi1>, vector<16xf32>
      %select_n3A_938 = arith.select %gt3A_933, %select_n3A_922, %select_n3A_937 : vector<16xi1>, vector<16xf32>
      %select_n3A_939 = arith.select %gt3A_934, %broadcast_in_dim3A_936, %select_n3A_920 : vector<16xi1>, vector<16xi32>
      %select_n3A_940 = arith.select %gt3A_933, %select_n3A_924, %select_n3A_939 : vector<16xi1>, vector<16xi32>
      %select_n3A_941 = arith.select %gt3A_933, %get3A_931, %select_n3A_922 : vector<16xi1>, vector<16xf32>
      %select_n3A_942 = arith.select %gt3A_932, %select_n3A_925, %select_n3A_941 : vector<16xi1>, vector<16xf32>
      %select_n3A_943 = arith.select %gt3A_933, %broadcast_in_dim3A_936, %select_n3A_924 : vector<16xi1>, vector<16xi32>
      %select_n3A_944 = arith.select %gt3A_932, %select_n3A_926, %select_n3A_943 : vector<16xi1>, vector<16xi32>
      %select_n3A_945 = arith.select %gt3A_932, %get3A_931, %select_n3A_925 : vector<16xi1>, vector<16xf32>
      %select_n3A_946 = arith.select %gt3A_932, %broadcast_in_dim3A_936, %select_n3A_926 : vector<16xi1>, vector<16xi32>
      %get3A_947 = arith.constant 47 : i32
      %get3A_948 = arith.index_cast %get3A_947 : i32 to index
      %get3A_949 = arith.constant 0 : index
      %get3A_950 = tpu.vector_load %arg4[%get3A_948, %get3A_949] {strides = array<i32>} : memref<64x16xf32, #tpu.memory_space<vmem>>, vector<1x16xf32>,
      %get3A_951 = vector.shape_cast %get3A_950 : vector<1x16xf32> to vector<16xf32>
      %gt3A_952 = arith.cmpf ogt, %get3A_951, %select_n3A_945 : vector<16xf32>
      %gt3A_953 = arith.cmpf ogt, %get3A_951, %select_n3A_942 : vector<16xf32>
      %gt3A_954 = arith.cmpf ogt, %get3A_951, %select_n3A_938 : vector<16xf32>
      %broadcast_in_dim3A_955 = arith.constant 47 : i32
      %broadcast_in_dim3A_956 = vector.broadcast %broadcast_in_dim3A_955 : i32 to vector<16xi32>
      %select_n3A_957 = arith.select %gt3A_954, %get3A_951, %select_n3A_938 : vector<16xi1>, vector<16xf32>
      %select_n3A_958 = arith.select %gt3A_953, %select_n3A_942, %select_n3A_957 : vector<16xi1>, vector<16xf32>
      %select_n3A_959 = arith.select %gt3A_954, %broadcast_in_dim3A_956, %select_n3A_940 : vector<16xi1>, vector<16xi32>
      %select_n3A_960 = arith.select %gt3A_953, %select_n3A_944, %select_n3A_959 : vector<16xi1>, vector<16xi32>
      %select_n3A_961 = arith.select %gt3A_953, %get3A_951, %select_n3A_942 : vector<16xi1>, vector<16xf32>
      %select_n3A_962 = arith.select %gt3A_952, %select_n3A_945, %select_n3A_961 : vector<16xi1>, vector<16xf32>
      %select_n3A_963 = arith.select %gt3A_953, %broadcast_in_dim3A_956, %select_n3A_944 : vector<16xi1>, vector<16xi32>
      %select_n3A_964 = arith.select %gt3A_952, %select_n3A_946, %select_n3A_963 : vector<16xi1>, vector<16xi32>
      %select_n3A_965 = arith.select %gt3A_952, %get3A_951, %select_n3A_945 : vector<16xi1>, vector<16xf32>
      %select_n3A_966 = arith.select %gt3A_952, %broadcast_in_dim3A_956, %select_n3A_946 : vector<16xi1>, vector<16xi32>
      %get3A_967 = arith.constant 48 : i32
      %get3A_968 = arith.index_cast %get3A_967 : i32 to index
      %get3A_969 = arith.constant 0 : index
      %get3A_970 = tpu.vector_load %arg4[%get3A_968, %get3A_969] {strides = array<i32>} : memref<64x16xf32, #tpu.memory_space<vmem>>, vector<1x16xf32>,
      %get3A_971 = vector.shape_cast %get3A_970 : vector<1x16xf32> to vector<16xf32>
      %gt3A_972 = arith.cmpf ogt, %get3A_971, %select_n3A_965 : vector<16xf32>
      %gt3A_973 = arith.cmpf ogt, %get3A_971, %select_n3A_962 : vector<16xf32>
      %gt3A_974 = arith.cmpf ogt, %get3A_971, %select_n3A_958 : vector<16xf32>
      %broadcast_in_dim3A_975 = arith.constant 48 : i32
      %broadcast_in_dim3A_976 = vector.broadcast %broadcast_in_dim3A_975 : i32 to vector<16xi32>
      %select_n3A_977 = arith.select %gt3A_974, %get3A_971, %select_n3A_958 : vector<16xi1>, vector<16xf32>
      %select_n3A_978 = arith.select %gt3A_973, %select_n3A_962, %select_n3A_977 : vector<16xi1>, vector<16xf32>
      %select_n3A_979 = arith.select %gt3A_974, %broadcast_in_dim3A_976, %select_n3A_960 : vector<16xi1>, vector<16xi32>
      %select_n3A_980 = arith.select %gt3A_973, %select_n3A_964, %select_n3A_979 : vector<16xi1>, vector<16xi32>
      %select_n3A_981 = arith.select %gt3A_973, %get3A_971, %select_n3A_962 : vector<16xi1>, vector<16xf32>
      %select_n3A_982 = arith.select %gt3A_972, %select_n3A_965, %select_n3A_981 : vector<16xi1>, vector<16xf32>
      %select_n3A_983 = arith.select %gt3A_973, %broadcast_in_dim3A_976, %select_n3A_964 : vector<16xi1>, vector<16xi32>
      %select_n3A_984 = arith.select %gt3A_972, %select_n3A_966, %select_n3A_983 : vector<16xi1>, vector<16xi32>
      %select_n3A_985 = arith.select %gt3A_972, %get3A_971, %select_n3A_965 : vector<16xi1>, vector<16xf32>
      %select_n3A_986 = arith.select %gt3A_972, %broadcast_in_dim3A_976, %select_n3A_966 : vector<16xi1>, vector<16xi32>
      %get3A_987 = arith.constant 49 : i32
      %get3A_988 = arith.index_cast %get3A_987 : i32 to index
      %get3A_989 = arith.constant 0 : index
      %get3A_990 = tpu.vector_load %arg4[%get3A_988, %get3A_989] {strides = array<i32>} : memref<64x16xf32, #tpu.memory_space<vmem>>, vector<1x16xf32>,
      %get3A_991 = vector.shape_cast %get3A_990 : vector<1x16xf32> to vector<16xf32>
      %gt3A_992 = arith.cmpf ogt, %get3A_991, %select_n3A_985 : vector<16xf32>
      %gt3A_993 = arith.cmpf ogt, %get3A_991, %select_n3A_982 : vector<16xf32>
      %gt3A_994 = arith.cmpf ogt, %get3A_991, %select_n3A_978 : vector<16xf32>
      %broadcast_in_dim3A_995 = arith.constant 49 : i32
      %broadcast_in_dim3A_996 = vector.broadcast %broadcast_in_dim3A_995 : i32 to vector<16xi32>
      %select_n3A_997 = arith.select %gt3A_994, %get3A_991, %select_n3A_978 : vector<16xi1>, vector<16xf32>
      %select_n3A_998 = arith.select %gt3A_993, %select_n3A_982, %select_n3A_997 : vector<16xi1>, vector<16xf32>
      %select_n3A_999 = arith.select %gt3A_994, %broadcast_in_dim3A_996, %select_n3A_980 : vector<16xi1>, vector<16xi32>
      %select_n3A_1000 = arith.select %gt3A_993, %select_n3A_984, %select_n3A_999 : vector<16xi1>, vector<16xi32>
      %select_n3A_1001 = arith.select %gt3A_993, %get3A_991, %select_n3A_982 : vector<16xi1>, vector<16xf32>
      %select_n3A_1002 = arith.select %gt3A_992, %select_n3A_985, %select_n3A_1001 : vector<16xi1>, vector<16xf32>
      %select_n3A_1003 = arith.select %gt3A_993, %broadcast_in_dim3A_996, %select_n3A_984 : vector<16xi1>, vector<16xi32>
      %select_n3A_1004 = arith.select %gt3A_992, %select_n3A_986, %select_n3A_1003 : vector<16xi1>, vector<16xi32>
      %select_n3A_1005 = arith.select %gt3A_992, %get3A_991, %select_n3A_985 : vector<16xi1>, vector<16xf32>
      %select_n3A_1006 = arith.select %gt3A_992, %broadcast_in_dim3A_996, %select_n3A_986 : vector<16xi1>, vector<16xi32>
      %swap3A = arith.constant 0 : i32
      %swap3A_1007 = arith.index_cast %swap3A : i32 to index
      %swap3A_1008 = arith.constant 0 : index
      %swap3A_1009 = tpu.vector_load %arg5[%swap3A_1007, %swap3A_1008] {strides = array<i32>} : memref<3x16xi32, #tpu.memory_space<vmem>>, vector<1x16xi32>,
      %swap3A_1010 = vector.shape_cast %swap3A_1009 : vector<1x16xi32> to vector<16xi32>
      %swap3A_1011 = vector.shape_cast %select_n3A_1006 : vector<16xi32> to vector<1x16xi32>
      tpu.vector_store %arg5[%swap3A_1007, %swap3A_1008], %swap3A_1011 {strides = array<i32>} : memref<3x16xi32, #tpu.memory_space<vmem>>, vector<1x16xi32>,
      %swap3A_1012 = arith.constant 1 : i32
      %swap3A_1013 = arith.index_cast %swap3A_1012 : i32 to index
      %swap3A_1014 = arith.constant 0 : index
      %swap3A_1015 = tpu.vector_load %arg5[%swap3A_1013, %swap3A_1014] {strides = array<i32>} : memref<3x16xi32, #tpu.memory_space<vmem>>, vector<1x16xi32>,
      %swap3A_1016 = vector.shape_cast %swap3A_1015 : vector<1x16xi32> to vector<16xi32>
      %swap3A_1017 = vector.shape_cast %select_n3A_1004 : vector<16xi32> to vector<1x16xi32>
      tpu.vector_store %arg5[%swap3A_1013, %swap3A_1014], %swap3A_1017 {strides = array<i32>} : memref<3x16xi32, #tpu.memory_space<vmem>>, vector<1x16xi32>,
      %swap3A_1018 = arith.constant 2 : i32
      %swap3A_1019 = arith.index_cast %swap3A_1018 : i32 to index
      %swap3A_1020 = arith.constant 0 : index
      %swap3A_1021 = tpu.vector_load %arg5[%swap3A_1019, %swap3A_1020] {strides = array<i32>} : memref<3x16xi32, #tpu.memory_space<vmem>>, vector<1x16xi32>,
      %swap3A_1022 = vector.shape_cast %swap3A_1021 : vector<1x16xi32> to vector<16xi32>
      %swap3A_1023 = vector.shape_cast %select_n3A_1000 : vector<16xi32> to vector<1x16xi32>
      tpu.vector_store %arg5[%swap3A_1019, %swap3A_1020], %swap3A_1023 {strides = array<i32>} : memref<3x16xi32, #tpu.memory_space<vmem>>, vector<1x16xi32>,
      "tpu.region"() ({
        %run_scoped3A = tpu.sem_alloc : memref<!tpu.dma_semaphore, #tpu.memory_space<semaphore_mem>>
        %dma_start3A = arith.constant 0 : i32
        %dma_start3A_1024 = arith.constant 0 : i32
        %dma_start3A_1025 = tpu.memref_slice %arg3[%add3A, %dma_start3A, %dma_start3A_1024] : memref<16x3x16xi32, #tpu.memory_space<hbm>> -> memref<1x3x16xi32, #tpu.memory_space<hbm>>
        %dma_start3A_1026 = tpu.memref_squeeze %dma_start3A_1025 : memref<1x3x16xi32, #tpu.memory_space<hbm>> -> memref<3x16xi32, #tpu.memory_space<hbm>>
        %dma_start3A_1027 = arith.constant 0 : i32
        %dma_start3A_1028 = arith.constant 0 : i32
        %dma_start3A_1029 = tpu.memref_slice %arg3[%add3A, %dma_start3A_1027, %dma_start3A_1028] : memref<16x3x16xi32, #tpu.memory_space<hbm>> -> memref<1x3x16xi32, #tpu.memory_space<hbm>>
        %dma_start3A_1030 = tpu.memref_squeeze %dma_start3A_1029 : memref<1x3x16xi32, #tpu.memory_space<hbm>> -> memref<3x16xi32, #tpu.memory_space<hbm>>
        tpu.enqueue_dma source(%arg5 : memref<3x16xi32, #tpu.memory_space<vmem>>) target(%dma_start3A_1030 : memref<3x16xi32, #tpu.memory_space<hbm>>) target_semaphore(%run_scoped3A : memref<!tpu.dma_semaphore, #tpu.memory_space<semaphore_mem>>)
        %dma_wait3A = arith.constant 0 : i32
        %dma_wait3A_1031 = arith.constant 0 : i32
        %dma_wait3A_1032 = tpu.memref_slice %arg3[%add3A, %dma_wait3A, %dma_wait3A_1031] : memref<16x3x16xi32, #tpu.memory_space<hbm>> -> memref<1x3x16xi32, #tpu.memory_space<hbm>>
        %dma_wait3A_1033 = tpu.memref_squeeze %dma_wait3A_1032 : memref<1x3x16xi32, #tpu.memory_space<hbm>> -> memref<3x16xi32, #tpu.memory_space<hbm>>
        %dma_wait3A_1034 = arith.constant 0 : i32
        %dma_wait3A_1035 = arith.constant 0 : i32
        %dma_wait3A_1036 = tpu.memref_slice %arg3[%add3A, %dma_wait3A_1034, %dma_wait3A_1035] : memref<16x3x16xi32, #tpu.memory_space<hbm>> -> memref<1x3x16xi32, #tpu.memory_space<hbm>>
        %dma_wait3A_1037 = tpu.memref_squeeze %dma_wait3A_1036 : memref<1x3x16xi32, #tpu.memory_space<hbm>> -> memref<3x16xi32, #tpu.memory_space<hbm>>
        tpu.wait_dma2 semaphore(%run_scoped3A : memref<!tpu.dma_semaphore, #tpu.memory_space<semaphore_mem>>) src(%arg5 : memref<3x16xi32, #tpu.memory_space<vmem>>) dst(%dma_wait3A_1037 : memref<3x16xi32, #tpu.memory_space<hbm>>)
        tpu.yield
      }) : () -> ()
    } else {
    }
    return
  }
}

module attributes {stable_mosaic.version = 14 : i64} {
  func.func @_attnloop_body(%arg0: i32, %arg1: memref<1x196x64xf32, #tpu.memory_space<vmem>>, %arg2: memref<1x196x64xf32, #tpu.memory_space<vmem>>, %arg3: memref<1x7x64xf32, #tpu.memory_space<vmem>>, %arg4: memref<7x64xf32, #tpu.memory_space<vmem>>, %arg5: memref<7x64xf32, #tpu.memory_space<vmem>>, %arg6: memref<64xf32, #tpu.memory_space<vmem>>, %arg7: memref<64xf32, #tpu.memory_space<vmem>>, %arg8: memref<64x64xbf16, #tpu.memory_space<vmem>>, %arg9: memref<64x192xbf16, #tpu.memory_space<vmem>>, %arg10: memref<192xf32, #tpu.memory_space<vmem>>, %arg11: memref<64x192xbf16, #tpu.memory_space<vmem>>, %arg12: memref<192xf32, #tpu.memory_space<vmem>>, %arg13: memref<64xf32, #tpu.memory_space<vmem>>, %arg14: memref<64xf32, #tpu.memory_space<vmem>>, %arg15: memref<64x128xbf16, #tpu.memory_space<vmem>>, %arg16: memref<128xf32, #tpu.memory_space<vmem>>, %arg17: memref<128x64xbf16, #tpu.memory_space<vmem>>, %arg18: memref<64xf32, #tpu.memory_space<vmem>>, %arg19: memref<1x7x64xf32, #tpu.memory_space<vmem>>) attributes {dimension_semantics = [#tpu.dimension_semantics<arbitrary>], iteration_bounds = array<i64: 32>, scalar_prefetch = 0 : i64, scratch_operands = 0 : i64, tpu.core_type = #tpu.core_type<tc>, window_params = [{transform_indices = @transform_0, window_bounds = array<i64: 1, 196, 64>}, {transform_indices = @transform_1, window_bounds = array<i64: 1, 196, 64>}, {transform_indices = @transform_2, window_bounds = array<i64: 1, 7, 64>}, {pipeline_mode = #tpu.pipeline_mode<synchronous>, transform_indices = @transform_3, window_bounds = array<i64: 7, 64>}, {pipeline_mode = #tpu.pipeline_mode<synchronous>, transform_indices = @transform_4, window_bounds = array<i64: 7, 64>}, {pipeline_mode = #tpu.pipeline_mode<synchronous>, transform_indices = @transform_5, window_bounds = array<i64: 64>}, {pipeline_mode = #tpu.pipeline_mode<synchronous>, transform_indices = @transform_6, window_bounds = array<i64: 64>}, {pipeline_mode = #tpu.pipeline_mode<synchronous>, transform_indices = @transform_7, window_bounds = array<i64: 64, 64>}, {pipeline_mode = #tpu.pipeline_mode<synchronous>, transform_indices = @transform_8, window_bounds = array<i64: 64, 192>}, {pipeline_mode = #tpu.pipeline_mode<synchronous>, transform_indices = @transform_9, window_bounds = array<i64: 192>}, {pipeline_mode = #tpu.pipeline_mode<synchronous>, transform_indices = @transform_10, window_bounds = array<i64: 64, 192>}, {pipeline_mode = #tpu.pipeline_mode<synchronous>, transform_indices = @transform_11, window_bounds = array<i64: 192>}, {pipeline_mode = #tpu.pipeline_mode<synchronous>, transform_indices = @transform_12, window_bounds = array<i64: 64>}, {pipeline_mode = #tpu.pipeline_mode<synchronous>, transform_indices = @transform_13, window_bounds = array<i64: 64>}, {pipeline_mode = #tpu.pipeline_mode<synchronous>, transform_indices = @transform_14, window_bounds = array<i64: 64, 128>}, {pipeline_mode = #tpu.pipeline_mode<synchronous>, transform_indices = @transform_15, window_bounds = array<i64: 128>}, {pipeline_mode = #tpu.pipeline_mode<synchronous>, transform_indices = @transform_16, window_bounds = array<i64: 128, 64>}, {pipeline_mode = #tpu.pipeline_mode<synchronous>, transform_indices = @transform_17, window_bounds = array<i64: 64>}, {transform_indices = @transform_18, window_bounds = array<i64: 1, 7, 64>}]} {
    %get3A = arith.constant 0 : index
    %get3A_0 = arith.constant 0 : index
    %get3A_1 = arith.constant 0 : index
    %get3A_2 = vector.load %arg1[%get3A, %get3A_0, %get3A_1] : memref<1x196x64xf32, #tpu.memory_space<vmem>>, vector<1x196x64xf32>
    %get3A_3 = vector.shape_cast %get3A_2 : vector<1x196x64xf32> to vector<196x64xf32>
    %get3A_4 = arith.constant 0 : index
    %get3A_5 = arith.constant 0 : index
    %get3A_6 = arith.constant 0 : index
    %get3A_7 = vector.load %arg2[%get3A_4, %get3A_5, %get3A_6] : memref<1x196x64xf32, #tpu.memory_space<vmem>>, vector<1x196x64xf32>
    %get3A_8 = vector.shape_cast %get3A_7 : vector<1x196x64xf32> to vector<196x64xf32>
    %broadcast_in_dim3A = arith.constant 0.000000e+00 : f32
    %broadcast_in_dim3A_9 = vector.broadcast %broadcast_in_dim3A : f32 to vector<60x64xf32>
    %concatenate3A = tpu.concatenate %get3A_8, %broadcast_in_dim3A_9 in 0 : vector<196x64xf32>, vector<60x64xf32> -> vector<256x64xf32>
    %get3A_10 = arith.constant 0 : index
    %get3A_11 = arith.constant 0 : index
    %get3A_12 = vector.load %arg4[%get3A_10, %get3A_11] : memref<7x64xf32, #tpu.memory_space<vmem>>, vector<7x64xf32>
    %get3A_13 = arith.constant 0 : index
    %get3A_14 = arith.constant 0 : index
    %get3A_15 = arith.constant 0 : index
    %get3A_16 = vector.load %arg3[%get3A_13, %get3A_14, %get3A_15] : memref<1x7x64xf32, #tpu.memory_space<vmem>>, vector<1x7x64xf32>
    %get3A_17 = vector.shape_cast %get3A_16 : vector<1x7x64xf32> to vector<7x64xf32>
    %get3A_18 = arith.constant 0 : index
    %get3A_19 = arith.constant 0 : index
    %get3A_20 = vector.load %arg5[%get3A_18, %get3A_19] : memref<7x64xf32, #tpu.memory_space<vmem>>, vector<7x64xf32>
    %exp3A = math.exp %get3A_20 : vector<7x64xf32>
    %mul3A = arith.mulf %get3A_17, %exp3A : vector<7x64xf32>
    %add3A = arith.addf %get3A_12, %mul3A : vector<7x64xf32>
    %get3A_21 = arith.constant 0 : index
    %get3A_22 = vector.load %arg6[%get3A_21] : memref<64xf32, #tpu.memory_space<vmem>>, vector<64xf32>
    %get3A_23 = arith.constant 0 : index
    %get3A_24 = vector.load %arg7[%get3A_23] : memref<64xf32, #tpu.memory_space<vmem>>, vector<64xf32>
    %reduce_sum3A = arith.constant dense<0.000000e+00> : vector<7xf32>
    %reduce_sum3A_25 = vector.multi_reduction <add>, %add3A, %reduce_sum3A [1] : vector<7x64xf32> to vector<7xf32>
    %broadcast_in_dim3A_26 = vector.shape_cast %reduce_sum3A_25 : vector<7xf32> to vector<7x1xf32>
    %div3A = arith.constant 6.400000e+01 : f32
    %div3A_27 = vector.broadcast %div3A : f32 to vector<7x1xf32>
    %div3A_28 = arith.divf %broadcast_in_dim3A_26, %div3A_27 : vector<7x1xf32>
    %sub3A = vector.broadcast %div3A_28 : vector<7x1xf32> to vector<7x64xf32>
    %sub3A_29 = arith.subf %add3A, %sub3A : vector<7x64xf32>
    %integer_pow3A = arith.mulf %sub3A_29, %sub3A_29 : vector<7x64xf32>
    %reduce_sum3A_30 = arith.constant dense<0.000000e+00> : vector<7xf32>
    %reduce_sum3A_31 = vector.multi_reduction <add>, %integer_pow3A, %reduce_sum3A_30 [1] : vector<7x64xf32> to vector<7xf32>
    %broadcast_in_dim3A_32 = vector.shape_cast %reduce_sum3A_31 : vector<7xf32> to vector<7x1xf32>
    %div3A_33 = arith.constant 6.400000e+01 : f32
    %div3A_34 = vector.broadcast %div3A_33 : f32 to vector<7x1xf32>
    %div3A_35 = arith.divf %broadcast_in_dim3A_32, %div3A_34 : vector<7x1xf32>
    %sub3A_36 = vector.broadcast %div3A_28 : vector<7x1xf32> to vector<7x64xf32>
    %sub3A_37 = arith.subf %add3A, %sub3A_36 : vector<7x64xf32>
    %add3A_38 = arith.constant 9.99999974E-6 : f32
    %add3A_39 = vector.broadcast %add3A_38 : f32 to vector<7x1xf32>
    %add3A_40 = arith.addf %div3A_35, %add3A_39 : vector<7x1xf32>
    %sqrt3A = math.sqrt %add3A_40 : vector<7x1xf32>
    %div3A_41 = vector.broadcast %sqrt3A : vector<7x1xf32> to vector<7x64xf32>
    %div3A_42 = arith.divf %sub3A_37, %div3A_41 : vector<7x64xf32>
    %broadcast_in_dim3A_43 = vector.shape_cast %get3A_22 : vector<64xf32> to vector<1x64xf32>
    %mul3A_44 = vector.broadcast %broadcast_in_dim3A_43 : vector<1x64xf32> to vector<7x64xf32>
    %mul3A_45 = arith.mulf %div3A_42, %mul3A_44 : vector<7x64xf32>
    %broadcast_in_dim3A_46 = vector.shape_cast %get3A_24 : vector<64xf32> to vector<1x64xf32>
    %add3A_47 = vector.broadcast %broadcast_in_dim3A_46 : vector<1x64xf32> to vector<7x64xf32>
    %add3A_48 = arith.addf %mul3A_45, %add3A_47 : vector<7x64xf32>
    %get3A_49 = arith.constant 0 : index
    %get3A_50 = arith.constant 0 : index
    %get3A_51 = vector.load %arg8[%get3A_49, %get3A_50] : memref<64x64xbf16, #tpu.memory_space<vmem>>, vector<64x64xbf16>
    %convert_element_type3A = arith.truncf %add3A_48 : vector<7x64xf32> to vector<7x64xbf16>
    %dot_general3A = arith.constant dense<0.000000e+00> : vector<7x64xf32>
    %dot_general3A_52 = tpu.matmul %convert_element_type3A, %get3A_51, %dot_general3A {dimension_numbers = #tpu.dot_dimension_numbers<[1], [0], [0], [1], [0, 0, 1, 1], [], []>, transpose_lhs_hint = false} : vector<7x64xbf16>, vector<64x64xbf16>, vector<7x64xf32> -> vector<7x64xf32>
    %convert_element_type3A_53 = arith.truncf %get3A_3 : vector<196x64xf32> to vector<196x64xbf16>
    %convert_element_type3A_54 = arith.truncf %dot_general3A_52 : vector<7x64xf32> to vector<7x64xbf16>
    %dot_general3A_55 = arith.constant dense<0.000000e+00> : vector<196x7xf32>
    %dot_general3A_56 = tpu.matmul %convert_element_type3A_53, %convert_element_type3A_54, %dot_general3A_55 {dimension_numbers = #tpu.dot_dimension_numbers<[1], [1], [0], [0], [0, 0, 1, 0], [], []>, transpose_lhs_hint = false} : vector<196x64xbf16>, vector<7x64xbf16>, vector<196x7xf32> -> vector<196x7xf32>
    %mul3A_57 = arith.constant 1.250000e-01 : f32
    %mul3A_58 = vector.broadcast %mul3A_57 : f32 to vector<196x7xf32>
    %mul3A_59 = arith.mulf %dot_general3A_56, %mul3A_58 : vector<196x7xf32>
    %reduce_max3A = arith.constant dense<0xFF800000> : vector<196xf32>
    %reduce_max3A_60 = vector.multi_reduction <maximumf>, %mul3A_59, %reduce_max3A [1] : vector<196x7xf32> to vector<196xf32>
    %max3A = arith.constant 0xFF800000 : f32
    %max3A_61 = vector.broadcast %max3A : f32 to vector<196xf32>
    %max3A_62 = arith.maximumf %max3A_61, %reduce_max3A_60 : vector<196xf32>
    %broadcast_in_dim3A_63 = vector.shape_cast %max3A_62 : vector<196xf32> to vector<196x1xf32>
    %sub3A_64 = vector.broadcast %broadcast_in_dim3A_63 : vector<196x1xf32> to vector<196x7xf32>
    %sub3A_65 = arith.subf %mul3A_59, %sub3A_64 : vector<196x7xf32>
    %exp3A_66 = math.exp %sub3A_65 : vector<196x7xf32>
    %reduce_sum3A_67 = arith.constant dense<0.000000e+00> : vector<196xf32>
    %reduce_sum3A_68 = vector.multi_reduction <add>, %exp3A_66, %reduce_sum3A_67 [1] : vector<196x7xf32> to vector<196xf32>
    %broadcast_in_dim3A_69 = vector.shape_cast %reduce_sum3A_68 : vector<196xf32> to vector<196x1xf32>
    %div3A_70 = vector.broadcast %broadcast_in_dim3A_69 : vector<196x1xf32> to vector<196x7xf32>
    %div3A_71 = arith.divf %exp3A_66, %div3A_70 : vector<196x7xf32>
    %reduce_sum3A_72 = arith.constant dense<0.000000e+00> : vector<7xf32>
    %reduce_sum3A_73 = vector.multi_reduction <add>, %div3A_71, %reduce_sum3A_72 [0] : vector<196x7xf32> to vector<7xf32>
    %broadcast_in_dim3A_74 = vector.shape_cast %reduce_sum3A_73 : vector<7xf32> to vector<1x7xf32>
    %add3A_75 = arith.constant 9.99999993E-9 : f32
    %add3A_76 = vector.broadcast %add3A_75 : f32 to vector<1x7xf32>
    %add3A_77 = arith.addf %broadcast_in_dim3A_74, %add3A_76 : vector<1x7xf32>
    %div3A_78 = vector.broadcast %add3A_77 : vector<1x7xf32> to vector<196x7xf32>
    %div3A_79 = arith.divf %div3A_71, %div3A_78 : vector<196x7xf32>
    %broadcast_in_dim3A_80 = arith.constant 0.000000e+00 : f32
    %broadcast_in_dim3A_81 = vector.broadcast %broadcast_in_dim3A_80 : f32 to vector<60x7xf32>
    %concatenate3A_82 = tpu.concatenate %div3A_79, %broadcast_in_dim3A_81 in 0 : vector<196x7xf32>, vector<60x7xf32> -> vector<256x7xf32>
    %convert_element_type3A_83 = arith.truncf %concatenate3A_82 : vector<256x7xf32> to vector<256x7xbf16>
    %convert_element_type3A_84 = arith.truncf %concatenate3A : vector<256x64xf32> to vector<256x64xbf16>
    %dot_general3A_85 = arith.constant dense<0.000000e+00> : vector<7x64xf32>
    %dot_general3A_86 = tpu.matmul %convert_element_type3A_83, %convert_element_type3A_84, %dot_general3A_85 {dimension_numbers = #tpu.dot_dimension_numbers<[0], [0], [1], [1], [0, 1, 1, 1], [], []>, transpose_lhs_hint = false} : vector<256x7xbf16>, vector<256x64xbf16>, vector<7x64xf32> -> vector<7x64xf32>
    %get3A_87 = arith.constant 0 : index
    %get3A_88 = arith.constant 0 : index
    %get3A_89 = vector.load %arg9[%get3A_87, %get3A_88] : memref<64x192xbf16, #tpu.memory_space<vmem>>, vector<64x192xbf16>
    %convert_element_type3A_90 = arith.truncf %dot_general3A_86 : vector<7x64xf32> to vector<7x64xbf16>
    %dot_general3A_91 = arith.constant dense<0.000000e+00> : vector<7x192xf32>
    %dot_general3A_92 = tpu.matmul %convert_element_type3A_90, %get3A_89, %dot_general3A_91 {dimension_numbers = #tpu.dot_dimension_numbers<[1], [0], [0], [1], [0, 0, 1, 1], [], []>, transpose_lhs_hint = false} : vector<7x64xbf16>, vector<64x192xbf16>, vector<7x192xf32> -> vector<7x192xf32>
    %get3A_93 = arith.constant 0 : index
    %get3A_94 = vector.load %arg10[%get3A_93] : memref<192xf32, #tpu.memory_space<vmem>>, vector<192xf32>
    %broadcast_in_dim3A_95 = vector.shape_cast %get3A_94 : vector<192xf32> to vector<1x192xf32>
    %add3A_96 = vector.broadcast %broadcast_in_dim3A_95 : vector<1x192xf32> to vector<7x192xf32>
    %add3A_97 = arith.addf %dot_general3A_92, %add3A_96 : vector<7x192xf32>
    %get3A_98 = arith.constant 0 : index
    %get3A_99 = arith.constant 0 : index
    %get3A_100 = vector.load %arg11[%get3A_98, %get3A_99] : memref<64x192xbf16, #tpu.memory_space<vmem>>, vector<64x192xbf16>
    %convert_element_type3A_101 = arith.truncf %add3A : vector<7x64xf32> to vector<7x64xbf16>
    %dot_general3A_102 = arith.constant dense<0.000000e+00> : vector<7x192xf32>
    %dot_general3A_103 = tpu.matmul %convert_element_type3A_101, %get3A_100, %dot_general3A_102 {dimension_numbers = #tpu.dot_dimension_numbers<[1], [0], [0], [1], [0, 0, 1, 1], [], []>, transpose_lhs_hint = false} : vector<7x64xbf16>, vector<64x192xbf16>, vector<7x192xf32> -> vector<7x192xf32>
    %get3A_104 = arith.constant 0 : index
    %get3A_105 = vector.load %arg12[%get3A_104] : memref<192xf32, #tpu.memory_space<vmem>>, vector<192xf32>
    %broadcast_in_dim3A_106 = vector.shape_cast %get3A_105 : vector<192xf32> to vector<1x192xf32>
    %add3A_107 = vector.broadcast %broadcast_in_dim3A_106 : vector<1x192xf32> to vector<7x192xf32>
    %add3A_108 = arith.addf %dot_general3A_103, %add3A_107 : vector<7x192xf32>
    %slice3A = vector.extract_strided_slice %add3A_97 {offsets = [0, 0], sizes = [7, 64], strides = [1, 1]} : vector<7x192xf32> to vector<7x64xf32>
    %slice3A_109 = vector.extract_strided_slice %add3A_108 {offsets = [0, 0], sizes = [7, 64], strides = [1, 1]} : vector<7x192xf32> to vector<7x64xf32>
    %add3A_110 = arith.addf %slice3A, %slice3A_109 : vector<7x64xf32>
    %logistic3A = arith.negf %add3A_110 : vector<7x64xf32>
    %logistic3A_111 = math.exp %logistic3A : vector<7x64xf32>
    %logistic3A_112 = arith.constant 1.000000e+00 : f32
    %logistic3A_113 = vector.broadcast %logistic3A_112 : f32 to vector<7x64xf32>
    %logistic3A_114 = arith.addf %logistic3A_113, %logistic3A_111 : vector<7x64xf32>
    %logistic3A_115 = arith.divf %logistic3A_113, %logistic3A_114 : vector<7x64xf32>
    %slice3A_116 = vector.extract_strided_slice %add3A_97 {offsets = [0, 64], sizes = [7, 64], strides = [1, 1]} : vector<7x192xf32> to vector<7x64xf32>
    %slice3A_117 = vector.extract_strided_slice %add3A_108 {offsets = [0, 64], sizes = [7, 64], strides = [1, 1]} : vector<7x192xf32> to vector<7x64xf32>
    %add3A_118 = arith.addf %slice3A_116, %slice3A_117 : vector<7x64xf32>
    %logistic3A_119 = arith.negf %add3A_118 : vector<7x64xf32>
    %logistic3A_120 = math.exp %logistic3A_119 : vector<7x64xf32>
    %logistic3A_121 = arith.constant 1.000000e+00 : f32
    %logistic3A_122 = vector.broadcast %logistic3A_121 : f32 to vector<7x64xf32>
    %logistic3A_123 = arith.addf %logistic3A_122, %logistic3A_120 : vector<7x64xf32>
    %logistic3A_124 = arith.divf %logistic3A_122, %logistic3A_123 : vector<7x64xf32>
    %slice3A_125 = vector.extract_strided_slice %add3A_97 {offsets = [0, 128], sizes = [7, 64], strides = [1, 1]} : vector<7x192xf32> to vector<7x64xf32>
    %slice3A_126 = vector.extract_strided_slice %add3A_108 {offsets = [0, 128], sizes = [7, 64], strides = [1, 1]} : vector<7x192xf32> to vector<7x64xf32>
    %mul3A_127 = arith.mulf %logistic3A_115, %slice3A_126 : vector<7x64xf32>
    %add3A_128 = arith.addf %slice3A_125, %mul3A_127 : vector<7x64xf32>
    %tanh3A = math.tanh %add3A_128 : vector<7x64xf32>
    %sub3A_129 = arith.constant 1.000000e+00 : f32
    %sub3A_130 = vector.broadcast %sub3A_129 : f32 to vector<7x64xf32>
    %sub3A_131 = arith.subf %sub3A_130, %logistic3A_124 : vector<7x64xf32>
    %mul3A_132 = arith.mulf %sub3A_131, %tanh3A : vector<7x64xf32>
    %mul3A_133 = arith.mulf %logistic3A_124, %add3A : vector<7x64xf32>
    %add3A_134 = arith.addf %mul3A_132, %mul3A_133 : vector<7x64xf32>
    %get3A_135 = arith.constant 0 : index
    %get3A_136 = vector.load %arg13[%get3A_135] : memref<64xf32, #tpu.memory_space<vmem>>, vector<64xf32>
    %get3A_137 = arith.constant 0 : index
    %get3A_138 = vector.load %arg14[%get3A_137] : memref<64xf32, #tpu.memory_space<vmem>>, vector<64xf32>
    %reduce_sum3A_139 = arith.constant dense<0.000000e+00> : vector<7xf32>
    %reduce_sum3A_140 = vector.multi_reduction <add>, %add3A_134, %reduce_sum3A_139 [1] : vector<7x64xf32> to vector<7xf32>
    %broadcast_in_dim3A_141 = vector.shape_cast %reduce_sum3A_140 : vector<7xf32> to vector<7x1xf32>
    %div3A_142 = arith.constant 6.400000e+01 : f32
    %div3A_143 = vector.broadcast %div3A_142 : f32 to vector<7x1xf32>
    %div3A_144 = arith.divf %broadcast_in_dim3A_141, %div3A_143 : vector<7x1xf32>
    %sub3A_145 = vector.broadcast %div3A_144 : vector<7x1xf32> to vector<7x64xf32>
    %sub3A_146 = arith.subf %add3A_134, %sub3A_145 : vector<7x64xf32>
    %integer_pow3A_147 = arith.mulf %sub3A_146, %sub3A_146 : vector<7x64xf32>
    %reduce_sum3A_148 = arith.constant dense<0.000000e+00> : vector<7xf32>
    %reduce_sum3A_149 = vector.multi_reduction <add>, %integer_pow3A_147, %reduce_sum3A_148 [1] : vector<7x64xf32> to vector<7xf32>
    %broadcast_in_dim3A_150 = vector.shape_cast %reduce_sum3A_149 : vector<7xf32> to vector<7x1xf32>
    %div3A_151 = arith.constant 6.400000e+01 : f32
    %div3A_152 = vector.broadcast %div3A_151 : f32 to vector<7x1xf32>
    %div3A_153 = arith.divf %broadcast_in_dim3A_150, %div3A_152 : vector<7x1xf32>
    %sub3A_154 = vector.broadcast %div3A_144 : vector<7x1xf32> to vector<7x64xf32>
    %sub3A_155 = arith.subf %add3A_134, %sub3A_154 : vector<7x64xf32>
    %add3A_156 = arith.constant 9.99999974E-6 : f32
    %add3A_157 = vector.broadcast %add3A_156 : f32 to vector<7x1xf32>
    %add3A_158 = arith.addf %div3A_153, %add3A_157 : vector<7x1xf32>
    %sqrt3A_159 = math.sqrt %add3A_158 : vector<7x1xf32>
    %div3A_160 = vector.broadcast %sqrt3A_159 : vector<7x1xf32> to vector<7x64xf32>
    %div3A_161 = arith.divf %sub3A_155, %div3A_160 : vector<7x64xf32>
    %broadcast_in_dim3A_162 = vector.shape_cast %get3A_136 : vector<64xf32> to vector<1x64xf32>
    %mul3A_163 = vector.broadcast %broadcast_in_dim3A_162 : vector<1x64xf32> to vector<7x64xf32>
    %mul3A_164 = arith.mulf %div3A_161, %mul3A_163 : vector<7x64xf32>
    %broadcast_in_dim3A_165 = vector.shape_cast %get3A_138 : vector<64xf32> to vector<1x64xf32>
    %add3A_166 = vector.broadcast %broadcast_in_dim3A_165 : vector<1x64xf32> to vector<7x64xf32>
    %add3A_167 = arith.addf %mul3A_164, %add3A_166 : vector<7x64xf32>
    %get3A_168 = arith.constant 0 : index
    %get3A_169 = arith.constant 0 : index
    %get3A_170 = vector.load %arg15[%get3A_168, %get3A_169] : memref<64x128xbf16, #tpu.memory_space<vmem>>, vector<64x128xbf16>
    %convert_element_type3A_171 = arith.truncf %add3A_167 : vector<7x64xf32> to vector<7x64xbf16>
    %dot_general3A_172 = arith.constant dense<0.000000e+00> : vector<7x128xf32>
    %dot_general3A_173 = tpu.matmul %convert_element_type3A_171, %get3A_170, %dot_general3A_172 {dimension_numbers = #tpu.dot_dimension_numbers<[1], [0], [0], [1], [0, 0, 1, 1], [], []>, transpose_lhs_hint = false} : vector<7x64xbf16>, vector<64x128xbf16>, vector<7x128xf32> -> vector<7x128xf32>
    %get3A_174 = arith.constant 0 : index
    %get3A_175 = vector.load %arg16[%get3A_174] : memref<128xf32, #tpu.memory_space<vmem>>, vector<128xf32>
    %broadcast_in_dim3A_176 = vector.shape_cast %get3A_175 : vector<128xf32> to vector<1x128xf32>
    %add3A_177 = vector.broadcast %broadcast_in_dim3A_176 : vector<1x128xf32> to vector<7x128xf32>
    %add3A_178 = arith.addf %dot_general3A_173, %add3A_177 : vector<7x128xf32>
    %max3A_179 = arith.constant 0.000000e+00 : f32
    %max3A_180 = vector.broadcast %max3A_179 : f32 to vector<7x128xf32>
    %max3A_181 = arith.maximumf %add3A_178, %max3A_180 : vector<7x128xf32>
    %get3A_182 = arith.constant 0 : index
    %get3A_183 = arith.constant 0 : index
    %get3A_184 = vector.load %arg17[%get3A_182, %get3A_183] : memref<128x64xbf16, #tpu.memory_space<vmem>>, vector<128x64xbf16>
    %convert_element_type3A_185 = arith.truncf %max3A_181 : vector<7x128xf32> to vector<7x128xbf16>
    %dot_general3A_186 = arith.constant dense<0.000000e+00> : vector<7x64xf32>
    %dot_general3A_187 = tpu.matmul %convert_element_type3A_185, %get3A_184, %dot_general3A_186 {dimension_numbers = #tpu.dot_dimension_numbers<[1], [0], [0], [1], [0, 0, 1, 1], [], []>, transpose_lhs_hint = false} : vector<7x128xbf16>, vector<128x64xbf16>, vector<7x64xf32> -> vector<7x64xf32>
    %get3A_188 = arith.constant 0 : index
    %get3A_189 = vector.load %arg18[%get3A_188] : memref<64xf32, #tpu.memory_space<vmem>>, vector<64xf32>
    %broadcast_in_dim3A_190 = vector.shape_cast %get3A_189 : vector<64xf32> to vector<1x64xf32>
    %add3A_191 = vector.broadcast %broadcast_in_dim3A_190 : vector<1x64xf32> to vector<7x64xf32>
    %add3A_192 = arith.addf %dot_general3A_187, %add3A_191 : vector<7x64xf32>
    %add3A_193 = arith.addf %add3A_134, %add3A_192 : vector<7x64xf32>
    %get3A_194 = arith.constant 0 : index
    %get3A_195 = vector.load %arg6[%get3A_194] : memref<64xf32, #tpu.memory_space<vmem>>, vector<64xf32>
    %get3A_196 = arith.constant 0 : index
    %get3A_197 = vector.load %arg7[%get3A_196] : memref<64xf32, #tpu.memory_space<vmem>>, vector<64xf32>
    %reduce_sum3A_198 = arith.constant dense<0.000000e+00> : vector<7xf32>
    %reduce_sum3A_199 = vector.multi_reduction <add>, %add3A_193, %reduce_sum3A_198 [1] : vector<7x64xf32> to vector<7xf32>
    %broadcast_in_dim3A_200 = vector.shape_cast %reduce_sum3A_199 : vector<7xf32> to vector<7x1xf32>
    %div3A_201 = arith.constant 6.400000e+01 : f32
    %div3A_202 = vector.broadcast %div3A_201 : f32 to vector<7x1xf32>
    %div3A_203 = arith.divf %broadcast_in_dim3A_200, %div3A_202 : vector<7x1xf32>
    %sub3A_204 = vector.broadcast %div3A_203 : vector<7x1xf32> to vector<7x64xf32>
    %sub3A_205 = arith.subf %add3A_193, %sub3A_204 : vector<7x64xf32>
    %integer_pow3A_206 = arith.mulf %sub3A_205, %sub3A_205 : vector<7x64xf32>
    %reduce_sum3A_207 = arith.constant dense<0.000000e+00> : vector<7xf32>
    %reduce_sum3A_208 = vector.multi_reduction <add>, %integer_pow3A_206, %reduce_sum3A_207 [1] : vector<7x64xf32> to vector<7xf32>
    %broadcast_in_dim3A_209 = vector.shape_cast %reduce_sum3A_208 : vector<7xf32> to vector<7x1xf32>
    %div3A_210 = arith.constant 6.400000e+01 : f32
    %div3A_211 = vector.broadcast %div3A_210 : f32 to vector<7x1xf32>
    %div3A_212 = arith.divf %broadcast_in_dim3A_209, %div3A_211 : vector<7x1xf32>
    %sub3A_213 = vector.broadcast %div3A_203 : vector<7x1xf32> to vector<7x64xf32>
    %sub3A_214 = arith.subf %add3A_193, %sub3A_213 : vector<7x64xf32>
    %add3A_215 = arith.constant 9.99999974E-6 : f32
    %add3A_216 = vector.broadcast %add3A_215 : f32 to vector<7x1xf32>
    %add3A_217 = arith.addf %div3A_212, %add3A_216 : vector<7x1xf32>
    %sqrt3A_218 = math.sqrt %add3A_217 : vector<7x1xf32>
    %div3A_219 = vector.broadcast %sqrt3A_218 : vector<7x1xf32> to vector<7x64xf32>
    %div3A_220 = arith.divf %sub3A_214, %div3A_219 : vector<7x64xf32>
    %broadcast_in_dim3A_221 = vector.shape_cast %get3A_195 : vector<64xf32> to vector<1x64xf32>
    %mul3A_222 = vector.broadcast %broadcast_in_dim3A_221 : vector<1x64xf32> to vector<7x64xf32>
    %mul3A_223 = arith.mulf %div3A_220, %mul3A_222 : vector<7x64xf32>
    %broadcast_in_dim3A_224 = vector.shape_cast %get3A_197 : vector<64xf32> to vector<1x64xf32>
    %add3A_225 = vector.broadcast %broadcast_in_dim3A_224 : vector<1x64xf32> to vector<7x64xf32>
    %add3A_226 = arith.addf %mul3A_223, %add3A_225 : vector<7x64xf32>
    %get3A_227 = arith.constant 0 : index
    %get3A_228 = arith.constant 0 : index
    %get3A_229 = vector.load %arg8[%get3A_227, %get3A_228] : memref<64x64xbf16, #tpu.memory_space<vmem>>, vector<64x64xbf16>
    %convert_element_type3A_230 = arith.truncf %add3A_226 : vector<7x64xf32> to vector<7x64xbf16>
    %dot_general3A_231 = arith.constant dense<0.000000e+00> : vector<7x64xf32>
    %dot_general3A_232 = tpu.matmul %convert_element_type3A_230, %get3A_229, %dot_general3A_231 {dimension_numbers = #tpu.dot_dimension_numbers<[1], [0], [0], [1], [0, 0, 1, 1], [], []>, transpose_lhs_hint = false} : vector<7x64xbf16>, vector<64x64xbf16>, vector<7x64xf32> -> vector<7x64xf32>
    %convert_element_type3A_233 = arith.truncf %get3A_3 : vector<196x64xf32> to vector<196x64xbf16>
    %convert_element_type3A_234 = arith.truncf %dot_general3A_232 : vector<7x64xf32> to vector<7x64xbf16>
    %dot_general3A_235 = arith.constant dense<0.000000e+00> : vector<196x7xf32>
    %dot_general3A_236 = tpu.matmul %convert_element_type3A_233, %convert_element_type3A_234, %dot_general3A_235 {dimension_numbers = #tpu.dot_dimension_numbers<[1], [1], [0], [0], [0, 0, 1, 0], [], []>, transpose_lhs_hint = false} : vector<196x64xbf16>, vector<7x64xbf16>, vector<196x7xf32> -> vector<196x7xf32>
    %mul3A_237 = arith.constant 1.250000e-01 : f32
    %mul3A_238 = vector.broadcast %mul3A_237 : f32 to vector<196x7xf32>
    %mul3A_239 = arith.mulf %dot_general3A_236, %mul3A_238 : vector<196x7xf32>
    %reduce_max3A_240 = arith.constant dense<0xFF800000> : vector<196xf32>
    %reduce_max3A_241 = vector.multi_reduction <maximumf>, %mul3A_239, %reduce_max3A_240 [1] : vector<196x7xf32> to vector<196xf32>
    %max3A_242 = arith.constant 0xFF800000 : f32
    %max3A_243 = vector.broadcast %max3A_242 : f32 to vector<196xf32>
    %max3A_244 = arith.maximumf %max3A_243, %reduce_max3A_241 : vector<196xf32>
    %broadcast_in_dim3A_245 = vector.shape_cast %max3A_244 : vector<196xf32> to vector<196x1xf32>
    %sub3A_246 = vector.broadcast %broadcast_in_dim3A_245 : vector<196x1xf32> to vector<196x7xf32>
    %sub3A_247 = arith.subf %mul3A_239, %sub3A_246 : vector<196x7xf32>
    %exp3A_248 = math.exp %sub3A_247 : vector<196x7xf32>
    %reduce_sum3A_249 = arith.constant dense<0.000000e+00> : vector<196xf32>
    %reduce_sum3A_250 = vector.multi_reduction <add>, %exp3A_248, %reduce_sum3A_249 [1] : vector<196x7xf32> to vector<196xf32>
    %broadcast_in_dim3A_251 = vector.shape_cast %reduce_sum3A_250 : vector<196xf32> to vector<196x1xf32>
    %div3A_252 = vector.broadcast %broadcast_in_dim3A_251 : vector<196x1xf32> to vector<196x7xf32>
    %div3A_253 = arith.divf %exp3A_248, %div3A_252 : vector<196x7xf32>
    %reduce_sum3A_254 = arith.constant dense<0.000000e+00> : vector<7xf32>
    %reduce_sum3A_255 = vector.multi_reduction <add>, %div3A_253, %reduce_sum3A_254 [0] : vector<196x7xf32> to vector<7xf32>
    %broadcast_in_dim3A_256 = vector.shape_cast %reduce_sum3A_255 : vector<7xf32> to vector<1x7xf32>
    %add3A_257 = arith.constant 9.99999993E-9 : f32
    %add3A_258 = vector.broadcast %add3A_257 : f32 to vector<1x7xf32>
    %add3A_259 = arith.addf %broadcast_in_dim3A_256, %add3A_258 : vector<1x7xf32>
    %div3A_260 = vector.broadcast %add3A_259 : vector<1x7xf32> to vector<196x7xf32>
    %div3A_261 = arith.divf %div3A_253, %div3A_260 : vector<196x7xf32>
    %broadcast_in_dim3A_262 = arith.constant 0.000000e+00 : f32
    %broadcast_in_dim3A_263 = vector.broadcast %broadcast_in_dim3A_262 : f32 to vector<60x7xf32>
    %concatenate3A_264 = tpu.concatenate %div3A_261, %broadcast_in_dim3A_263 in 0 : vector<196x7xf32>, vector<60x7xf32> -> vector<256x7xf32>
    %convert_element_type3A_265 = arith.truncf %concatenate3A_264 : vector<256x7xf32> to vector<256x7xbf16>
    %convert_element_type3A_266 = arith.truncf %concatenate3A : vector<256x64xf32> to vector<256x64xbf16>
    %dot_general3A_267 = arith.constant dense<0.000000e+00> : vector<7x64xf32>
    %dot_general3A_268 = tpu.matmul %convert_element_type3A_265, %convert_element_type3A_266, %dot_general3A_267 {dimension_numbers = #tpu.dot_dimension_numbers<[0], [0], [1], [1], [0, 1, 1, 1], [], []>, transpose_lhs_hint = false} : vector<256x7xbf16>, vector<256x64xbf16>, vector<7x64xf32> -> vector<7x64xf32>
    %get3A_269 = arith.constant 0 : index
    %get3A_270 = arith.constant 0 : index
    %get3A_271 = vector.load %arg9[%get3A_269, %get3A_270] : memref<64x192xbf16, #tpu.memory_space<vmem>>, vector<64x192xbf16>
    %convert_element_type3A_272 = arith.truncf %dot_general3A_268 : vector<7x64xf32> to vector<7x64xbf16>
    %dot_general3A_273 = arith.constant dense<0.000000e+00> : vector<7x192xf32>
    %dot_general3A_274 = tpu.matmul %convert_element_type3A_272, %get3A_271, %dot_general3A_273 {dimension_numbers = #tpu.dot_dimension_numbers<[1], [0], [0], [1], [0, 0, 1, 1], [], []>, transpose_lhs_hint = false} : vector<7x64xbf16>, vector<64x192xbf16>, vector<7x192xf32> -> vector<7x192xf32>
    %get3A_275 = arith.constant 0 : index
    %get3A_276 = vector.load %arg10[%get3A_275] : memref<192xf32, #tpu.memory_space<vmem>>, vector<192xf32>
    %broadcast_in_dim3A_277 = vector.shape_cast %get3A_276 : vector<192xf32> to vector<1x192xf32>
    %add3A_278 = vector.broadcast %broadcast_in_dim3A_277 : vector<1x192xf32> to vector<7x192xf32>
    %add3A_279 = arith.addf %dot_general3A_274, %add3A_278 : vector<7x192xf32>
    %get3A_280 = arith.constant 0 : index
    %get3A_281 = arith.constant 0 : index
    %get3A_282 = vector.load %arg11[%get3A_280, %get3A_281] : memref<64x192xbf16, #tpu.memory_space<vmem>>, vector<64x192xbf16>
    %convert_element_type3A_283 = arith.truncf %add3A_193 : vector<7x64xf32> to vector<7x64xbf16>
    %dot_general3A_284 = arith.constant dense<0.000000e+00> : vector<7x192xf32>
    %dot_general3A_285 = tpu.matmul %convert_element_type3A_283, %get3A_282, %dot_general3A_284 {dimension_numbers = #tpu.dot_dimension_numbers<[1], [0], [0], [1], [0, 0, 1, 1], [], []>, transpose_lhs_hint = false} : vector<7x64xbf16>, vector<64x192xbf16>, vector<7x192xf32> -> vector<7x192xf32>
    %get3A_286 = arith.constant 0 : index
    %get3A_287 = vector.load %arg12[%get3A_286] : memref<192xf32, #tpu.memory_space<vmem>>, vector<192xf32>
    %broadcast_in_dim3A_288 = vector.shape_cast %get3A_287 : vector<192xf32> to vector<1x192xf32>
    %add3A_289 = vector.broadcast %broadcast_in_dim3A_288 : vector<1x192xf32> to vector<7x192xf32>
    %add3A_290 = arith.addf %dot_general3A_285, %add3A_289 : vector<7x192xf32>
    %slice3A_291 = vector.extract_strided_slice %add3A_279 {offsets = [0, 0], sizes = [7, 64], strides = [1, 1]} : vector<7x192xf32> to vector<7x64xf32>
    %slice3A_292 = vector.extract_strided_slice %add3A_290 {offsets = [0, 0], sizes = [7, 64], strides = [1, 1]} : vector<7x192xf32> to vector<7x64xf32>
    %add3A_293 = arith.addf %slice3A_291, %slice3A_292 : vector<7x64xf32>
    %logistic3A_294 = arith.negf %add3A_293 : vector<7x64xf32>
    %logistic3A_295 = math.exp %logistic3A_294 : vector<7x64xf32>
    %logistic3A_296 = arith.constant 1.000000e+00 : f32
    %logistic3A_297 = vector.broadcast %logistic3A_296 : f32 to vector<7x64xf32>
    %logistic3A_298 = arith.addf %logistic3A_297, %logistic3A_295 : vector<7x64xf32>
    %logistic3A_299 = arith.divf %logistic3A_297, %logistic3A_298 : vector<7x64xf32>
    %slice3A_300 = vector.extract_strided_slice %add3A_279 {offsets = [0, 64], sizes = [7, 64], strides = [1, 1]} : vector<7x192xf32> to vector<7x64xf32>
    %slice3A_301 = vector.extract_strided_slice %add3A_290 {offsets = [0, 64], sizes = [7, 64], strides = [1, 1]} : vector<7x192xf32> to vector<7x64xf32>
    %add3A_302 = arith.addf %slice3A_300, %slice3A_301 : vector<7x64xf32>
    %logistic3A_303 = arith.negf %add3A_302 : vector<7x64xf32>
    %logistic3A_304 = math.exp %logistic3A_303 : vector<7x64xf32>
    %logistic3A_305 = arith.constant 1.000000e+00 : f32
    %logistic3A_306 = vector.broadcast %logistic3A_305 : f32 to vector<7x64xf32>
    %logistic3A_307 = arith.addf %logistic3A_306, %logistic3A_304 : vector<7x64xf32>
    %logistic3A_308 = arith.divf %logistic3A_306, %logistic3A_307 : vector<7x64xf32>
    %slice3A_309 = vector.extract_strided_slice %add3A_279 {offsets = [0, 128], sizes = [7, 64], strides = [1, 1]} : vector<7x192xf32> to vector<7x64xf32>
    %slice3A_310 = vector.extract_strided_slice %add3A_290 {offsets = [0, 128], sizes = [7, 64], strides = [1, 1]} : vector<7x192xf32> to vector<7x64xf32>
    %mul3A_311 = arith.mulf %logistic3A_299, %slice3A_310 : vector<7x64xf32>
    %add3A_312 = arith.addf %slice3A_309, %mul3A_311 : vector<7x64xf32>
    %tanh3A_313 = math.tanh %add3A_312 : vector<7x64xf32>
    %sub3A_314 = arith.constant 1.000000e+00 : f32
    %sub3A_315 = vector.broadcast %sub3A_314 : f32 to vector<7x64xf32>
    %sub3A_316 = arith.subf %sub3A_315, %logistic3A_308 : vector<7x64xf32>
    %mul3A_317 = arith.mulf %sub3A_316, %tanh3A_313 : vector<7x64xf32>
    %mul3A_318 = arith.mulf %logistic3A_308, %add3A_193 : vector<7x64xf32>
    %add3A_319 = arith.addf %mul3A_317, %mul3A_318 : vector<7x64xf32>
    %get3A_320 = arith.constant 0 : index
    %get3A_321 = vector.load %arg13[%get3A_320] : memref<64xf32, #tpu.memory_space<vmem>>, vector<64xf32>
    %get3A_322 = arith.constant 0 : index
    %get3A_323 = vector.load %arg14[%get3A_322] : memref<64xf32, #tpu.memory_space<vmem>>, vector<64xf32>
    %reduce_sum3A_324 = arith.constant dense<0.000000e+00> : vector<7xf32>
    %reduce_sum3A_325 = vector.multi_reduction <add>, %add3A_319, %reduce_sum3A_324 [1] : vector<7x64xf32> to vector<7xf32>
    %broadcast_in_dim3A_326 = vector.shape_cast %reduce_sum3A_325 : vector<7xf32> to vector<7x1xf32>
    %div3A_327 = arith.constant 6.400000e+01 : f32
    %div3A_328 = vector.broadcast %div3A_327 : f32 to vector<7x1xf32>
    %div3A_329 = arith.divf %broadcast_in_dim3A_326, %div3A_328 : vector<7x1xf32>
    %sub3A_330 = vector.broadcast %div3A_329 : vector<7x1xf32> to vector<7x64xf32>
    %sub3A_331 = arith.subf %add3A_319, %sub3A_330 : vector<7x64xf32>
    %integer_pow3A_332 = arith.mulf %sub3A_331, %sub3A_331 : vector<7x64xf32>
    %reduce_sum3A_333 = arith.constant dense<0.000000e+00> : vector<7xf32>
    %reduce_sum3A_334 = vector.multi_reduction <add>, %integer_pow3A_332, %reduce_sum3A_333 [1] : vector<7x64xf32> to vector<7xf32>
    %broadcast_in_dim3A_335 = vector.shape_cast %reduce_sum3A_334 : vector<7xf32> to vector<7x1xf32>
    %div3A_336 = arith.constant 6.400000e+01 : f32
    %div3A_337 = vector.broadcast %div3A_336 : f32 to vector<7x1xf32>
    %div3A_338 = arith.divf %broadcast_in_dim3A_335, %div3A_337 : vector<7x1xf32>
    %sub3A_339 = vector.broadcast %div3A_329 : vector<7x1xf32> to vector<7x64xf32>
    %sub3A_340 = arith.subf %add3A_319, %sub3A_339 : vector<7x64xf32>
    %add3A_341 = arith.constant 9.99999974E-6 : f32
    %add3A_342 = vector.broadcast %add3A_341 : f32 to vector<7x1xf32>
    %add3A_343 = arith.addf %div3A_338, %add3A_342 : vector<7x1xf32>
    %sqrt3A_344 = math.sqrt %add3A_343 : vector<7x1xf32>
    %div3A_345 = vector.broadcast %sqrt3A_344 : vector<7x1xf32> to vector<7x64xf32>
    %div3A_346 = arith.divf %sub3A_340, %div3A_345 : vector<7x64xf32>
    %broadcast_in_dim3A_347 = vector.shape_cast %get3A_321 : vector<64xf32> to vector<1x64xf32>
    %mul3A_348 = vector.broadcast %broadcast_in_dim3A_347 : vector<1x64xf32> to vector<7x64xf32>
    %mul3A_349 = arith.mulf %div3A_346, %mul3A_348 : vector<7x64xf32>
    %broadcast_in_dim3A_350 = vector.shape_cast %get3A_323 : vector<64xf32> to vector<1x64xf32>
    %add3A_351 = vector.broadcast %broadcast_in_dim3A_350 : vector<1x64xf32> to vector<7x64xf32>
    %add3A_352 = arith.addf %mul3A_349, %add3A_351 : vector<7x64xf32>
    %get3A_353 = arith.constant 0 : index
    %get3A_354 = arith.constant 0 : index
    %get3A_355 = vector.load %arg15[%get3A_353, %get3A_354] : memref<64x128xbf16, #tpu.memory_space<vmem>>, vector<64x128xbf16>
    %convert_element_type3A_356 = arith.truncf %add3A_352 : vector<7x64xf32> to vector<7x64xbf16>
    %dot_general3A_357 = arith.constant dense<0.000000e+00> : vector<7x128xf32>
    %dot_general3A_358 = tpu.matmul %convert_element_type3A_356, %get3A_355, %dot_general3A_357 {dimension_numbers = #tpu.dot_dimension_numbers<[1], [0], [0], [1], [0, 0, 1, 1], [], []>, transpose_lhs_hint = false} : vector<7x64xbf16>, vector<64x128xbf16>, vector<7x128xf32> -> vector<7x128xf32>
    %get3A_359 = arith.constant 0 : index
    %get3A_360 = vector.load %arg16[%get3A_359] : memref<128xf32, #tpu.memory_space<vmem>>, vector<128xf32>
    %broadcast_in_dim3A_361 = vector.shape_cast %get3A_360 : vector<128xf32> to vector<1x128xf32>
    %add3A_362 = vector.broadcast %broadcast_in_dim3A_361 : vector<1x128xf32> to vector<7x128xf32>
    %add3A_363 = arith.addf %dot_general3A_358, %add3A_362 : vector<7x128xf32>
    %max3A_364 = arith.constant 0.000000e+00 : f32
    %max3A_365 = vector.broadcast %max3A_364 : f32 to vector<7x128xf32>
    %max3A_366 = arith.maximumf %add3A_363, %max3A_365 : vector<7x128xf32>
    %get3A_367 = arith.constant 0 : index
    %get3A_368 = arith.constant 0 : index
    %get3A_369 = vector.load %arg17[%get3A_367, %get3A_368] : memref<128x64xbf16, #tpu.memory_space<vmem>>, vector<128x64xbf16>
    %convert_element_type3A_370 = arith.truncf %max3A_366 : vector<7x128xf32> to vector<7x128xbf16>
    %dot_general3A_371 = arith.constant dense<0.000000e+00> : vector<7x64xf32>
    %dot_general3A_372 = tpu.matmul %convert_element_type3A_370, %get3A_369, %dot_general3A_371 {dimension_numbers = #tpu.dot_dimension_numbers<[1], [0], [0], [1], [0, 0, 1, 1], [], []>, transpose_lhs_hint = false} : vector<7x128xbf16>, vector<128x64xbf16>, vector<7x64xf32> -> vector<7x64xf32>
    %get3A_373 = arith.constant 0 : index
    %get3A_374 = vector.load %arg18[%get3A_373] : memref<64xf32, #tpu.memory_space<vmem>>, vector<64xf32>
    %broadcast_in_dim3A_375 = vector.shape_cast %get3A_374 : vector<64xf32> to vector<1x64xf32>
    %add3A_376 = vector.broadcast %broadcast_in_dim3A_375 : vector<1x64xf32> to vector<7x64xf32>
    %add3A_377 = arith.addf %dot_general3A_372, %add3A_376 : vector<7x64xf32>
    %add3A_378 = arith.addf %add3A_319, %add3A_377 : vector<7x64xf32>
    %get3A_379 = arith.constant 0 : index
    %get3A_380 = vector.load %arg6[%get3A_379] : memref<64xf32, #tpu.memory_space<vmem>>, vector<64xf32>
    %get3A_381 = arith.constant 0 : index
    %get3A_382 = vector.load %arg7[%get3A_381] : memref<64xf32, #tpu.memory_space<vmem>>, vector<64xf32>
    %reduce_sum3A_383 = arith.constant dense<0.000000e+00> : vector<7xf32>
    %reduce_sum3A_384 = vector.multi_reduction <add>, %add3A_378, %reduce_sum3A_383 [1] : vector<7x64xf32> to vector<7xf32>
    %broadcast_in_dim3A_385 = vector.shape_cast %reduce_sum3A_384 : vector<7xf32> to vector<7x1xf32>
    %div3A_386 = arith.constant 6.400000e+01 : f32
    %div3A_387 = vector.broadcast %div3A_386 : f32 to vector<7x1xf32>
    %div3A_388 = arith.divf %broadcast_in_dim3A_385, %div3A_387 : vector<7x1xf32>
    %sub3A_389 = vector.broadcast %div3A_388 : vector<7x1xf32> to vector<7x64xf32>
    %sub3A_390 = arith.subf %add3A_378, %sub3A_389 : vector<7x64xf32>
    %integer_pow3A_391 = arith.mulf %sub3A_390, %sub3A_390 : vector<7x64xf32>
    %reduce_sum3A_392 = arith.constant dense<0.000000e+00> : vector<7xf32>
    %reduce_sum3A_393 = vector.multi_reduction <add>, %integer_pow3A_391, %reduce_sum3A_392 [1] : vector<7x64xf32> to vector<7xf32>
    %broadcast_in_dim3A_394 = vector.shape_cast %reduce_sum3A_393 : vector<7xf32> to vector<7x1xf32>
    %div3A_395 = arith.constant 6.400000e+01 : f32
    %div3A_396 = vector.broadcast %div3A_395 : f32 to vector<7x1xf32>
    %div3A_397 = arith.divf %broadcast_in_dim3A_394, %div3A_396 : vector<7x1xf32>
    %sub3A_398 = vector.broadcast %div3A_388 : vector<7x1xf32> to vector<7x64xf32>
    %sub3A_399 = arith.subf %add3A_378, %sub3A_398 : vector<7x64xf32>
    %add3A_400 = arith.constant 9.99999974E-6 : f32
    %add3A_401 = vector.broadcast %add3A_400 : f32 to vector<7x1xf32>
    %add3A_402 = arith.addf %div3A_397, %add3A_401 : vector<7x1xf32>
    %sqrt3A_403 = math.sqrt %add3A_402 : vector<7x1xf32>
    %div3A_404 = vector.broadcast %sqrt3A_403 : vector<7x1xf32> to vector<7x64xf32>
    %div3A_405 = arith.divf %sub3A_399, %div3A_404 : vector<7x64xf32>
    %broadcast_in_dim3A_406 = vector.shape_cast %get3A_380 : vector<64xf32> to vector<1x64xf32>
    %mul3A_407 = vector.broadcast %broadcast_in_dim3A_406 : vector<1x64xf32> to vector<7x64xf32>
    %mul3A_408 = arith.mulf %div3A_405, %mul3A_407 : vector<7x64xf32>
    %broadcast_in_dim3A_409 = vector.shape_cast %get3A_382 : vector<64xf32> to vector<1x64xf32>
    %add3A_410 = vector.broadcast %broadcast_in_dim3A_409 : vector<1x64xf32> to vector<7x64xf32>
    %add3A_411 = arith.addf %mul3A_408, %add3A_410 : vector<7x64xf32>
    %get3A_412 = arith.constant 0 : index
    %get3A_413 = arith.constant 0 : index
    %get3A_414 = vector.load %arg8[%get3A_412, %get3A_413] : memref<64x64xbf16, #tpu.memory_space<vmem>>, vector<64x64xbf16>
    %convert_element_type3A_415 = arith.truncf %add3A_411 : vector<7x64xf32> to vector<7x64xbf16>
    %dot_general3A_416 = arith.constant dense<0.000000e+00> : vector<7x64xf32>
    %dot_general3A_417 = tpu.matmul %convert_element_type3A_415, %get3A_414, %dot_general3A_416 {dimension_numbers = #tpu.dot_dimension_numbers<[1], [0], [0], [1], [0, 0, 1, 1], [], []>, transpose_lhs_hint = false} : vector<7x64xbf16>, vector<64x64xbf16>, vector<7x64xf32> -> vector<7x64xf32>
    %convert_element_type3A_418 = arith.truncf %get3A_3 : vector<196x64xf32> to vector<196x64xbf16>
    %convert_element_type3A_419 = arith.truncf %dot_general3A_417 : vector<7x64xf32> to vector<7x64xbf16>
    %dot_general3A_420 = arith.constant dense<0.000000e+00> : vector<196x7xf32>
    %dot_general3A_421 = tpu.matmul %convert_element_type3A_418, %convert_element_type3A_419, %dot_general3A_420 {dimension_numbers = #tpu.dot_dimension_numbers<[1], [1], [0], [0], [0, 0, 1, 0], [], []>, transpose_lhs_hint = false} : vector<196x64xbf16>, vector<7x64xbf16>, vector<196x7xf32> -> vector<196x7xf32>
    %mul3A_422 = arith.constant 1.250000e-01 : f32
    %mul3A_423 = vector.broadcast %mul3A_422 : f32 to vector<196x7xf32>
    %mul3A_424 = arith.mulf %dot_general3A_421, %mul3A_423 : vector<196x7xf32>
    %reduce_max3A_425 = arith.constant dense<0xFF800000> : vector<196xf32>
    %reduce_max3A_426 = vector.multi_reduction <maximumf>, %mul3A_424, %reduce_max3A_425 [1] : vector<196x7xf32> to vector<196xf32>
    %max3A_427 = arith.constant 0xFF800000 : f32
    %max3A_428 = vector.broadcast %max3A_427 : f32 to vector<196xf32>
    %max3A_429 = arith.maximumf %max3A_428, %reduce_max3A_426 : vector<196xf32>
    %broadcast_in_dim3A_430 = vector.shape_cast %max3A_429 : vector<196xf32> to vector<196x1xf32>
    %sub3A_431 = vector.broadcast %broadcast_in_dim3A_430 : vector<196x1xf32> to vector<196x7xf32>
    %sub3A_432 = arith.subf %mul3A_424, %sub3A_431 : vector<196x7xf32>
    %exp3A_433 = math.exp %sub3A_432 : vector<196x7xf32>
    %reduce_sum3A_434 = arith.constant dense<0.000000e+00> : vector<196xf32>
    %reduce_sum3A_435 = vector.multi_reduction <add>, %exp3A_433, %reduce_sum3A_434 [1] : vector<196x7xf32> to vector<196xf32>
    %broadcast_in_dim3A_436 = vector.shape_cast %reduce_sum3A_435 : vector<196xf32> to vector<196x1xf32>
    %div3A_437 = vector.broadcast %broadcast_in_dim3A_436 : vector<196x1xf32> to vector<196x7xf32>
    %div3A_438 = arith.divf %exp3A_433, %div3A_437 : vector<196x7xf32>
    %reduce_sum3A_439 = arith.constant dense<0.000000e+00> : vector<7xf32>
    %reduce_sum3A_440 = vector.multi_reduction <add>, %div3A_438, %reduce_sum3A_439 [0] : vector<196x7xf32> to vector<7xf32>
    %broadcast_in_dim3A_441 = vector.shape_cast %reduce_sum3A_440 : vector<7xf32> to vector<1x7xf32>
    %add3A_442 = arith.constant 9.99999993E-9 : f32
    %add3A_443 = vector.broadcast %add3A_442 : f32 to vector<1x7xf32>
    %add3A_444 = arith.addf %broadcast_in_dim3A_441, %add3A_443 : vector<1x7xf32>
    %div3A_445 = vector.broadcast %add3A_444 : vector<1x7xf32> to vector<196x7xf32>
    %div3A_446 = arith.divf %div3A_438, %div3A_445 : vector<196x7xf32>
    %broadcast_in_dim3A_447 = arith.constant 0.000000e+00 : f32
    %broadcast_in_dim3A_448 = vector.broadcast %broadcast_in_dim3A_447 : f32 to vector<60x7xf32>
    %concatenate3A_449 = tpu.concatenate %div3A_446, %broadcast_in_dim3A_448 in 0 : vector<196x7xf32>, vector<60x7xf32> -> vector<256x7xf32>
    %convert_element_type3A_450 = arith.truncf %concatenate3A_449 : vector<256x7xf32> to vector<256x7xbf16>
    %convert_element_type3A_451 = arith.truncf %concatenate3A : vector<256x64xf32> to vector<256x64xbf16>
    %dot_general3A_452 = arith.constant dense<0.000000e+00> : vector<7x64xf32>
    %dot_general3A_453 = tpu.matmul %convert_element_type3A_450, %convert_element_type3A_451, %dot_general3A_452 {dimension_numbers = #tpu.dot_dimension_numbers<[0], [0], [1], [1], [0, 1, 1, 1], [], []>, transpose_lhs_hint = false} : vector<256x7xbf16>, vector<256x64xbf16>, vector<7x64xf32> -> vector<7x64xf32>
    %get3A_454 = arith.constant 0 : index
    %get3A_455 = arith.constant 0 : index
    %get3A_456 = vector.load %arg9[%get3A_454, %get3A_455] : memref<64x192xbf16, #tpu.memory_space<vmem>>, vector<64x192xbf16>
    %convert_element_type3A_457 = arith.truncf %dot_general3A_453 : vector<7x64xf32> to vector<7x64xbf16>
    %dot_general3A_458 = arith.constant dense<0.000000e+00> : vector<7x192xf32>
    %dot_general3A_459 = tpu.matmul %convert_element_type3A_457, %get3A_456, %dot_general3A_458 {dimension_numbers = #tpu.dot_dimension_numbers<[1], [0], [0], [1], [0, 0, 1, 1], [], []>, transpose_lhs_hint = false} : vector<7x64xbf16>, vector<64x192xbf16>, vector<7x192xf32> -> vector<7x192xf32>
    %get3A_460 = arith.constant 0 : index
    %get3A_461 = vector.load %arg10[%get3A_460] : memref<192xf32, #tpu.memory_space<vmem>>, vector<192xf32>
    %broadcast_in_dim3A_462 = vector.shape_cast %get3A_461 : vector<192xf32> to vector<1x192xf32>
    %add3A_463 = vector.broadcast %broadcast_in_dim3A_462 : vector<1x192xf32> to vector<7x192xf32>
    %add3A_464 = arith.addf %dot_general3A_459, %add3A_463 : vector<7x192xf32>
    %get3A_465 = arith.constant 0 : index
    %get3A_466 = arith.constant 0 : index
    %get3A_467 = vector.load %arg11[%get3A_465, %get3A_466] : memref<64x192xbf16, #tpu.memory_space<vmem>>, vector<64x192xbf16>
    %convert_element_type3A_468 = arith.truncf %add3A_378 : vector<7x64xf32> to vector<7x64xbf16>
    %dot_general3A_469 = arith.constant dense<0.000000e+00> : vector<7x192xf32>
    %dot_general3A_470 = tpu.matmul %convert_element_type3A_468, %get3A_467, %dot_general3A_469 {dimension_numbers = #tpu.dot_dimension_numbers<[1], [0], [0], [1], [0, 0, 1, 1], [], []>, transpose_lhs_hint = false} : vector<7x64xbf16>, vector<64x192xbf16>, vector<7x192xf32> -> vector<7x192xf32>
    %get3A_471 = arith.constant 0 : index
    %get3A_472 = vector.load %arg12[%get3A_471] : memref<192xf32, #tpu.memory_space<vmem>>, vector<192xf32>
    %broadcast_in_dim3A_473 = vector.shape_cast %get3A_472 : vector<192xf32> to vector<1x192xf32>
    %add3A_474 = vector.broadcast %broadcast_in_dim3A_473 : vector<1x192xf32> to vector<7x192xf32>
    %add3A_475 = arith.addf %dot_general3A_470, %add3A_474 : vector<7x192xf32>
    %slice3A_476 = vector.extract_strided_slice %add3A_464 {offsets = [0, 0], sizes = [7, 64], strides = [1, 1]} : vector<7x192xf32> to vector<7x64xf32>
    %slice3A_477 = vector.extract_strided_slice %add3A_475 {offsets = [0, 0], sizes = [7, 64], strides = [1, 1]} : vector<7x192xf32> to vector<7x64xf32>
    %add3A_478 = arith.addf %slice3A_476, %slice3A_477 : vector<7x64xf32>
    %logistic3A_479 = arith.negf %add3A_478 : vector<7x64xf32>
    %logistic3A_480 = math.exp %logistic3A_479 : vector<7x64xf32>
    %logistic3A_481 = arith.constant 1.000000e+00 : f32
    %logistic3A_482 = vector.broadcast %logistic3A_481 : f32 to vector<7x64xf32>
    %logistic3A_483 = arith.addf %logistic3A_482, %logistic3A_480 : vector<7x64xf32>
    %logistic3A_484 = arith.divf %logistic3A_482, %logistic3A_483 : vector<7x64xf32>
    %slice3A_485 = vector.extract_strided_slice %add3A_464 {offsets = [0, 64], sizes = [7, 64], strides = [1, 1]} : vector<7x192xf32> to vector<7x64xf32>
    %slice3A_486 = vector.extract_strided_slice %add3A_475 {offsets = [0, 64], sizes = [7, 64], strides = [1, 1]} : vector<7x192xf32> to vector<7x64xf32>
    %add3A_487 = arith.addf %slice3A_485, %slice3A_486 : vector<7x64xf32>
    %logistic3A_488 = arith.negf %add3A_487 : vector<7x64xf32>
    %logistic3A_489 = math.exp %logistic3A_488 : vector<7x64xf32>
    %logistic3A_490 = arith.constant 1.000000e+00 : f32
    %logistic3A_491 = vector.broadcast %logistic3A_490 : f32 to vector<7x64xf32>
    %logistic3A_492 = arith.addf %logistic3A_491, %logistic3A_489 : vector<7x64xf32>
    %logistic3A_493 = arith.divf %logistic3A_491, %logistic3A_492 : vector<7x64xf32>
    %slice3A_494 = vector.extract_strided_slice %add3A_464 {offsets = [0, 128], sizes = [7, 64], strides = [1, 1]} : vector<7x192xf32> to vector<7x64xf32>
    %slice3A_495 = vector.extract_strided_slice %add3A_475 {offsets = [0, 128], sizes = [7, 64], strides = [1, 1]} : vector<7x192xf32> to vector<7x64xf32>
    %mul3A_496 = arith.mulf %logistic3A_484, %slice3A_495 : vector<7x64xf32>
    %add3A_497 = arith.addf %slice3A_494, %mul3A_496 : vector<7x64xf32>
    %tanh3A_498 = math.tanh %add3A_497 : vector<7x64xf32>
    %sub3A_499 = arith.constant 1.000000e+00 : f32
    %sub3A_500 = vector.broadcast %sub3A_499 : f32 to vector<7x64xf32>
    %sub3A_501 = arith.subf %sub3A_500, %logistic3A_493 : vector<7x64xf32>
    %mul3A_502 = arith.mulf %sub3A_501, %tanh3A_498 : vector<7x64xf32>
    %mul3A_503 = arith.mulf %logistic3A_493, %add3A_378 : vector<7x64xf32>
    %add3A_504 = arith.addf %mul3A_502, %mul3A_503 : vector<7x64xf32>
    %get3A_505 = arith.constant 0 : index
    %get3A_506 = vector.load %arg13[%get3A_505] : memref<64xf32, #tpu.memory_space<vmem>>, vector<64xf32>
    %get3A_507 = arith.constant 0 : index
    %get3A_508 = vector.load %arg14[%get3A_507] : memref<64xf32, #tpu.memory_space<vmem>>, vector<64xf32>
    %reduce_sum3A_509 = arith.constant dense<0.000000e+00> : vector<7xf32>
    %reduce_sum3A_510 = vector.multi_reduction <add>, %add3A_504, %reduce_sum3A_509 [1] : vector<7x64xf32> to vector<7xf32>
    %broadcast_in_dim3A_511 = vector.shape_cast %reduce_sum3A_510 : vector<7xf32> to vector<7x1xf32>
    %div3A_512 = arith.constant 6.400000e+01 : f32
    %div3A_513 = vector.broadcast %div3A_512 : f32 to vector<7x1xf32>
    %div3A_514 = arith.divf %broadcast_in_dim3A_511, %div3A_513 : vector<7x1xf32>
    %sub3A_515 = vector.broadcast %div3A_514 : vector<7x1xf32> to vector<7x64xf32>
    %sub3A_516 = arith.subf %add3A_504, %sub3A_515 : vector<7x64xf32>
    %integer_pow3A_517 = arith.mulf %sub3A_516, %sub3A_516 : vector<7x64xf32>
    %reduce_sum3A_518 = arith.constant dense<0.000000e+00> : vector<7xf32>
    %reduce_sum3A_519 = vector.multi_reduction <add>, %integer_pow3A_517, %reduce_sum3A_518 [1] : vector<7x64xf32> to vector<7xf32>
    %broadcast_in_dim3A_520 = vector.shape_cast %reduce_sum3A_519 : vector<7xf32> to vector<7x1xf32>
    %div3A_521 = arith.constant 6.400000e+01 : f32
    %div3A_522 = vector.broadcast %div3A_521 : f32 to vector<7x1xf32>
    %div3A_523 = arith.divf %broadcast_in_dim3A_520, %div3A_522 : vector<7x1xf32>
    %sub3A_524 = vector.broadcast %div3A_514 : vector<7x1xf32> to vector<7x64xf32>
    %sub3A_525 = arith.subf %add3A_504, %sub3A_524 : vector<7x64xf32>
    %add3A_526 = arith.constant 9.99999974E-6 : f32
    %add3A_527 = vector.broadcast %add3A_526 : f32 to vector<7x1xf32>
    %add3A_528 = arith.addf %div3A_523, %add3A_527 : vector<7x1xf32>
    %sqrt3A_529 = math.sqrt %add3A_528 : vector<7x1xf32>
    %div3A_530 = vector.broadcast %sqrt3A_529 : vector<7x1xf32> to vector<7x64xf32>
    %div3A_531 = arith.divf %sub3A_525, %div3A_530 : vector<7x64xf32>
    %broadcast_in_dim3A_532 = vector.shape_cast %get3A_506 : vector<64xf32> to vector<1x64xf32>
    %mul3A_533 = vector.broadcast %broadcast_in_dim3A_532 : vector<1x64xf32> to vector<7x64xf32>
    %mul3A_534 = arith.mulf %div3A_531, %mul3A_533 : vector<7x64xf32>
    %broadcast_in_dim3A_535 = vector.shape_cast %get3A_508 : vector<64xf32> to vector<1x64xf32>
    %add3A_536 = vector.broadcast %broadcast_in_dim3A_535 : vector<1x64xf32> to vector<7x64xf32>
    %add3A_537 = arith.addf %mul3A_534, %add3A_536 : vector<7x64xf32>
    %get3A_538 = arith.constant 0 : index
    %get3A_539 = arith.constant 0 : index
    %get3A_540 = vector.load %arg15[%get3A_538, %get3A_539] : memref<64x128xbf16, #tpu.memory_space<vmem>>, vector<64x128xbf16>
    %convert_element_type3A_541 = arith.truncf %add3A_537 : vector<7x64xf32> to vector<7x64xbf16>
    %dot_general3A_542 = arith.constant dense<0.000000e+00> : vector<7x128xf32>
    %dot_general3A_543 = tpu.matmul %convert_element_type3A_541, %get3A_540, %dot_general3A_542 {dimension_numbers = #tpu.dot_dimension_numbers<[1], [0], [0], [1], [0, 0, 1, 1], [], []>, transpose_lhs_hint = false} : vector<7x64xbf16>, vector<64x128xbf16>, vector<7x128xf32> -> vector<7x128xf32>
    %get3A_544 = arith.constant 0 : index
    %get3A_545 = vector.load %arg16[%get3A_544] : memref<128xf32, #tpu.memory_space<vmem>>, vector<128xf32>
    %broadcast_in_dim3A_546 = vector.shape_cast %get3A_545 : vector<128xf32> to vector<1x128xf32>
    %add3A_547 = vector.broadcast %broadcast_in_dim3A_546 : vector<1x128xf32> to vector<7x128xf32>
    %add3A_548 = arith.addf %dot_general3A_543, %add3A_547 : vector<7x128xf32>
    %max3A_549 = arith.constant 0.000000e+00 : f32
    %max3A_550 = vector.broadcast %max3A_549 : f32 to vector<7x128xf32>
    %max3A_551 = arith.maximumf %add3A_548, %max3A_550 : vector<7x128xf32>
    %get3A_552 = arith.constant 0 : index
    %get3A_553 = arith.constant 0 : index
    %get3A_554 = vector.load %arg17[%get3A_552, %get3A_553] : memref<128x64xbf16, #tpu.memory_space<vmem>>, vector<128x64xbf16>
    %convert_element_type3A_555 = arith.truncf %max3A_551 : vector<7x128xf32> to vector<7x128xbf16>
    %dot_general3A_556 = arith.constant dense<0.000000e+00> : vector<7x64xf32>
    %dot_general3A_557 = tpu.matmul %convert_element_type3A_555, %get3A_554, %dot_general3A_556 {dimension_numbers = #tpu.dot_dimension_numbers<[1], [0], [0], [1], [0, 0, 1, 1], [], []>, transpose_lhs_hint = false} : vector<7x128xbf16>, vector<128x64xbf16>, vector<7x64xf32> -> vector<7x64xf32>
    %get3A_558 = arith.constant 0 : index
    %get3A_559 = vector.load %arg18[%get3A_558] : memref<64xf32, #tpu.memory_space<vmem>>, vector<64xf32>
    %broadcast_in_dim3A_560 = vector.shape_cast %get3A_559 : vector<64xf32> to vector<1x64xf32>
    %add3A_561 = vector.broadcast %broadcast_in_dim3A_560 : vector<1x64xf32> to vector<7x64xf32>
    %add3A_562 = arith.addf %dot_general3A_557, %add3A_561 : vector<7x64xf32>
    %add3A_563 = arith.addf %add3A_504, %add3A_562 : vector<7x64xf32>
    %swap3A = arith.constant 0 : index
    %swap3A_564 = arith.constant 0 : index
    %swap3A_565 = arith.constant 0 : index
    %swap3A_566 = vector.load %arg19[%swap3A, %swap3A_564, %swap3A_565] : memref<1x7x64xf32, #tpu.memory_space<vmem>>, vector<1x7x64xf32>
    %swap3A_567 = vector.shape_cast %swap3A_566 : vector<1x7x64xf32> to vector<7x64xf32>
    %swap3A_568 = vector.shape_cast %add3A_563 : vector<7x64xf32> to vector<1x7x64xf32>
    tpu.vector_store %arg19[%swap3A, %swap3A_564, %swap3A_565], %swap3A_568 {strides = array<i32>} : memref<1x7x64xf32, #tpu.memory_space<vmem>>, vector<1x7x64xf32>,
    return
  }
  func.func @transform_0(%arg0: i32) -> (i32, i32, i32) {
    %c0_i32 = arith.constant 0 : i32
    %c0_i32_0 = arith.constant 0 : i32
    %c0_i32_1 = arith.constant 0 : i32
    return %arg0, %c0_i32, %c0_i32_0 : i32, i32, i32
  }
  func.func @transform_1(%arg0: i32) -> (i32, i32, i32) {
    %c0_i32 = arith.constant 0 : i32
    %c0_i32_0 = arith.constant 0 : i32
    %c0_i32_1 = arith.constant 0 : i32
    return %arg0, %c0_i32, %c0_i32_0 : i32, i32, i32
  }
  func.func @transform_2(%arg0: i32) -> (i32, i32, i32) {
    %c0_i32 = arith.constant 0 : i32
    %c0_i32_0 = arith.constant 0 : i32
    %c0_i32_1 = arith.constant 0 : i32
    return %arg0, %c0_i32, %c0_i32_0 : i32, i32, i32
  }
  func.func @transform_3(%arg0: i32) -> (i32, i32) {
    %c0_i32 = arith.constant 0 : i32
    %c0_i32_0 = arith.constant 0 : i32
    %c0_i32_1 = arith.constant 0 : i32
    return %c0_i32, %c0_i32_0 : i32, i32
  }
  func.func @transform_4(%arg0: i32) -> (i32, i32) {
    %c0_i32 = arith.constant 0 : i32
    %c0_i32_0 = arith.constant 0 : i32
    %c0_i32_1 = arith.constant 0 : i32
    return %c0_i32, %c0_i32_0 : i32, i32
  }
  func.func @transform_5(%arg0: i32) -> i32 {
    %c0_i32 = arith.constant 0 : i32
    %c0_i32_0 = arith.constant 0 : i32
    return %c0_i32 : i32
  }
  func.func @transform_6(%arg0: i32) -> i32 {
    %c0_i32 = arith.constant 0 : i32
    %c0_i32_0 = arith.constant 0 : i32
    return %c0_i32 : i32
  }
  func.func @transform_7(%arg0: i32) -> (i32, i32) {
    %c0_i32 = arith.constant 0 : i32
    %c0_i32_0 = arith.constant 0 : i32
    %c0_i32_1 = arith.constant 0 : i32
    return %c0_i32, %c0_i32_0 : i32, i32
  }
  func.func @transform_8(%arg0: i32) -> (i32, i32) {
    %c0_i32 = arith.constant 0 : i32
    %c0_i32_0 = arith.constant 0 : i32
    %c0_i32_1 = arith.constant 0 : i32
    return %c0_i32, %c0_i32_0 : i32, i32
  }
  func.func @transform_9(%arg0: i32) -> i32 {
    %c0_i32 = arith.constant 0 : i32
    %c0_i32_0 = arith.constant 0 : i32
    return %c0_i32 : i32
  }
  func.func @transform_10(%arg0: i32) -> (i32, i32) {
    %c0_i32 = arith.constant 0 : i32
    %c0_i32_0 = arith.constant 0 : i32
    %c0_i32_1 = arith.constant 0 : i32
    return %c0_i32, %c0_i32_0 : i32, i32
  }
  func.func @transform_11(%arg0: i32) -> i32 {
    %c0_i32 = arith.constant 0 : i32
    %c0_i32_0 = arith.constant 0 : i32
    return %c0_i32 : i32
  }
  func.func @transform_12(%arg0: i32) -> i32 {
    %c0_i32 = arith.constant 0 : i32
    %c0_i32_0 = arith.constant 0 : i32
    return %c0_i32 : i32
  }
  func.func @transform_13(%arg0: i32) -> i32 {
    %c0_i32 = arith.constant 0 : i32
    %c0_i32_0 = arith.constant 0 : i32
    return %c0_i32 : i32
  }
  func.func @transform_14(%arg0: i32) -> (i32, i32) {
    %c0_i32 = arith.constant 0 : i32
    %c0_i32_0 = arith.constant 0 : i32
    %c0_i32_1 = arith.constant 0 : i32
    return %c0_i32, %c0_i32_0 : i32, i32
  }
  func.func @transform_15(%arg0: i32) -> i32 {
    %c0_i32 = arith.constant 0 : i32
    %c0_i32_0 = arith.constant 0 : i32
    return %c0_i32 : i32
  }
  func.func @transform_16(%arg0: i32) -> (i32, i32) {
    %c0_i32 = arith.constant 0 : i32
    %c0_i32_0 = arith.constant 0 : i32
    %c0_i32_1 = arith.constant 0 : i32
    return %c0_i32, %c0_i32_0 : i32, i32
  }
  func.func @transform_17(%arg0: i32) -> i32 {
    %c0_i32 = arith.constant 0 : i32
    %c0_i32_0 = arith.constant 0 : i32
    return %c0_i32 : i32
  }
  func.func @transform_18(%arg0: i32) -> (i32, i32, i32) {
    %c0_i32 = arith.constant 0 : i32
    %c0_i32_0 = arith.constant 0 : i32
    %c0_i32_1 = arith.constant 0 : i32
    return %arg0, %c0_i32, %c0_i32_0 : i32, i32, i32
  }
}

module attributes {stable_mosaic.version = 14 : i64} {
  func.func @_score_body(%arg0: i32, %arg1: memref<1x7x64xf32, #tpu.memory_space<vmem>>, %arg2: memref<64x1600xbf16, #tpu.memory_space<vmem>>, %arg3: memref<1600xf32, #tpu.memory_space<vmem>>, %arg4: memref<50x32x64xbf16, #tpu.memory_space<vmem>>, %arg5: memref<50x64xf32, #tpu.memory_space<vmem>>, %arg6: memref<1x7x64xf32, #tpu.memory_space<vmem>>) attributes {dimension_semantics = [#tpu.dimension_semantics<arbitrary>], iteration_bounds = array<i64: 32>, scalar_prefetch = 0 : i64, scratch_operands = 0 : i64, tpu.core_type = #tpu.core_type<tc>, window_params = [{transform_indices = @transform_0, window_bounds = array<i64: 1, 7, 64>}, {pipeline_mode = #tpu.pipeline_mode<synchronous>, transform_indices = @transform_1, window_bounds = array<i64: 64, 1600>}, {pipeline_mode = #tpu.pipeline_mode<synchronous>, transform_indices = @transform_2, window_bounds = array<i64: 1600>}, {pipeline_mode = #tpu.pipeline_mode<synchronous>, transform_indices = @transform_3, window_bounds = array<i64: 50, 32, 64>}, {pipeline_mode = #tpu.pipeline_mode<synchronous>, transform_indices = @transform_4, window_bounds = array<i64: 50, 64>}, {transform_indices = @transform_5, window_bounds = array<i64: 1, 7, 64>}]} {
    %get3A = arith.constant 0 : index
    %get3A_0 = arith.constant 0 : index
    %get3A_1 = arith.constant 0 : index
    %get3A_2 = vector.load %arg1[%get3A, %get3A_0, %get3A_1] : memref<1x7x64xf32, #tpu.memory_space<vmem>>, vector<1x7x64xf32>
    %get3A_3 = vector.shape_cast %get3A_2 : vector<1x7x64xf32> to vector<7x64xf32>
    %get3A_4 = arith.constant 0 : index
    %get3A_5 = arith.constant 0 : index
    %get3A_6 = vector.load %arg2[%get3A_4, %get3A_5] : memref<64x1600xbf16, #tpu.memory_space<vmem>>, vector<64x1600xbf16>
    %convert_element_type3A = arith.truncf %get3A_3 : vector<7x64xf32> to vector<7x64xbf16>
    %dot_general3A = arith.constant dense<0.000000e+00> : vector<7x1600xf32>
    %dot_general3A_7 = tpu.matmul %convert_element_type3A, %get3A_6, %dot_general3A {dimension_numbers = #tpu.dot_dimension_numbers<[1], [0], [0], [1], [0, 0, 1, 1], [], []>, transpose_lhs_hint = false} : vector<7x64xbf16>, vector<64x1600xbf16>, vector<7x1600xf32> -> vector<7x1600xf32>
    %get3A_8 = arith.constant 0 : index
    %get3A_9 = vector.load %arg3[%get3A_8] : memref<1600xf32, #tpu.memory_space<vmem>>, vector<1600xf32>
    %broadcast_in_dim3A = vector.shape_cast %get3A_9 : vector<1600xf32> to vector<1x1600xf32>
    %add3A = vector.broadcast %broadcast_in_dim3A : vector<1x1600xf32> to vector<7x1600xf32>
    %add3A_10 = arith.addf %dot_general3A_7, %add3A : vector<7x1600xf32>
    %slice3A = vector.extract_strided_slice %add3A_10 {offsets = [0, 0], sizes = [7, 32], strides = [1, 1]} : vector<7x1600xf32> to vector<7x32xf32>
    %get3A_11 = arith.constant 0 : index
    %get3A_12 = arith.constant 0 : index
    %get3A_13 = arith.constant 0 : index
    %get3A_14 = vector.load %arg4[%get3A_11, %get3A_12, %get3A_13] : memref<50x32x64xbf16, #tpu.memory_space<vmem>>, vector<1x32x64xbf16>
    %get3A_15 = vector.shape_cast %get3A_14 : vector<1x32x64xbf16> to vector<32x64xbf16>
    %convert_element_type3A_16 = arith.truncf %slice3A : vector<7x32xf32> to vector<7x32xbf16>
    %dot_general3A_17 = arith.constant dense<0.000000e+00> : vector<7x64xf32>
    %dot_general3A_18 = tpu.matmul %convert_element_type3A_16, %get3A_15, %dot_general3A_17 {dimension_numbers = #tpu.dot_dimension_numbers<[1], [0], [0], [1], [0, 0, 1, 1], [], []>, transpose_lhs_hint = false} : vector<7x32xbf16>, vector<32x64xbf16>, vector<7x64xf32> -> vector<7x64xf32>
    %get3A_19 = arith.constant 0 : index
    %get3A_20 = arith.constant 0 : index
    %get3A_21 = vector.load %arg5[%get3A_19, %get3A_20] : memref<50x64xf32, #tpu.memory_space<vmem>>, vector<1x64xf32>
    %get3A_22 = vector.shape_cast %get3A_21 : vector<1x64xf32> to vector<64xf32>
    %broadcast_in_dim3A_23 = vector.shape_cast %get3A_22 : vector<64xf32> to vector<1x64xf32>
    %add3A_24 = vector.broadcast %broadcast_in_dim3A_23 : vector<1x64xf32> to vector<7x64xf32>
    %add3A_25 = arith.addf %dot_general3A_18, %add3A_24 : vector<7x64xf32>
    %sub3A = arith.subf %add3A_25, %get3A_3 : vector<7x64xf32>
    %mul3A = arith.mulf %sub3A, %sub3A : vector<7x64xf32>
    %reduce_sum3A = arith.constant dense<0.000000e+00> : vector<7xf32>
    %reduce_sum3A_26 = vector.multi_reduction <add>, %mul3A, %reduce_sum3A [1] : vector<7x64xf32> to vector<7xf32>
    %broadcast_in_dim3A_27 = vector.shape_cast %reduce_sum3A_26 : vector<7xf32> to vector<7x1xf32>
    %neg3A = arith.constant 0.000000e+00 : f32
    %neg3A_28 = vector.broadcast %neg3A : f32 to vector<7x1xf32>
    %neg3A_29 = arith.subf %neg3A_28, %broadcast_in_dim3A_27 : vector<7x1xf32>
    %slice3A_30 = vector.extract_strided_slice %add3A_10 {offsets = [0, 32], sizes = [7, 32], strides = [1, 1]} : vector<7x1600xf32> to vector<7x32xf32>
    %get3A_31 = arith.constant 1 : index
    %get3A_32 = arith.constant 0 : index
    %get3A_33 = arith.constant 0 : index
    %get3A_34 = vector.load %arg4[%get3A_31, %get3A_32, %get3A_33] : memref<50x32x64xbf16, #tpu.memory_space<vmem>>, vector<1x32x64xbf16>
    %get3A_35 = vector.shape_cast %get3A_34 : vector<1x32x64xbf16> to vector<32x64xbf16>
    %convert_element_type3A_36 = arith.truncf %slice3A_30 : vector<7x32xf32> to vector<7x32xbf16>
    %dot_general3A_37 = arith.constant dense<0.000000e+00> : vector<7x64xf32>
    %dot_general3A_38 = tpu.matmul %convert_element_type3A_36, %get3A_35, %dot_general3A_37 {dimension_numbers = #tpu.dot_dimension_numbers<[1], [0], [0], [1], [0, 0, 1, 1], [], []>, transpose_lhs_hint = false} : vector<7x32xbf16>, vector<32x64xbf16>, vector<7x64xf32> -> vector<7x64xf32>
    %get3A_39 = arith.constant 1 : index
    %get3A_40 = arith.constant 0 : index
    %get3A_41 = vector.load %arg5[%get3A_39, %get3A_40] : memref<50x64xf32, #tpu.memory_space<vmem>>, vector<1x64xf32>
    %get3A_42 = vector.shape_cast %get3A_41 : vector<1x64xf32> to vector<64xf32>
    %broadcast_in_dim3A_43 = vector.shape_cast %get3A_42 : vector<64xf32> to vector<1x64xf32>
    %add3A_44 = vector.broadcast %broadcast_in_dim3A_43 : vector<1x64xf32> to vector<7x64xf32>
    %add3A_45 = arith.addf %dot_general3A_38, %add3A_44 : vector<7x64xf32>
    %sub3A_46 = arith.subf %add3A_45, %get3A_3 : vector<7x64xf32>
    %mul3A_47 = arith.mulf %sub3A_46, %sub3A_46 : vector<7x64xf32>
    %reduce_sum3A_48 = arith.constant dense<0.000000e+00> : vector<7xf32>
    %reduce_sum3A_49 = vector.multi_reduction <add>, %mul3A_47, %reduce_sum3A_48 [1] : vector<7x64xf32> to vector<7xf32>
    %broadcast_in_dim3A_50 = vector.shape_cast %reduce_sum3A_49 : vector<7xf32> to vector<7x1xf32>
    %neg3A_51 = arith.constant 0.000000e+00 : f32
    %neg3A_52 = vector.broadcast %neg3A_51 : f32 to vector<7x1xf32>
    %neg3A_53 = arith.subf %neg3A_52, %broadcast_in_dim3A_50 : vector<7x1xf32>
    %slice3A_54 = vector.extract_strided_slice %add3A_10 {offsets = [0, 64], sizes = [7, 32], strides = [1, 1]} : vector<7x1600xf32> to vector<7x32xf32>
    %get3A_55 = arith.constant 2 : index
    %get3A_56 = arith.constant 0 : index
    %get3A_57 = arith.constant 0 : index
    %get3A_58 = vector.load %arg4[%get3A_55, %get3A_56, %get3A_57] : memref<50x32x64xbf16, #tpu.memory_space<vmem>>, vector<1x32x64xbf16>
    %get3A_59 = vector.shape_cast %get3A_58 : vector<1x32x64xbf16> to vector<32x64xbf16>
    %convert_element_type3A_60 = arith.truncf %slice3A_54 : vector<7x32xf32> to vector<7x32xbf16>
    %dot_general3A_61 = arith.constant dense<0.000000e+00> : vector<7x64xf32>
    %dot_general3A_62 = tpu.matmul %convert_element_type3A_60, %get3A_59, %dot_general3A_61 {dimension_numbers = #tpu.dot_dimension_numbers<[1], [0], [0], [1], [0, 0, 1, 1], [], []>, transpose_lhs_hint = false} : vector<7x32xbf16>, vector<32x64xbf16>, vector<7x64xf32> -> vector<7x64xf32>
    %get3A_63 = arith.constant 2 : index
    %get3A_64 = arith.constant 0 : index
    %get3A_65 = vector.load %arg5[%get3A_63, %get3A_64] : memref<50x64xf32, #tpu.memory_space<vmem>>, vector<1x64xf32>
    %get3A_66 = vector.shape_cast %get3A_65 : vector<1x64xf32> to vector<64xf32>
    %broadcast_in_dim3A_67 = vector.shape_cast %get3A_66 : vector<64xf32> to vector<1x64xf32>
    %add3A_68 = vector.broadcast %broadcast_in_dim3A_67 : vector<1x64xf32> to vector<7x64xf32>
    %add3A_69 = arith.addf %dot_general3A_62, %add3A_68 : vector<7x64xf32>
    %sub3A_70 = arith.subf %add3A_69, %get3A_3 : vector<7x64xf32>
    %mul3A_71 = arith.mulf %sub3A_70, %sub3A_70 : vector<7x64xf32>
    %reduce_sum3A_72 = arith.constant dense<0.000000e+00> : vector<7xf32>
    %reduce_sum3A_73 = vector.multi_reduction <add>, %mul3A_71, %reduce_sum3A_72 [1] : vector<7x64xf32> to vector<7xf32>
    %broadcast_in_dim3A_74 = vector.shape_cast %reduce_sum3A_73 : vector<7xf32> to vector<7x1xf32>
    %neg3A_75 = arith.constant 0.000000e+00 : f32
    %neg3A_76 = vector.broadcast %neg3A_75 : f32 to vector<7x1xf32>
    %neg3A_77 = arith.subf %neg3A_76, %broadcast_in_dim3A_74 : vector<7x1xf32>
    %slice3A_78 = vector.extract_strided_slice %add3A_10 {offsets = [0, 96], sizes = [7, 32], strides = [1, 1]} : vector<7x1600xf32> to vector<7x32xf32>
    %get3A_79 = arith.constant 3 : index
    %get3A_80 = arith.constant 0 : index
    %get3A_81 = arith.constant 0 : index
    %get3A_82 = vector.load %arg4[%get3A_79, %get3A_80, %get3A_81] : memref<50x32x64xbf16, #tpu.memory_space<vmem>>, vector<1x32x64xbf16>
    %get3A_83 = vector.shape_cast %get3A_82 : vector<1x32x64xbf16> to vector<32x64xbf16>
    %convert_element_type3A_84 = arith.truncf %slice3A_78 : vector<7x32xf32> to vector<7x32xbf16>
    %dot_general3A_85 = arith.constant dense<0.000000e+00> : vector<7x64xf32>
    %dot_general3A_86 = tpu.matmul %convert_element_type3A_84, %get3A_83, %dot_general3A_85 {dimension_numbers = #tpu.dot_dimension_numbers<[1], [0], [0], [1], [0, 0, 1, 1], [], []>, transpose_lhs_hint = false} : vector<7x32xbf16>, vector<32x64xbf16>, vector<7x64xf32> -> vector<7x64xf32>
    %get3A_87 = arith.constant 3 : index
    %get3A_88 = arith.constant 0 : index
    %get3A_89 = vector.load %arg5[%get3A_87, %get3A_88] : memref<50x64xf32, #tpu.memory_space<vmem>>, vector<1x64xf32>
    %get3A_90 = vector.shape_cast %get3A_89 : vector<1x64xf32> to vector<64xf32>
    %broadcast_in_dim3A_91 = vector.shape_cast %get3A_90 : vector<64xf32> to vector<1x64xf32>
    %add3A_92 = vector.broadcast %broadcast_in_dim3A_91 : vector<1x64xf32> to vector<7x64xf32>
    %add3A_93 = arith.addf %dot_general3A_86, %add3A_92 : vector<7x64xf32>
    %sub3A_94 = arith.subf %add3A_93, %get3A_3 : vector<7x64xf32>
    %mul3A_95 = arith.mulf %sub3A_94, %sub3A_94 : vector<7x64xf32>
    %reduce_sum3A_96 = arith.constant dense<0.000000e+00> : vector<7xf32>
    %reduce_sum3A_97 = vector.multi_reduction <add>, %mul3A_95, %reduce_sum3A_96 [1] : vector<7x64xf32> to vector<7xf32>
    %broadcast_in_dim3A_98 = vector.shape_cast %reduce_sum3A_97 : vector<7xf32> to vector<7x1xf32>
    %neg3A_99 = arith.constant 0.000000e+00 : f32
    %neg3A_100 = vector.broadcast %neg3A_99 : f32 to vector<7x1xf32>
    %neg3A_101 = arith.subf %neg3A_100, %broadcast_in_dim3A_98 : vector<7x1xf32>
    %slice3A_102 = vector.extract_strided_slice %add3A_10 {offsets = [0, 128], sizes = [7, 32], strides = [1, 1]} : vector<7x1600xf32> to vector<7x32xf32>
    %get3A_103 = arith.constant 4 : index
    %get3A_104 = arith.constant 0 : index
    %get3A_105 = arith.constant 0 : index
    %get3A_106 = vector.load %arg4[%get3A_103, %get3A_104, %get3A_105] : memref<50x32x64xbf16, #tpu.memory_space<vmem>>, vector<1x32x64xbf16>
    %get3A_107 = vector.shape_cast %get3A_106 : vector<1x32x64xbf16> to vector<32x64xbf16>
    %convert_element_type3A_108 = arith.truncf %slice3A_102 : vector<7x32xf32> to vector<7x32xbf16>
    %dot_general3A_109 = arith.constant dense<0.000000e+00> : vector<7x64xf32>
    %dot_general3A_110 = tpu.matmul %convert_element_type3A_108, %get3A_107, %dot_general3A_109 {dimension_numbers = #tpu.dot_dimension_numbers<[1], [0], [0], [1], [0, 0, 1, 1], [], []>, transpose_lhs_hint = false} : vector<7x32xbf16>, vector<32x64xbf16>, vector<7x64xf32> -> vector<7x64xf32>
    %get3A_111 = arith.constant 4 : index
    %get3A_112 = arith.constant 0 : index
    %get3A_113 = vector.load %arg5[%get3A_111, %get3A_112] : memref<50x64xf32, #tpu.memory_space<vmem>>, vector<1x64xf32>
    %get3A_114 = vector.shape_cast %get3A_113 : vector<1x64xf32> to vector<64xf32>
    %broadcast_in_dim3A_115 = vector.shape_cast %get3A_114 : vector<64xf32> to vector<1x64xf32>
    %add3A_116 = vector.broadcast %broadcast_in_dim3A_115 : vector<1x64xf32> to vector<7x64xf32>
    %add3A_117 = arith.addf %dot_general3A_110, %add3A_116 : vector<7x64xf32>
    %sub3A_118 = arith.subf %add3A_117, %get3A_3 : vector<7x64xf32>
    %mul3A_119 = arith.mulf %sub3A_118, %sub3A_118 : vector<7x64xf32>
    %reduce_sum3A_120 = arith.constant dense<0.000000e+00> : vector<7xf32>
    %reduce_sum3A_121 = vector.multi_reduction <add>, %mul3A_119, %reduce_sum3A_120 [1] : vector<7x64xf32> to vector<7xf32>
    %broadcast_in_dim3A_122 = vector.shape_cast %reduce_sum3A_121 : vector<7xf32> to vector<7x1xf32>
    %neg3A_123 = arith.constant 0.000000e+00 : f32
    %neg3A_124 = vector.broadcast %neg3A_123 : f32 to vector<7x1xf32>
    %neg3A_125 = arith.subf %neg3A_124, %broadcast_in_dim3A_122 : vector<7x1xf32>
    %slice3A_126 = vector.extract_strided_slice %add3A_10 {offsets = [0, 160], sizes = [7, 32], strides = [1, 1]} : vector<7x1600xf32> to vector<7x32xf32>
    %get3A_127 = arith.constant 5 : index
    %get3A_128 = arith.constant 0 : index
    %get3A_129 = arith.constant 0 : index
    %get3A_130 = vector.load %arg4[%get3A_127, %get3A_128, %get3A_129] : memref<50x32x64xbf16, #tpu.memory_space<vmem>>, vector<1x32x64xbf16>
    %get3A_131 = vector.shape_cast %get3A_130 : vector<1x32x64xbf16> to vector<32x64xbf16>
    %convert_element_type3A_132 = arith.truncf %slice3A_126 : vector<7x32xf32> to vector<7x32xbf16>
    %dot_general3A_133 = arith.constant dense<0.000000e+00> : vector<7x64xf32>
    %dot_general3A_134 = tpu.matmul %convert_element_type3A_132, %get3A_131, %dot_general3A_133 {dimension_numbers = #tpu.dot_dimension_numbers<[1], [0], [0], [1], [0, 0, 1, 1], [], []>, transpose_lhs_hint = false} : vector<7x32xbf16>, vector<32x64xbf16>, vector<7x64xf32> -> vector<7x64xf32>
    %get3A_135 = arith.constant 5 : index
    %get3A_136 = arith.constant 0 : index
    %get3A_137 = vector.load %arg5[%get3A_135, %get3A_136] : memref<50x64xf32, #tpu.memory_space<vmem>>, vector<1x64xf32>
    %get3A_138 = vector.shape_cast %get3A_137 : vector<1x64xf32> to vector<64xf32>
    %broadcast_in_dim3A_139 = vector.shape_cast %get3A_138 : vector<64xf32> to vector<1x64xf32>
    %add3A_140 = vector.broadcast %broadcast_in_dim3A_139 : vector<1x64xf32> to vector<7x64xf32>
    %add3A_141 = arith.addf %dot_general3A_134, %add3A_140 : vector<7x64xf32>
    %sub3A_142 = arith.subf %add3A_141, %get3A_3 : vector<7x64xf32>
    %mul3A_143 = arith.mulf %sub3A_142, %sub3A_142 : vector<7x64xf32>
    %reduce_sum3A_144 = arith.constant dense<0.000000e+00> : vector<7xf32>
    %reduce_sum3A_145 = vector.multi_reduction <add>, %mul3A_143, %reduce_sum3A_144 [1] : vector<7x64xf32> to vector<7xf32>
    %broadcast_in_dim3A_146 = vector.shape_cast %reduce_sum3A_145 : vector<7xf32> to vector<7x1xf32>
    %neg3A_147 = arith.constant 0.000000e+00 : f32
    %neg3A_148 = vector.broadcast %neg3A_147 : f32 to vector<7x1xf32>
    %neg3A_149 = arith.subf %neg3A_148, %broadcast_in_dim3A_146 : vector<7x1xf32>
    %slice3A_150 = vector.extract_strided_slice %add3A_10 {offsets = [0, 192], sizes = [7, 32], strides = [1, 1]} : vector<7x1600xf32> to vector<7x32xf32>
    %get3A_151 = arith.constant 6 : index
    %get3A_152 = arith.constant 0 : index
    %get3A_153 = arith.constant 0 : index
    %get3A_154 = vector.load %arg4[%get3A_151, %get3A_152, %get3A_153] : memref<50x32x64xbf16, #tpu.memory_space<vmem>>, vector<1x32x64xbf16>
    %get3A_155 = vector.shape_cast %get3A_154 : vector<1x32x64xbf16> to vector<32x64xbf16>
    %convert_element_type3A_156 = arith.truncf %slice3A_150 : vector<7x32xf32> to vector<7x32xbf16>
    %dot_general3A_157 = arith.constant dense<0.000000e+00> : vector<7x64xf32>
    %dot_general3A_158 = tpu.matmul %convert_element_type3A_156, %get3A_155, %dot_general3A_157 {dimension_numbers = #tpu.dot_dimension_numbers<[1], [0], [0], [1], [0, 0, 1, 1], [], []>, transpose_lhs_hint = false} : vector<7x32xbf16>, vector<32x64xbf16>, vector<7x64xf32> -> vector<7x64xf32>
    %get3A_159 = arith.constant 6 : index
    %get3A_160 = arith.constant 0 : index
    %get3A_161 = vector.load %arg5[%get3A_159, %get3A_160] : memref<50x64xf32, #tpu.memory_space<vmem>>, vector<1x64xf32>
    %get3A_162 = vector.shape_cast %get3A_161 : vector<1x64xf32> to vector<64xf32>
    %broadcast_in_dim3A_163 = vector.shape_cast %get3A_162 : vector<64xf32> to vector<1x64xf32>
    %add3A_164 = vector.broadcast %broadcast_in_dim3A_163 : vector<1x64xf32> to vector<7x64xf32>
    %add3A_165 = arith.addf %dot_general3A_158, %add3A_164 : vector<7x64xf32>
    %sub3A_166 = arith.subf %add3A_165, %get3A_3 : vector<7x64xf32>
    %mul3A_167 = arith.mulf %sub3A_166, %sub3A_166 : vector<7x64xf32>
    %reduce_sum3A_168 = arith.constant dense<0.000000e+00> : vector<7xf32>
    %reduce_sum3A_169 = vector.multi_reduction <add>, %mul3A_167, %reduce_sum3A_168 [1] : vector<7x64xf32> to vector<7xf32>
    %broadcast_in_dim3A_170 = vector.shape_cast %reduce_sum3A_169 : vector<7xf32> to vector<7x1xf32>
    %neg3A_171 = arith.constant 0.000000e+00 : f32
    %neg3A_172 = vector.broadcast %neg3A_171 : f32 to vector<7x1xf32>
    %neg3A_173 = arith.subf %neg3A_172, %broadcast_in_dim3A_170 : vector<7x1xf32>
    %slice3A_174 = vector.extract_strided_slice %add3A_10 {offsets = [0, 224], sizes = [7, 32], strides = [1, 1]} : vector<7x1600xf32> to vector<7x32xf32>
    %get3A_175 = arith.constant 7 : index
    %get3A_176 = arith.constant 0 : index
    %get3A_177 = arith.constant 0 : index
    %get3A_178 = vector.load %arg4[%get3A_175, %get3A_176, %get3A_177] : memref<50x32x64xbf16, #tpu.memory_space<vmem>>, vector<1x32x64xbf16>
    %get3A_179 = vector.shape_cast %get3A_178 : vector<1x32x64xbf16> to vector<32x64xbf16>
    %convert_element_type3A_180 = arith.truncf %slice3A_174 : vector<7x32xf32> to vector<7x32xbf16>
    %dot_general3A_181 = arith.constant dense<0.000000e+00> : vector<7x64xf32>
    %dot_general3A_182 = tpu.matmul %convert_element_type3A_180, %get3A_179, %dot_general3A_181 {dimension_numbers = #tpu.dot_dimension_numbers<[1], [0], [0], [1], [0, 0, 1, 1], [], []>, transpose_lhs_hint = false} : vector<7x32xbf16>, vector<32x64xbf16>, vector<7x64xf32> -> vector<7x64xf32>
    %get3A_183 = arith.constant 7 : index
    %get3A_184 = arith.constant 0 : index
    %get3A_185 = vector.load %arg5[%get3A_183, %get3A_184] : memref<50x64xf32, #tpu.memory_space<vmem>>, vector<1x64xf32>
    %get3A_186 = vector.shape_cast %get3A_185 : vector<1x64xf32> to vector<64xf32>
    %broadcast_in_dim3A_187 = vector.shape_cast %get3A_186 : vector<64xf32> to vector<1x64xf32>
    %add3A_188 = vector.broadcast %broadcast_in_dim3A_187 : vector<1x64xf32> to vector<7x64xf32>
    %add3A_189 = arith.addf %dot_general3A_182, %add3A_188 : vector<7x64xf32>
    %sub3A_190 = arith.subf %add3A_189, %get3A_3 : vector<7x64xf32>
    %mul3A_191 = arith.mulf %sub3A_190, %sub3A_190 : vector<7x64xf32>
    %reduce_sum3A_192 = arith.constant dense<0.000000e+00> : vector<7xf32>
    %reduce_sum3A_193 = vector.multi_reduction <add>, %mul3A_191, %reduce_sum3A_192 [1] : vector<7x64xf32> to vector<7xf32>
    %broadcast_in_dim3A_194 = vector.shape_cast %reduce_sum3A_193 : vector<7xf32> to vector<7x1xf32>
    %neg3A_195 = arith.constant 0.000000e+00 : f32
    %neg3A_196 = vector.broadcast %neg3A_195 : f32 to vector<7x1xf32>
    %neg3A_197 = arith.subf %neg3A_196, %broadcast_in_dim3A_194 : vector<7x1xf32>
    %slice3A_198 = vector.extract_strided_slice %add3A_10 {offsets = [0, 256], sizes = [7, 32], strides = [1, 1]} : vector<7x1600xf32> to vector<7x32xf32>
    %get3A_199 = arith.constant 8 : index
    %get3A_200 = arith.constant 0 : index
    %get3A_201 = arith.constant 0 : index
    %get3A_202 = vector.load %arg4[%get3A_199, %get3A_200, %get3A_201] : memref<50x32x64xbf16, #tpu.memory_space<vmem>>, vector<1x32x64xbf16>
    %get3A_203 = vector.shape_cast %get3A_202 : vector<1x32x64xbf16> to vector<32x64xbf16>
    %convert_element_type3A_204 = arith.truncf %slice3A_198 : vector<7x32xf32> to vector<7x32xbf16>
    %dot_general3A_205 = arith.constant dense<0.000000e+00> : vector<7x64xf32>
    %dot_general3A_206 = tpu.matmul %convert_element_type3A_204, %get3A_203, %dot_general3A_205 {dimension_numbers = #tpu.dot_dimension_numbers<[1], [0], [0], [1], [0, 0, 1, 1], [], []>, transpose_lhs_hint = false} : vector<7x32xbf16>, vector<32x64xbf16>, vector<7x64xf32> -> vector<7x64xf32>
    %get3A_207 = arith.constant 8 : index
    %get3A_208 = arith.constant 0 : index
    %get3A_209 = vector.load %arg5[%get3A_207, %get3A_208] : memref<50x64xf32, #tpu.memory_space<vmem>>, vector<1x64xf32>
    %get3A_210 = vector.shape_cast %get3A_209 : vector<1x64xf32> to vector<64xf32>
    %broadcast_in_dim3A_211 = vector.shape_cast %get3A_210 : vector<64xf32> to vector<1x64xf32>
    %add3A_212 = vector.broadcast %broadcast_in_dim3A_211 : vector<1x64xf32> to vector<7x64xf32>
    %add3A_213 = arith.addf %dot_general3A_206, %add3A_212 : vector<7x64xf32>
    %sub3A_214 = arith.subf %add3A_213, %get3A_3 : vector<7x64xf32>
    %mul3A_215 = arith.mulf %sub3A_214, %sub3A_214 : vector<7x64xf32>
    %reduce_sum3A_216 = arith.constant dense<0.000000e+00> : vector<7xf32>
    %reduce_sum3A_217 = vector.multi_reduction <add>, %mul3A_215, %reduce_sum3A_216 [1] : vector<7x64xf32> to vector<7xf32>
    %broadcast_in_dim3A_218 = vector.shape_cast %reduce_sum3A_217 : vector<7xf32> to vector<7x1xf32>
    %neg3A_219 = arith.constant 0.000000e+00 : f32
    %neg3A_220 = vector.broadcast %neg3A_219 : f32 to vector<7x1xf32>
    %neg3A_221 = arith.subf %neg3A_220, %broadcast_in_dim3A_218 : vector<7x1xf32>
    %slice3A_222 = vector.extract_strided_slice %add3A_10 {offsets = [0, 288], sizes = [7, 32], strides = [1, 1]} : vector<7x1600xf32> to vector<7x32xf32>
    %get3A_223 = arith.constant 9 : index
    %get3A_224 = arith.constant 0 : index
    %get3A_225 = arith.constant 0 : index
    %get3A_226 = vector.load %arg4[%get3A_223, %get3A_224, %get3A_225] : memref<50x32x64xbf16, #tpu.memory_space<vmem>>, vector<1x32x64xbf16>
    %get3A_227 = vector.shape_cast %get3A_226 : vector<1x32x64xbf16> to vector<32x64xbf16>
    %convert_element_type3A_228 = arith.truncf %slice3A_222 : vector<7x32xf32> to vector<7x32xbf16>
    %dot_general3A_229 = arith.constant dense<0.000000e+00> : vector<7x64xf32>
    %dot_general3A_230 = tpu.matmul %convert_element_type3A_228, %get3A_227, %dot_general3A_229 {dimension_numbers = #tpu.dot_dimension_numbers<[1], [0], [0], [1], [0, 0, 1, 1], [], []>, transpose_lhs_hint = false} : vector<7x32xbf16>, vector<32x64xbf16>, vector<7x64xf32> -> vector<7x64xf32>
    %get3A_231 = arith.constant 9 : index
    %get3A_232 = arith.constant 0 : index
    %get3A_233 = vector.load %arg5[%get3A_231, %get3A_232] : memref<50x64xf32, #tpu.memory_space<vmem>>, vector<1x64xf32>
    %get3A_234 = vector.shape_cast %get3A_233 : vector<1x64xf32> to vector<64xf32>
    %broadcast_in_dim3A_235 = vector.shape_cast %get3A_234 : vector<64xf32> to vector<1x64xf32>
    %add3A_236 = vector.broadcast %broadcast_in_dim3A_235 : vector<1x64xf32> to vector<7x64xf32>
    %add3A_237 = arith.addf %dot_general3A_230, %add3A_236 : vector<7x64xf32>
    %sub3A_238 = arith.subf %add3A_237, %get3A_3 : vector<7x64xf32>
    %mul3A_239 = arith.mulf %sub3A_238, %sub3A_238 : vector<7x64xf32>
    %reduce_sum3A_240 = arith.constant dense<0.000000e+00> : vector<7xf32>
    %reduce_sum3A_241 = vector.multi_reduction <add>, %mul3A_239, %reduce_sum3A_240 [1] : vector<7x64xf32> to vector<7xf32>
    %broadcast_in_dim3A_242 = vector.shape_cast %reduce_sum3A_241 : vector<7xf32> to vector<7x1xf32>
    %neg3A_243 = arith.constant 0.000000e+00 : f32
    %neg3A_244 = vector.broadcast %neg3A_243 : f32 to vector<7x1xf32>
    %neg3A_245 = arith.subf %neg3A_244, %broadcast_in_dim3A_242 : vector<7x1xf32>
    %slice3A_246 = vector.extract_strided_slice %add3A_10 {offsets = [0, 320], sizes = [7, 32], strides = [1, 1]} : vector<7x1600xf32> to vector<7x32xf32>
    %get3A_247 = arith.constant 10 : index
    %get3A_248 = arith.constant 0 : index
    %get3A_249 = arith.constant 0 : index
    %get3A_250 = vector.load %arg4[%get3A_247, %get3A_248, %get3A_249] : memref<50x32x64xbf16, #tpu.memory_space<vmem>>, vector<1x32x64xbf16>
    %get3A_251 = vector.shape_cast %get3A_250 : vector<1x32x64xbf16> to vector<32x64xbf16>
    %convert_element_type3A_252 = arith.truncf %slice3A_246 : vector<7x32xf32> to vector<7x32xbf16>
    %dot_general3A_253 = arith.constant dense<0.000000e+00> : vector<7x64xf32>
    %dot_general3A_254 = tpu.matmul %convert_element_type3A_252, %get3A_251, %dot_general3A_253 {dimension_numbers = #tpu.dot_dimension_numbers<[1], [0], [0], [1], [0, 0, 1, 1], [], []>, transpose_lhs_hint = false} : vector<7x32xbf16>, vector<32x64xbf16>, vector<7x64xf32> -> vector<7x64xf32>
    %get3A_255 = arith.constant 10 : index
    %get3A_256 = arith.constant 0 : index
    %get3A_257 = vector.load %arg5[%get3A_255, %get3A_256] : memref<50x64xf32, #tpu.memory_space<vmem>>, vector<1x64xf32>
    %get3A_258 = vector.shape_cast %get3A_257 : vector<1x64xf32> to vector<64xf32>
    %broadcast_in_dim3A_259 = vector.shape_cast %get3A_258 : vector<64xf32> to vector<1x64xf32>
    %add3A_260 = vector.broadcast %broadcast_in_dim3A_259 : vector<1x64xf32> to vector<7x64xf32>
    %add3A_261 = arith.addf %dot_general3A_254, %add3A_260 : vector<7x64xf32>
    %sub3A_262 = arith.subf %add3A_261, %get3A_3 : vector<7x64xf32>
    %mul3A_263 = arith.mulf %sub3A_262, %sub3A_262 : vector<7x64xf32>
    %reduce_sum3A_264 = arith.constant dense<0.000000e+00> : vector<7xf32>
    %reduce_sum3A_265 = vector.multi_reduction <add>, %mul3A_263, %reduce_sum3A_264 [1] : vector<7x64xf32> to vector<7xf32>
    %broadcast_in_dim3A_266 = vector.shape_cast %reduce_sum3A_265 : vector<7xf32> to vector<7x1xf32>
    %neg3A_267 = arith.constant 0.000000e+00 : f32
    %neg3A_268 = vector.broadcast %neg3A_267 : f32 to vector<7x1xf32>
    %neg3A_269 = arith.subf %neg3A_268, %broadcast_in_dim3A_266 : vector<7x1xf32>
    %slice3A_270 = vector.extract_strided_slice %add3A_10 {offsets = [0, 352], sizes = [7, 32], strides = [1, 1]} : vector<7x1600xf32> to vector<7x32xf32>
    %get3A_271 = arith.constant 11 : index
    %get3A_272 = arith.constant 0 : index
    %get3A_273 = arith.constant 0 : index
    %get3A_274 = vector.load %arg4[%get3A_271, %get3A_272, %get3A_273] : memref<50x32x64xbf16, #tpu.memory_space<vmem>>, vector<1x32x64xbf16>
    %get3A_275 = vector.shape_cast %get3A_274 : vector<1x32x64xbf16> to vector<32x64xbf16>
    %convert_element_type3A_276 = arith.truncf %slice3A_270 : vector<7x32xf32> to vector<7x32xbf16>
    %dot_general3A_277 = arith.constant dense<0.000000e+00> : vector<7x64xf32>
    %dot_general3A_278 = tpu.matmul %convert_element_type3A_276, %get3A_275, %dot_general3A_277 {dimension_numbers = #tpu.dot_dimension_numbers<[1], [0], [0], [1], [0, 0, 1, 1], [], []>, transpose_lhs_hint = false} : vector<7x32xbf16>, vector<32x64xbf16>, vector<7x64xf32> -> vector<7x64xf32>
    %get3A_279 = arith.constant 11 : index
    %get3A_280 = arith.constant 0 : index
    %get3A_281 = vector.load %arg5[%get3A_279, %get3A_280] : memref<50x64xf32, #tpu.memory_space<vmem>>, vector<1x64xf32>
    %get3A_282 = vector.shape_cast %get3A_281 : vector<1x64xf32> to vector<64xf32>
    %broadcast_in_dim3A_283 = vector.shape_cast %get3A_282 : vector<64xf32> to vector<1x64xf32>
    %add3A_284 = vector.broadcast %broadcast_in_dim3A_283 : vector<1x64xf32> to vector<7x64xf32>
    %add3A_285 = arith.addf %dot_general3A_278, %add3A_284 : vector<7x64xf32>
    %sub3A_286 = arith.subf %add3A_285, %get3A_3 : vector<7x64xf32>
    %mul3A_287 = arith.mulf %sub3A_286, %sub3A_286 : vector<7x64xf32>
    %reduce_sum3A_288 = arith.constant dense<0.000000e+00> : vector<7xf32>
    %reduce_sum3A_289 = vector.multi_reduction <add>, %mul3A_287, %reduce_sum3A_288 [1] : vector<7x64xf32> to vector<7xf32>
    %broadcast_in_dim3A_290 = vector.shape_cast %reduce_sum3A_289 : vector<7xf32> to vector<7x1xf32>
    %neg3A_291 = arith.constant 0.000000e+00 : f32
    %neg3A_292 = vector.broadcast %neg3A_291 : f32 to vector<7x1xf32>
    %neg3A_293 = arith.subf %neg3A_292, %broadcast_in_dim3A_290 : vector<7x1xf32>
    %slice3A_294 = vector.extract_strided_slice %add3A_10 {offsets = [0, 384], sizes = [7, 32], strides = [1, 1]} : vector<7x1600xf32> to vector<7x32xf32>
    %get3A_295 = arith.constant 12 : index
    %get3A_296 = arith.constant 0 : index
    %get3A_297 = arith.constant 0 : index
    %get3A_298 = vector.load %arg4[%get3A_295, %get3A_296, %get3A_297] : memref<50x32x64xbf16, #tpu.memory_space<vmem>>, vector<1x32x64xbf16>
    %get3A_299 = vector.shape_cast %get3A_298 : vector<1x32x64xbf16> to vector<32x64xbf16>
    %convert_element_type3A_300 = arith.truncf %slice3A_294 : vector<7x32xf32> to vector<7x32xbf16>
    %dot_general3A_301 = arith.constant dense<0.000000e+00> : vector<7x64xf32>
    %dot_general3A_302 = tpu.matmul %convert_element_type3A_300, %get3A_299, %dot_general3A_301 {dimension_numbers = #tpu.dot_dimension_numbers<[1], [0], [0], [1], [0, 0, 1, 1], [], []>, transpose_lhs_hint = false} : vector<7x32xbf16>, vector<32x64xbf16>, vector<7x64xf32> -> vector<7x64xf32>
    %get3A_303 = arith.constant 12 : index
    %get3A_304 = arith.constant 0 : index
    %get3A_305 = vector.load %arg5[%get3A_303, %get3A_304] : memref<50x64xf32, #tpu.memory_space<vmem>>, vector<1x64xf32>
    %get3A_306 = vector.shape_cast %get3A_305 : vector<1x64xf32> to vector<64xf32>
    %broadcast_in_dim3A_307 = vector.shape_cast %get3A_306 : vector<64xf32> to vector<1x64xf32>
    %add3A_308 = vector.broadcast %broadcast_in_dim3A_307 : vector<1x64xf32> to vector<7x64xf32>
    %add3A_309 = arith.addf %dot_general3A_302, %add3A_308 : vector<7x64xf32>
    %sub3A_310 = arith.subf %add3A_309, %get3A_3 : vector<7x64xf32>
    %mul3A_311 = arith.mulf %sub3A_310, %sub3A_310 : vector<7x64xf32>
    %reduce_sum3A_312 = arith.constant dense<0.000000e+00> : vector<7xf32>
    %reduce_sum3A_313 = vector.multi_reduction <add>, %mul3A_311, %reduce_sum3A_312 [1] : vector<7x64xf32> to vector<7xf32>
    %broadcast_in_dim3A_314 = vector.shape_cast %reduce_sum3A_313 : vector<7xf32> to vector<7x1xf32>
    %neg3A_315 = arith.constant 0.000000e+00 : f32
    %neg3A_316 = vector.broadcast %neg3A_315 : f32 to vector<7x1xf32>
    %neg3A_317 = arith.subf %neg3A_316, %broadcast_in_dim3A_314 : vector<7x1xf32>
    %slice3A_318 = vector.extract_strided_slice %add3A_10 {offsets = [0, 416], sizes = [7, 32], strides = [1, 1]} : vector<7x1600xf32> to vector<7x32xf32>
    %get3A_319 = arith.constant 13 : index
    %get3A_320 = arith.constant 0 : index
    %get3A_321 = arith.constant 0 : index
    %get3A_322 = vector.load %arg4[%get3A_319, %get3A_320, %get3A_321] : memref<50x32x64xbf16, #tpu.memory_space<vmem>>, vector<1x32x64xbf16>
    %get3A_323 = vector.shape_cast %get3A_322 : vector<1x32x64xbf16> to vector<32x64xbf16>
    %convert_element_type3A_324 = arith.truncf %slice3A_318 : vector<7x32xf32> to vector<7x32xbf16>
    %dot_general3A_325 = arith.constant dense<0.000000e+00> : vector<7x64xf32>
    %dot_general3A_326 = tpu.matmul %convert_element_type3A_324, %get3A_323, %dot_general3A_325 {dimension_numbers = #tpu.dot_dimension_numbers<[1], [0], [0], [1], [0, 0, 1, 1], [], []>, transpose_lhs_hint = false} : vector<7x32xbf16>, vector<32x64xbf16>, vector<7x64xf32> -> vector<7x64xf32>
    %get3A_327 = arith.constant 13 : index
    %get3A_328 = arith.constant 0 : index
    %get3A_329 = vector.load %arg5[%get3A_327, %get3A_328] : memref<50x64xf32, #tpu.memory_space<vmem>>, vector<1x64xf32>
    %get3A_330 = vector.shape_cast %get3A_329 : vector<1x64xf32> to vector<64xf32>
    %broadcast_in_dim3A_331 = vector.shape_cast %get3A_330 : vector<64xf32> to vector<1x64xf32>
    %add3A_332 = vector.broadcast %broadcast_in_dim3A_331 : vector<1x64xf32> to vector<7x64xf32>
    %add3A_333 = arith.addf %dot_general3A_326, %add3A_332 : vector<7x64xf32>
    %sub3A_334 = arith.subf %add3A_333, %get3A_3 : vector<7x64xf32>
    %mul3A_335 = arith.mulf %sub3A_334, %sub3A_334 : vector<7x64xf32>
    %reduce_sum3A_336 = arith.constant dense<0.000000e+00> : vector<7xf32>
    %reduce_sum3A_337 = vector.multi_reduction <add>, %mul3A_335, %reduce_sum3A_336 [1] : vector<7x64xf32> to vector<7xf32>
    %broadcast_in_dim3A_338 = vector.shape_cast %reduce_sum3A_337 : vector<7xf32> to vector<7x1xf32>
    %neg3A_339 = arith.constant 0.000000e+00 : f32
    %neg3A_340 = vector.broadcast %neg3A_339 : f32 to vector<7x1xf32>
    %neg3A_341 = arith.subf %neg3A_340, %broadcast_in_dim3A_338 : vector<7x1xf32>
    %slice3A_342 = vector.extract_strided_slice %add3A_10 {offsets = [0, 448], sizes = [7, 32], strides = [1, 1]} : vector<7x1600xf32> to vector<7x32xf32>
    %get3A_343 = arith.constant 14 : index
    %get3A_344 = arith.constant 0 : index
    %get3A_345 = arith.constant 0 : index
    %get3A_346 = vector.load %arg4[%get3A_343, %get3A_344, %get3A_345] : memref<50x32x64xbf16, #tpu.memory_space<vmem>>, vector<1x32x64xbf16>
    %get3A_347 = vector.shape_cast %get3A_346 : vector<1x32x64xbf16> to vector<32x64xbf16>
    %convert_element_type3A_348 = arith.truncf %slice3A_342 : vector<7x32xf32> to vector<7x32xbf16>
    %dot_general3A_349 = arith.constant dense<0.000000e+00> : vector<7x64xf32>
    %dot_general3A_350 = tpu.matmul %convert_element_type3A_348, %get3A_347, %dot_general3A_349 {dimension_numbers = #tpu.dot_dimension_numbers<[1], [0], [0], [1], [0, 0, 1, 1], [], []>, transpose_lhs_hint = false} : vector<7x32xbf16>, vector<32x64xbf16>, vector<7x64xf32> -> vector<7x64xf32>
    %get3A_351 = arith.constant 14 : index
    %get3A_352 = arith.constant 0 : index
    %get3A_353 = vector.load %arg5[%get3A_351, %get3A_352] : memref<50x64xf32, #tpu.memory_space<vmem>>, vector<1x64xf32>
    %get3A_354 = vector.shape_cast %get3A_353 : vector<1x64xf32> to vector<64xf32>
    %broadcast_in_dim3A_355 = vector.shape_cast %get3A_354 : vector<64xf32> to vector<1x64xf32>
    %add3A_356 = vector.broadcast %broadcast_in_dim3A_355 : vector<1x64xf32> to vector<7x64xf32>
    %add3A_357 = arith.addf %dot_general3A_350, %add3A_356 : vector<7x64xf32>
    %sub3A_358 = arith.subf %add3A_357, %get3A_3 : vector<7x64xf32>
    %mul3A_359 = arith.mulf %sub3A_358, %sub3A_358 : vector<7x64xf32>
    %reduce_sum3A_360 = arith.constant dense<0.000000e+00> : vector<7xf32>
    %reduce_sum3A_361 = vector.multi_reduction <add>, %mul3A_359, %reduce_sum3A_360 [1] : vector<7x64xf32> to vector<7xf32>
    %broadcast_in_dim3A_362 = vector.shape_cast %reduce_sum3A_361 : vector<7xf32> to vector<7x1xf32>
    %neg3A_363 = arith.constant 0.000000e+00 : f32
    %neg3A_364 = vector.broadcast %neg3A_363 : f32 to vector<7x1xf32>
    %neg3A_365 = arith.subf %neg3A_364, %broadcast_in_dim3A_362 : vector<7x1xf32>
    %slice3A_366 = vector.extract_strided_slice %add3A_10 {offsets = [0, 480], sizes = [7, 32], strides = [1, 1]} : vector<7x1600xf32> to vector<7x32xf32>
    %get3A_367 = arith.constant 15 : index
    %get3A_368 = arith.constant 0 : index
    %get3A_369 = arith.constant 0 : index
    %get3A_370 = vector.load %arg4[%get3A_367, %get3A_368, %get3A_369] : memref<50x32x64xbf16, #tpu.memory_space<vmem>>, vector<1x32x64xbf16>
    %get3A_371 = vector.shape_cast %get3A_370 : vector<1x32x64xbf16> to vector<32x64xbf16>
    %convert_element_type3A_372 = arith.truncf %slice3A_366 : vector<7x32xf32> to vector<7x32xbf16>
    %dot_general3A_373 = arith.constant dense<0.000000e+00> : vector<7x64xf32>
    %dot_general3A_374 = tpu.matmul %convert_element_type3A_372, %get3A_371, %dot_general3A_373 {dimension_numbers = #tpu.dot_dimension_numbers<[1], [0], [0], [1], [0, 0, 1, 1], [], []>, transpose_lhs_hint = false} : vector<7x32xbf16>, vector<32x64xbf16>, vector<7x64xf32> -> vector<7x64xf32>
    %get3A_375 = arith.constant 15 : index
    %get3A_376 = arith.constant 0 : index
    %get3A_377 = vector.load %arg5[%get3A_375, %get3A_376] : memref<50x64xf32, #tpu.memory_space<vmem>>, vector<1x64xf32>
    %get3A_378 = vector.shape_cast %get3A_377 : vector<1x64xf32> to vector<64xf32>
    %broadcast_in_dim3A_379 = vector.shape_cast %get3A_378 : vector<64xf32> to vector<1x64xf32>
    %add3A_380 = vector.broadcast %broadcast_in_dim3A_379 : vector<1x64xf32> to vector<7x64xf32>
    %add3A_381 = arith.addf %dot_general3A_374, %add3A_380 : vector<7x64xf32>
    %sub3A_382 = arith.subf %add3A_381, %get3A_3 : vector<7x64xf32>
    %mul3A_383 = arith.mulf %sub3A_382, %sub3A_382 : vector<7x64xf32>
    %reduce_sum3A_384 = arith.constant dense<0.000000e+00> : vector<7xf32>
    %reduce_sum3A_385 = vector.multi_reduction <add>, %mul3A_383, %reduce_sum3A_384 [1] : vector<7x64xf32> to vector<7xf32>
    %broadcast_in_dim3A_386 = vector.shape_cast %reduce_sum3A_385 : vector<7xf32> to vector<7x1xf32>
    %neg3A_387 = arith.constant 0.000000e+00 : f32
    %neg3A_388 = vector.broadcast %neg3A_387 : f32 to vector<7x1xf32>
    %neg3A_389 = arith.subf %neg3A_388, %broadcast_in_dim3A_386 : vector<7x1xf32>
    %slice3A_390 = vector.extract_strided_slice %add3A_10 {offsets = [0, 512], sizes = [7, 32], strides = [1, 1]} : vector<7x1600xf32> to vector<7x32xf32>
    %get3A_391 = arith.constant 16 : index
    %get3A_392 = arith.constant 0 : index
    %get3A_393 = arith.constant 0 : index
    %get3A_394 = vector.load %arg4[%get3A_391, %get3A_392, %get3A_393] : memref<50x32x64xbf16, #tpu.memory_space<vmem>>, vector<1x32x64xbf16>
    %get3A_395 = vector.shape_cast %get3A_394 : vector<1x32x64xbf16> to vector<32x64xbf16>
    %convert_element_type3A_396 = arith.truncf %slice3A_390 : vector<7x32xf32> to vector<7x32xbf16>
    %dot_general3A_397 = arith.constant dense<0.000000e+00> : vector<7x64xf32>
    %dot_general3A_398 = tpu.matmul %convert_element_type3A_396, %get3A_395, %dot_general3A_397 {dimension_numbers = #tpu.dot_dimension_numbers<[1], [0], [0], [1], [0, 0, 1, 1], [], []>, transpose_lhs_hint = false} : vector<7x32xbf16>, vector<32x64xbf16>, vector<7x64xf32> -> vector<7x64xf32>
    %get3A_399 = arith.constant 16 : index
    %get3A_400 = arith.constant 0 : index
    %get3A_401 = vector.load %arg5[%get3A_399, %get3A_400] : memref<50x64xf32, #tpu.memory_space<vmem>>, vector<1x64xf32>
    %get3A_402 = vector.shape_cast %get3A_401 : vector<1x64xf32> to vector<64xf32>
    %broadcast_in_dim3A_403 = vector.shape_cast %get3A_402 : vector<64xf32> to vector<1x64xf32>
    %add3A_404 = vector.broadcast %broadcast_in_dim3A_403 : vector<1x64xf32> to vector<7x64xf32>
    %add3A_405 = arith.addf %dot_general3A_398, %add3A_404 : vector<7x64xf32>
    %sub3A_406 = arith.subf %add3A_405, %get3A_3 : vector<7x64xf32>
    %mul3A_407 = arith.mulf %sub3A_406, %sub3A_406 : vector<7x64xf32>
    %reduce_sum3A_408 = arith.constant dense<0.000000e+00> : vector<7xf32>
    %reduce_sum3A_409 = vector.multi_reduction <add>, %mul3A_407, %reduce_sum3A_408 [1] : vector<7x64xf32> to vector<7xf32>
    %broadcast_in_dim3A_410 = vector.shape_cast %reduce_sum3A_409 : vector<7xf32> to vector<7x1xf32>
    %neg3A_411 = arith.constant 0.000000e+00 : f32
    %neg3A_412 = vector.broadcast %neg3A_411 : f32 to vector<7x1xf32>
    %neg3A_413 = arith.subf %neg3A_412, %broadcast_in_dim3A_410 : vector<7x1xf32>
    %slice3A_414 = vector.extract_strided_slice %add3A_10 {offsets = [0, 544], sizes = [7, 32], strides = [1, 1]} : vector<7x1600xf32> to vector<7x32xf32>
    %get3A_415 = arith.constant 17 : index
    %get3A_416 = arith.constant 0 : index
    %get3A_417 = arith.constant 0 : index
    %get3A_418 = vector.load %arg4[%get3A_415, %get3A_416, %get3A_417] : memref<50x32x64xbf16, #tpu.memory_space<vmem>>, vector<1x32x64xbf16>
    %get3A_419 = vector.shape_cast %get3A_418 : vector<1x32x64xbf16> to vector<32x64xbf16>
    %convert_element_type3A_420 = arith.truncf %slice3A_414 : vector<7x32xf32> to vector<7x32xbf16>
    %dot_general3A_421 = arith.constant dense<0.000000e+00> : vector<7x64xf32>
    %dot_general3A_422 = tpu.matmul %convert_element_type3A_420, %get3A_419, %dot_general3A_421 {dimension_numbers = #tpu.dot_dimension_numbers<[1], [0], [0], [1], [0, 0, 1, 1], [], []>, transpose_lhs_hint = false} : vector<7x32xbf16>, vector<32x64xbf16>, vector<7x64xf32> -> vector<7x64xf32>
    %get3A_423 = arith.constant 17 : index
    %get3A_424 = arith.constant 0 : index
    %get3A_425 = vector.load %arg5[%get3A_423, %get3A_424] : memref<50x64xf32, #tpu.memory_space<vmem>>, vector<1x64xf32>
    %get3A_426 = vector.shape_cast %get3A_425 : vector<1x64xf32> to vector<64xf32>
    %broadcast_in_dim3A_427 = vector.shape_cast %get3A_426 : vector<64xf32> to vector<1x64xf32>
    %add3A_428 = vector.broadcast %broadcast_in_dim3A_427 : vector<1x64xf32> to vector<7x64xf32>
    %add3A_429 = arith.addf %dot_general3A_422, %add3A_428 : vector<7x64xf32>
    %sub3A_430 = arith.subf %add3A_429, %get3A_3 : vector<7x64xf32>
    %mul3A_431 = arith.mulf %sub3A_430, %sub3A_430 : vector<7x64xf32>
    %reduce_sum3A_432 = arith.constant dense<0.000000e+00> : vector<7xf32>
    %reduce_sum3A_433 = vector.multi_reduction <add>, %mul3A_431, %reduce_sum3A_432 [1] : vector<7x64xf32> to vector<7xf32>
    %broadcast_in_dim3A_434 = vector.shape_cast %reduce_sum3A_433 : vector<7xf32> to vector<7x1xf32>
    %neg3A_435 = arith.constant 0.000000e+00 : f32
    %neg3A_436 = vector.broadcast %neg3A_435 : f32 to vector<7x1xf32>
    %neg3A_437 = arith.subf %neg3A_436, %broadcast_in_dim3A_434 : vector<7x1xf32>
    %slice3A_438 = vector.extract_strided_slice %add3A_10 {offsets = [0, 576], sizes = [7, 32], strides = [1, 1]} : vector<7x1600xf32> to vector<7x32xf32>
    %get3A_439 = arith.constant 18 : index
    %get3A_440 = arith.constant 0 : index
    %get3A_441 = arith.constant 0 : index
    %get3A_442 = vector.load %arg4[%get3A_439, %get3A_440, %get3A_441] : memref<50x32x64xbf16, #tpu.memory_space<vmem>>, vector<1x32x64xbf16>
    %get3A_443 = vector.shape_cast %get3A_442 : vector<1x32x64xbf16> to vector<32x64xbf16>
    %convert_element_type3A_444 = arith.truncf %slice3A_438 : vector<7x32xf32> to vector<7x32xbf16>
    %dot_general3A_445 = arith.constant dense<0.000000e+00> : vector<7x64xf32>
    %dot_general3A_446 = tpu.matmul %convert_element_type3A_444, %get3A_443, %dot_general3A_445 {dimension_numbers = #tpu.dot_dimension_numbers<[1], [0], [0], [1], [0, 0, 1, 1], [], []>, transpose_lhs_hint = false} : vector<7x32xbf16>, vector<32x64xbf16>, vector<7x64xf32> -> vector<7x64xf32>
    %get3A_447 = arith.constant 18 : index
    %get3A_448 = arith.constant 0 : index
    %get3A_449 = vector.load %arg5[%get3A_447, %get3A_448] : memref<50x64xf32, #tpu.memory_space<vmem>>, vector<1x64xf32>
    %get3A_450 = vector.shape_cast %get3A_449 : vector<1x64xf32> to vector<64xf32>
    %broadcast_in_dim3A_451 = vector.shape_cast %get3A_450 : vector<64xf32> to vector<1x64xf32>
    %add3A_452 = vector.broadcast %broadcast_in_dim3A_451 : vector<1x64xf32> to vector<7x64xf32>
    %add3A_453 = arith.addf %dot_general3A_446, %add3A_452 : vector<7x64xf32>
    %sub3A_454 = arith.subf %add3A_453, %get3A_3 : vector<7x64xf32>
    %mul3A_455 = arith.mulf %sub3A_454, %sub3A_454 : vector<7x64xf32>
    %reduce_sum3A_456 = arith.constant dense<0.000000e+00> : vector<7xf32>
    %reduce_sum3A_457 = vector.multi_reduction <add>, %mul3A_455, %reduce_sum3A_456 [1] : vector<7x64xf32> to vector<7xf32>
    %broadcast_in_dim3A_458 = vector.shape_cast %reduce_sum3A_457 : vector<7xf32> to vector<7x1xf32>
    %neg3A_459 = arith.constant 0.000000e+00 : f32
    %neg3A_460 = vector.broadcast %neg3A_459 : f32 to vector<7x1xf32>
    %neg3A_461 = arith.subf %neg3A_460, %broadcast_in_dim3A_458 : vector<7x1xf32>
    %slice3A_462 = vector.extract_strided_slice %add3A_10 {offsets = [0, 608], sizes = [7, 32], strides = [1, 1]} : vector<7x1600xf32> to vector<7x32xf32>
    %get3A_463 = arith.constant 19 : index
    %get3A_464 = arith.constant 0 : index
    %get3A_465 = arith.constant 0 : index
    %get3A_466 = vector.load %arg4[%get3A_463, %get3A_464, %get3A_465] : memref<50x32x64xbf16, #tpu.memory_space<vmem>>, vector<1x32x64xbf16>
    %get3A_467 = vector.shape_cast %get3A_466 : vector<1x32x64xbf16> to vector<32x64xbf16>
    %convert_element_type3A_468 = arith.truncf %slice3A_462 : vector<7x32xf32> to vector<7x32xbf16>
    %dot_general3A_469 = arith.constant dense<0.000000e+00> : vector<7x64xf32>
    %dot_general3A_470 = tpu.matmul %convert_element_type3A_468, %get3A_467, %dot_general3A_469 {dimension_numbers = #tpu.dot_dimension_numbers<[1], [0], [0], [1], [0, 0, 1, 1], [], []>, transpose_lhs_hint = false} : vector<7x32xbf16>, vector<32x64xbf16>, vector<7x64xf32> -> vector<7x64xf32>
    %get3A_471 = arith.constant 19 : index
    %get3A_472 = arith.constant 0 : index
    %get3A_473 = vector.load %arg5[%get3A_471, %get3A_472] : memref<50x64xf32, #tpu.memory_space<vmem>>, vector<1x64xf32>
    %get3A_474 = vector.shape_cast %get3A_473 : vector<1x64xf32> to vector<64xf32>
    %broadcast_in_dim3A_475 = vector.shape_cast %get3A_474 : vector<64xf32> to vector<1x64xf32>
    %add3A_476 = vector.broadcast %broadcast_in_dim3A_475 : vector<1x64xf32> to vector<7x64xf32>
    %add3A_477 = arith.addf %dot_general3A_470, %add3A_476 : vector<7x64xf32>
    %sub3A_478 = arith.subf %add3A_477, %get3A_3 : vector<7x64xf32>
    %mul3A_479 = arith.mulf %sub3A_478, %sub3A_478 : vector<7x64xf32>
    %reduce_sum3A_480 = arith.constant dense<0.000000e+00> : vector<7xf32>
    %reduce_sum3A_481 = vector.multi_reduction <add>, %mul3A_479, %reduce_sum3A_480 [1] : vector<7x64xf32> to vector<7xf32>
    %broadcast_in_dim3A_482 = vector.shape_cast %reduce_sum3A_481 : vector<7xf32> to vector<7x1xf32>
    %neg3A_483 = arith.constant 0.000000e+00 : f32
    %neg3A_484 = vector.broadcast %neg3A_483 : f32 to vector<7x1xf32>
    %neg3A_485 = arith.subf %neg3A_484, %broadcast_in_dim3A_482 : vector<7x1xf32>
    %slice3A_486 = vector.extract_strided_slice %add3A_10 {offsets = [0, 640], sizes = [7, 32], strides = [1, 1]} : vector<7x1600xf32> to vector<7x32xf32>
    %get3A_487 = arith.constant 20 : index
    %get3A_488 = arith.constant 0 : index
    %get3A_489 = arith.constant 0 : index
    %get3A_490 = vector.load %arg4[%get3A_487, %get3A_488, %get3A_489] : memref<50x32x64xbf16, #tpu.memory_space<vmem>>, vector<1x32x64xbf16>
    %get3A_491 = vector.shape_cast %get3A_490 : vector<1x32x64xbf16> to vector<32x64xbf16>
    %convert_element_type3A_492 = arith.truncf %slice3A_486 : vector<7x32xf32> to vector<7x32xbf16>
    %dot_general3A_493 = arith.constant dense<0.000000e+00> : vector<7x64xf32>
    %dot_general3A_494 = tpu.matmul %convert_element_type3A_492, %get3A_491, %dot_general3A_493 {dimension_numbers = #tpu.dot_dimension_numbers<[1], [0], [0], [1], [0, 0, 1, 1], [], []>, transpose_lhs_hint = false} : vector<7x32xbf16>, vector<32x64xbf16>, vector<7x64xf32> -> vector<7x64xf32>
    %get3A_495 = arith.constant 20 : index
    %get3A_496 = arith.constant 0 : index
    %get3A_497 = vector.load %arg5[%get3A_495, %get3A_496] : memref<50x64xf32, #tpu.memory_space<vmem>>, vector<1x64xf32>
    %get3A_498 = vector.shape_cast %get3A_497 : vector<1x64xf32> to vector<64xf32>
    %broadcast_in_dim3A_499 = vector.shape_cast %get3A_498 : vector<64xf32> to vector<1x64xf32>
    %add3A_500 = vector.broadcast %broadcast_in_dim3A_499 : vector<1x64xf32> to vector<7x64xf32>
    %add3A_501 = arith.addf %dot_general3A_494, %add3A_500 : vector<7x64xf32>
    %sub3A_502 = arith.subf %add3A_501, %get3A_3 : vector<7x64xf32>
    %mul3A_503 = arith.mulf %sub3A_502, %sub3A_502 : vector<7x64xf32>
    %reduce_sum3A_504 = arith.constant dense<0.000000e+00> : vector<7xf32>
    %reduce_sum3A_505 = vector.multi_reduction <add>, %mul3A_503, %reduce_sum3A_504 [1] : vector<7x64xf32> to vector<7xf32>
    %broadcast_in_dim3A_506 = vector.shape_cast %reduce_sum3A_505 : vector<7xf32> to vector<7x1xf32>
    %neg3A_507 = arith.constant 0.000000e+00 : f32
    %neg3A_508 = vector.broadcast %neg3A_507 : f32 to vector<7x1xf32>
    %neg3A_509 = arith.subf %neg3A_508, %broadcast_in_dim3A_506 : vector<7x1xf32>
    %slice3A_510 = vector.extract_strided_slice %add3A_10 {offsets = [0, 672], sizes = [7, 32], strides = [1, 1]} : vector<7x1600xf32> to vector<7x32xf32>
    %get3A_511 = arith.constant 21 : index
    %get3A_512 = arith.constant 0 : index
    %get3A_513 = arith.constant 0 : index
    %get3A_514 = vector.load %arg4[%get3A_511, %get3A_512, %get3A_513] : memref<50x32x64xbf16, #tpu.memory_space<vmem>>, vector<1x32x64xbf16>
    %get3A_515 = vector.shape_cast %get3A_514 : vector<1x32x64xbf16> to vector<32x64xbf16>
    %convert_element_type3A_516 = arith.truncf %slice3A_510 : vector<7x32xf32> to vector<7x32xbf16>
    %dot_general3A_517 = arith.constant dense<0.000000e+00> : vector<7x64xf32>
    %dot_general3A_518 = tpu.matmul %convert_element_type3A_516, %get3A_515, %dot_general3A_517 {dimension_numbers = #tpu.dot_dimension_numbers<[1], [0], [0], [1], [0, 0, 1, 1], [], []>, transpose_lhs_hint = false} : vector<7x32xbf16>, vector<32x64xbf16>, vector<7x64xf32> -> vector<7x64xf32>
    %get3A_519 = arith.constant 21 : index
    %get3A_520 = arith.constant 0 : index
    %get3A_521 = vector.load %arg5[%get3A_519, %get3A_520] : memref<50x64xf32, #tpu.memory_space<vmem>>, vector<1x64xf32>
    %get3A_522 = vector.shape_cast %get3A_521 : vector<1x64xf32> to vector<64xf32>
    %broadcast_in_dim3A_523 = vector.shape_cast %get3A_522 : vector<64xf32> to vector<1x64xf32>
    %add3A_524 = vector.broadcast %broadcast_in_dim3A_523 : vector<1x64xf32> to vector<7x64xf32>
    %add3A_525 = arith.addf %dot_general3A_518, %add3A_524 : vector<7x64xf32>
    %sub3A_526 = arith.subf %add3A_525, %get3A_3 : vector<7x64xf32>
    %mul3A_527 = arith.mulf %sub3A_526, %sub3A_526 : vector<7x64xf32>
    %reduce_sum3A_528 = arith.constant dense<0.000000e+00> : vector<7xf32>
    %reduce_sum3A_529 = vector.multi_reduction <add>, %mul3A_527, %reduce_sum3A_528 [1] : vector<7x64xf32> to vector<7xf32>
    %broadcast_in_dim3A_530 = vector.shape_cast %reduce_sum3A_529 : vector<7xf32> to vector<7x1xf32>
    %neg3A_531 = arith.constant 0.000000e+00 : f32
    %neg3A_532 = vector.broadcast %neg3A_531 : f32 to vector<7x1xf32>
    %neg3A_533 = arith.subf %neg3A_532, %broadcast_in_dim3A_530 : vector<7x1xf32>
    %slice3A_534 = vector.extract_strided_slice %add3A_10 {offsets = [0, 704], sizes = [7, 32], strides = [1, 1]} : vector<7x1600xf32> to vector<7x32xf32>
    %get3A_535 = arith.constant 22 : index
    %get3A_536 = arith.constant 0 : index
    %get3A_537 = arith.constant 0 : index
    %get3A_538 = vector.load %arg4[%get3A_535, %get3A_536, %get3A_537] : memref<50x32x64xbf16, #tpu.memory_space<vmem>>, vector<1x32x64xbf16>
    %get3A_539 = vector.shape_cast %get3A_538 : vector<1x32x64xbf16> to vector<32x64xbf16>
    %convert_element_type3A_540 = arith.truncf %slice3A_534 : vector<7x32xf32> to vector<7x32xbf16>
    %dot_general3A_541 = arith.constant dense<0.000000e+00> : vector<7x64xf32>
    %dot_general3A_542 = tpu.matmul %convert_element_type3A_540, %get3A_539, %dot_general3A_541 {dimension_numbers = #tpu.dot_dimension_numbers<[1], [0], [0], [1], [0, 0, 1, 1], [], []>, transpose_lhs_hint = false} : vector<7x32xbf16>, vector<32x64xbf16>, vector<7x64xf32> -> vector<7x64xf32>
    %get3A_543 = arith.constant 22 : index
    %get3A_544 = arith.constant 0 : index
    %get3A_545 = vector.load %arg5[%get3A_543, %get3A_544] : memref<50x64xf32, #tpu.memory_space<vmem>>, vector<1x64xf32>
    %get3A_546 = vector.shape_cast %get3A_545 : vector<1x64xf32> to vector<64xf32>
    %broadcast_in_dim3A_547 = vector.shape_cast %get3A_546 : vector<64xf32> to vector<1x64xf32>
    %add3A_548 = vector.broadcast %broadcast_in_dim3A_547 : vector<1x64xf32> to vector<7x64xf32>
    %add3A_549 = arith.addf %dot_general3A_542, %add3A_548 : vector<7x64xf32>
    %sub3A_550 = arith.subf %add3A_549, %get3A_3 : vector<7x64xf32>
    %mul3A_551 = arith.mulf %sub3A_550, %sub3A_550 : vector<7x64xf32>
    %reduce_sum3A_552 = arith.constant dense<0.000000e+00> : vector<7xf32>
    %reduce_sum3A_553 = vector.multi_reduction <add>, %mul3A_551, %reduce_sum3A_552 [1] : vector<7x64xf32> to vector<7xf32>
    %broadcast_in_dim3A_554 = vector.shape_cast %reduce_sum3A_553 : vector<7xf32> to vector<7x1xf32>
    %neg3A_555 = arith.constant 0.000000e+00 : f32
    %neg3A_556 = vector.broadcast %neg3A_555 : f32 to vector<7x1xf32>
    %neg3A_557 = arith.subf %neg3A_556, %broadcast_in_dim3A_554 : vector<7x1xf32>
    %slice3A_558 = vector.extract_strided_slice %add3A_10 {offsets = [0, 736], sizes = [7, 32], strides = [1, 1]} : vector<7x1600xf32> to vector<7x32xf32>
    %get3A_559 = arith.constant 23 : index
    %get3A_560 = arith.constant 0 : index
    %get3A_561 = arith.constant 0 : index
    %get3A_562 = vector.load %arg4[%get3A_559, %get3A_560, %get3A_561] : memref<50x32x64xbf16, #tpu.memory_space<vmem>>, vector<1x32x64xbf16>
    %get3A_563 = vector.shape_cast %get3A_562 : vector<1x32x64xbf16> to vector<32x64xbf16>
    %convert_element_type3A_564 = arith.truncf %slice3A_558 : vector<7x32xf32> to vector<7x32xbf16>
    %dot_general3A_565 = arith.constant dense<0.000000e+00> : vector<7x64xf32>
    %dot_general3A_566 = tpu.matmul %convert_element_type3A_564, %get3A_563, %dot_general3A_565 {dimension_numbers = #tpu.dot_dimension_numbers<[1], [0], [0], [1], [0, 0, 1, 1], [], []>, transpose_lhs_hint = false} : vector<7x32xbf16>, vector<32x64xbf16>, vector<7x64xf32> -> vector<7x64xf32>
    %get3A_567 = arith.constant 23 : index
    %get3A_568 = arith.constant 0 : index
    %get3A_569 = vector.load %arg5[%get3A_567, %get3A_568] : memref<50x64xf32, #tpu.memory_space<vmem>>, vector<1x64xf32>
    %get3A_570 = vector.shape_cast %get3A_569 : vector<1x64xf32> to vector<64xf32>
    %broadcast_in_dim3A_571 = vector.shape_cast %get3A_570 : vector<64xf32> to vector<1x64xf32>
    %add3A_572 = vector.broadcast %broadcast_in_dim3A_571 : vector<1x64xf32> to vector<7x64xf32>
    %add3A_573 = arith.addf %dot_general3A_566, %add3A_572 : vector<7x64xf32>
    %sub3A_574 = arith.subf %add3A_573, %get3A_3 : vector<7x64xf32>
    %mul3A_575 = arith.mulf %sub3A_574, %sub3A_574 : vector<7x64xf32>
    %reduce_sum3A_576 = arith.constant dense<0.000000e+00> : vector<7xf32>
    %reduce_sum3A_577 = vector.multi_reduction <add>, %mul3A_575, %reduce_sum3A_576 [1] : vector<7x64xf32> to vector<7xf32>
    %broadcast_in_dim3A_578 = vector.shape_cast %reduce_sum3A_577 : vector<7xf32> to vector<7x1xf32>
    %neg3A_579 = arith.constant 0.000000e+00 : f32
    %neg3A_580 = vector.broadcast %neg3A_579 : f32 to vector<7x1xf32>
    %neg3A_581 = arith.subf %neg3A_580, %broadcast_in_dim3A_578 : vector<7x1xf32>
    %slice3A_582 = vector.extract_strided_slice %add3A_10 {offsets = [0, 768], sizes = [7, 32], strides = [1, 1]} : vector<7x1600xf32> to vector<7x32xf32>
    %get3A_583 = arith.constant 24 : index
    %get3A_584 = arith.constant 0 : index
    %get3A_585 = arith.constant 0 : index
    %get3A_586 = vector.load %arg4[%get3A_583, %get3A_584, %get3A_585] : memref<50x32x64xbf16, #tpu.memory_space<vmem>>, vector<1x32x64xbf16>
    %get3A_587 = vector.shape_cast %get3A_586 : vector<1x32x64xbf16> to vector<32x64xbf16>
    %convert_element_type3A_588 = arith.truncf %slice3A_582 : vector<7x32xf32> to vector<7x32xbf16>
    %dot_general3A_589 = arith.constant dense<0.000000e+00> : vector<7x64xf32>
    %dot_general3A_590 = tpu.matmul %convert_element_type3A_588, %get3A_587, %dot_general3A_589 {dimension_numbers = #tpu.dot_dimension_numbers<[1], [0], [0], [1], [0, 0, 1, 1], [], []>, transpose_lhs_hint = false} : vector<7x32xbf16>, vector<32x64xbf16>, vector<7x64xf32> -> vector<7x64xf32>
    %get3A_591 = arith.constant 24 : index
    %get3A_592 = arith.constant 0 : index
    %get3A_593 = vector.load %arg5[%get3A_591, %get3A_592] : memref<50x64xf32, #tpu.memory_space<vmem>>, vector<1x64xf32>
    %get3A_594 = vector.shape_cast %get3A_593 : vector<1x64xf32> to vector<64xf32>
    %broadcast_in_dim3A_595 = vector.shape_cast %get3A_594 : vector<64xf32> to vector<1x64xf32>
    %add3A_596 = vector.broadcast %broadcast_in_dim3A_595 : vector<1x64xf32> to vector<7x64xf32>
    %add3A_597 = arith.addf %dot_general3A_590, %add3A_596 : vector<7x64xf32>
    %sub3A_598 = arith.subf %add3A_597, %get3A_3 : vector<7x64xf32>
    %mul3A_599 = arith.mulf %sub3A_598, %sub3A_598 : vector<7x64xf32>
    %reduce_sum3A_600 = arith.constant dense<0.000000e+00> : vector<7xf32>
    %reduce_sum3A_601 = vector.multi_reduction <add>, %mul3A_599, %reduce_sum3A_600 [1] : vector<7x64xf32> to vector<7xf32>
    %broadcast_in_dim3A_602 = vector.shape_cast %reduce_sum3A_601 : vector<7xf32> to vector<7x1xf32>
    %neg3A_603 = arith.constant 0.000000e+00 : f32
    %neg3A_604 = vector.broadcast %neg3A_603 : f32 to vector<7x1xf32>
    %neg3A_605 = arith.subf %neg3A_604, %broadcast_in_dim3A_602 : vector<7x1xf32>
    %slice3A_606 = vector.extract_strided_slice %add3A_10 {offsets = [0, 800], sizes = [7, 32], strides = [1, 1]} : vector<7x1600xf32> to vector<7x32xf32>
    %get3A_607 = arith.constant 25 : index
    %get3A_608 = arith.constant 0 : index
    %get3A_609 = arith.constant 0 : index
    %get3A_610 = vector.load %arg4[%get3A_607, %get3A_608, %get3A_609] : memref<50x32x64xbf16, #tpu.memory_space<vmem>>, vector<1x32x64xbf16>
    %get3A_611 = vector.shape_cast %get3A_610 : vector<1x32x64xbf16> to vector<32x64xbf16>
    %convert_element_type3A_612 = arith.truncf %slice3A_606 : vector<7x32xf32> to vector<7x32xbf16>
    %dot_general3A_613 = arith.constant dense<0.000000e+00> : vector<7x64xf32>
    %dot_general3A_614 = tpu.matmul %convert_element_type3A_612, %get3A_611, %dot_general3A_613 {dimension_numbers = #tpu.dot_dimension_numbers<[1], [0], [0], [1], [0, 0, 1, 1], [], []>, transpose_lhs_hint = false} : vector<7x32xbf16>, vector<32x64xbf16>, vector<7x64xf32> -> vector<7x64xf32>
    %get3A_615 = arith.constant 25 : index
    %get3A_616 = arith.constant 0 : index
    %get3A_617 = vector.load %arg5[%get3A_615, %get3A_616] : memref<50x64xf32, #tpu.memory_space<vmem>>, vector<1x64xf32>
    %get3A_618 = vector.shape_cast %get3A_617 : vector<1x64xf32> to vector<64xf32>
    %broadcast_in_dim3A_619 = vector.shape_cast %get3A_618 : vector<64xf32> to vector<1x64xf32>
    %add3A_620 = vector.broadcast %broadcast_in_dim3A_619 : vector<1x64xf32> to vector<7x64xf32>
    %add3A_621 = arith.addf %dot_general3A_614, %add3A_620 : vector<7x64xf32>
    %sub3A_622 = arith.subf %add3A_621, %get3A_3 : vector<7x64xf32>
    %mul3A_623 = arith.mulf %sub3A_622, %sub3A_622 : vector<7x64xf32>
    %reduce_sum3A_624 = arith.constant dense<0.000000e+00> : vector<7xf32>
    %reduce_sum3A_625 = vector.multi_reduction <add>, %mul3A_623, %reduce_sum3A_624 [1] : vector<7x64xf32> to vector<7xf32>
    %broadcast_in_dim3A_626 = vector.shape_cast %reduce_sum3A_625 : vector<7xf32> to vector<7x1xf32>
    %neg3A_627 = arith.constant 0.000000e+00 : f32
    %neg3A_628 = vector.broadcast %neg3A_627 : f32 to vector<7x1xf32>
    %neg3A_629 = arith.subf %neg3A_628, %broadcast_in_dim3A_626 : vector<7x1xf32>
    %slice3A_630 = vector.extract_strided_slice %add3A_10 {offsets = [0, 832], sizes = [7, 32], strides = [1, 1]} : vector<7x1600xf32> to vector<7x32xf32>
    %get3A_631 = arith.constant 26 : index
    %get3A_632 = arith.constant 0 : index
    %get3A_633 = arith.constant 0 : index
    %get3A_634 = vector.load %arg4[%get3A_631, %get3A_632, %get3A_633] : memref<50x32x64xbf16, #tpu.memory_space<vmem>>, vector<1x32x64xbf16>
    %get3A_635 = vector.shape_cast %get3A_634 : vector<1x32x64xbf16> to vector<32x64xbf16>
    %convert_element_type3A_636 = arith.truncf %slice3A_630 : vector<7x32xf32> to vector<7x32xbf16>
    %dot_general3A_637 = arith.constant dense<0.000000e+00> : vector<7x64xf32>
    %dot_general3A_638 = tpu.matmul %convert_element_type3A_636, %get3A_635, %dot_general3A_637 {dimension_numbers = #tpu.dot_dimension_numbers<[1], [0], [0], [1], [0, 0, 1, 1], [], []>, transpose_lhs_hint = false} : vector<7x32xbf16>, vector<32x64xbf16>, vector<7x64xf32> -> vector<7x64xf32>
    %get3A_639 = arith.constant 26 : index
    %get3A_640 = arith.constant 0 : index
    %get3A_641 = vector.load %arg5[%get3A_639, %get3A_640] : memref<50x64xf32, #tpu.memory_space<vmem>>, vector<1x64xf32>
    %get3A_642 = vector.shape_cast %get3A_641 : vector<1x64xf32> to vector<64xf32>
    %broadcast_in_dim3A_643 = vector.shape_cast %get3A_642 : vector<64xf32> to vector<1x64xf32>
    %add3A_644 = vector.broadcast %broadcast_in_dim3A_643 : vector<1x64xf32> to vector<7x64xf32>
    %add3A_645 = arith.addf %dot_general3A_638, %add3A_644 : vector<7x64xf32>
    %sub3A_646 = arith.subf %add3A_645, %get3A_3 : vector<7x64xf32>
    %mul3A_647 = arith.mulf %sub3A_646, %sub3A_646 : vector<7x64xf32>
    %reduce_sum3A_648 = arith.constant dense<0.000000e+00> : vector<7xf32>
    %reduce_sum3A_649 = vector.multi_reduction <add>, %mul3A_647, %reduce_sum3A_648 [1] : vector<7x64xf32> to vector<7xf32>
    %broadcast_in_dim3A_650 = vector.shape_cast %reduce_sum3A_649 : vector<7xf32> to vector<7x1xf32>
    %neg3A_651 = arith.constant 0.000000e+00 : f32
    %neg3A_652 = vector.broadcast %neg3A_651 : f32 to vector<7x1xf32>
    %neg3A_653 = arith.subf %neg3A_652, %broadcast_in_dim3A_650 : vector<7x1xf32>
    %slice3A_654 = vector.extract_strided_slice %add3A_10 {offsets = [0, 864], sizes = [7, 32], strides = [1, 1]} : vector<7x1600xf32> to vector<7x32xf32>
    %get3A_655 = arith.constant 27 : index
    %get3A_656 = arith.constant 0 : index
    %get3A_657 = arith.constant 0 : index
    %get3A_658 = vector.load %arg4[%get3A_655, %get3A_656, %get3A_657] : memref<50x32x64xbf16, #tpu.memory_space<vmem>>, vector<1x32x64xbf16>
    %get3A_659 = vector.shape_cast %get3A_658 : vector<1x32x64xbf16> to vector<32x64xbf16>
    %convert_element_type3A_660 = arith.truncf %slice3A_654 : vector<7x32xf32> to vector<7x32xbf16>
    %dot_general3A_661 = arith.constant dense<0.000000e+00> : vector<7x64xf32>
    %dot_general3A_662 = tpu.matmul %convert_element_type3A_660, %get3A_659, %dot_general3A_661 {dimension_numbers = #tpu.dot_dimension_numbers<[1], [0], [0], [1], [0, 0, 1, 1], [], []>, transpose_lhs_hint = false} : vector<7x32xbf16>, vector<32x64xbf16>, vector<7x64xf32> -> vector<7x64xf32>
    %get3A_663 = arith.constant 27 : index
    %get3A_664 = arith.constant 0 : index
    %get3A_665 = vector.load %arg5[%get3A_663, %get3A_664] : memref<50x64xf32, #tpu.memory_space<vmem>>, vector<1x64xf32>
    %get3A_666 = vector.shape_cast %get3A_665 : vector<1x64xf32> to vector<64xf32>
    %broadcast_in_dim3A_667 = vector.shape_cast %get3A_666 : vector<64xf32> to vector<1x64xf32>
    %add3A_668 = vector.broadcast %broadcast_in_dim3A_667 : vector<1x64xf32> to vector<7x64xf32>
    %add3A_669 = arith.addf %dot_general3A_662, %add3A_668 : vector<7x64xf32>
    %sub3A_670 = arith.subf %add3A_669, %get3A_3 : vector<7x64xf32>
    %mul3A_671 = arith.mulf %sub3A_670, %sub3A_670 : vector<7x64xf32>
    %reduce_sum3A_672 = arith.constant dense<0.000000e+00> : vector<7xf32>
    %reduce_sum3A_673 = vector.multi_reduction <add>, %mul3A_671, %reduce_sum3A_672 [1] : vector<7x64xf32> to vector<7xf32>
    %broadcast_in_dim3A_674 = vector.shape_cast %reduce_sum3A_673 : vector<7xf32> to vector<7x1xf32>
    %neg3A_675 = arith.constant 0.000000e+00 : f32
    %neg3A_676 = vector.broadcast %neg3A_675 : f32 to vector<7x1xf32>
    %neg3A_677 = arith.subf %neg3A_676, %broadcast_in_dim3A_674 : vector<7x1xf32>
    %slice3A_678 = vector.extract_strided_slice %add3A_10 {offsets = [0, 896], sizes = [7, 32], strides = [1, 1]} : vector<7x1600xf32> to vector<7x32xf32>
    %get3A_679 = arith.constant 28 : index
    %get3A_680 = arith.constant 0 : index
    %get3A_681 = arith.constant 0 : index
    %get3A_682 = vector.load %arg4[%get3A_679, %get3A_680, %get3A_681] : memref<50x32x64xbf16, #tpu.memory_space<vmem>>, vector<1x32x64xbf16>
    %get3A_683 = vector.shape_cast %get3A_682 : vector<1x32x64xbf16> to vector<32x64xbf16>
    %convert_element_type3A_684 = arith.truncf %slice3A_678 : vector<7x32xf32> to vector<7x32xbf16>
    %dot_general3A_685 = arith.constant dense<0.000000e+00> : vector<7x64xf32>
    %dot_general3A_686 = tpu.matmul %convert_element_type3A_684, %get3A_683, %dot_general3A_685 {dimension_numbers = #tpu.dot_dimension_numbers<[1], [0], [0], [1], [0, 0, 1, 1], [], []>, transpose_lhs_hint = false} : vector<7x32xbf16>, vector<32x64xbf16>, vector<7x64xf32> -> vector<7x64xf32>
    %get3A_687 = arith.constant 28 : index
    %get3A_688 = arith.constant 0 : index
    %get3A_689 = vector.load %arg5[%get3A_687, %get3A_688] : memref<50x64xf32, #tpu.memory_space<vmem>>, vector<1x64xf32>
    %get3A_690 = vector.shape_cast %get3A_689 : vector<1x64xf32> to vector<64xf32>
    %broadcast_in_dim3A_691 = vector.shape_cast %get3A_690 : vector<64xf32> to vector<1x64xf32>
    %add3A_692 = vector.broadcast %broadcast_in_dim3A_691 : vector<1x64xf32> to vector<7x64xf32>
    %add3A_693 = arith.addf %dot_general3A_686, %add3A_692 : vector<7x64xf32>
    %sub3A_694 = arith.subf %add3A_693, %get3A_3 : vector<7x64xf32>
    %mul3A_695 = arith.mulf %sub3A_694, %sub3A_694 : vector<7x64xf32>
    %reduce_sum3A_696 = arith.constant dense<0.000000e+00> : vector<7xf32>
    %reduce_sum3A_697 = vector.multi_reduction <add>, %mul3A_695, %reduce_sum3A_696 [1] : vector<7x64xf32> to vector<7xf32>
    %broadcast_in_dim3A_698 = vector.shape_cast %reduce_sum3A_697 : vector<7xf32> to vector<7x1xf32>
    %neg3A_699 = arith.constant 0.000000e+00 : f32
    %neg3A_700 = vector.broadcast %neg3A_699 : f32 to vector<7x1xf32>
    %neg3A_701 = arith.subf %neg3A_700, %broadcast_in_dim3A_698 : vector<7x1xf32>
    %slice3A_702 = vector.extract_strided_slice %add3A_10 {offsets = [0, 928], sizes = [7, 32], strides = [1, 1]} : vector<7x1600xf32> to vector<7x32xf32>
    %get3A_703 = arith.constant 29 : index
    %get3A_704 = arith.constant 0 : index
    %get3A_705 = arith.constant 0 : index
    %get3A_706 = vector.load %arg4[%get3A_703, %get3A_704, %get3A_705] : memref<50x32x64xbf16, #tpu.memory_space<vmem>>, vector<1x32x64xbf16>
    %get3A_707 = vector.shape_cast %get3A_706 : vector<1x32x64xbf16> to vector<32x64xbf16>
    %convert_element_type3A_708 = arith.truncf %slice3A_702 : vector<7x32xf32> to vector<7x32xbf16>
    %dot_general3A_709 = arith.constant dense<0.000000e+00> : vector<7x64xf32>
    %dot_general3A_710 = tpu.matmul %convert_element_type3A_708, %get3A_707, %dot_general3A_709 {dimension_numbers = #tpu.dot_dimension_numbers<[1], [0], [0], [1], [0, 0, 1, 1], [], []>, transpose_lhs_hint = false} : vector<7x32xbf16>, vector<32x64xbf16>, vector<7x64xf32> -> vector<7x64xf32>
    %get3A_711 = arith.constant 29 : index
    %get3A_712 = arith.constant 0 : index
    %get3A_713 = vector.load %arg5[%get3A_711, %get3A_712] : memref<50x64xf32, #tpu.memory_space<vmem>>, vector<1x64xf32>
    %get3A_714 = vector.shape_cast %get3A_713 : vector<1x64xf32> to vector<64xf32>
    %broadcast_in_dim3A_715 = vector.shape_cast %get3A_714 : vector<64xf32> to vector<1x64xf32>
    %add3A_716 = vector.broadcast %broadcast_in_dim3A_715 : vector<1x64xf32> to vector<7x64xf32>
    %add3A_717 = arith.addf %dot_general3A_710, %add3A_716 : vector<7x64xf32>
    %sub3A_718 = arith.subf %add3A_717, %get3A_3 : vector<7x64xf32>
    %mul3A_719 = arith.mulf %sub3A_718, %sub3A_718 : vector<7x64xf32>
    %reduce_sum3A_720 = arith.constant dense<0.000000e+00> : vector<7xf32>
    %reduce_sum3A_721 = vector.multi_reduction <add>, %mul3A_719, %reduce_sum3A_720 [1] : vector<7x64xf32> to vector<7xf32>
    %broadcast_in_dim3A_722 = vector.shape_cast %reduce_sum3A_721 : vector<7xf32> to vector<7x1xf32>
    %neg3A_723 = arith.constant 0.000000e+00 : f32
    %neg3A_724 = vector.broadcast %neg3A_723 : f32 to vector<7x1xf32>
    %neg3A_725 = arith.subf %neg3A_724, %broadcast_in_dim3A_722 : vector<7x1xf32>
    %slice3A_726 = vector.extract_strided_slice %add3A_10 {offsets = [0, 960], sizes = [7, 32], strides = [1, 1]} : vector<7x1600xf32> to vector<7x32xf32>
    %get3A_727 = arith.constant 30 : index
    %get3A_728 = arith.constant 0 : index
    %get3A_729 = arith.constant 0 : index
    %get3A_730 = vector.load %arg4[%get3A_727, %get3A_728, %get3A_729] : memref<50x32x64xbf16, #tpu.memory_space<vmem>>, vector<1x32x64xbf16>
    %get3A_731 = vector.shape_cast %get3A_730 : vector<1x32x64xbf16> to vector<32x64xbf16>
    %convert_element_type3A_732 = arith.truncf %slice3A_726 : vector<7x32xf32> to vector<7x32xbf16>
    %dot_general3A_733 = arith.constant dense<0.000000e+00> : vector<7x64xf32>
    %dot_general3A_734 = tpu.matmul %convert_element_type3A_732, %get3A_731, %dot_general3A_733 {dimension_numbers = #tpu.dot_dimension_numbers<[1], [0], [0], [1], [0, 0, 1, 1], [], []>, transpose_lhs_hint = false} : vector<7x32xbf16>, vector<32x64xbf16>, vector<7x64xf32> -> vector<7x64xf32>
    %get3A_735 = arith.constant 30 : index
    %get3A_736 = arith.constant 0 : index
    %get3A_737 = vector.load %arg5[%get3A_735, %get3A_736] : memref<50x64xf32, #tpu.memory_space<vmem>>, vector<1x64xf32>
    %get3A_738 = vector.shape_cast %get3A_737 : vector<1x64xf32> to vector<64xf32>
    %broadcast_in_dim3A_739 = vector.shape_cast %get3A_738 : vector<64xf32> to vector<1x64xf32>
    %add3A_740 = vector.broadcast %broadcast_in_dim3A_739 : vector<1x64xf32> to vector<7x64xf32>
    %add3A_741 = arith.addf %dot_general3A_734, %add3A_740 : vector<7x64xf32>
    %sub3A_742 = arith.subf %add3A_741, %get3A_3 : vector<7x64xf32>
    %mul3A_743 = arith.mulf %sub3A_742, %sub3A_742 : vector<7x64xf32>
    %reduce_sum3A_744 = arith.constant dense<0.000000e+00> : vector<7xf32>
    %reduce_sum3A_745 = vector.multi_reduction <add>, %mul3A_743, %reduce_sum3A_744 [1] : vector<7x64xf32> to vector<7xf32>
    %broadcast_in_dim3A_746 = vector.shape_cast %reduce_sum3A_745 : vector<7xf32> to vector<7x1xf32>
    %neg3A_747 = arith.constant 0.000000e+00 : f32
    %neg3A_748 = vector.broadcast %neg3A_747 : f32 to vector<7x1xf32>
    %neg3A_749 = arith.subf %neg3A_748, %broadcast_in_dim3A_746 : vector<7x1xf32>
    %slice3A_750 = vector.extract_strided_slice %add3A_10 {offsets = [0, 992], sizes = [7, 32], strides = [1, 1]} : vector<7x1600xf32> to vector<7x32xf32>
    %get3A_751 = arith.constant 31 : index
    %get3A_752 = arith.constant 0 : index
    %get3A_753 = arith.constant 0 : index
    %get3A_754 = vector.load %arg4[%get3A_751, %get3A_752, %get3A_753] : memref<50x32x64xbf16, #tpu.memory_space<vmem>>, vector<1x32x64xbf16>
    %get3A_755 = vector.shape_cast %get3A_754 : vector<1x32x64xbf16> to vector<32x64xbf16>
    %convert_element_type3A_756 = arith.truncf %slice3A_750 : vector<7x32xf32> to vector<7x32xbf16>
    %dot_general3A_757 = arith.constant dense<0.000000e+00> : vector<7x64xf32>
    %dot_general3A_758 = tpu.matmul %convert_element_type3A_756, %get3A_755, %dot_general3A_757 {dimension_numbers = #tpu.dot_dimension_numbers<[1], [0], [0], [1], [0, 0, 1, 1], [], []>, transpose_lhs_hint = false} : vector<7x32xbf16>, vector<32x64xbf16>, vector<7x64xf32> -> vector<7x64xf32>
    %get3A_759 = arith.constant 31 : index
    %get3A_760 = arith.constant 0 : index
    %get3A_761 = vector.load %arg5[%get3A_759, %get3A_760] : memref<50x64xf32, #tpu.memory_space<vmem>>, vector<1x64xf32>
    %get3A_762 = vector.shape_cast %get3A_761 : vector<1x64xf32> to vector<64xf32>
    %broadcast_in_dim3A_763 = vector.shape_cast %get3A_762 : vector<64xf32> to vector<1x64xf32>
    %add3A_764 = vector.broadcast %broadcast_in_dim3A_763 : vector<1x64xf32> to vector<7x64xf32>
    %add3A_765 = arith.addf %dot_general3A_758, %add3A_764 : vector<7x64xf32>
    %sub3A_766 = arith.subf %add3A_765, %get3A_3 : vector<7x64xf32>
    %mul3A_767 = arith.mulf %sub3A_766, %sub3A_766 : vector<7x64xf32>
    %reduce_sum3A_768 = arith.constant dense<0.000000e+00> : vector<7xf32>
    %reduce_sum3A_769 = vector.multi_reduction <add>, %mul3A_767, %reduce_sum3A_768 [1] : vector<7x64xf32> to vector<7xf32>
    %broadcast_in_dim3A_770 = vector.shape_cast %reduce_sum3A_769 : vector<7xf32> to vector<7x1xf32>
    %neg3A_771 = arith.constant 0.000000e+00 : f32
    %neg3A_772 = vector.broadcast %neg3A_771 : f32 to vector<7x1xf32>
    %neg3A_773 = arith.subf %neg3A_772, %broadcast_in_dim3A_770 : vector<7x1xf32>
    %slice3A_774 = vector.extract_strided_slice %add3A_10 {offsets = [0, 1024], sizes = [7, 32], strides = [1, 1]} : vector<7x1600xf32> to vector<7x32xf32>
    %get3A_775 = arith.constant 32 : index
    %get3A_776 = arith.constant 0 : index
    %get3A_777 = arith.constant 0 : index
    %get3A_778 = vector.load %arg4[%get3A_775, %get3A_776, %get3A_777] : memref<50x32x64xbf16, #tpu.memory_space<vmem>>, vector<1x32x64xbf16>
    %get3A_779 = vector.shape_cast %get3A_778 : vector<1x32x64xbf16> to vector<32x64xbf16>
    %convert_element_type3A_780 = arith.truncf %slice3A_774 : vector<7x32xf32> to vector<7x32xbf16>
    %dot_general3A_781 = arith.constant dense<0.000000e+00> : vector<7x64xf32>
    %dot_general3A_782 = tpu.matmul %convert_element_type3A_780, %get3A_779, %dot_general3A_781 {dimension_numbers = #tpu.dot_dimension_numbers<[1], [0], [0], [1], [0, 0, 1, 1], [], []>, transpose_lhs_hint = false} : vector<7x32xbf16>, vector<32x64xbf16>, vector<7x64xf32> -> vector<7x64xf32>
    %get3A_783 = arith.constant 32 : index
    %get3A_784 = arith.constant 0 : index
    %get3A_785 = vector.load %arg5[%get3A_783, %get3A_784] : memref<50x64xf32, #tpu.memory_space<vmem>>, vector<1x64xf32>
    %get3A_786 = vector.shape_cast %get3A_785 : vector<1x64xf32> to vector<64xf32>
    %broadcast_in_dim3A_787 = vector.shape_cast %get3A_786 : vector<64xf32> to vector<1x64xf32>
    %add3A_788 = vector.broadcast %broadcast_in_dim3A_787 : vector<1x64xf32> to vector<7x64xf32>
    %add3A_789 = arith.addf %dot_general3A_782, %add3A_788 : vector<7x64xf32>
    %sub3A_790 = arith.subf %add3A_789, %get3A_3 : vector<7x64xf32>
    %mul3A_791 = arith.mulf %sub3A_790, %sub3A_790 : vector<7x64xf32>
    %reduce_sum3A_792 = arith.constant dense<0.000000e+00> : vector<7xf32>
    %reduce_sum3A_793 = vector.multi_reduction <add>, %mul3A_791, %reduce_sum3A_792 [1] : vector<7x64xf32> to vector<7xf32>
    %broadcast_in_dim3A_794 = vector.shape_cast %reduce_sum3A_793 : vector<7xf32> to vector<7x1xf32>
    %neg3A_795 = arith.constant 0.000000e+00 : f32
    %neg3A_796 = vector.broadcast %neg3A_795 : f32 to vector<7x1xf32>
    %neg3A_797 = arith.subf %neg3A_796, %broadcast_in_dim3A_794 : vector<7x1xf32>
    %slice3A_798 = vector.extract_strided_slice %add3A_10 {offsets = [0, 1056], sizes = [7, 32], strides = [1, 1]} : vector<7x1600xf32> to vector<7x32xf32>
    %get3A_799 = arith.constant 33 : index
    %get3A_800 = arith.constant 0 : index
    %get3A_801 = arith.constant 0 : index
    %get3A_802 = vector.load %arg4[%get3A_799, %get3A_800, %get3A_801] : memref<50x32x64xbf16, #tpu.memory_space<vmem>>, vector<1x32x64xbf16>
    %get3A_803 = vector.shape_cast %get3A_802 : vector<1x32x64xbf16> to vector<32x64xbf16>
    %convert_element_type3A_804 = arith.truncf %slice3A_798 : vector<7x32xf32> to vector<7x32xbf16>
    %dot_general3A_805 = arith.constant dense<0.000000e+00> : vector<7x64xf32>
    %dot_general3A_806 = tpu.matmul %convert_element_type3A_804, %get3A_803, %dot_general3A_805 {dimension_numbers = #tpu.dot_dimension_numbers<[1], [0], [0], [1], [0, 0, 1, 1], [], []>, transpose_lhs_hint = false} : vector<7x32xbf16>, vector<32x64xbf16>, vector<7x64xf32> -> vector<7x64xf32>
    %get3A_807 = arith.constant 33 : index
    %get3A_808 = arith.constant 0 : index
    %get3A_809 = vector.load %arg5[%get3A_807, %get3A_808] : memref<50x64xf32, #tpu.memory_space<vmem>>, vector<1x64xf32>
    %get3A_810 = vector.shape_cast %get3A_809 : vector<1x64xf32> to vector<64xf32>
    %broadcast_in_dim3A_811 = vector.shape_cast %get3A_810 : vector<64xf32> to vector<1x64xf32>
    %add3A_812 = vector.broadcast %broadcast_in_dim3A_811 : vector<1x64xf32> to vector<7x64xf32>
    %add3A_813 = arith.addf %dot_general3A_806, %add3A_812 : vector<7x64xf32>
    %sub3A_814 = arith.subf %add3A_813, %get3A_3 : vector<7x64xf32>
    %mul3A_815 = arith.mulf %sub3A_814, %sub3A_814 : vector<7x64xf32>
    %reduce_sum3A_816 = arith.constant dense<0.000000e+00> : vector<7xf32>
    %reduce_sum3A_817 = vector.multi_reduction <add>, %mul3A_815, %reduce_sum3A_816 [1] : vector<7x64xf32> to vector<7xf32>
    %broadcast_in_dim3A_818 = vector.shape_cast %reduce_sum3A_817 : vector<7xf32> to vector<7x1xf32>
    %neg3A_819 = arith.constant 0.000000e+00 : f32
    %neg3A_820 = vector.broadcast %neg3A_819 : f32 to vector<7x1xf32>
    %neg3A_821 = arith.subf %neg3A_820, %broadcast_in_dim3A_818 : vector<7x1xf32>
    %slice3A_822 = vector.extract_strided_slice %add3A_10 {offsets = [0, 1088], sizes = [7, 32], strides = [1, 1]} : vector<7x1600xf32> to vector<7x32xf32>
    %get3A_823 = arith.constant 34 : index
    %get3A_824 = arith.constant 0 : index
    %get3A_825 = arith.constant 0 : index
    %get3A_826 = vector.load %arg4[%get3A_823, %get3A_824, %get3A_825] : memref<50x32x64xbf16, #tpu.memory_space<vmem>>, vector<1x32x64xbf16>
    %get3A_827 = vector.shape_cast %get3A_826 : vector<1x32x64xbf16> to vector<32x64xbf16>
    %convert_element_type3A_828 = arith.truncf %slice3A_822 : vector<7x32xf32> to vector<7x32xbf16>
    %dot_general3A_829 = arith.constant dense<0.000000e+00> : vector<7x64xf32>
    %dot_general3A_830 = tpu.matmul %convert_element_type3A_828, %get3A_827, %dot_general3A_829 {dimension_numbers = #tpu.dot_dimension_numbers<[1], [0], [0], [1], [0, 0, 1, 1], [], []>, transpose_lhs_hint = false} : vector<7x32xbf16>, vector<32x64xbf16>, vector<7x64xf32> -> vector<7x64xf32>
    %get3A_831 = arith.constant 34 : index
    %get3A_832 = arith.constant 0 : index
    %get3A_833 = vector.load %arg5[%get3A_831, %get3A_832] : memref<50x64xf32, #tpu.memory_space<vmem>>, vector<1x64xf32>
    %get3A_834 = vector.shape_cast %get3A_833 : vector<1x64xf32> to vector<64xf32>
    %broadcast_in_dim3A_835 = vector.shape_cast %get3A_834 : vector<64xf32> to vector<1x64xf32>
    %add3A_836 = vector.broadcast %broadcast_in_dim3A_835 : vector<1x64xf32> to vector<7x64xf32>
    %add3A_837 = arith.addf %dot_general3A_830, %add3A_836 : vector<7x64xf32>
    %sub3A_838 = arith.subf %add3A_837, %get3A_3 : vector<7x64xf32>
    %mul3A_839 = arith.mulf %sub3A_838, %sub3A_838 : vector<7x64xf32>
    %reduce_sum3A_840 = arith.constant dense<0.000000e+00> : vector<7xf32>
    %reduce_sum3A_841 = vector.multi_reduction <add>, %mul3A_839, %reduce_sum3A_840 [1] : vector<7x64xf32> to vector<7xf32>
    %broadcast_in_dim3A_842 = vector.shape_cast %reduce_sum3A_841 : vector<7xf32> to vector<7x1xf32>
    %neg3A_843 = arith.constant 0.000000e+00 : f32
    %neg3A_844 = vector.broadcast %neg3A_843 : f32 to vector<7x1xf32>
    %neg3A_845 = arith.subf %neg3A_844, %broadcast_in_dim3A_842 : vector<7x1xf32>
    %slice3A_846 = vector.extract_strided_slice %add3A_10 {offsets = [0, 1120], sizes = [7, 32], strides = [1, 1]} : vector<7x1600xf32> to vector<7x32xf32>
    %get3A_847 = arith.constant 35 : index
    %get3A_848 = arith.constant 0 : index
    %get3A_849 = arith.constant 0 : index
    %get3A_850 = vector.load %arg4[%get3A_847, %get3A_848, %get3A_849] : memref<50x32x64xbf16, #tpu.memory_space<vmem>>, vector<1x32x64xbf16>
    %get3A_851 = vector.shape_cast %get3A_850 : vector<1x32x64xbf16> to vector<32x64xbf16>
    %convert_element_type3A_852 = arith.truncf %slice3A_846 : vector<7x32xf32> to vector<7x32xbf16>
    %dot_general3A_853 = arith.constant dense<0.000000e+00> : vector<7x64xf32>
    %dot_general3A_854 = tpu.matmul %convert_element_type3A_852, %get3A_851, %dot_general3A_853 {dimension_numbers = #tpu.dot_dimension_numbers<[1], [0], [0], [1], [0, 0, 1, 1], [], []>, transpose_lhs_hint = false} : vector<7x32xbf16>, vector<32x64xbf16>, vector<7x64xf32> -> vector<7x64xf32>
    %get3A_855 = arith.constant 35 : index
    %get3A_856 = arith.constant 0 : index
    %get3A_857 = vector.load %arg5[%get3A_855, %get3A_856] : memref<50x64xf32, #tpu.memory_space<vmem>>, vector<1x64xf32>
    %get3A_858 = vector.shape_cast %get3A_857 : vector<1x64xf32> to vector<64xf32>
    %broadcast_in_dim3A_859 = vector.shape_cast %get3A_858 : vector<64xf32> to vector<1x64xf32>
    %add3A_860 = vector.broadcast %broadcast_in_dim3A_859 : vector<1x64xf32> to vector<7x64xf32>
    %add3A_861 = arith.addf %dot_general3A_854, %add3A_860 : vector<7x64xf32>
    %sub3A_862 = arith.subf %add3A_861, %get3A_3 : vector<7x64xf32>
    %mul3A_863 = arith.mulf %sub3A_862, %sub3A_862 : vector<7x64xf32>
    %reduce_sum3A_864 = arith.constant dense<0.000000e+00> : vector<7xf32>
    %reduce_sum3A_865 = vector.multi_reduction <add>, %mul3A_863, %reduce_sum3A_864 [1] : vector<7x64xf32> to vector<7xf32>
    %broadcast_in_dim3A_866 = vector.shape_cast %reduce_sum3A_865 : vector<7xf32> to vector<7x1xf32>
    %neg3A_867 = arith.constant 0.000000e+00 : f32
    %neg3A_868 = vector.broadcast %neg3A_867 : f32 to vector<7x1xf32>
    %neg3A_869 = arith.subf %neg3A_868, %broadcast_in_dim3A_866 : vector<7x1xf32>
    %slice3A_870 = vector.extract_strided_slice %add3A_10 {offsets = [0, 1152], sizes = [7, 32], strides = [1, 1]} : vector<7x1600xf32> to vector<7x32xf32>
    %get3A_871 = arith.constant 36 : index
    %get3A_872 = arith.constant 0 : index
    %get3A_873 = arith.constant 0 : index
    %get3A_874 = vector.load %arg4[%get3A_871, %get3A_872, %get3A_873] : memref<50x32x64xbf16, #tpu.memory_space<vmem>>, vector<1x32x64xbf16>
    %get3A_875 = vector.shape_cast %get3A_874 : vector<1x32x64xbf16> to vector<32x64xbf16>
    %convert_element_type3A_876 = arith.truncf %slice3A_870 : vector<7x32xf32> to vector<7x32xbf16>
    %dot_general3A_877 = arith.constant dense<0.000000e+00> : vector<7x64xf32>
    %dot_general3A_878 = tpu.matmul %convert_element_type3A_876, %get3A_875, %dot_general3A_877 {dimension_numbers = #tpu.dot_dimension_numbers<[1], [0], [0], [1], [0, 0, 1, 1], [], []>, transpose_lhs_hint = false} : vector<7x32xbf16>, vector<32x64xbf16>, vector<7x64xf32> -> vector<7x64xf32>
    %get3A_879 = arith.constant 36 : index
    %get3A_880 = arith.constant 0 : index
    %get3A_881 = vector.load %arg5[%get3A_879, %get3A_880] : memref<50x64xf32, #tpu.memory_space<vmem>>, vector<1x64xf32>
    %get3A_882 = vector.shape_cast %get3A_881 : vector<1x64xf32> to vector<64xf32>
    %broadcast_in_dim3A_883 = vector.shape_cast %get3A_882 : vector<64xf32> to vector<1x64xf32>
    %add3A_884 = vector.broadcast %broadcast_in_dim3A_883 : vector<1x64xf32> to vector<7x64xf32>
    %add3A_885 = arith.addf %dot_general3A_878, %add3A_884 : vector<7x64xf32>
    %sub3A_886 = arith.subf %add3A_885, %get3A_3 : vector<7x64xf32>
    %mul3A_887 = arith.mulf %sub3A_886, %sub3A_886 : vector<7x64xf32>
    %reduce_sum3A_888 = arith.constant dense<0.000000e+00> : vector<7xf32>
    %reduce_sum3A_889 = vector.multi_reduction <add>, %mul3A_887, %reduce_sum3A_888 [1] : vector<7x64xf32> to vector<7xf32>
    %broadcast_in_dim3A_890 = vector.shape_cast %reduce_sum3A_889 : vector<7xf32> to vector<7x1xf32>
    %neg3A_891 = arith.constant 0.000000e+00 : f32
    %neg3A_892 = vector.broadcast %neg3A_891 : f32 to vector<7x1xf32>
    %neg3A_893 = arith.subf %neg3A_892, %broadcast_in_dim3A_890 : vector<7x1xf32>
    %slice3A_894 = vector.extract_strided_slice %add3A_10 {offsets = [0, 1184], sizes = [7, 32], strides = [1, 1]} : vector<7x1600xf32> to vector<7x32xf32>
    %get3A_895 = arith.constant 37 : index
    %get3A_896 = arith.constant 0 : index
    %get3A_897 = arith.constant 0 : index
    %get3A_898 = vector.load %arg4[%get3A_895, %get3A_896, %get3A_897] : memref<50x32x64xbf16, #tpu.memory_space<vmem>>, vector<1x32x64xbf16>
    %get3A_899 = vector.shape_cast %get3A_898 : vector<1x32x64xbf16> to vector<32x64xbf16>
    %convert_element_type3A_900 = arith.truncf %slice3A_894 : vector<7x32xf32> to vector<7x32xbf16>
    %dot_general3A_901 = arith.constant dense<0.000000e+00> : vector<7x64xf32>
    %dot_general3A_902 = tpu.matmul %convert_element_type3A_900, %get3A_899, %dot_general3A_901 {dimension_numbers = #tpu.dot_dimension_numbers<[1], [0], [0], [1], [0, 0, 1, 1], [], []>, transpose_lhs_hint = false} : vector<7x32xbf16>, vector<32x64xbf16>, vector<7x64xf32> -> vector<7x64xf32>
    %get3A_903 = arith.constant 37 : index
    %get3A_904 = arith.constant 0 : index
    %get3A_905 = vector.load %arg5[%get3A_903, %get3A_904] : memref<50x64xf32, #tpu.memory_space<vmem>>, vector<1x64xf32>
    %get3A_906 = vector.shape_cast %get3A_905 : vector<1x64xf32> to vector<64xf32>
    %broadcast_in_dim3A_907 = vector.shape_cast %get3A_906 : vector<64xf32> to vector<1x64xf32>
    %add3A_908 = vector.broadcast %broadcast_in_dim3A_907 : vector<1x64xf32> to vector<7x64xf32>
    %add3A_909 = arith.addf %dot_general3A_902, %add3A_908 : vector<7x64xf32>
    %sub3A_910 = arith.subf %add3A_909, %get3A_3 : vector<7x64xf32>
    %mul3A_911 = arith.mulf %sub3A_910, %sub3A_910 : vector<7x64xf32>
    %reduce_sum3A_912 = arith.constant dense<0.000000e+00> : vector<7xf32>
    %reduce_sum3A_913 = vector.multi_reduction <add>, %mul3A_911, %reduce_sum3A_912 [1] : vector<7x64xf32> to vector<7xf32>
    %broadcast_in_dim3A_914 = vector.shape_cast %reduce_sum3A_913 : vector<7xf32> to vector<7x1xf32>
    %neg3A_915 = arith.constant 0.000000e+00 : f32
    %neg3A_916 = vector.broadcast %neg3A_915 : f32 to vector<7x1xf32>
    %neg3A_917 = arith.subf %neg3A_916, %broadcast_in_dim3A_914 : vector<7x1xf32>
    %slice3A_918 = vector.extract_strided_slice %add3A_10 {offsets = [0, 1216], sizes = [7, 32], strides = [1, 1]} : vector<7x1600xf32> to vector<7x32xf32>
    %get3A_919 = arith.constant 38 : index
    %get3A_920 = arith.constant 0 : index
    %get3A_921 = arith.constant 0 : index
    %get3A_922 = vector.load %arg4[%get3A_919, %get3A_920, %get3A_921] : memref<50x32x64xbf16, #tpu.memory_space<vmem>>, vector<1x32x64xbf16>
    %get3A_923 = vector.shape_cast %get3A_922 : vector<1x32x64xbf16> to vector<32x64xbf16>
    %convert_element_type3A_924 = arith.truncf %slice3A_918 : vector<7x32xf32> to vector<7x32xbf16>
    %dot_general3A_925 = arith.constant dense<0.000000e+00> : vector<7x64xf32>
    %dot_general3A_926 = tpu.matmul %convert_element_type3A_924, %get3A_923, %dot_general3A_925 {dimension_numbers = #tpu.dot_dimension_numbers<[1], [0], [0], [1], [0, 0, 1, 1], [], []>, transpose_lhs_hint = false} : vector<7x32xbf16>, vector<32x64xbf16>, vector<7x64xf32> -> vector<7x64xf32>
    %get3A_927 = arith.constant 38 : index
    %get3A_928 = arith.constant 0 : index
    %get3A_929 = vector.load %arg5[%get3A_927, %get3A_928] : memref<50x64xf32, #tpu.memory_space<vmem>>, vector<1x64xf32>
    %get3A_930 = vector.shape_cast %get3A_929 : vector<1x64xf32> to vector<64xf32>
    %broadcast_in_dim3A_931 = vector.shape_cast %get3A_930 : vector<64xf32> to vector<1x64xf32>
    %add3A_932 = vector.broadcast %broadcast_in_dim3A_931 : vector<1x64xf32> to vector<7x64xf32>
    %add3A_933 = arith.addf %dot_general3A_926, %add3A_932 : vector<7x64xf32>
    %sub3A_934 = arith.subf %add3A_933, %get3A_3 : vector<7x64xf32>
    %mul3A_935 = arith.mulf %sub3A_934, %sub3A_934 : vector<7x64xf32>
    %reduce_sum3A_936 = arith.constant dense<0.000000e+00> : vector<7xf32>
    %reduce_sum3A_937 = vector.multi_reduction <add>, %mul3A_935, %reduce_sum3A_936 [1] : vector<7x64xf32> to vector<7xf32>
    %broadcast_in_dim3A_938 = vector.shape_cast %reduce_sum3A_937 : vector<7xf32> to vector<7x1xf32>
    %neg3A_939 = arith.constant 0.000000e+00 : f32
    %neg3A_940 = vector.broadcast %neg3A_939 : f32 to vector<7x1xf32>
    %neg3A_941 = arith.subf %neg3A_940, %broadcast_in_dim3A_938 : vector<7x1xf32>
    %slice3A_942 = vector.extract_strided_slice %add3A_10 {offsets = [0, 1248], sizes = [7, 32], strides = [1, 1]} : vector<7x1600xf32> to vector<7x32xf32>
    %get3A_943 = arith.constant 39 : index
    %get3A_944 = arith.constant 0 : index
    %get3A_945 = arith.constant 0 : index
    %get3A_946 = vector.load %arg4[%get3A_943, %get3A_944, %get3A_945] : memref<50x32x64xbf16, #tpu.memory_space<vmem>>, vector<1x32x64xbf16>
    %get3A_947 = vector.shape_cast %get3A_946 : vector<1x32x64xbf16> to vector<32x64xbf16>
    %convert_element_type3A_948 = arith.truncf %slice3A_942 : vector<7x32xf32> to vector<7x32xbf16>
    %dot_general3A_949 = arith.constant dense<0.000000e+00> : vector<7x64xf32>
    %dot_general3A_950 = tpu.matmul %convert_element_type3A_948, %get3A_947, %dot_general3A_949 {dimension_numbers = #tpu.dot_dimension_numbers<[1], [0], [0], [1], [0, 0, 1, 1], [], []>, transpose_lhs_hint = false} : vector<7x32xbf16>, vector<32x64xbf16>, vector<7x64xf32> -> vector<7x64xf32>
    %get3A_951 = arith.constant 39 : index
    %get3A_952 = arith.constant 0 : index
    %get3A_953 = vector.load %arg5[%get3A_951, %get3A_952] : memref<50x64xf32, #tpu.memory_space<vmem>>, vector<1x64xf32>
    %get3A_954 = vector.shape_cast %get3A_953 : vector<1x64xf32> to vector<64xf32>
    %broadcast_in_dim3A_955 = vector.shape_cast %get3A_954 : vector<64xf32> to vector<1x64xf32>
    %add3A_956 = vector.broadcast %broadcast_in_dim3A_955 : vector<1x64xf32> to vector<7x64xf32>
    %add3A_957 = arith.addf %dot_general3A_950, %add3A_956 : vector<7x64xf32>
    %sub3A_958 = arith.subf %add3A_957, %get3A_3 : vector<7x64xf32>
    %mul3A_959 = arith.mulf %sub3A_958, %sub3A_958 : vector<7x64xf32>
    %reduce_sum3A_960 = arith.constant dense<0.000000e+00> : vector<7xf32>
    %reduce_sum3A_961 = vector.multi_reduction <add>, %mul3A_959, %reduce_sum3A_960 [1] : vector<7x64xf32> to vector<7xf32>
    %broadcast_in_dim3A_962 = vector.shape_cast %reduce_sum3A_961 : vector<7xf32> to vector<7x1xf32>
    %neg3A_963 = arith.constant 0.000000e+00 : f32
    %neg3A_964 = vector.broadcast %neg3A_963 : f32 to vector<7x1xf32>
    %neg3A_965 = arith.subf %neg3A_964, %broadcast_in_dim3A_962 : vector<7x1xf32>
    %slice3A_966 = vector.extract_strided_slice %add3A_10 {offsets = [0, 1280], sizes = [7, 32], strides = [1, 1]} : vector<7x1600xf32> to vector<7x32xf32>
    %get3A_967 = arith.constant 40 : index
    %get3A_968 = arith.constant 0 : index
    %get3A_969 = arith.constant 0 : index
    %get3A_970 = vector.load %arg4[%get3A_967, %get3A_968, %get3A_969] : memref<50x32x64xbf16, #tpu.memory_space<vmem>>, vector<1x32x64xbf16>
    %get3A_971 = vector.shape_cast %get3A_970 : vector<1x32x64xbf16> to vector<32x64xbf16>
    %convert_element_type3A_972 = arith.truncf %slice3A_966 : vector<7x32xf32> to vector<7x32xbf16>
    %dot_general3A_973 = arith.constant dense<0.000000e+00> : vector<7x64xf32>
    %dot_general3A_974 = tpu.matmul %convert_element_type3A_972, %get3A_971, %dot_general3A_973 {dimension_numbers = #tpu.dot_dimension_numbers<[1], [0], [0], [1], [0, 0, 1, 1], [], []>, transpose_lhs_hint = false} : vector<7x32xbf16>, vector<32x64xbf16>, vector<7x64xf32> -> vector<7x64xf32>
    %get3A_975 = arith.constant 40 : index
    %get3A_976 = arith.constant 0 : index
    %get3A_977 = vector.load %arg5[%get3A_975, %get3A_976] : memref<50x64xf32, #tpu.memory_space<vmem>>, vector<1x64xf32>
    %get3A_978 = vector.shape_cast %get3A_977 : vector<1x64xf32> to vector<64xf32>
    %broadcast_in_dim3A_979 = vector.shape_cast %get3A_978 : vector<64xf32> to vector<1x64xf32>
    %add3A_980 = vector.broadcast %broadcast_in_dim3A_979 : vector<1x64xf32> to vector<7x64xf32>
    %add3A_981 = arith.addf %dot_general3A_974, %add3A_980 : vector<7x64xf32>
    %sub3A_982 = arith.subf %add3A_981, %get3A_3 : vector<7x64xf32>
    %mul3A_983 = arith.mulf %sub3A_982, %sub3A_982 : vector<7x64xf32>
    %reduce_sum3A_984 = arith.constant dense<0.000000e+00> : vector<7xf32>
    %reduce_sum3A_985 = vector.multi_reduction <add>, %mul3A_983, %reduce_sum3A_984 [1] : vector<7x64xf32> to vector<7xf32>
    %broadcast_in_dim3A_986 = vector.shape_cast %reduce_sum3A_985 : vector<7xf32> to vector<7x1xf32>
    %neg3A_987 = arith.constant 0.000000e+00 : f32
    %neg3A_988 = vector.broadcast %neg3A_987 : f32 to vector<7x1xf32>
    %neg3A_989 = arith.subf %neg3A_988, %broadcast_in_dim3A_986 : vector<7x1xf32>
    %slice3A_990 = vector.extract_strided_slice %add3A_10 {offsets = [0, 1312], sizes = [7, 32], strides = [1, 1]} : vector<7x1600xf32> to vector<7x32xf32>
    %get3A_991 = arith.constant 41 : index
    %get3A_992 = arith.constant 0 : index
    %get3A_993 = arith.constant 0 : index
    %get3A_994 = vector.load %arg4[%get3A_991, %get3A_992, %get3A_993] : memref<50x32x64xbf16, #tpu.memory_space<vmem>>, vector<1x32x64xbf16>
    %get3A_995 = vector.shape_cast %get3A_994 : vector<1x32x64xbf16> to vector<32x64xbf16>
    %convert_element_type3A_996 = arith.truncf %slice3A_990 : vector<7x32xf32> to vector<7x32xbf16>
    %dot_general3A_997 = arith.constant dense<0.000000e+00> : vector<7x64xf32>
    %dot_general3A_998 = tpu.matmul %convert_element_type3A_996, %get3A_995, %dot_general3A_997 {dimension_numbers = #tpu.dot_dimension_numbers<[1], [0], [0], [1], [0, 0, 1, 1], [], []>, transpose_lhs_hint = false} : vector<7x32xbf16>, vector<32x64xbf16>, vector<7x64xf32> -> vector<7x64xf32>
    %get3A_999 = arith.constant 41 : index
    %get3A_1000 = arith.constant 0 : index
    %get3A_1001 = vector.load %arg5[%get3A_999, %get3A_1000] : memref<50x64xf32, #tpu.memory_space<vmem>>, vector<1x64xf32>
    %get3A_1002 = vector.shape_cast %get3A_1001 : vector<1x64xf32> to vector<64xf32>
    %broadcast_in_dim3A_1003 = vector.shape_cast %get3A_1002 : vector<64xf32> to vector<1x64xf32>
    %add3A_1004 = vector.broadcast %broadcast_in_dim3A_1003 : vector<1x64xf32> to vector<7x64xf32>
    %add3A_1005 = arith.addf %dot_general3A_998, %add3A_1004 : vector<7x64xf32>
    %sub3A_1006 = arith.subf %add3A_1005, %get3A_3 : vector<7x64xf32>
    %mul3A_1007 = arith.mulf %sub3A_1006, %sub3A_1006 : vector<7x64xf32>
    %reduce_sum3A_1008 = arith.constant dense<0.000000e+00> : vector<7xf32>
    %reduce_sum3A_1009 = vector.multi_reduction <add>, %mul3A_1007, %reduce_sum3A_1008 [1] : vector<7x64xf32> to vector<7xf32>
    %broadcast_in_dim3A_1010 = vector.shape_cast %reduce_sum3A_1009 : vector<7xf32> to vector<7x1xf32>
    %neg3A_1011 = arith.constant 0.000000e+00 : f32
    %neg3A_1012 = vector.broadcast %neg3A_1011 : f32 to vector<7x1xf32>
    %neg3A_1013 = arith.subf %neg3A_1012, %broadcast_in_dim3A_1010 : vector<7x1xf32>
    %slice3A_1014 = vector.extract_strided_slice %add3A_10 {offsets = [0, 1344], sizes = [7, 32], strides = [1, 1]} : vector<7x1600xf32> to vector<7x32xf32>
    %get3A_1015 = arith.constant 42 : index
    %get3A_1016 = arith.constant 0 : index
    %get3A_1017 = arith.constant 0 : index
    %get3A_1018 = vector.load %arg4[%get3A_1015, %get3A_1016, %get3A_1017] : memref<50x32x64xbf16, #tpu.memory_space<vmem>>, vector<1x32x64xbf16>
    %get3A_1019 = vector.shape_cast %get3A_1018 : vector<1x32x64xbf16> to vector<32x64xbf16>
    %convert_element_type3A_1020 = arith.truncf %slice3A_1014 : vector<7x32xf32> to vector<7x32xbf16>
    %dot_general3A_1021 = arith.constant dense<0.000000e+00> : vector<7x64xf32>
    %dot_general3A_1022 = tpu.matmul %convert_element_type3A_1020, %get3A_1019, %dot_general3A_1021 {dimension_numbers = #tpu.dot_dimension_numbers<[1], [0], [0], [1], [0, 0, 1, 1], [], []>, transpose_lhs_hint = false} : vector<7x32xbf16>, vector<32x64xbf16>, vector<7x64xf32> -> vector<7x64xf32>
    %get3A_1023 = arith.constant 42 : index
    %get3A_1024 = arith.constant 0 : index
    %get3A_1025 = vector.load %arg5[%get3A_1023, %get3A_1024] : memref<50x64xf32, #tpu.memory_space<vmem>>, vector<1x64xf32>
    %get3A_1026 = vector.shape_cast %get3A_1025 : vector<1x64xf32> to vector<64xf32>
    %broadcast_in_dim3A_1027 = vector.shape_cast %get3A_1026 : vector<64xf32> to vector<1x64xf32>
    %add3A_1028 = vector.broadcast %broadcast_in_dim3A_1027 : vector<1x64xf32> to vector<7x64xf32>
    %add3A_1029 = arith.addf %dot_general3A_1022, %add3A_1028 : vector<7x64xf32>
    %sub3A_1030 = arith.subf %add3A_1029, %get3A_3 : vector<7x64xf32>
    %mul3A_1031 = arith.mulf %sub3A_1030, %sub3A_1030 : vector<7x64xf32>
    %reduce_sum3A_1032 = arith.constant dense<0.000000e+00> : vector<7xf32>
    %reduce_sum3A_1033 = vector.multi_reduction <add>, %mul3A_1031, %reduce_sum3A_1032 [1] : vector<7x64xf32> to vector<7xf32>
    %broadcast_in_dim3A_1034 = vector.shape_cast %reduce_sum3A_1033 : vector<7xf32> to vector<7x1xf32>
    %neg3A_1035 = arith.constant 0.000000e+00 : f32
    %neg3A_1036 = vector.broadcast %neg3A_1035 : f32 to vector<7x1xf32>
    %neg3A_1037 = arith.subf %neg3A_1036, %broadcast_in_dim3A_1034 : vector<7x1xf32>
    %slice3A_1038 = vector.extract_strided_slice %add3A_10 {offsets = [0, 1376], sizes = [7, 32], strides = [1, 1]} : vector<7x1600xf32> to vector<7x32xf32>
    %get3A_1039 = arith.constant 43 : index
    %get3A_1040 = arith.constant 0 : index
    %get3A_1041 = arith.constant 0 : index
    %get3A_1042 = vector.load %arg4[%get3A_1039, %get3A_1040, %get3A_1041] : memref<50x32x64xbf16, #tpu.memory_space<vmem>>, vector<1x32x64xbf16>
    %get3A_1043 = vector.shape_cast %get3A_1042 : vector<1x32x64xbf16> to vector<32x64xbf16>
    %convert_element_type3A_1044 = arith.truncf %slice3A_1038 : vector<7x32xf32> to vector<7x32xbf16>
    %dot_general3A_1045 = arith.constant dense<0.000000e+00> : vector<7x64xf32>
    %dot_general3A_1046 = tpu.matmul %convert_element_type3A_1044, %get3A_1043, %dot_general3A_1045 {dimension_numbers = #tpu.dot_dimension_numbers<[1], [0], [0], [1], [0, 0, 1, 1], [], []>, transpose_lhs_hint = false} : vector<7x32xbf16>, vector<32x64xbf16>, vector<7x64xf32> -> vector<7x64xf32>
    %get3A_1047 = arith.constant 43 : index
    %get3A_1048 = arith.constant 0 : index
    %get3A_1049 = vector.load %arg5[%get3A_1047, %get3A_1048] : memref<50x64xf32, #tpu.memory_space<vmem>>, vector<1x64xf32>
    %get3A_1050 = vector.shape_cast %get3A_1049 : vector<1x64xf32> to vector<64xf32>
    %broadcast_in_dim3A_1051 = vector.shape_cast %get3A_1050 : vector<64xf32> to vector<1x64xf32>
    %add3A_1052 = vector.broadcast %broadcast_in_dim3A_1051 : vector<1x64xf32> to vector<7x64xf32>
    %add3A_1053 = arith.addf %dot_general3A_1046, %add3A_1052 : vector<7x64xf32>
    %sub3A_1054 = arith.subf %add3A_1053, %get3A_3 : vector<7x64xf32>
    %mul3A_1055 = arith.mulf %sub3A_1054, %sub3A_1054 : vector<7x64xf32>
    %reduce_sum3A_1056 = arith.constant dense<0.000000e+00> : vector<7xf32>
    %reduce_sum3A_1057 = vector.multi_reduction <add>, %mul3A_1055, %reduce_sum3A_1056 [1] : vector<7x64xf32> to vector<7xf32>
    %broadcast_in_dim3A_1058 = vector.shape_cast %reduce_sum3A_1057 : vector<7xf32> to vector<7x1xf32>
    %neg3A_1059 = arith.constant 0.000000e+00 : f32
    %neg3A_1060 = vector.broadcast %neg3A_1059 : f32 to vector<7x1xf32>
    %neg3A_1061 = arith.subf %neg3A_1060, %broadcast_in_dim3A_1058 : vector<7x1xf32>
    %slice3A_1062 = vector.extract_strided_slice %add3A_10 {offsets = [0, 1408], sizes = [7, 32], strides = [1, 1]} : vector<7x1600xf32> to vector<7x32xf32>
    %get3A_1063 = arith.constant 44 : index
    %get3A_1064 = arith.constant 0 : index
    %get3A_1065 = arith.constant 0 : index
    %get3A_1066 = vector.load %arg4[%get3A_1063, %get3A_1064, %get3A_1065] : memref<50x32x64xbf16, #tpu.memory_space<vmem>>, vector<1x32x64xbf16>
    %get3A_1067 = vector.shape_cast %get3A_1066 : vector<1x32x64xbf16> to vector<32x64xbf16>
    %convert_element_type3A_1068 = arith.truncf %slice3A_1062 : vector<7x32xf32> to vector<7x32xbf16>
    %dot_general3A_1069 = arith.constant dense<0.000000e+00> : vector<7x64xf32>
    %dot_general3A_1070 = tpu.matmul %convert_element_type3A_1068, %get3A_1067, %dot_general3A_1069 {dimension_numbers = #tpu.dot_dimension_numbers<[1], [0], [0], [1], [0, 0, 1, 1], [], []>, transpose_lhs_hint = false} : vector<7x32xbf16>, vector<32x64xbf16>, vector<7x64xf32> -> vector<7x64xf32>
    %get3A_1071 = arith.constant 44 : index
    %get3A_1072 = arith.constant 0 : index
    %get3A_1073 = vector.load %arg5[%get3A_1071, %get3A_1072] : memref<50x64xf32, #tpu.memory_space<vmem>>, vector<1x64xf32>
    %get3A_1074 = vector.shape_cast %get3A_1073 : vector<1x64xf32> to vector<64xf32>
    %broadcast_in_dim3A_1075 = vector.shape_cast %get3A_1074 : vector<64xf32> to vector<1x64xf32>
    %add3A_1076 = vector.broadcast %broadcast_in_dim3A_1075 : vector<1x64xf32> to vector<7x64xf32>
    %add3A_1077 = arith.addf %dot_general3A_1070, %add3A_1076 : vector<7x64xf32>
    %sub3A_1078 = arith.subf %add3A_1077, %get3A_3 : vector<7x64xf32>
    %mul3A_1079 = arith.mulf %sub3A_1078, %sub3A_1078 : vector<7x64xf32>
    %reduce_sum3A_1080 = arith.constant dense<0.000000e+00> : vector<7xf32>
    %reduce_sum3A_1081 = vector.multi_reduction <add>, %mul3A_1079, %reduce_sum3A_1080 [1] : vector<7x64xf32> to vector<7xf32>
    %broadcast_in_dim3A_1082 = vector.shape_cast %reduce_sum3A_1081 : vector<7xf32> to vector<7x1xf32>
    %neg3A_1083 = arith.constant 0.000000e+00 : f32
    %neg3A_1084 = vector.broadcast %neg3A_1083 : f32 to vector<7x1xf32>
    %neg3A_1085 = arith.subf %neg3A_1084, %broadcast_in_dim3A_1082 : vector<7x1xf32>
    %slice3A_1086 = vector.extract_strided_slice %add3A_10 {offsets = [0, 1440], sizes = [7, 32], strides = [1, 1]} : vector<7x1600xf32> to vector<7x32xf32>
    %get3A_1087 = arith.constant 45 : index
    %get3A_1088 = arith.constant 0 : index
    %get3A_1089 = arith.constant 0 : index
    %get3A_1090 = vector.load %arg4[%get3A_1087, %get3A_1088, %get3A_1089] : memref<50x32x64xbf16, #tpu.memory_space<vmem>>, vector<1x32x64xbf16>
    %get3A_1091 = vector.shape_cast %get3A_1090 : vector<1x32x64xbf16> to vector<32x64xbf16>
    %convert_element_type3A_1092 = arith.truncf %slice3A_1086 : vector<7x32xf32> to vector<7x32xbf16>
    %dot_general3A_1093 = arith.constant dense<0.000000e+00> : vector<7x64xf32>
    %dot_general3A_1094 = tpu.matmul %convert_element_type3A_1092, %get3A_1091, %dot_general3A_1093 {dimension_numbers = #tpu.dot_dimension_numbers<[1], [0], [0], [1], [0, 0, 1, 1], [], []>, transpose_lhs_hint = false} : vector<7x32xbf16>, vector<32x64xbf16>, vector<7x64xf32> -> vector<7x64xf32>
    %get3A_1095 = arith.constant 45 : index
    %get3A_1096 = arith.constant 0 : index
    %get3A_1097 = vector.load %arg5[%get3A_1095, %get3A_1096] : memref<50x64xf32, #tpu.memory_space<vmem>>, vector<1x64xf32>
    %get3A_1098 = vector.shape_cast %get3A_1097 : vector<1x64xf32> to vector<64xf32>
    %broadcast_in_dim3A_1099 = vector.shape_cast %get3A_1098 : vector<64xf32> to vector<1x64xf32>
    %add3A_1100 = vector.broadcast %broadcast_in_dim3A_1099 : vector<1x64xf32> to vector<7x64xf32>
    %add3A_1101 = arith.addf %dot_general3A_1094, %add3A_1100 : vector<7x64xf32>
    %sub3A_1102 = arith.subf %add3A_1101, %get3A_3 : vector<7x64xf32>
    %mul3A_1103 = arith.mulf %sub3A_1102, %sub3A_1102 : vector<7x64xf32>
    %reduce_sum3A_1104 = arith.constant dense<0.000000e+00> : vector<7xf32>
    %reduce_sum3A_1105 = vector.multi_reduction <add>, %mul3A_1103, %reduce_sum3A_1104 [1] : vector<7x64xf32> to vector<7xf32>
    %broadcast_in_dim3A_1106 = vector.shape_cast %reduce_sum3A_1105 : vector<7xf32> to vector<7x1xf32>
    %neg3A_1107 = arith.constant 0.000000e+00 : f32
    %neg3A_1108 = vector.broadcast %neg3A_1107 : f32 to vector<7x1xf32>
    %neg3A_1109 = arith.subf %neg3A_1108, %broadcast_in_dim3A_1106 : vector<7x1xf32>
    %slice3A_1110 = vector.extract_strided_slice %add3A_10 {offsets = [0, 1472], sizes = [7, 32], strides = [1, 1]} : vector<7x1600xf32> to vector<7x32xf32>
    %get3A_1111 = arith.constant 46 : index
    %get3A_1112 = arith.constant 0 : index
    %get3A_1113 = arith.constant 0 : index
    %get3A_1114 = vector.load %arg4[%get3A_1111, %get3A_1112, %get3A_1113] : memref<50x32x64xbf16, #tpu.memory_space<vmem>>, vector<1x32x64xbf16>
    %get3A_1115 = vector.shape_cast %get3A_1114 : vector<1x32x64xbf16> to vector<32x64xbf16>
    %convert_element_type3A_1116 = arith.truncf %slice3A_1110 : vector<7x32xf32> to vector<7x32xbf16>
    %dot_general3A_1117 = arith.constant dense<0.000000e+00> : vector<7x64xf32>
    %dot_general3A_1118 = tpu.matmul %convert_element_type3A_1116, %get3A_1115, %dot_general3A_1117 {dimension_numbers = #tpu.dot_dimension_numbers<[1], [0], [0], [1], [0, 0, 1, 1], [], []>, transpose_lhs_hint = false} : vector<7x32xbf16>, vector<32x64xbf16>, vector<7x64xf32> -> vector<7x64xf32>
    %get3A_1119 = arith.constant 46 : index
    %get3A_1120 = arith.constant 0 : index
    %get3A_1121 = vector.load %arg5[%get3A_1119, %get3A_1120] : memref<50x64xf32, #tpu.memory_space<vmem>>, vector<1x64xf32>
    %get3A_1122 = vector.shape_cast %get3A_1121 : vector<1x64xf32> to vector<64xf32>
    %broadcast_in_dim3A_1123 = vector.shape_cast %get3A_1122 : vector<64xf32> to vector<1x64xf32>
    %add3A_1124 = vector.broadcast %broadcast_in_dim3A_1123 : vector<1x64xf32> to vector<7x64xf32>
    %add3A_1125 = arith.addf %dot_general3A_1118, %add3A_1124 : vector<7x64xf32>
    %sub3A_1126 = arith.subf %add3A_1125, %get3A_3 : vector<7x64xf32>
    %mul3A_1127 = arith.mulf %sub3A_1126, %sub3A_1126 : vector<7x64xf32>
    %reduce_sum3A_1128 = arith.constant dense<0.000000e+00> : vector<7xf32>
    %reduce_sum3A_1129 = vector.multi_reduction <add>, %mul3A_1127, %reduce_sum3A_1128 [1] : vector<7x64xf32> to vector<7xf32>
    %broadcast_in_dim3A_1130 = vector.shape_cast %reduce_sum3A_1129 : vector<7xf32> to vector<7x1xf32>
    %neg3A_1131 = arith.constant 0.000000e+00 : f32
    %neg3A_1132 = vector.broadcast %neg3A_1131 : f32 to vector<7x1xf32>
    %neg3A_1133 = arith.subf %neg3A_1132, %broadcast_in_dim3A_1130 : vector<7x1xf32>
    %slice3A_1134 = vector.extract_strided_slice %add3A_10 {offsets = [0, 1504], sizes = [7, 32], strides = [1, 1]} : vector<7x1600xf32> to vector<7x32xf32>
    %get3A_1135 = arith.constant 47 : index
    %get3A_1136 = arith.constant 0 : index
    %get3A_1137 = arith.constant 0 : index
    %get3A_1138 = vector.load %arg4[%get3A_1135, %get3A_1136, %get3A_1137] : memref<50x32x64xbf16, #tpu.memory_space<vmem>>, vector<1x32x64xbf16>
    %get3A_1139 = vector.shape_cast %get3A_1138 : vector<1x32x64xbf16> to vector<32x64xbf16>
    %convert_element_type3A_1140 = arith.truncf %slice3A_1134 : vector<7x32xf32> to vector<7x32xbf16>
    %dot_general3A_1141 = arith.constant dense<0.000000e+00> : vector<7x64xf32>
    %dot_general3A_1142 = tpu.matmul %convert_element_type3A_1140, %get3A_1139, %dot_general3A_1141 {dimension_numbers = #tpu.dot_dimension_numbers<[1], [0], [0], [1], [0, 0, 1, 1], [], []>, transpose_lhs_hint = false} : vector<7x32xbf16>, vector<32x64xbf16>, vector<7x64xf32> -> vector<7x64xf32>
    %get3A_1143 = arith.constant 47 : index
    %get3A_1144 = arith.constant 0 : index
    %get3A_1145 = vector.load %arg5[%get3A_1143, %get3A_1144] : memref<50x64xf32, #tpu.memory_space<vmem>>, vector<1x64xf32>
    %get3A_1146 = vector.shape_cast %get3A_1145 : vector<1x64xf32> to vector<64xf32>
    %broadcast_in_dim3A_1147 = vector.shape_cast %get3A_1146 : vector<64xf32> to vector<1x64xf32>
    %add3A_1148 = vector.broadcast %broadcast_in_dim3A_1147 : vector<1x64xf32> to vector<7x64xf32>
    %add3A_1149 = arith.addf %dot_general3A_1142, %add3A_1148 : vector<7x64xf32>
    %sub3A_1150 = arith.subf %add3A_1149, %get3A_3 : vector<7x64xf32>
    %mul3A_1151 = arith.mulf %sub3A_1150, %sub3A_1150 : vector<7x64xf32>
    %reduce_sum3A_1152 = arith.constant dense<0.000000e+00> : vector<7xf32>
    %reduce_sum3A_1153 = vector.multi_reduction <add>, %mul3A_1151, %reduce_sum3A_1152 [1] : vector<7x64xf32> to vector<7xf32>
    %broadcast_in_dim3A_1154 = vector.shape_cast %reduce_sum3A_1153 : vector<7xf32> to vector<7x1xf32>
    %neg3A_1155 = arith.constant 0.000000e+00 : f32
    %neg3A_1156 = vector.broadcast %neg3A_1155 : f32 to vector<7x1xf32>
    %neg3A_1157 = arith.subf %neg3A_1156, %broadcast_in_dim3A_1154 : vector<7x1xf32>
    %slice3A_1158 = vector.extract_strided_slice %add3A_10 {offsets = [0, 1536], sizes = [7, 32], strides = [1, 1]} : vector<7x1600xf32> to vector<7x32xf32>
    %get3A_1159 = arith.constant 48 : index
    %get3A_1160 = arith.constant 0 : index
    %get3A_1161 = arith.constant 0 : index
    %get3A_1162 = vector.load %arg4[%get3A_1159, %get3A_1160, %get3A_1161] : memref<50x32x64xbf16, #tpu.memory_space<vmem>>, vector<1x32x64xbf16>
    %get3A_1163 = vector.shape_cast %get3A_1162 : vector<1x32x64xbf16> to vector<32x64xbf16>
    %convert_element_type3A_1164 = arith.truncf %slice3A_1158 : vector<7x32xf32> to vector<7x32xbf16>
    %dot_general3A_1165 = arith.constant dense<0.000000e+00> : vector<7x64xf32>
    %dot_general3A_1166 = tpu.matmul %convert_element_type3A_1164, %get3A_1163, %dot_general3A_1165 {dimension_numbers = #tpu.dot_dimension_numbers<[1], [0], [0], [1], [0, 0, 1, 1], [], []>, transpose_lhs_hint = false} : vector<7x32xbf16>, vector<32x64xbf16>, vector<7x64xf32> -> vector<7x64xf32>
    %get3A_1167 = arith.constant 48 : index
    %get3A_1168 = arith.constant 0 : index
    %get3A_1169 = vector.load %arg5[%get3A_1167, %get3A_1168] : memref<50x64xf32, #tpu.memory_space<vmem>>, vector<1x64xf32>
    %get3A_1170 = vector.shape_cast %get3A_1169 : vector<1x64xf32> to vector<64xf32>
    %broadcast_in_dim3A_1171 = vector.shape_cast %get3A_1170 : vector<64xf32> to vector<1x64xf32>
    %add3A_1172 = vector.broadcast %broadcast_in_dim3A_1171 : vector<1x64xf32> to vector<7x64xf32>
    %add3A_1173 = arith.addf %dot_general3A_1166, %add3A_1172 : vector<7x64xf32>
    %sub3A_1174 = arith.subf %add3A_1173, %get3A_3 : vector<7x64xf32>
    %mul3A_1175 = arith.mulf %sub3A_1174, %sub3A_1174 : vector<7x64xf32>
    %reduce_sum3A_1176 = arith.constant dense<0.000000e+00> : vector<7xf32>
    %reduce_sum3A_1177 = vector.multi_reduction <add>, %mul3A_1175, %reduce_sum3A_1176 [1] : vector<7x64xf32> to vector<7xf32>
    %broadcast_in_dim3A_1178 = vector.shape_cast %reduce_sum3A_1177 : vector<7xf32> to vector<7x1xf32>
    %neg3A_1179 = arith.constant 0.000000e+00 : f32
    %neg3A_1180 = vector.broadcast %neg3A_1179 : f32 to vector<7x1xf32>
    %neg3A_1181 = arith.subf %neg3A_1180, %broadcast_in_dim3A_1178 : vector<7x1xf32>
    %slice3A_1182 = vector.extract_strided_slice %add3A_10 {offsets = [0, 1568], sizes = [7, 32], strides = [1, 1]} : vector<7x1600xf32> to vector<7x32xf32>
    %get3A_1183 = arith.constant 49 : index
    %get3A_1184 = arith.constant 0 : index
    %get3A_1185 = arith.constant 0 : index
    %get3A_1186 = vector.load %arg4[%get3A_1183, %get3A_1184, %get3A_1185] : memref<50x32x64xbf16, #tpu.memory_space<vmem>>, vector<1x32x64xbf16>
    %get3A_1187 = vector.shape_cast %get3A_1186 : vector<1x32x64xbf16> to vector<32x64xbf16>
    %convert_element_type3A_1188 = arith.truncf %slice3A_1182 : vector<7x32xf32> to vector<7x32xbf16>
    %dot_general3A_1189 = arith.constant dense<0.000000e+00> : vector<7x64xf32>
    %dot_general3A_1190 = tpu.matmul %convert_element_type3A_1188, %get3A_1187, %dot_general3A_1189 {dimension_numbers = #tpu.dot_dimension_numbers<[1], [0], [0], [1], [0, 0, 1, 1], [], []>, transpose_lhs_hint = false} : vector<7x32xbf16>, vector<32x64xbf16>, vector<7x64xf32> -> vector<7x64xf32>
    %get3A_1191 = arith.constant 49 : index
    %get3A_1192 = arith.constant 0 : index
    %get3A_1193 = vector.load %arg5[%get3A_1191, %get3A_1192] : memref<50x64xf32, #tpu.memory_space<vmem>>, vector<1x64xf32>
    %get3A_1194 = vector.shape_cast %get3A_1193 : vector<1x64xf32> to vector<64xf32>
    %broadcast_in_dim3A_1195 = vector.shape_cast %get3A_1194 : vector<64xf32> to vector<1x64xf32>
    %add3A_1196 = vector.broadcast %broadcast_in_dim3A_1195 : vector<1x64xf32> to vector<7x64xf32>
    %add3A_1197 = arith.addf %dot_general3A_1190, %add3A_1196 : vector<7x64xf32>
    %sub3A_1198 = arith.subf %add3A_1197, %get3A_3 : vector<7x64xf32>
    %mul3A_1199 = arith.mulf %sub3A_1198, %sub3A_1198 : vector<7x64xf32>
    %reduce_sum3A_1200 = arith.constant dense<0.000000e+00> : vector<7xf32>
    %reduce_sum3A_1201 = vector.multi_reduction <add>, %mul3A_1199, %reduce_sum3A_1200 [1] : vector<7x64xf32> to vector<7xf32>
    %broadcast_in_dim3A_1202 = vector.shape_cast %reduce_sum3A_1201 : vector<7xf32> to vector<7x1xf32>
    %neg3A_1203 = arith.constant 0.000000e+00 : f32
    %neg3A_1204 = vector.broadcast %neg3A_1203 : f32 to vector<7x1xf32>
    %neg3A_1205 = arith.subf %neg3A_1204, %broadcast_in_dim3A_1202 : vector<7x1xf32>
    %broadcast_in_dim3A_1206 = arith.constant -1.000000e+30 : f32
    %broadcast_in_dim3A_1207 = vector.broadcast %broadcast_in_dim3A_1206 : f32 to vector<7x14xf32>
    %concatenate3A = tpu.concatenate %neg3A_29, %neg3A_53, %neg3A_77, %neg3A_101, %neg3A_125, %neg3A_149, %neg3A_173, %neg3A_197, %neg3A_221, %neg3A_245, %neg3A_269, %neg3A_293, %neg3A_317, %neg3A_341, %neg3A_365, %neg3A_389, %neg3A_413, %neg3A_437, %neg3A_461, %neg3A_485, %neg3A_509, %neg3A_533, %neg3A_557, %neg3A_581, %neg3A_605, %neg3A_629, %neg3A_653, %neg3A_677, %neg3A_701, %neg3A_725, %neg3A_749, %neg3A_773, %neg3A_797, %neg3A_821, %neg3A_845, %neg3A_869, %neg3A_893, %neg3A_917, %neg3A_941, %neg3A_965, %neg3A_989, %neg3A_1013, %neg3A_1037, %neg3A_1061, %neg3A_1085, %neg3A_1109, %neg3A_1133, %neg3A_1157, %neg3A_1181, %neg3A_1205, %broadcast_in_dim3A_1207 in 1 : vector<7x1xf32>, vector<7x1xf32>, vector<7x1xf32>, vector<7x1xf32>, vector<7x1xf32>, vector<7x1xf32>, vector<7x1xf32>, vector<7x1xf32>, vector<7x1xf32>, vector<7x1xf32>, vector<7x1xf32>, vector<7x1xf32>, vector<7x1xf32>, vector<7x1xf32>, vector<7x1xf32>, vector<7x1xf32>, vector<7x1xf32>, vector<7x1xf32>, vector<7x1xf32>, vector<7x1xf32>, vector<7x1xf32>, vector<7x1xf32>, vector<7x1xf32>, vector<7x1xf32>, vector<7x1xf32>, vector<7x1xf32>, vector<7x1xf32>, vector<7x1xf32>, vector<7x1xf32>, vector<7x1xf32>, vector<7x1xf32>, vector<7x1xf32>, vector<7x1xf32>, vector<7x1xf32>, vector<7x1xf32>, vector<7x1xf32>, vector<7x1xf32>, vector<7x1xf32>, vector<7x1xf32>, vector<7x1xf32>, vector<7x1xf32>, vector<7x1xf32>, vector<7x1xf32>, vector<7x1xf32>, vector<7x1xf32>, vector<7x1xf32>, vector<7x1xf32>, vector<7x1xf32>, vector<7x1xf32>, vector<7x1xf32>, vector<7x14xf32> -> vector<7x64xf32>
    %swap3A = arith.constant 0 : index
    %swap3A_1208 = arith.constant 0 : index
    %swap3A_1209 = arith.constant 0 : index
    %swap3A_1210 = vector.load %arg6[%swap3A, %swap3A_1208, %swap3A_1209] : memref<1x7x64xf32, #tpu.memory_space<vmem>>, vector<1x7x64xf32>
    %swap3A_1211 = vector.shape_cast %swap3A_1210 : vector<1x7x64xf32> to vector<7x64xf32>
    %swap3A_1212 = vector.shape_cast %concatenate3A : vector<7x64xf32> to vector<1x7x64xf32>
    tpu.vector_store %arg6[%swap3A, %swap3A_1208, %swap3A_1209], %swap3A_1212 {strides = array<i32>} : memref<1x7x64xf32, #tpu.memory_space<vmem>>, vector<1x7x64xf32>,
    return
  }
  func.func @transform_0(%arg0: i32) -> (i32, i32, i32) {
    %c0_i32 = arith.constant 0 : i32
    %c0_i32_0 = arith.constant 0 : i32
    %c0_i32_1 = arith.constant 0 : i32
    return %arg0, %c0_i32, %c0_i32_0 : i32, i32, i32
  }
  func.func @transform_1(%arg0: i32) -> (i32, i32) {
    %c0_i32 = arith.constant 0 : i32
    %c0_i32_0 = arith.constant 0 : i32
    %c0_i32_1 = arith.constant 0 : i32
    return %c0_i32, %c0_i32_0 : i32, i32
  }
  func.func @transform_2(%arg0: i32) -> i32 {
    %c0_i32 = arith.constant 0 : i32
    %c0_i32_0 = arith.constant 0 : i32
    return %c0_i32 : i32
  }
  func.func @transform_3(%arg0: i32) -> (i32, i32, i32) {
    %c0_i32 = arith.constant 0 : i32
    %c0_i32_0 = arith.constant 0 : i32
    %c0_i32_1 = arith.constant 0 : i32
    %c0_i32_2 = arith.constant 0 : i32
    return %c0_i32, %c0_i32_0, %c0_i32_1 : i32, i32, i32
  }
  func.func @transform_4(%arg0: i32) -> (i32, i32) {
    %c0_i32 = arith.constant 0 : i32
    %c0_i32_0 = arith.constant 0 : i32
    %c0_i32_1 = arith.constant 0 : i32
    return %c0_i32, %c0_i32_0 : i32, i32
  }
  func.func @transform_5(%arg0: i32) -> (i32, i32, i32) {
    %c0_i32 = arith.constant 0 : i32
    %c0_i32_0 = arith.constant 0 : i32
    %c0_i32_1 = arith.constant 0 : i32
    return %arg0, %c0_i32, %c0_i32_0 : i32, i32, i32
  }
}

module attributes {stable_mosaic.version = 14 : i64} {
  func.func @_expert_dense_body(%arg0: i32, %arg1: memref<672x1xi32, #tpu.memory_space<vmem>>, %arg2: memref<672x64xf32, #tpu.memory_space<vmem>>, %arg3: memref<1x64x256xbf16, #tpu.memory_space<vmem>>, %arg4: memref<1x1x256xf32, #tpu.memory_space<vmem>>, %arg5: memref<1x3x256x256xbf16, #tpu.memory_space<vmem>>, %arg6: memref<1x3x256xf32, #tpu.memory_space<vmem>>, %arg7: memref<1x256x128xbf16, #tpu.memory_space<vmem>>, %arg8: memref<1x1x128xf32, #tpu.memory_space<vmem>>, %arg9: memref<672x128xf32, #tpu.memory_space<vmem>>) attributes {dimension_semantics = [#tpu.dimension_semantics<arbitrary>], iteration_bounds = array<i64: 50>, scalar_prefetch = 0 : i64, scratch_operands = 0 : i64, tpu.core_type = #tpu.core_type<tc>, window_params = [{pipeline_mode = #tpu.pipeline_mode<synchronous>, transform_indices = @transform_0, window_bounds = array<i64: 672, 1>}, {pipeline_mode = #tpu.pipeline_mode<synchronous>, transform_indices = @transform_1, window_bounds = array<i64: 672, 64>}, {transform_indices = @transform_2, window_bounds = array<i64: 1, 64, 256>}, {transform_indices = @transform_3, window_bounds = array<i64: 1, 1, 256>}, {transform_indices = @transform_4, window_bounds = array<i64: 1, 3, 256, 256>}, {transform_indices = @transform_5, window_bounds = array<i64: 1, 3, 256>}, {transform_indices = @transform_6, window_bounds = array<i64: 1, 256, 128>}, {transform_indices = @transform_7, window_bounds = array<i64: 1, 1, 128>}, {pipeline_mode = #tpu.pipeline_mode<synchronous>, transform_indices = @transform_8, window_bounds = array<i64: 672, 128>}]} {
    %eq3A = arith.constant 0 : i32
    %eq3A_0 = arith.cmpi eq, %arg0, %eq3A : i32
    %convert_element_type3A = arith.extui %eq3A_0 : i1 to i32
    %cond3A = arith.constant 0 : i32
    %cond3A_1 = arith.cmpi ne, %convert_element_type3A, %cond3A : i32
    scf.if %cond3A_1 {
      %broadcast_in_dim3A_110 = arith.constant 0.000000e+00 : f32
      %broadcast_in_dim3A_111 = vector.broadcast %broadcast_in_dim3A_110 : f32 to vector<672x128xf32>
      %swap3A_112 = arith.constant 0 : index
      %swap3A_113 = arith.constant 0 : index
      %swap3A_114 = vector.load %arg9[%swap3A_112, %swap3A_113] : memref<672x128xf32, #tpu.memory_space<vmem>>, vector<672x128xf32>
      tpu.vector_store %arg9[%swap3A_112, %swap3A_113], %broadcast_in_dim3A_111 {strides = array<i32>} : memref<672x128xf32, #tpu.memory_space<vmem>>, vector<672x128xf32>,
    } else {
    }
    %get3A = arith.constant 0 : index
    %get3A_2 = arith.constant 0 : index
    %get3A_3 = vector.load %arg2[%get3A, %get3A_2] : memref<672x64xf32, #tpu.memory_space<vmem>>, vector<672x64xf32>
    %get3A_4 = arith.constant 0 : index
    %get3A_5 = arith.constant 0 : index
    %get3A_6 = arith.constant 0 : index
    %get3A_7 = vector.load %arg3[%get3A_4, %get3A_5, %get3A_6] : memref<1x64x256xbf16, #tpu.memory_space<vmem>>, vector<1x64x256xbf16>
    %get3A_8 = vector.shape_cast %get3A_7 : vector<1x64x256xbf16> to vector<64x256xbf16>
    %convert_element_type3A_9 = arith.truncf %get3A_3 : vector<672x64xf32> to vector<672x64xbf16>
    %dot_general3A = arith.constant dense<0.000000e+00> : vector<672x256xf32>
    %dot_general3A_10 = tpu.matmul %convert_element_type3A_9, %get3A_8, %dot_general3A {dimension_numbers = #tpu.dot_dimension_numbers<[1], [0], [0], [1], [0, 0, 1, 1], [], []>, transpose_lhs_hint = false} : vector<672x64xbf16>, vector<64x256xbf16>, vector<672x256xf32> -> vector<672x256xf32>
    %get3A_11 = arith.constant 0 : index
    %get3A_12 = arith.constant 0 : index
    %get3A_13 = arith.constant 0 : index
    %get3A_14 = vector.load %arg4[%get3A_11, %get3A_12, %get3A_13] : memref<1x1x256xf32, #tpu.memory_space<vmem>>, vector<1x1x256xf32>
    %get3A_15 = vector.shape_cast %get3A_14 : vector<1x1x256xf32> to vector<1x256xf32>
    %add3A = vector.broadcast %get3A_15 : vector<1x256xf32> to vector<672x256xf32>
    %add3A_16 = arith.addf %dot_general3A_10, %add3A : vector<672x256xf32>
    %max3A = arith.constant 0.000000e+00 : f32
    %max3A_17 = vector.broadcast %max3A : f32 to vector<672x256xf32>
    %max3A_18 = arith.maximumf %add3A_16, %max3A_17 : vector<672x256xf32>
    %get3A_19 = arith.constant 0 : index
    %get3A_20 = arith.constant 0 : index
    %get3A_21 = arith.constant 0 : index
    %get3A_22 = arith.constant 0 : index
    %get3A_23 = vector.load %arg5[%get3A_19, %get3A_20, %get3A_21, %get3A_22] : memref<1x3x256x256xbf16, #tpu.memory_space<vmem>>, vector<1x1x256x256xbf16>
    %get3A_24 = vector.shape_cast %get3A_23 : vector<1x1x256x256xbf16> to vector<256x256xbf16>
    %convert_element_type3A_25 = arith.truncf %max3A_18 : vector<672x256xf32> to vector<672x256xbf16>
    %dot_general3A_26 = arith.constant dense<0.000000e+00> : vector<672x256xf32>
    %dot_general3A_27 = tpu.matmul %convert_element_type3A_25, %get3A_24, %dot_general3A_26 {dimension_numbers = #tpu.dot_dimension_numbers<[1], [0], [0], [1], [0, 0, 1, 1], [], []>, transpose_lhs_hint = false} : vector<672x256xbf16>, vector<256x256xbf16>, vector<672x256xf32> -> vector<672x256xf32>
    %get3A_28 = arith.constant 0 : index
    %get3A_29 = arith.constant 0 : index
    %get3A_30 = arith.constant 0 : index
    %get3A_31 = vector.load %arg6[%get3A_28, %get3A_29, %get3A_30] : memref<1x3x256xf32, #tpu.memory_space<vmem>>, vector<1x1x256xf32>
    %get3A_32 = vector.shape_cast %get3A_31 : vector<1x1x256xf32> to vector<256xf32>
    %broadcast_in_dim3A = vector.shape_cast %get3A_32 : vector<256xf32> to vector<1x256xf32>
    %add3A_33 = vector.broadcast %broadcast_in_dim3A : vector<1x256xf32> to vector<672x256xf32>
    %add3A_34 = arith.addf %dot_general3A_27, %add3A_33 : vector<672x256xf32>
    %max3A_35 = arith.constant 0.000000e+00 : f32
    %max3A_36 = vector.broadcast %max3A_35 : f32 to vector<672x256xf32>
    %max3A_37 = arith.maximumf %add3A_34, %max3A_36 : vector<672x256xf32>
    %add3A_38 = arith.addf %max3A_18, %max3A_37 : vector<672x256xf32>
    %get3A_39 = arith.constant 0 : index
    %get3A_40 = arith.constant 1 : index
    %get3A_41 = arith.constant 0 : index
    %get3A_42 = arith.constant 0 : index
    %get3A_43 = vector.load %arg5[%get3A_39, %get3A_40, %get3A_41, %get3A_42] : memref<1x3x256x256xbf16, #tpu.memory_space<vmem>>, vector<1x1x256x256xbf16>
    %get3A_44 = vector.shape_cast %get3A_43 : vector<1x1x256x256xbf16> to vector<256x256xbf16>
    %convert_element_type3A_45 = arith.truncf %add3A_38 : vector<672x256xf32> to vector<672x256xbf16>
    %dot_general3A_46 = arith.constant dense<0.000000e+00> : vector<672x256xf32>
    %dot_general3A_47 = tpu.matmul %convert_element_type3A_45, %get3A_44, %dot_general3A_46 {dimension_numbers = #tpu.dot_dimension_numbers<[1], [0], [0], [1], [0, 0, 1, 1], [], []>, transpose_lhs_hint = false} : vector<672x256xbf16>, vector<256x256xbf16>, vector<672x256xf32> -> vector<672x256xf32>
    %get3A_48 = arith.constant 0 : index
    %get3A_49 = arith.constant 1 : index
    %get3A_50 = arith.constant 0 : index
    %get3A_51 = vector.load %arg6[%get3A_48, %get3A_49, %get3A_50] : memref<1x3x256xf32, #tpu.memory_space<vmem>>, vector<1x1x256xf32>
    %get3A_52 = vector.shape_cast %get3A_51 : vector<1x1x256xf32> to vector<256xf32>
    %broadcast_in_dim3A_53 = vector.shape_cast %get3A_52 : vector<256xf32> to vector<1x256xf32>
    %add3A_54 = vector.broadcast %broadcast_in_dim3A_53 : vector<1x256xf32> to vector<672x256xf32>
    %add3A_55 = arith.addf %dot_general3A_47, %add3A_54 : vector<672x256xf32>
    %max3A_56 = arith.constant 0.000000e+00 : f32
    %max3A_57 = vector.broadcast %max3A_56 : f32 to vector<672x256xf32>
    %max3A_58 = arith.maximumf %add3A_55, %max3A_57 : vector<672x256xf32>
    %add3A_59 = arith.addf %add3A_38, %max3A_58 : vector<672x256xf32>
    %get3A_60 = arith.constant 0 : index
    %get3A_61 = arith.constant 2 : index
    %get3A_62 = arith.constant 0 : index
    %get3A_63 = arith.constant 0 : index
    %get3A_64 = vector.load %arg5[%get3A_60, %get3A_61, %get3A_62, %get3A_63] : memref<1x3x256x256xbf16, #tpu.memory_space<vmem>>, vector<1x1x256x256xbf16>
    %get3A_65 = vector.shape_cast %get3A_64 : vector<1x1x256x256xbf16> to vector<256x256xbf16>
    %convert_element_type3A_66 = arith.truncf %add3A_59 : vector<672x256xf32> to vector<672x256xbf16>
    %dot_general3A_67 = arith.constant dense<0.000000e+00> : vector<672x256xf32>
    %dot_general3A_68 = tpu.matmul %convert_element_type3A_66, %get3A_65, %dot_general3A_67 {dimension_numbers = #tpu.dot_dimension_numbers<[1], [0], [0], [1], [0, 0, 1, 1], [], []>, transpose_lhs_hint = false} : vector<672x256xbf16>, vector<256x256xbf16>, vector<672x256xf32> -> vector<672x256xf32>
    %get3A_69 = arith.constant 0 : index
    %get3A_70 = arith.constant 2 : index
    %get3A_71 = arith.constant 0 : index
    %get3A_72 = vector.load %arg6[%get3A_69, %get3A_70, %get3A_71] : memref<1x3x256xf32, #tpu.memory_space<vmem>>, vector<1x1x256xf32>
    %get3A_73 = vector.shape_cast %get3A_72 : vector<1x1x256xf32> to vector<256xf32>
    %broadcast_in_dim3A_74 = vector.shape_cast %get3A_73 : vector<256xf32> to vector<1x256xf32>
    %add3A_75 = vector.broadcast %broadcast_in_dim3A_74 : vector<1x256xf32> to vector<672x256xf32>
    %add3A_76 = arith.addf %dot_general3A_68, %add3A_75 : vector<672x256xf32>
    %max3A_77 = arith.constant 0.000000e+00 : f32
    %max3A_78 = vector.broadcast %max3A_77 : f32 to vector<672x256xf32>
    %max3A_79 = arith.maximumf %add3A_76, %max3A_78 : vector<672x256xf32>
    %add3A_80 = arith.addf %add3A_59, %max3A_79 : vector<672x256xf32>
    %get3A_81 = arith.constant 0 : index
    %get3A_82 = arith.constant 0 : index
    %get3A_83 = arith.constant 0 : index
    %get3A_84 = vector.load %arg7[%get3A_81, %get3A_82, %get3A_83] : memref<1x256x128xbf16, #tpu.memory_space<vmem>>, vector<1x256x128xbf16>
    %get3A_85 = vector.shape_cast %get3A_84 : vector<1x256x128xbf16> to vector<256x128xbf16>
    %convert_element_type3A_86 = arith.truncf %add3A_80 : vector<672x256xf32> to vector<672x256xbf16>
    %dot_general3A_87 = arith.constant dense<0.000000e+00> : vector<672x128xf32>
    %dot_general3A_88 = tpu.matmul %convert_element_type3A_86, %get3A_85, %dot_general3A_87 {dimension_numbers = #tpu.dot_dimension_numbers<[1], [0], [0], [1], [0, 0, 1, 1], [], []>, transpose_lhs_hint = false} : vector<672x256xbf16>, vector<256x128xbf16>, vector<672x128xf32> -> vector<672x128xf32>
    %get3A_89 = arith.constant 0 : index
    %get3A_90 = arith.constant 0 : index
    %get3A_91 = arith.constant 0 : index
    %get3A_92 = vector.load %arg8[%get3A_89, %get3A_90, %get3A_91] : memref<1x1x128xf32, #tpu.memory_space<vmem>>, vector<1x1x128xf32>
    %get3A_93 = vector.shape_cast %get3A_92 : vector<1x1x128xf32> to vector<1x128xf32>
    %add3A_94 = vector.broadcast %get3A_93 : vector<1x128xf32> to vector<672x128xf32>
    %add3A_95 = arith.addf %dot_general3A_88, %add3A_94 : vector<672x128xf32>
    %get3A_96 = arith.constant 0 : index
    %get3A_97 = arith.constant 0 : index
    %get3A_98 = vector.load %arg1[%get3A_96, %get3A_97] : memref<672x1xi32, #tpu.memory_space<vmem>>, vector<672x1xi32>
    %eq3A_99 = vector.broadcast %arg0 : i32 to vector<672x1xi32>
    %eq3A_100 = arith.cmpi eq, %get3A_98, %eq3A_99 : vector<672x1xi32>
    %get3A_101 = arith.constant 0 : index
    %get3A_102 = arith.constant 0 : index
    %get3A_103 = vector.load %arg9[%get3A_101, %get3A_102] : memref<672x128xf32, #tpu.memory_space<vmem>>, vector<672x128xf32>
    %jit3A = arith.constant 0.000000e+00 : f32
    %broadcast_in_dim3A_104 = vector.shape_cast %eq3A_100 : vector<672x1xi1> to vector<672x1xi1>
    %broadcast_in_dim3A_105 = vector.broadcast %broadcast_in_dim3A_104 : vector<672x1xi1> to vector<672x128xi1>
    %broadcast_in_dim3A_106 = vector.broadcast %jit3A : f32 to vector<672x128xf32>
    %select_n3A = arith.select %broadcast_in_dim3A_105, %add3A_95, %broadcast_in_dim3A_106 : vector<672x128xi1>, vector<672x128xf32>
    %add3A_107 = arith.addf %get3A_103, %select_n3A : vector<672x128xf32>
    %swap3A = arith.constant 0 : index
    %swap3A_108 = arith.constant 0 : index
    %swap3A_109 = vector.load %arg9[%swap3A, %swap3A_108] : memref<672x128xf32, #tpu.memory_space<vmem>>, vector<672x128xf32>
    tpu.vector_store %arg9[%swap3A, %swap3A_108], %add3A_107 {strides = array<i32>} : memref<672x128xf32, #tpu.memory_space<vmem>>, vector<672x128xf32>,
    return
  }
  func.func @transform_0(%arg0: i32) -> (i32, i32) {
    %c0_i32 = arith.constant 0 : i32
    %c0_i32_0 = arith.constant 0 : i32
    %c0_i32_1 = arith.constant 0 : i32
    return %c0_i32, %c0_i32_0 : i32, i32
  }
  func.func @transform_1(%arg0: i32) -> (i32, i32) {
    %c0_i32 = arith.constant 0 : i32
    %c0_i32_0 = arith.constant 0 : i32
    %c0_i32_1 = arith.constant 0 : i32
    return %c0_i32, %c0_i32_0 : i32, i32
  }
  func.func @transform_2(%arg0: i32) -> (i32, i32, i32) {
    %c0_i32 = arith.constant 0 : i32
    %c0_i32_0 = arith.constant 0 : i32
    %c0_i32_1 = arith.constant 0 : i32
    return %arg0, %c0_i32, %c0_i32_0 : i32, i32, i32
  }
  func.func @transform_3(%arg0: i32) -> (i32, i32, i32) {
    %c0_i32 = arith.constant 0 : i32
    %c0_i32_0 = arith.constant 0 : i32
    %c0_i32_1 = arith.constant 0 : i32
    return %arg0, %c0_i32, %c0_i32_0 : i32, i32, i32
  }
  func.func @transform_4(%arg0: i32) -> (i32, i32, i32, i32) {
    %c0_i32 = arith.constant 0 : i32
    %c0_i32_0 = arith.constant 0 : i32
    %c0_i32_1 = arith.constant 0 : i32
    %c0_i32_2 = arith.constant 0 : i32
    return %arg0, %c0_i32, %c0_i32_0, %c0_i32_1 : i32, i32, i32, i32
  }
  func.func @transform_5(%arg0: i32) -> (i32, i32, i32) {
    %c0_i32 = arith.constant 0 : i32
    %c0_i32_0 = arith.constant 0 : i32
    %c0_i32_1 = arith.constant 0 : i32
    return %arg0, %c0_i32, %c0_i32_0 : i32, i32, i32
  }
  func.func @transform_6(%arg0: i32) -> (i32, i32, i32) {
    %c0_i32 = arith.constant 0 : i32
    %c0_i32_0 = arith.constant 0 : i32
    %c0_i32_1 = arith.constant 0 : i32
    return %arg0, %c0_i32, %c0_i32_0 : i32, i32, i32
  }
  func.func @transform_7(%arg0: i32) -> (i32, i32, i32) {
    %c0_i32 = arith.constant 0 : i32
    %c0_i32_0 = arith.constant 0 : i32
    %c0_i32_1 = arith.constant 0 : i32
    return %arg0, %c0_i32, %c0_i32_0 : i32, i32, i32
  }
  func.func @transform_8(%arg0: i32) -> (i32, i32) {
    %c0_i32 = arith.constant 0 : i32
    %c0_i32_0 = arith.constant 0 : i32
    %c0_i32_1 = arith.constant 0 : i32
    return %c0_i32, %c0_i32_0 : i32, i32
  }
}

</mosaic_0001>

<sc_bundles>
// kernel: kernel.6.cloned.1.call-start
scs
__scs_entry_jumppad:
0x0: {  	(pc) =	sbr.rel $0x88, $3  }
0x1: {  	(tag) =	ssettag $0x0;
	lr =	simm.s32 $0x1  }
0x2: {  	[smem:$0x3F78] =	sst lr;
	_ =	strace $0xD0000000  }
0x3: {  	_ = 	snop  }
0x4: {  	_ = 	snop  }
0x5: {  	_ = 	snop  }
0x6: {  	_ = 	snop  }
0x7: {  	_ = 	snop  }
__scs_overlays_trampoline_lowered:
0x8: {  	[smem:$0x3F87] =	sst s0  }
0x9: {  	[smem:$0x3F88] =	sst s1  }
0xa: {  	[smem:$0x3F89] =	sst s2  }
0xb: {  	[smem:$0x3F8A] =	sst s3  }
0xc: {  	[smem:$0x3F8B] =	sst s4  }
0xd: {  	[smem:$0x3F8C] =	sst s5  }
0xe: {  	[smem:$0x3F8D] =	sst s6  }
0xf: {  	[smem:$0x3F8E] =	sst s7  }
0x10: {  	[smem:$0x3F8F] =	sst s8  }
0x11: {  	[smem:$0x3F90] =	sst s9;
	s0 =	simm.s32 @!p0 $0x0  }
0x12: {  	s1 =	sld [smem:$0x3F76];
	s0 =	simm.s32 @p0 $0x1  }
0x13: {  	[smem:$0x3F91] =	sst s0;
	s0 =	simm.s32 @!p1 $0x0  }
0x14: {  	s2 =	sld [smem:$0x3F75];
	s0 =	simm.s32 @p1 $0x1  }
0x15: {  	[smem:$0x3F92] =	sst s0;
	s0 =	simm.s32 @!p2 $0x0  }
0x16: {  	s3 =	sld [smem:$0x3FDB];
	s0 =	simm.s32 @p2 $0x1  }
0x17: {  	s4 =	simm.s32 $0x1BF5;
	[smem:$0x3F94] =	sst s0  }
0x18: {  	s0 =	sld [smem:$0x3F77];
	_ =	swait.ge [sflag:s4], $0x0  }
0x19: {  	s7 =	sld [smem:$0x3F78]  }
0x1a: {  	s8 =	sadd.s32 $0xFFFFE003, lr  }
0x1b: {  	s9 =	sadd.s32 $0xFFFFFEF7, lr;
	s5 =	simm.s32 $0xFFFFFFFF;
	p2 =	slt.u32 s8, $0xFFFFF086  }
0x1c: {  	p1 =	slt.u32 s9, $0xF7A;
	s5 =	simm.s32 @!p2 $0x0  }
0x1d: {  	s5 =	simm.s32 @p1 $0x1;
	p0 =	seq.s32 s7, s2  }
0x1e: {  	s7 =	smul.u32 @!p0 $0xF7A, s2;
	p2 =	seq.s32 @!p0 s5, $0x0  }
0x1f: {  	s9 =	smul.u32 $0xF7A, s1;
	s8 =	simm.s32 @!p0 $0x1BF5;
	p2 =	por !p2, p0  }
0x20: {  	[sflag:s8] =	ssyncset.s32 @!p0 $0xFFFFF086;
	s6 =	sadd.s32 @!p0 s3, s7;
	s7 =	simm.s32 @!p0 $0x108  }
0x21: {  	s3 =	sadd.s32 s3, s9;
	s6 =	sadd.s32 @!p0 $0x88, s6;
	s7 =	simm.s32 @p2 $0x1082  }
0x22: {  	[simem:s7], [sflag:s8] =	dma.local @!p0 [hbm:s6], $0xF7A  }
0x23: {  	s9 =	sor.u32 $0xD0000000, s2;
	s6 =	simm.s32 $0x108;
	_ =	swait.ge @!p0 [sflag:s8], $0x0  }
0x24: {  	s3 =	sadd.s32 $0x88, s3;
	s6 =	simm.s32 @!p1 $0x1082;
	[sflag:s4] =	ssyncset.s32 $0xFFFFF086  }
0x25: {  	[simem:s6], [sflag:s4] =	dma.local [hbm:s3], $0xF7A  }
0x26: {  	[smem:$0x3F78] =	sst s1;
	(tag) =	ssettag s2;
	_ =	strace s9  }
0x27: {  	s1 =	sld [smem:$0x3F88]  }
0x28: {  	s2 =	sld [smem:$0x3F89]  }
0x29: {  	s4 =	sld [smem:$0x3F8B]  }
0x2a: {  	p0 =	seq.s32 s5, $0x0;
	s5 =	sld [smem:$0x3F8C]  }
0x2b: {  	s6 =	sld [smem:$0x3F8D]  }
0x2c: {  	s7 =	sld [smem:$0x3F8E]  }
0x2d: {  	s3 =	simm.s32 $0x108;
	s8 =	sld [smem:$0x3F8F]  }
0x2e: {  	s3 =	simm.s32 @!p0 $0x1082;
	s9 =	sld [smem:$0x3F90]  }
0x2f: {  	lr =	sadd.s32 s0, s3;
	s0 =	sld [smem:$0x3F87]  }
0x30: {  	s3 =	sld [smem:$0x3F8A]  }
0x31: {  	[smem:$0x3F93] =	sst s10  }
0x32: {  	s10 =	sld [smem:$0x3F91];
	_ =	sdelay $0x3  }
0x33: {  	p0 =	seq.s32 s10, $0x1;
	s10 =	sld [smem:$0x3F93];
	_ =	sdelay $0x3  }
0x34: {  	[smem:$0x3F93] =	sst s10  }
0x35: {  	s10 =	sld [smem:$0x3F92];
	_ =	sdelay $0x3  }
0x36: {  	p1 =	seq.s32 s10, $0x1;
	s10 =	sld [smem:$0x3F93];
	_ =	sdelay $0x3  }
0x37: {  	[smem:$0x3F93] =	sst s10  }
0x38: {  	s10 =	sld [smem:$0x3F94]  }
0x39: {  	_ = 	snop;
	(pc) =	sbr.ind lr, $3  }
0x3a: {  	_ = 	snop  }
0x3b: {  	_ = 	snop  }
0x3c: {  	p2 =	seq.s32 s10, $0x1;
	s10 =	sld [smem:$0x3F93]  }
0x3d: {  	_ =	shalt  }
0x3e: {  	_ =	shalt  }
0x3f: {  	_ =	shalt  }
0x40: {  	_ =	shalt  }
0x41: {  	_ =	shalt  }
0x42: {  	_ =	shalt  }
0x43: {  	_ =	shalt  }
0x44: {  	_ =	shalt  }
0x45: {  	_ =	shalt  }
0x46: {  	_ =	shalt  }
0x47: {  	_ =	shalt  }
0x48: {  	_ =	shalt  }
0x49: {  	_ =	shalt  }
0x4a: {  	_ =	shalt  }
0x4b: {  	_ =	shalt  }
0x4c: {  	_ =	shalt  }
0x4d: {  	_ =	shalt  }
0x4e: {  	_ =	shalt  }
0x4f: {  	_ =	shalt  }
0x50: {  	_ =	shalt  }
0x51: {  	_ =	shalt  }
0x52: {  	_ =	shalt  }
0x53: {  	_ =	shalt  }
0x54: {  	_ =	shalt  }
0x55: {  	_ =	shalt  }
0x56: {  	_ =	shalt  }
0x57: {  	_ =	shalt  }
0x58: {  	_ =	shalt  }
0x59: {  	_ =	shalt  }
0x5a: {  	_ =	shalt  }
0x5b: {  	_ =	shalt  }
0x5c: {  	_ =	shalt  }
0x5d: {  	_ =	shalt  }
0x5e: {  	_ =	shalt  }
0x5f: {  	_ =	shalt  }
0x60: {  	_ =	shalt  }
0x61: {  	_ =	shalt  }
0x62: {  	_ =	shalt  }
0x63: {  	_ =	shalt  }
0x64: {  	_ =	shalt  }
0x65: {  	_ =	shalt  }
0x66: {  	_ =	shalt  }
0x67: {  	_ =	shalt  }
0x68: {  	_ =	shalt  }
0x69: {  	_ =	shalt  }
0x6a: {  	_ =	shalt  }
0x6b: {  	_ =	shalt  }
0x6c: {  	_ =	shalt  }
0x6d: {  	_ =	shalt  }
0x6e: {  	_ =	shalt  }
0x6f: {  	_ =	shalt  }
0x70: {  	_ =	shalt  }
0x71: {  	_ =	shalt  }
0x72: {  	_ =	shalt  }
0x73: {  	_ =	shalt  }
0x74: {  	_ =	shalt  }
0x75: {  	_ =	shalt  }
0x76: {  	_ =	shalt  }
0x77: {  	_ =	shalt  }
0x78: {  	_ =	shalt  }
0x79: {  	_ =	shalt  }
0x7a: {  	_ =	shalt  }
0x7b: {  	_ =	shalt  }
0x7c: {  	_ =	shalt  }
0x7d: {  	_ =	shalt  }
0x7e: {  	_ =	shalt  }
0x7f: {  	_ =	shalt  }
0x80: {  	_ =	shalt  }
0x81: {  	_ =	shalt  }
0x82: {  	_ =	shalt  }
0x83: {  	_ =	shalt  }
0x84: {  	_ =	shalt  }
0x85: {  	_ =	shalt  }
0x86: {  	_ =	shalt  }
0x87: {  	_ =	shalt  }
.Lfunc_end0:
.L_simem_size_0:
called_computation_lowered:
.L_overlay_start_0:
0x88: {  	s2 =	sld [smem:$0x3FD9]  }
0x89: {  	s3 =	sld [smem:$0x3FFE];
	_ =	sdelay $0x1  }
0x8a: {  	s1 =	srdreg.scid  }
0x8b: {  	s0 =	sand.u32 $0x1, s1  }
0x8c: {  	s17 =	sshll.u32 s0, $0xA;
	s2 =	sadd.s32 s3, s2  }
0x8d: {  	s2 =	sadd.s32 s2, s17  }
0x8e: {  	[smem:$0x3F9F] =	sst s2  }
0x8f: {  	_ = 	snop  }
0x90: {  	s2 =	sld [smem:$0x3FD0];
	(tm) =	ssettm $0x1  }
0x91: {  	s18 =	sld [smem:$0x3FFB];
	_ =	sdelay $0x3  }
0x92: {  	_ =	strace s18  }
0x93: {  	s3 =	sld [smem:$0x3FFC];
	_ =	sdelay $0x3  }
0x94: {  	_ =	strace s3  }
0x95: {  	s3 =	sld [smem:$0x3FFD];
	_ =	sdelay $0x3  }
0x96: {  	_ =	strace s3  }
0x97: {  	_ =	strace $0x8FFFFFFF  }
0x98: {  	s19 =	sld [smem:$0x3FDB];
	_ =	sdelay $0x1  }
0x99: {  	s4 =	simm.s32 $_scs_section_size  }
0x9a: {  	s5 =	simm.s32 $_size__tile_overlayer_lowered;
	s6 =	simm.s32 $_tile_overlayer_lowered  }
0x9b: {  	s22 =	simm.s32 $0x1BFF;
	s21 =	sshll.u32 s6, $0x1;
	s3 =	sadd.s32 s4, s19  }
0x9c: {  	s7 =	simm.s32 $0x0;
	s20 =	sshll.u32 s5, $0x1;
	s5 =	sadd.s32 s21, s3  }
0x9d: {  	[timem:s7], [sflag:s22] =	dma.local [hbm:s5], s20  }
0x9e: {  	_ =	swait.ge [sflag:s22], s20  }
0x9f: {  	s4 =	ssub.s32 $0x0, s20;
	[sflag:s22] =	ssyncset.done $0x0  }
0xa0: {  	[sflag:s22] =	ssyncadd.s32 s4;
	_ =	sdelay $0x1  }
0xa1: {  	s23 =	simm.s32 $0x1B8B  }
0xa2: {  	_ =	swait.ge [sflag:s23], $0x1  }
0xa3: {  	[sflag:s23] =	ssyncset.done $0x0  }
0xa4: {  	s25 =	simm.s32 $0x1B8E;
	s24 =	sld [smem:$0x3FFE];
	[sflag:s23] =	ssyncadd.s32 $0xFFFFFFFF  }
0xa5: {  	s26 =	simm.s32 $execute0_lowered;
	[smem:$0x3FD2] =	sst s25  }
0xa6: {  	s5 =	sshll.u32 s26, $0x1;
	_ =	strace $0x80000046;
	[dreg:$0x1] =	wrdreg $0xFFFFFFFF  }
0xa7: {  	s28 =	simm.s32 $_size_execute0_lowered;
	s3 =	sadd.s32 s3, s5;
	[dreg:$0x0] =	wrdreg $0x0  }
0xa8: {  	s5 =	sshll.u32 s28, $0x1;
	[dreg:$0x2] =	wrdreg s3  }
0xa9: {  	[dreg:$0x3] =	wrdreg s5  }
0xaa: {  	[dreg:$0x4] =	wrdreg $0xC0  }
0xab: {  	_ =	task [dreg:s7], $0x5FFFF  }
0xac: {  	[dreg:$0x1] =	wrdreg $0xFFFFFFFF  }
0xad: {  	[dreg:$0x0] =	wrdreg $0x60  }
0xae: {  	[dreg:$0x2] =	wrdreg s24  }
0xaf: {  	[dreg:$0x3] =	wrdreg s2  }
0xb0: {  	[dreg:$0x4] =	wrdreg $0x9  }
0xb1: {  	_ =	task.clear_ibuf [dreg:s7], $0x5FFFF;
	_ =	strace $0x90000046  }
0xb2: {  	s29 =	simm.s32 $0x9;
	_ =	strace $0x80000048  }
0xb3: {  	_ =	swait.ge [sflag:s29], $0x1  }
0xb4: {  	[sflag:s29] =	ssyncadd.s32 $0xFFFFFFFF  }
0xb5: {  	_ =	strace $0x90000048  }
0xb6: {  	_ =	sfence  }
0xb7: {  	s30 =	sld [smem:$0x0];
	_ =	sdelay $0x2  }
0xb8: {  	s31 =	sshll.u32 s1, $0xD;
	s1 =	sshrl.u32 s1, $0x2  }
0xb9: {  	s3 =	sand.u32 $0x4000, s31;
	s1 =	sadd.s32 s1, s30  }
0xba: {  	s0 =	sor.u32 s3, s0;
	s1 =	sshll.u32 s1, $0x11  }
0xbb: {  	s0 =	sor.u32 s1, s0  }
0xbc: {  	s0 =	sadd.s32 $0x8F2B, s0  }
0xbd: {  	[sflag:s0] =	ssyncadd.remote.s32 $0x1  }
0xbe: {  	_ =	sfence.sel $0xFFFF  }
0xbf: {  	[dreg:$0x0] =	wrdreg $0xFFFFFFFF;
	(pc) =	sbr.abs _section_cstart, $3  }
0xc0: {  	[dreg:$0x1] =	wrdreg $0xFFFFFFFF  }
0xc1: {  	_ =	task.clear_ibuf [dreg:s7], $0x2FFFF;
	_ =	strace $0x9FFFFFFF  }
0xc2: {  	(tm) =	ssettm $0x7FFFFFFF  }
0xc3: {  	_ =	shalt  }
tec
execute0_lowered:
.L_overlay_start_1:
0x0: {  	(tag) =	ssettag $0x1  }
0x1: {  	s1 =	stileid.u32  }
0x2: {  	p0 =	sgt.u32 s1, $0x7  }
.Ltmp0:
0x3: {  	_ = 	snop;
	(pc) =	sbr.rel @p0 .LBB2_3-.Ltmp0, $4  }
0x4: {  	s4 =	rddreg [dreg:$0x0]  }
0x5: {  	s3 =	rddreg [dreg:$0x1];
	s2 =	simm.s32 $0x0  }
0x6: {  	[smem:$0x7FF] =	sst s2  }
0x7: {  	s0 =	rddreg [dreg:$0x2];
	_ =	strace $0x80000047  }
0x8: {  	s5 =	srdreg.scid  }
0x9: {  	s6 =	sshll.u32 s1, $0x1;
	s5 =	sand.u32 $0x1, s5  }
0xa: {  	s4 =	sadd.s32 $0x5400, s4;
	s6 =	sor.u32 s5, s6;
	s5 =	ssub.s32 $0x2, s5  }
0xb: {  	s7 =	sshll.u32 s6, $0x6;
	s8 =	sshrl.u32 s5, $0x1;
	s6 =	sshll.u32 s6, $0xA  }
0xc: {  	s3 =	sadd.s32 s3, s7;
	s5 =	ssub.s32 s5, s8;
	s4 =	sadd.s32 s4, s6  }
0xd: {  	v0 =	vimm.s32 $0x0;
	s6 =	simm.s32 $0x1;
	s7 =	simm.s32 $0x2000;
	s5 =	smax.u32 s5, $0x1  }
.LBB2_2:
0xe: {  	[tilespmem:s2], [sflag:$0x1] =	stream.linear.gather [hbm4b:s4+s2], $0x2000, $0x38;
	[tilespmem:$0x2200] =	vst v63  }
0xf: {  	_ =	swait.ge [sflag:s6], $0x2000  }
0x10: {  	[sflag:s6] =	ssyncset.done $0x0  }
0x11: {  	[sflag:s6] =	ssyncadd.s32 $0xFFFFE000  }
0x12: {  	v1 =	vld [tilespmem:$0x0]  }
0x13: {  	v2 =	vld [tilespmem:$0x80]  }
0x14: {  	v3 =	vld [tilespmem:$0x100];
	_ =	sdelay $0x2  }
0x15: {  	vm0 =	vgt.f32 v1, $-1.000000020e+30  }
0x16: {  	vm2 =	vgt.f32 v2, $-1.000000020e+30;
	v1 =	vnsel vm0, $0xF149F2CA, v1  }
0x17: {  	vm5 =	vgt.f32 v3, $-1.000000020e+30;
	v4 =	vnsel vm2, $0xF149F2CA, v2;
	vm0 =	vgt.f32 v2, v1  }
0x18: {  	v6 =	vld [tilespmem:$0x180];
	v7 =	vnsel vm5, $0xF149F2CA, v3;
	v8 =	vsel vm5, $0x2, v0;
	vm1 =	vmneg vm0  }
0x19: {  	vm2 =	vmand vm2, vm1;
	v4 =	vsel vm1, v4, v1;
	v1 =	vsel vm1, v1, v2  }
0x1a: {  	v2 =	vsel vm0, $0x1, v0;
	v5 =	vsel vm2, $0x1, v0;
	vm6 =	vgt.f32 v3, v4  }
0x1b: {  	vm1 =	vgt.f32 v3, v1;
	v7 =	vsel vm6, v4, v7;
	v4 =	vsel vm6, v3, v4  }
0x1c: {  	v8 =	vsel vm6, v5, v8;
	v5 =	vsel vm6, $0x2, v5;
	v4 =	vsel vm1, v1, v4  }
0x1d: {  	v5 =	vsel vm1, v2, v5;
	v1 =	vsel vm1, v3, v1;
	vm7 =	vgt.f32 v6, v7;
	v3 =	vld [tilespmem:$0x200]  }
0x1e: {  	v2 =	vsel vm1, $0x2, v2;
	vm8 =	vgt.f32 v6, v4;
	v7 =	vsel vm7, v6, v7  }
0x1f: {  	v8 =	vsel vm7, $0x3, v8;
	vm9 =	vgt.f32 v6, v1;
	v7 =	vsel vm8, v4, v7  }
0x20: {  	v8 =	vsel vm8, v5, v8;
	v4 =	vsel vm8, v6, v4;
	v5 =	vsel vm8, $0x3, v5  }
0x21: {  	v39 =	vld [tilespmem:$0x280];
	v4 =	vsel vm9, v1, v4;
	v5 =	vsel vm9, v2, v5;
	v1 =	vsel vm9, v6, v1  }
0x22: {  	v2 =	vsel vm9, $0x3, v2;
	vm10 =	vgt.f32 v3, v1;
	vm11 =	vgt.f32 v3, v7  }
0x23: {  	vm12 =	vgt.f32 v3, v4;
	v7 =	vsel vm11, v3, v7;
	v8 =	vsel vm11, $0x4, v8  }
0x24: {  	v7 =	vsel vm12, v4, v7;
	v8 =	vsel vm12, v5, v8;
	v4 =	vsel vm12, v3, v4  }
0x25: {  	v5 =	vsel vm12, $0x4, v5;
	v4 =	vsel vm10, v1, v4;
	v1 =	vsel vm10, v3, v1;
	v3 =	vld [tilespmem:$0x300]  }
0x26: {  	v5 =	vsel vm10, v2, v5;
	v2 =	vsel vm10, $0x4, v2;
	vm13 =	vgt.f32 v39, v7  }
0x27: {  	vm14 =	vgt.f32 v39, v4;
	v7 =	vsel vm13, v39, v7;
	v8 =	vsel vm13, $0x5, v8  }
0x28: {  	vm15 =	vgt.f32 v39, v1;
	v7 =	vsel vm14, v4, v7;
	v4 =	vsel vm14, v39, v4  }
0x29: {  	v8 =	vsel vm14, v5, v8;
	v5 =	vsel vm14, $0x5, v5;
	v4 =	vsel vm15, v1, v4  }
0x2a: {  	v40 =	vld [tilespmem:$0x380];
	v5 =	vsel vm15, v2, v5;
	v1 =	vsel vm15, v39, v1;
	vm4 =	vgt.f32 v3, v7  }
0x2b: {  	v2 =	vsel vm15, $0x5, v2;
	vm5 =	vgt.f32 v3, v4;
	v7 =	vsel vm4, v3, v7  }
0x2c: {  	vm6 =	vgt.f32 v3, v1;
	v8 =	vsel vm4, $0x6, v8;
	v7 =	vsel vm5, v4, v7  }
0x2d: {  	v8 =	vsel vm5, v5, v8;
	v4 =	vsel vm5, v3, v4;
	v5 =	vsel vm5, $0x6, v5  }
0x2e: {  	v4 =	vsel vm6, v1, v4;
	v5 =	vsel vm6, v2, v5;
	v1 =	vsel vm6, v3, v1;
	v3 =	vld [tilespmem:$0x400]  }
0x2f: {  	v2 =	vsel vm6, $0x6, v2;
	vm8 =	vgt.f32 v40, v7;
	vm7 =	vgt.f32 v40, v1  }
0x30: {  	v7 =	vsel vm8, v40, v7;
	v8 =	vsel vm8, $0x7, v8;
	vm9 =	vgt.f32 v40, v4  }
0x31: {  	v7 =	vsel vm9, v4, v7;
	v8 =	vsel vm9, v5, v8;
	v4 =	vsel vm9, v40, v4  }
0x32: {  	v41 =	vld [tilespmem:$0x480];
	v5 =	vsel vm9, $0x7, v5;
	v4 =	vsel vm7, v1, v4;
	v1 =	vsel vm7, v40, v1  }
0x33: {  	v5 =	vsel vm7, v2, v5;
	v2 =	vsel vm7, $0x7, v2;
	vm10 =	vgt.f32 v3, v7  }
0x34: {  	vm11 =	vgt.f32 v3, v4;
	vm12 =	vgt.f32 v3, v1;
	v7 =	vsel vm10, v3, v7  }
0x35: {  	v8 =	vsel vm10, $0x8, v8;
	v7 =	vsel vm11, v4, v7;
	v4 =	vsel vm11, v3, v4  }
0x36: {  	v8 =	vsel vm11, v5, v8;
	v5 =	vsel vm11, $0x8, v5;
	v4 =	vsel vm12, v1, v4  }
0x37: {  	v5 =	vsel vm12, v2, v5;
	v1 =	vsel vm12, v3, v1;
	vm13 =	vgt.f32 v41, v7;
	v3 =	vld [tilespmem:$0x500]  }
0x38: {  	v2 =	vsel vm12, $0x8, v2;
	vm14 =	vgt.f32 v41, v4;
	v7 =	vsel vm13, v41, v7  }
0x39: {  	v8 =	vsel vm13, $0x9, v8;
	vm15 =	vgt.f32 v41, v1;
	v7 =	vsel vm14, v4, v7  }
0x3a: {  	v8 =	vsel vm14, v5, v8;
	v4 =	vsel vm14, v41, v4;
	v5 =	vsel vm14, $0x9, v5  }
0x3b: {  	v42 =	vld [tilespmem:$0x580];
	v4 =	vsel vm15, v1, v4;
	v5 =	vsel vm15, v2, v5;
	v1 =	vsel vm15, v41, v1  }
0x3c: {  	v2 =	vsel vm15, $0x9, v2;
	vm4 =	vgt.f32 v3, v1;
	vm5 =	vgt.f32 v3, v7  }
0x3d: {  	vm6 =	vgt.f32 v3, v4;
	v7 =	vsel vm5, v3, v7;
	v8 =	vsel vm5, $0xA, v8  }
0x3e: {  	v7 =	vsel vm6, v4, v7;
	v8 =	vsel vm6, v5, v8;
	v4 =	vsel vm6, v3, v4  }
0x3f: {  	v5 =	vsel vm6, $0xA, v5;
	v4 =	vsel vm4, v1, v4;
	v1 =	vsel vm4, v3, v1;
	v3 =	vld [tilespmem:$0x600]  }
0x40: {  	v5 =	vsel vm4, v2, v5;
	v2 =	vsel vm4, $0xA, v2;
	vm7 =	vgt.f32 v42, v7  }
0x41: {  	vm8 =	vgt.f32 v42, v4;
	v7 =	vsel vm7, v42, v7;
	v8 =	vsel vm7, $0xB, v8  }
0x42: {  	vm9 =	vgt.f32 v42, v1;
	v7 =	vsel vm8, v4, v7;
	v4 =	vsel vm8, v42, v4  }
0x43: {  	v8 =	vsel vm8, v5, v8;
	v5 =	vsel vm8, $0xB, v5;
	v4 =	vsel vm9, v1, v4  }
0x44: {  	v43 =	vld [tilespmem:$0x680];
	v5 =	vsel vm9, v2, v5;
	v1 =	vsel vm9, v42, v1;
	vm10 =	vgt.f32 v3, v7  }
0x45: {  	v2 =	vsel vm9, $0xB, v2;
	vm11 =	vgt.f32 v3, v4;
	v7 =	vsel vm10, v3, v7  }
0x46: {  	vm12 =	vgt.f32 v3, v1;
	v8 =	vsel vm10, $0xC, v8;
	v7 =	vsel vm11, v4, v7  }
0x47: {  	v8 =	vsel vm11, v5, v8;
	v4 =	vsel vm11, v3, v4;
	v5 =	vsel vm11, $0xC, v5  }
0x48: {  	v4 =	vsel vm12, v1, v4;
	v5 =	vsel vm12, v2, v5;
	v1 =	vsel vm12, v3, v1;
	v3 =	vld [tilespmem:$0x700]  }
0x49: {  	v2 =	vsel vm12, $0xC, v2;
	vm14 =	vgt.f32 v43, v7;
	vm13 =	vgt.f32 v43, v1  }
0x4a: {  	v7 =	vsel vm14, v43, v7;
	v8 =	vsel vm14, $0xD, v8;
	vm15 =	vgt.f32 v43, v4  }
0x4b: {  	v7 =	vsel vm15, v4, v7;
	v8 =	vsel vm15, v5, v8;
	v4 =	vsel vm15, v43, v4  }
0x4c: {  	v44 =	vld [tilespmem:$0x780];
	v5 =	vsel vm15, $0xD, v5;
	v4 =	vsel vm13, v1, v4;
	v1 =	vsel vm13, v43, v1  }
0x4d: {  	v5 =	vsel vm13, v2, v5;
	v2 =	vsel vm13, $0xD, v2;
	vm4 =	vgt.f32 v3, v7  }
0x4e: {  	vm5 =	vgt.f32 v3, v4;
	vm6 =	vgt.f32 v3, v1;
	v7 =	vsel vm4, v3, v7  }
0x4f: {  	v8 =	vsel vm4, $0xE, v8;
	v7 =	vsel vm5, v4, v7;
	v4 =	vsel vm5, v3, v4  }
0x50: {  	v8 =	vsel vm5, v5, v8;
	v5 =	vsel vm5, $0xE, v5;
	v4 =	vsel vm6, v1, v4  }
0x51: {  	v5 =	vsel vm6, v2, v5;
	v1 =	vsel vm6, v3, v1;
	vm7 =	vgt.f32 v44, v7;
	v3 =	vld [tilespmem:$0x800]  }
0x52: {  	v2 =	vsel vm6, $0xE, v2;
	vm8 =	vgt.f32 v44, v4;
	v7 =	vsel vm7, v44, v7  }
0x53: {  	v8 =	vsel vm7, $0xF, v8;
	vm9 =	vgt.f32 v44, v1;
	v7 =	vsel vm8, v4, v7  }
0x54: {  	v8 =	vsel vm8, v5, v8;
	v4 =	vsel vm8, v44, v4;
	v5 =	vsel vm8, $0xF, v5  }
0x55: {  	v45 =	vld [tilespmem:$0x880];
	v4 =	vsel vm9, v1, v4;
	v5 =	vsel vm9, v2, v5;
	v1 =	vsel vm9, v44, v1  }
0x56: {  	v2 =	vsel vm9, $0xF, v2;
	vm10 =	vgt.f32 v3, v1;
	vm11 =	vgt.f32 v3, v7  }
0x57: {  	vm12 =	vgt.f32 v3, v4;
	v7 =	vsel vm11, v3, v7;
	v8 =	vsel vm11, $0x10, v8  }
0x58: {  	v7 =	vsel vm12, v4, v7;
	v8 =	vsel vm12, v5, v8;
	v4 =	vsel vm12, v3, v4  }
0x59: {  	v5 =	vsel vm12, $0x10, v5;
	v4 =	vsel vm10, v1, v4;
	v1 =	vsel vm10, v3, v1;
	v3 =	vld [tilespmem:$0x900]  }
0x5a: {  	v5 =	vsel vm10, v2, v5;
	v2 =	vsel vm10, $0x10, v2;
	vm13 =	vgt.f32 v45, v7  }
0x5b: {  	vm14 =	vgt.f32 v45, v4;
	v7 =	vsel vm13, v45, v7;
	v8 =	vsel vm13, $0x11, v8  }
0x5c: {  	vm15 =	vgt.f32 v45, v1;
	v7 =	vsel vm14, v4, v7;
	v4 =	vsel vm14, v45, v4  }
0x5d: {  	v8 =	vsel vm14, v5, v8;
	v5 =	vsel vm14, $0x11, v5;
	v4 =	vsel vm15, v1, v4  }
0x5e: {  	v46 =	vld [tilespmem:$0x980];
	v5 =	vsel vm15, v2, v5;
	v1 =	vsel vm15, v45, v1;
	vm4 =	vgt.f32 v3, v7  }
0x5f: {  	v2 =	vsel vm15, $0x11, v2;
	vm5 =	vgt.f32 v3, v4;
	v7 =	vsel vm4, v3, v7  }
0x60: {  	vm6 =	vgt.f32 v3, v1;
	v8 =	vsel vm4, $0x12, v8;
	v7 =	vsel vm5, v4, v7  }
0x61: {  	v8 =	vsel vm5, v5, v8;
	v4 =	vsel vm5, v3, v4;
	v5 =	vsel vm5, $0x12, v5  }
0x62: {  	v4 =	vsel vm6, v1, v4;
	v5 =	vsel vm6, v2, v5;
	v1 =	vsel vm6, v3, v1;
	v3 =	vld [tilespmem:$0xA00]  }
0x63: {  	v2 =	vsel vm6, $0x12, v2;
	vm8 =	vgt.f32 v46, v7;
	vm7 =	vgt.f32 v46, v1  }
0x64: {  	v7 =	vsel vm8, v46, v7;
	v8 =	vsel vm8, $0x13, v8;
	vm9 =	vgt.f32 v46, v4  }
0x65: {  	v7 =	vsel vm9, v4, v7;
	v8 =	vsel vm9, v5, v8;
	v4 =	vsel vm9, v46, v4  }
0x66: {  	v47 =	vld [tilespmem:$0xA80];
	v5 =	vsel vm9, $0x13, v5;
	v4 =	vsel vm7, v1, v4;
	v1 =	vsel vm7, v46, v1  }
0x67: {  	v5 =	vsel vm7, v2, v5;
	v2 =	vsel vm7, $0x13, v2;
	vm10 =	vgt.f32 v3, v7  }
0x68: {  	vm11 =	vgt.f32 v3, v4;
	vm12 =	vgt.f32 v3, v1;
	v7 =	vsel vm10, v3, v7  }
0x69: {  	v8 =	vsel vm10, $0x14, v8;
	v7 =	vsel vm11, v4, v7;
	v4 =	vsel vm11, v3, v4  }
0x6a: {  	v8 =	vsel vm11, v5, v8;
	v5 =	vsel vm11, $0x14, v5;
	v4 =	vsel vm12, v1, v4  }
0x6b: {  	v5 =	vsel vm12, v2, v5;
	v1 =	vsel vm12, v3, v1;
	vm13 =	vgt.f32 v47, v7;
	v3 =	vld [tilespmem:$0xB00]  }
0x6c: {  	v2 =	vsel vm12, $0x14, v2;
	vm14 =	vgt.f32 v47, v4;
	v7 =	vsel vm13, v47, v7  }
0x6d: {  	v8 =	vsel vm13, $0x15, v8;
	vm15 =	vgt.f32 v47, v1;
	v7 =	vsel vm14, v4, v7  }
0x6e: {  	v8 =	vsel vm14, v5, v8;
	v4 =	vsel vm14, v47, v4;
	v5 =	vsel vm14, $0x15, v5  }
0x6f: {  	v48 =	vld [tilespmem:$0xB80];
	v4 =	vsel vm15, v1, v4;
	v5 =	vsel vm15, v2, v5;
	v1 =	vsel vm15, v47, v1  }
0x70: {  	v2 =	vsel vm15, $0x15, v2;
	vm4 =	vgt.f32 v3, v1;
	vm5 =	vgt.f32 v3, v7  }
0x71: {  	vm6 =	vgt.f32 v3, v4;
	v7 =	vsel vm5, v3, v7;
	v8 =	vsel vm5, $0x16, v8  }
0x72: {  	v7 =	vsel vm6, v4, v7;
	v8 =	vsel vm6, v5, v8;
	v4 =	vsel vm6, v3, v4  }
0x73: {  	v5 =	vsel vm6, $0x16, v5;
	v4 =	vsel vm4, v1, v4;
	v1 =	vsel vm4, v3, v1;
	v3 =	vld [tilespmem:$0xC00]  }
0x74: {  	v5 =	vsel vm4, v2, v5;
	v2 =	vsel vm4, $0x16, v2;
	vm7 =	vgt.f32 v48, v7  }
0x75: {  	vm8 =	vgt.f32 v48, v4;
	v7 =	vsel vm7, v48, v7;
	v8 =	vsel vm7, $0x17, v8  }
0x76: {  	vm9 =	vgt.f32 v48, v1;
	v7 =	vsel vm8, v4, v7;
	v4 =	vsel vm8, v48, v4  }
0x77: {  	v8 =	vsel vm8, v5, v8;
	v5 =	vsel vm8, $0x17, v5;
	v4 =	vsel vm9, v1, v4  }
0x78: {  	v49 =	vld [tilespmem:$0xC80];
	v5 =	vsel vm9, v2, v5;
	v1 =	vsel vm9, v48, v1;
	vm10 =	vgt.f32 v3, v7  }
0x79: {  	v2 =	vsel vm9, $0x17, v2;
	vm11 =	vgt.f32 v3, v4;
	v7 =	vsel vm10, v3, v7  }
0x7a: {  	vm12 =	vgt.f32 v3, v1;
	v8 =	vsel vm10, $0x18, v8;
	v7 =	vsel vm11, v4, v7  }
0x7b: {  	v8 =	vsel vm11, v5, v8;
	v4 =	vsel vm11, v3, v4;
	v5 =	vsel vm11, $0x18, v5  }
0x7c: {  	v4 =	vsel vm12, v1, v4;
	v5 =	vsel vm12, v2, v5;
	v1 =	vsel vm12, v3, v1;
	v3 =	vld [tilespmem:$0xD00]  }
0x7d: {  	v2 =	vsel vm12, $0x18, v2;
	vm14 =	vgt.f32 v49, v7;
	vm13 =	vgt.f32 v49, v1  }
0x7e: {  	v7 =	vsel vm14, v49, v7;
	v8 =	vsel vm14, $0x19, v8;
	vm15 =	vgt.f32 v49, v4  }
0x7f: {  	v7 =	vsel vm15, v4, v7;
	v8 =	vsel vm15, v5, v8;
	v4 =	vsel vm15, v49, v4  }
0x80: {  	v50 =	vld [tilespmem:$0xD80];
	v5 =	vsel vm15, $0x19, v5;
	v4 =	vsel vm13, v1, v4;
	v1 =	vsel vm13, v49, v1  }
0x81: {  	v5 =	vsel vm13, v2, v5;
	v2 =	vsel vm13, $0x19, v2;
	vm4 =	vgt.f32 v3, v7  }
0x82: {  	vm5 =	vgt.f32 v3, v4;
	vm6 =	vgt.f32 v3, v1;
	v7 =	vsel vm4, v3, v7  }
0x83: {  	v8 =	vsel vm4, $0x1A, v8;
	v7 =	vsel vm5, v4, v7;
	v4 =	vsel vm5, v3, v4  }
0x84: {  	v8 =	vsel vm5, v5, v8;
	v5 =	vsel vm5, $0x1A, v5;
	v4 =	vsel vm6, v1, v4  }
0x85: {  	v5 =	vsel vm6, v2, v5;
	v1 =	vsel vm6, v3, v1;
	vm7 =	vgt.f32 v50, v7;
	v3 =	vld [tilespmem:$0xE00]  }
0x86: {  	v2 =	vsel vm6, $0x1A, v2;
	vm8 =	vgt.f32 v50, v4;
	v7 =	vsel vm7, v50, v7  }
0x87: {  	v8 =	vsel vm7, $0x1B, v8;
	vm9 =	vgt.f32 v50, v1;
	v7 =	vsel vm8, v4, v7  }
0x88: {  	v8 =	vsel vm8, v5, v8;
	v4 =	vsel vm8, v50, v4;
	v5 =	vsel vm8, $0x1B, v5  }
0x89: {  	v51 =	vld [tilespmem:$0xE80];
	v4 =	vsel vm9, v1, v4;
	v5 =	vsel vm9, v2, v5;
	v1 =	vsel vm9, v50, v1  }
0x8a: {  	v2 =	vsel vm9, $0x1B, v2;
	vm10 =	vgt.f32 v3, v1;
	vm11 =	vgt.f32 v3, v7  }
0x8b: {  	vm12 =	vgt.f32 v3, v4;
	v7 =	vsel vm11, v3, v7;
	v8 =	vsel vm11, $0x1C, v8  }
0x8c: {  	v7 =	vsel vm12, v4, v7;
	v8 =	vsel vm12, v5, v8;
	v4 =	vsel vm12, v3, v4  }
0x8d: {  	v5 =	vsel vm12, $0x1C, v5;
	v4 =	vsel vm10, v1, v4;
	v1 =	vsel vm10, v3, v1;
	v3 =	vld [tilespmem:$0xF00]  }
0x8e: {  	v5 =	vsel vm10, v2, v5;
	v2 =	vsel vm10, $0x1C, v2;
	vm13 =	vgt.f32 v51, v7  }
0x8f: {  	vm14 =	vgt.f32 v51, v4;
	v7 =	vsel vm13, v51, v7;
	v8 =	vsel vm13, $0x1D, v8  }
0x90: {  	vm15 =	vgt.f32 v51, v1;
	v7 =	vsel vm14, v4, v7;
	v4 =	vsel vm14, v51, v4  }
0x91: {  	v8 =	vsel vm14, v5, v8;
	v5 =	vsel vm14, $0x1D, v5;
	v4 =	vsel vm15, v1, v4  }
0x92: {  	v52 =	vld [tilespmem:$0xF80];
	v5 =	vsel vm15, v2, v5;
	v1 =	vsel vm15, v51, v1;
	vm4 =	vgt.f32 v3, v7  }
0x93: {  	v2 =	vsel vm15, $0x1D, v2;
	vm5 =	vgt.f32 v3, v4;
	v7 =	vsel vm4, v3, v7  }
0x94: {  	vm6 =	vgt.f32 v3, v1;
	v8 =	vsel vm4, $0x1E, v8;
	v7 =	vsel vm5, v4, v7  }
0x95: {  	v8 =	vsel vm5, v5, v8;
	v4 =	vsel vm5, v3, v4;
	v5 =	vsel vm5, $0x1E, v5  }
0x96: {  	v4 =	vsel vm6, v1, v4;
	v5 =	vsel vm6, v2, v5;
	v1 =	vsel vm6, v3, v1;
	v3 =	vld [tilespmem:$0x1000]  }
0x97: {  	v2 =	vsel vm6, $0x1E, v2;
	vm8 =	vgt.f32 v52, v7;
	vm7 =	vgt.f32 v52, v1  }
0x98: {  	v7 =	vsel vm8, v52, v7;
	v8 =	vsel vm8, $0x1F, v8;
	vm9 =	vgt.f32 v52, v4  }
0x99: {  	v7 =	vsel vm9, v4, v7;
	v8 =	vsel vm9, v5, v8;
	v4 =	vsel vm9, v52, v4  }
0x9a: {  	v53 =	vld [tilespmem:$0x1080];
	v5 =	vsel vm9, $0x1F, v5;
	v4 =	vsel vm7, v1, v4;
	v1 =	vsel vm7, v52, v1  }
0x9b: {  	v5 =	vsel vm7, v2, v5;
	v2 =	vsel vm7, $0x1F, v2;
	vm10 =	vgt.f32 v3, v7  }
0x9c: {  	vm11 =	vgt.f32 v3, v4;
	vm12 =	vgt.f32 v3, v1;
	v7 =	vsel vm10, v3, v7  }
0x9d: {  	v8 =	vsel vm10, $0x20, v8;
	v7 =	vsel vm11, v4, v7;
	v4 =	vsel vm11, v3, v4  }
0x9e: {  	v8 =	vsel vm11, v5, v8;
	v5 =	vsel vm11, $0x20, v5;
	v4 =	vsel vm12, v1, v4  }
0x9f: {  	v5 =	vsel vm12, v2, v5;
	v1 =	vsel vm12, v3, v1;
	vm13 =	vgt.f32 v53, v7;
	v3 =	vld [tilespmem:$0x1100]  }
0xa0: {  	v2 =	vsel vm12, $0x20, v2;
	vm14 =	vgt.f32 v53, v4;
	v7 =	vsel vm13, v53, v7  }
0xa1: {  	v8 =	vsel vm13, $0x21, v8;
	vm15 =	vgt.f32 v53, v1;
	v7 =	vsel vm14, v4, v7  }
0xa2: {  	v8 =	vsel vm14, v5, v8;
	v4 =	vsel vm14, v53, v4;
	v5 =	vsel vm14, $0x21, v5  }
0xa3: {  	v54 =	vld [tilespmem:$0x1180];
	v4 =	vsel vm15, v1, v4;
	v5 =	vsel vm15, v2, v5;
	v1 =	vsel vm15, v53, v1  }
0xa4: {  	v2 =	vsel vm15, $0x21, v2;
	vm4 =	vgt.f32 v3, v1;
	vm5 =	vgt.f32 v3, v7  }
0xa5: {  	vm6 =	vgt.f32 v3, v4;
	v7 =	vsel vm5, v3, v7;
	v8 =	vsel vm5, $0x22, v8  }
0xa6: {  	v7 =	vsel vm6, v4, v7;
	v8 =	vsel vm6, v5, v8;
	v4 =	vsel vm6, v3, v4  }
0xa7: {  	v5 =	vsel vm6, $0x22, v5;
	v4 =	vsel vm4, v1, v4;
	v1 =	vsel vm4, v3, v1;
	v3 =	vld [tilespmem:$0x1200]  }
0xa8: {  	v5 =	vsel vm4, v2, v5;
	v2 =	vsel vm4, $0x22, v2;
	vm7 =	vgt.f32 v54, v7  }
0xa9: {  	vm8 =	vgt.f32 v54, v4;
	v7 =	vsel vm7, v54, v7;
	v8 =	vsel vm7, $0x23, v8  }
0xaa: {  	vm9 =	vgt.f32 v54, v1;
	v7 =	vsel vm8, v4, v7;
	v4 =	vsel vm8, v54, v4  }
0xab: {  	v8 =	vsel vm8, v5, v8;
	v5 =	vsel vm8, $0x23, v5;
	v4 =	vsel vm9, v1, v4  }
0xac: {  	v55 =	vld [tilespmem:$0x1280];
	v5 =	vsel vm9, v2, v5;
	v1 =	vsel vm9, v54, v1;
	vm10 =	vgt.f32 v3, v7  }
0xad: {  	v2 =	vsel vm9, $0x23, v2;
	vm11 =	vgt.f32 v3, v4;
	v7 =	vsel vm10, v3, v7  }
0xae: {  	vm12 =	vgt.f32 v3, v1;
	v8 =	vsel vm10, $0x24, v8;
	v7 =	vsel vm11, v4, v7  }
0xaf: {  	v8 =	vsel vm11, v5, v8;
	v4 =	vsel vm11, v3, v4;
	v5 =	vsel vm11, $0x24, v5  }
0xb0: {  	v4 =	vsel vm12, v1, v4;
	v5 =	vsel vm12, v2, v5;
	v1 =	vsel vm12, v3, v1;
	v3 =	vld [tilespmem:$0x1300]  }
0xb1: {  	v2 =	vsel vm12, $0x24, v2;
	vm14 =	vgt.f32 v55, v7;
	vm13 =	vgt.f32 v55, v1  }
0xb2: {  	v7 =	vsel vm14, v55, v7;
	v8 =	vsel vm14, $0x25, v8;
	vm15 =	vgt.f32 v55, v4  }
0xb3: {  	v7 =	vsel vm15, v4, v7;
	v8 =	vsel vm15, v5, v8;
	v4 =	vsel vm15, v55, v4  }
0xb4: {  	v56 =	vld [tilespmem:$0x1380];
	v5 =	vsel vm15, $0x25, v5;
	v4 =	vsel vm13, v1, v4;
	v1 =	vsel vm13, v55, v1  }
0xb5: {  	v5 =	vsel vm13, v2, v5;
	v2 =	vsel vm13, $0x25, v2;
	vm4 =	vgt.f32 v3, v7  }
0xb6: {  	vm5 =	vgt.f32 v3, v4;
	vm6 =	vgt.f32 v3, v1;
	v7 =	vsel vm4, v3, v7  }
0xb7: {  	v8 =	vsel vm4, $0x26, v8;
	v7 =	vsel vm5, v4, v7;
	v4 =	vsel vm5, v3, v4  }
0xb8: {  	v8 =	vsel vm5, v5, v8;
	v5 =	vsel vm5, $0x26, v5;
	v4 =	vsel vm6, v1, v4  }
0xb9: {  	v5 =	vsel vm6, v2, v5;
	v1 =	vsel vm6, v3, v1;
	vm7 =	vgt.f32 v56, v7;
	v3 =	vld [tilespmem:$0x1400]  }
0xba: {  	v2 =	vsel vm6, $0x26, v2;
	vm8 =	vgt.f32 v56, v4;
	v7 =	vsel vm7, v56, v7  }
0xbb: {  	v8 =	vsel vm7, $0x27, v8;
	vm9 =	vgt.f32 v56, v1;
	v7 =	vsel vm8, v4, v7  }
0xbc: {  	v8 =	vsel vm8, v5, v8;
	v4 =	vsel vm8, v56, v4;
	v5 =	vsel vm8, $0x27, v5  }
0xbd: {  	v57 =	vld [tilespmem:$0x1480];
	v4 =	vsel vm9, v1, v4;
	v5 =	vsel vm9, v2, v5;
	v1 =	vsel vm9, v56, v1  }
0xbe: {  	v2 =	vsel vm9, $0x27, v2;
	vm10 =	vgt.f32 v3, v1;
	vm11 =	vgt.f32 v3, v7  }
0xbf: {  	vm12 =	vgt.f32 v3, v4;
	v7 =	vsel vm11, v3, v7;
	v8 =	vsel vm11, $0x28, v8  }
0xc0: {  	v7 =	vsel vm12, v4, v7;
	v8 =	vsel vm12, v5, v8;
	v4 =	vsel vm12, v3, v4  }
0xc1: {  	v5 =	vsel vm12, $0x28, v5;
	v4 =	vsel vm10, v1, v4;
	v1 =	vsel vm10, v3, v1;
	v3 =	vld [tilespmem:$0x1500]  }
0xc2: {  	v5 =	vsel vm10, v2, v5;
	v2 =	vsel vm10, $0x28, v2;
	vm13 =	vgt.f32 v57, v7  }
0xc3: {  	vm14 =	vgt.f32 v57, v4;
	v7 =	vsel vm13, v57, v7;
	v8 =	vsel vm13, $0x29, v8  }
0xc4: {  	vm15 =	vgt.f32 v57, v1;
	v7 =	vsel vm14, v4, v7;
	v4 =	vsel vm14, v57, v4  }
0xc5: {  	v8 =	vsel vm14, v5, v8;
	v5 =	vsel vm14, $0x29, v5;
	v4 =	vsel vm15, v1, v4  }
0xc6: {  	v58 =	vld [tilespmem:$0x1580];
	v5 =	vsel vm15, v2, v5;
	v1 =	vsel vm15, v57, v1;
	vm4 =	vgt.f32 v3, v7  }
0xc7: {  	v2 =	vsel vm15, $0x29, v2;
	vm5 =	vgt.f32 v3, v4;
	v7 =	vsel vm4, v3, v7  }
0xc8: {  	vm6 =	vgt.f32 v3, v1;
	v8 =	vsel vm4, $0x2A, v8;
	v7 =	vsel vm5, v4, v7  }
0xc9: {  	v8 =	vsel vm5, v5, v8;
	v4 =	vsel vm5, v3, v4;
	v5 =	vsel vm5, $0x2A, v5  }
0xca: {  	v4 =	vsel vm6, v1, v4;
	v5 =	vsel vm6, v2, v5;
	v1 =	vsel vm6, v3, v1;
	v3 =	vld [tilespmem:$0x1600]  }
0xcb: {  	v2 =	vsel vm6, $0x2A, v2;
	vm8 =	vgt.f32 v58, v7;
	vm7 =	vgt.f32 v58, v1  }
0xcc: {  	v7 =	vsel vm8, v58, v7;
	v8 =	vsel vm8, $0x2B, v8;
	vm9 =	vgt.f32 v58, v4  }
0xcd: {  	v7 =	vsel vm9, v4, v7;
	v8 =	vsel vm9, v5, v8;
	v4 =	vsel vm9, v58, v4  }
0xce: {  	v59 =	vld [tilespmem:$0x1680];
	v5 =	vsel vm9, $0x2B, v5;
	v4 =	vsel vm7, v1, v4;
	v1 =	vsel vm7, v58, v1  }
0xcf: {  	v5 =	vsel vm7, v2, v5;
	v2 =	vsel vm7, $0x2B, v2;
	vm10 =	vgt.f32 v3, v7  }
0xd0: {  	vm11 =	vgt.f32 v3, v4;
	vm12 =	vgt.f32 v3, v1;
	v7 =	vsel vm10, v3, v7  }
0xd1: {  	v8 =	vsel vm10, $0x2C, v8;
	v7 =	vsel vm11, v4, v7;
	v4 =	vsel vm11, v3, v4  }
0xd2: {  	v8 =	vsel vm11, v5, v8;
	v5 =	vsel vm11, $0x2C, v5;
	v4 =	vsel vm12, v1, v4  }
0xd3: {  	v5 =	vsel vm12, v2, v5;
	v1 =	vsel vm12, v3, v1;
	vm13 =	vgt.f32 v59, v7;
	v3 =	vld [tilespmem:$0x1700]  }
0xd4: {  	v2 =	vsel vm12, $0x2C, v2;
	vm14 =	vgt.f32 v59, v4;
	v7 =	vsel vm13, v59, v7  }
0xd5: {  	v8 =	vsel vm13, $0x2D, v8;
	vm15 =	vgt.f32 v59, v1;
	v7 =	vsel vm14, v4, v7  }
0xd6: {  	v8 =	vsel vm14, v5, v8;
	v4 =	vsel vm14, v59, v4;
	v5 =	vsel vm14, $0x2D, v5  }
0xd7: {  	v60 =	vld [tilespmem:$0x1780];
	v4 =	vsel vm15, v1, v4;
	v5 =	vsel vm15, v2, v5;
	v1 =	vsel vm15, v59, v1  }
0xd8: {  	v2 =	vsel vm15, $0x2D, v2;
	vm4 =	vgt.f32 v3, v1;
	vm5 =	vgt.f32 v3, v7  }
0xd9: {  	vm6 =	vgt.f32 v3, v4;
	v7 =	vsel vm5, v3, v7;
	v8 =	vsel vm5, $0x2E, v8  }
0xda: {  	v7 =	vsel vm6, v4, v7;
	v8 =	vsel vm6, v5, v8;
	v4 =	vsel vm6, v3, v4  }
0xdb: {  	v5 =	vsel vm6, $0x2E, v5;
	v4 =	vsel vm4, v1, v4;
	v1 =	vsel vm4, v3, v1;
	v3 =	vld [tilespmem:$0x1800]  }
0xdc: {  	v5 =	vsel vm4, v2, v5;
	v2 =	vsel vm4, $0x2E, v2;
	vm7 =	vgt.f32 v60, v7  }
0xdd: {  	vm8 =	vgt.f32 v60, v4;
	v7 =	vsel vm7, v60, v7;
	v8 =	vsel vm7, $0x2F, v8  }
0xde: {  	vm9 =	vgt.f32 v60, v1;
	v7 =	vsel vm8, v4, v7;
	v4 =	vsel vm8, v60, v4  }
0xdf: {  	v8 =	vsel vm8, v5, v8;
	v5 =	vsel vm8, $0x2F, v5;
	v4 =	vsel vm9, v1, v4  }
0xe0: {  	v61 =	vld [tilespmem:$0x1880];
	v5 =	vsel vm9, v2, v5;
	v1 =	vsel vm9, v60, v1;
	vm10 =	vgt.f32 v3, v7  }
0xe1: {  	v2 =	vsel vm9, $0x2F, v2;
	vm11 =	vgt.f32 v3, v4;
	v7 =	vsel vm10, v3, v7  }
0xe2: {  	vm12 =	vgt.f32 v3, v1;
	v8 =	vsel vm10, $0x30, v8;
	v7 =	vsel vm11, v4, v7  }
0xe3: {  	v8 =	vsel vm11, v5, v8;
	v4 =	vsel vm11, v3, v4;
	v5 =	vsel vm11, $0x30, v5  }
0xe4: {  	v4 =	vsel vm12, v1, v4;
	v1 =	vsel vm12, v3, v1;
	v3 =	vsel vm12, v2, v5  }
0xe5: {  	v2 =	vsel vm12, $0x30, v2;
	vm13 =	vgt.f32 v61, v1;
	vm14 =	vgt.f32 v61, v4  }
0xe6: {  	vm15 =	vgt.f32 v61, v7;
	v1 =	vsel vm14, $0x31, v3;
	v62 =	vsel vm13, $0x31, v2  }
0xe7: {  	v63 =	vsel vm15, $0x31, v8;
	v1 =	vsel vm13, v2, v1;
	[tilespmem:$0x2000] =	vst v62  }
0xe8: {  	p0 =	sne.s32 s5, $0x1;
	v2 =	vsel vm14, v3, v63;
	[tilespmem:$0x2080] =	vst v1  }
.Ltmp1:
0xe9: {  	[tilespmem:$0x2100] =	vst v2;
	(pc) =	sbr.rel @p0 .LBB2_2-.Ltmp1, $4  }
0xea: {  	[hbm4b:s3+s2] =	stream.linear.scatter [tilespmem:s7], [sflag:$0x1], $0x180, $0x38;
	[tilespmem:$0x2200] =	vst v63  }
0xeb: {  	_ =	swait.ge [sflag:s6], $0x180  }
0xec: {  	[sflag:s6] =	ssyncset.done $0x0  }
0xed: {  	s5 =	sadd.s32 $0xFFFFFFFF, s5;
	[sflag:s6] =	ssyncadd.s32 $0xFFFFFE80  }
.LBB2_3:
0xee: {  	_ =	sfence.sel $0x180000  }
0xef: {  	[bflag:$0x0] =	sbarrier.arrive $0xFFFF  }
0xf0: {  	p0 =	sne.s32 s1, $0x0;
	_ =	strace $0x90000047  }
0xf1: {  	s0 =	sadd.s32 @!p0 $0x100000, s0;
	[bflag:$0x2] =	sbarrier.arrive $0xFFFF  }
0xf2: {  	[sflag:s0] =	ssyncadd.tile.s32 @!p0 $0x1;
	_ =	shalt  }
.Lfunc_end2:
_tile_overlayer_lowered:
.L_overlay_start_2:
0xf3: {  	(tag) =	ssettag $0x2  }
0xf4: {  	s0 =	rddreg [dreg:$0x0];
	s2 =	stileid.u32  }
0xf5: {  	s1 =	rddreg [dreg:$0x1];
	p0 =	sne.s32 s2, $0x0  }
0xf6: {  	s3 =	rddreg [dreg:$0x2];
	[bflag:$0x3] =	sbarrier.arrive $0xFFFF;
	s2 =	simm.s32 @!p0 $0x1C01  }
0xf7: {  	[timem:s3], [sflag:s2] =	dma.local @!p0 [hbm:s0], s1  }
0xf8: {  	s0 =	simm.s32 @!p0 $0x1  }
0xf9: {  	_ =	swait.ge @!p0 [sflag:s0], s1  }
0xfa: {  	s1 =	ssub.s32 @!p0 $0x0, s1;
	[sflag:s0] =	ssyncset.done @!p0 $0x0  }
0xfb: {  	[sflag:s0] =	ssyncadd.s32 @!p0 s1  }
0xfc: {  	[bflag:$0x3] =	sbarrier.arrive $0xFFFF  }
0xfd: {  	_ =	shalt  }

</sc_bundles>
